<compile_context>
chip_gen: v7x
topology: tpu7x:2x2x1
jax: 0.10.2.dev20260603
libtpu: 0.0.44.dev20260713+nightly
codegen_flags: <defaults>
</compile_context>

<pallas_src>
import jax
import jax.numpy as jnp
from jax import lax
from jax.experimental import pallas as pl
from jax.experimental.pallas import tpu as pltpu
from jax.experimental.pallas import tpu_sc as plsc

VOCAB = 1000000
D = 64
SEQ = 200
BATCH = 4096

_info = plsc.get_sparse_core_info()
NC = _info.num_cores
NS = _info.num_subcores
LANES = _info.num_lanes
NW = NC * NS

ABLK = 256
NFULL = VOCAB // ABLK
TAIL = VOCAB - NFULL * ABLK
A_PER_W = -(-NFULL // NW)

CHUNK = 128
CBLK = BATCH // CHUNK
UNITS = SEQ * CBLK
U_PER_W = UNITS // NW
OUT_ROWS = SEQ * D * BATCH // 128


def _body_a(embt_hbm, tail_hbm, flat_hbm, blk, tblk, tailv, isem, osem):
    wid = lax.axis_index("s") * NC + lax.axis_index("c")

    @pl.when(wid == NW - 1)
    def _():
        pltpu.sync_copy(tail_hbm, tailv)
        pltpu.sync_copy(tailv, flat_hbm.at[pl.ds(NFULL * ABLK * D, TAIL * D)])

    iota = lax.iota(jnp.int32, 16)
    rows_f = [iota + (16 * g) for g in range(D // LANES)]
    rot = [lax.rem(iota + d, 16) for d in range(LANES)]

    def blk_id(t):
        return wid + t * NW

    def start_in(t, b):
        pltpu.async_copy(
            embt_hbm.at[:, pl.ds(blk_id(t) * ABLK, ABLK)],
            blk.at[b, :, pl.ds(0, ABLK)],
            isem,
        )

    @pl.when(blk_id(0) < NFULL)
    def _():
        start_in(0, 0)

    def step(t, carry):
        b = lax.rem(t, 2)

        @pl.when(blk_id(t) < NFULL)
        def _():
            pltpu.make_async_copy(
                embt_hbm.at[:, pl.ds(blk_id(t) * ABLK, ABLK)],
                blk.at[b, :, pl.ds(0, ABLK)],
                isem,
            ).wait()

            @pl.when(blk_id(t + 1) < NFULL)
            def _():
                start_in(t + 1, 1 - b)

            @pl.when(t >= 2)
            def _():
                pltpu.make_async_copy(
                    tblk.at[0], flat_hbm.at[pl.ds(0, ABLK * D)], osem
                ).wait()

            bvec = jnp.full((16,), b, jnp.int32)

            @plsc.parallel_loop(0, ABLK // LANES)
            def _(j16):
                for d in range(LANES):
                    cols = j16 * 16 + rot[d]
                    colsx = lax.shift_left(cols, 6)
                    for g in range(D // LANES):
                        vals = plsc.load_gather(blk.at[b], [rows_f[g], cols])
                        plsc.store_scatter(
                            tblk, [bvec, colsx + rows_f[g]], vals
                        )

            pltpu.async_copy(
                tblk.at[b], flat_hbm.at[pl.ds(blk_id(t) * ABLK * D, ABLK * D)], osem
            )

        return carry

    lax.fori_loop(0, A_PER_W, step, 0)

    nblk = jnp.minimum(
        jnp.maximum(NFULL - wid + NW - 1, 0) // NW, A_PER_W
    ).astype(jnp.int32)

    @pl.when(nblk >= 2)
    def _():
        pltpu.make_async_copy(
            tblk.at[0], flat_hbm.at[pl.ds(0, ABLK * D)], osem
        ).wait()
        pltpu.make_async_copy(
            tblk.at[0], flat_hbm.at[pl.ds(0, ABLK * D)], osem
        ).wait()

    @pl.when(nblk == 1)
    def _():
        pltpu.make_async_copy(
            tblk.at[0], flat_hbm.at[pl.ds(0, ABLK * D)], osem
        ).wait()


def _body_b(xt_hbm, table_hbm, pos_hbm, out_hbm,
            pos_v, idxb, rows, tile, isem, gsem, ssem):
    wid = lax.axis_index("s") * NC + lax.axis_index("c")
    u0 = wid * U_PER_W
    pltpu.sync_copy(pos_hbm, pos_v)
    f_idx = [lax.iota(jnp.int32, 16) + (16 * g) for g in range(D // LANES)]

    def unit_lc(u):
        return lax.div(u, CBLK), lax.rem(u, CBLK)

    def start_idx(u, b):
        l, c = unit_lc(u0 + u)
        pltpu.async_copy(
            xt_hbm.at[l, pl.ds(c * CHUNK, CHUNK)], idxb.at[b], isem
        )

    def gather_pair(u, b):
        return (table_hbm.at[idxb.at[b]], rows.at[b])

    def start_gather(u, b):
        src, dst = gather_pair(u, b)
        pltpu.async_copy(src, dst, gsem)

    l0, c0 = unit_lc(u0)
    pltpu.sync_copy(xt_hbm.at[l0, pl.ds(c0 * CHUNK, CHUNK)], idxb.at[0])
    start_gather(0, 0)
    start_idx(1, 1)

    def step(u, carry):
        b = lax.rem(u, 2)
        l, _c = unit_lc(u0 + u)
        src, dst = gather_pair(u, b)
        pltpu.make_async_copy(src, dst, gsem).wait()

        @pl.when(u + 1 < U_PER_W)
        def _():
            pltpu.make_async_copy(
                xt_hbm.at[0, pl.ds(0, CHUNK)], idxb.at[1 - b], isem
            ).wait()
            start_gather(u + 1, 1 - b)

        @pl.when(u + 2 < U_PER_W)
        def _():
            start_idx(u + 2, b)

        @pl.when(u >= 2)
        def _():
            pltpu.make_async_copy(
                tile.at[0, :, pl.ds(0, CHUNK)], out_hbm.at[pl.ds(0, D)], ssem
            ).wait()

        pv = [pos_v[l, pl.ds(16 * g, 16)] for g in range(D // LANES)]

        @plsc.parallel_loop(0, CHUNK, unroll=2)
        def _(j):
            cols = jnp.full((16,), j, jnp.int32)
            for g in range(D // LANES):
                vals = rows[b, j, pl.ds(16 * g, 16)] + pv[g]
                plsc.store_scatter(tile.at[b], [f_idx[g], cols], vals)

        base = l * (8 * CBLK * 8) + _c * 8
        for r in range(8):
            pltpu.async_copy(
                tile.at[b, pl.ds(r * 8, 8), pl.ds(0, CHUNK)],
                out_hbm.at[pl.ds(base + r * (CBLK * 8), 8)],
                ssem,
            )
        return carry

    lax.fori_loop(0, U_PER_W, step, 0)

    for _ in range(2):
        pltpu.make_async_copy(
            tile.at[0, :, pl.ds(0, CHUNK)], out_hbm.at[pl.ds(0, D)], ssem
        ).wait()


@jax.jit
def _sc_embed(embt, tail_flat, xt, pos):
    mesh = plsc.VectorSubcoreMesh(core_axis_name="c", subcore_axis_name="s")
    fa = pl.kernel(
        _body_a,
        mesh=mesh,
        compiler_params=pltpu.CompilerParams(use_tc_tiling_on_sc=True, needs_layout_passes=False),
        out_type=jax.ShapeDtypeStruct((VOCAB * D,), jnp.float32),
        scratch_types=[
            pltpu.VMEM((2, D, ABLK), jnp.float32),
            pltpu.VMEM((2, ABLK * D), jnp.float32),
            pltpu.VMEM((TAIL * D,), jnp.float32),
            pltpu.SemaphoreType.DMA,
            pltpu.SemaphoreType.DMA,
        ],
    )
    flat_table = fa(embt, tail_flat)
    table = flat_table.reshape(VOCAB, D)

    fb = pl.kernel(
        _body_b,
        mesh=mesh,
        compiler_params=pltpu.CompilerParams(use_tc_tiling_on_sc=False, needs_layout_passes=False),
        out_type=jax.ShapeDtypeStruct((OUT_ROWS, 128), jnp.float32),
        scratch_types=[
            pltpu.VMEM((SEQ, D), jnp.float32),
            pltpu.VMEM((2, CHUNK), jnp.int32),
            pltpu.VMEM((2, CHUNK, D), jnp.float32),
            pltpu.VMEM((2, D, CHUNK + 1), jnp.float32),
            pltpu.SemaphoreType.DMA,
            pltpu.SemaphoreType.DMA,
            pltpu.SemaphoreType.DMA,
        ],
    )
    out2 = fb(xt, table, pos)
    out5 = out2.reshape(SEQ, 8, CBLK, 8, 128)
    return out5.transpose(2, 4, 0, 1, 3).reshape(BATCH, SEQ, D)


def kernel(x, embedding, pos_embedding):
    embt = embedding.T
    tail_flat = embedding[NFULL * ABLK :].reshape(-1)
    xt = x.T.astype(jnp.int32)
    return _sc_embed(embt, tail_flat, xt, pos_embedding)

# --- scband reference (transcript-rebuilt; emitter-appended) ---
"""Pipeline reference for scband-input-embedding-53480932770543 (READ-ONLY COPY).

The authoritative reference and input builder live on the scoring server;
editing this copy changes nothing except your own understanding.
"""

import jax, jax.numpy as jnp
import numpy as np

VOCAB_SIZE = 1000000
EMBED_DIM = 64
MAX_SEQ_LEN = 200
BATCH = 4096
SEQ_LEN = 200

def setup_inputs(seed: int = 0) -> dict:
    key = jax.random.key(seed)
    k1, k2, k3 = jax.random.split(key, 3)
    x = jax.random.randint(k1, (BATCH, SEQ_LEN), 0, VOCAB_SIZE, dtype=jnp.int64 if jax.config.jax_enable_x64 else jnp.int32)
    embedding = jax.random.normal(k2, (VOCAB_SIZE, EMBED_DIM), dtype=jnp.float32)
    pos_embedding = jax.random.normal(k3, (MAX_SEQ_LEN, EMBED_DIM), dtype=jnp.float32)
    return {"x": x, "embedding": embedding, "pos_embedding": pos_embedding}

def reference(x, embedding, pos_embedding):
    batch_size, seq_length = x.shape
    # token embedding: gather rows of the embedding table
    token_embed = jnp.take(embedding, x, axis=0)  # [B, L, D]
    # positional embedding: gather rows [0..L-1], broadcast over batch
    positions = jnp.arange(seq_length)
    pos_embed = jnp.take(pos_embedding, positions, axis=0)[None, :, :]  # [1, L, D]
    pos_embed = jnp.broadcast_to(pos_embed, (batch_size, seq_length, EMBED_DIM))
    return token_embed + pos_embed

if __name__ == "__main__":
    import jax
    _d = setup_inputs()
    print(jax.jit(kernel)(*tuple(_d.values())))

</pallas_src>

<mosaic_0001>
#map = affine_map<(d0, d1) -> (0, 0)>
#map1 = affine_map<(d0, d1) -> (0)>
module attributes {stable_mosaic.version = 14 : i64} {
  func.func @_body_a(%arg0: i32, %arg1: i32, %arg2: memref<64x1000000xf32, #tpu.memory_space<hbm>>, %arg3: memref<4096xf32, #tpu.memory_space<hbm>>, %arg4: memref<64000000xf32, #tpu.memory_space<hbm>>, %arg5: memref<2x64x256xf32, #tpu.memory_space<vmem>>, %arg6: memref<2x16384xf32, #tpu.memory_space<vmem>>, %arg7: memref<4096xf32, #tpu.memory_space<vmem>>, %arg8: memref<!tpu.dma_semaphore, #tpu.memory_space<semaphore_mem>>, %arg9: memref<!tpu.dma_semaphore, #tpu.memory_space<semaphore_mem>>) attributes {dimension_semantics = [#tpu.dimension_semantics<core_parallel>, #tpu.dimension_semantics<subcore_parallel>], iteration_bounds = array<i64: 2, 16>, scalar_prefetch = 0 : i64, scratch_operands = 5 : i64, tpu.core_type = #tpu.core_type<sc_vector_subcore>, window_params = [{transform_indices = #map}, {transform_indices = #map1}, {transform_indices = #map1}]} {
    %mul3A = arith.constant 2 : i32
    %mul3A_0 = arith.muli %arg1, %mul3A : i32
    %add3A = arith.addi %mul3A_0, %arg0 : i32
    %eq3A = arith.constant 31 : i32
    %eq3A_1 = arith.cmpi eq, %add3A, %eq3A : i32
    %convert_element_type3A = arith.extui %eq3A_1 : i1 to i32
    %cond3A = arith.constant 0 : i32
    %cond3A_2 = arith.cmpi ne, %convert_element_type3A, %cond3A : i32
    scf.if %cond3A_2 {
      "tpu.region"() ({
        %run_scoped3A = tpu.sem_alloc : memref<!tpu.dma_semaphore, #tpu.memory_space<semaphore_mem>>
        tpu.enqueue_dma source(%arg3 : memref<4096xf32, #tpu.memory_space<hbm>>) target(%arg7 : memref<4096xf32, #tpu.memory_space<vmem>>) target_semaphore(%run_scoped3A : memref<!tpu.dma_semaphore, #tpu.memory_space<semaphore_mem>>)
        tpu.wait_dma2 semaphore(%run_scoped3A : memref<!tpu.dma_semaphore, #tpu.memory_space<semaphore_mem>>) src(%arg3 : memref<4096xf32, #tpu.memory_space<hbm>>) dst(%arg7 : memref<4096xf32, #tpu.memory_space<vmem>>)
        tpu.yield
      }) : () -> ()
      "tpu.region"() ({
        %run_scoped3A = tpu.sem_alloc : memref<!tpu.dma_semaphore, #tpu.memory_space<semaphore_mem>>
        %dma_start3A = arith.constant 63995904 : i32
        %dma_start3A_155 = tpu.memref_slice %arg4[%dma_start3A] : memref<64000000xf32, #tpu.memory_space<hbm>> -> memref<4096xf32, #tpu.memory_space<hbm>>
        %dma_start3A_156 = arith.constant 63995904 : i32
        %dma_start3A_157 = tpu.memref_slice %arg4[%dma_start3A_156] : memref<64000000xf32, #tpu.memory_space<hbm>> -> memref<4096xf32, #tpu.memory_space<hbm>>
        tpu.enqueue_dma source(%arg7 : memref<4096xf32, #tpu.memory_space<vmem>>) target(%dma_start3A_157 : memref<4096xf32, #tpu.memory_space<hbm>>) target_semaphore(%run_scoped3A : memref<!tpu.dma_semaphore, #tpu.memory_space<semaphore_mem>>)
        %dma_wait3A = arith.constant 63995904 : i32
        %dma_wait3A_158 = tpu.memref_slice %arg4[%dma_wait3A] : memref<64000000xf32, #tpu.memory_space<hbm>> -> memref<4096xf32, #tpu.memory_space<hbm>>
        %dma_wait3A_159 = arith.constant 63995904 : i32
        %dma_wait3A_160 = tpu.memref_slice %arg4[%dma_wait3A_159] : memref<64000000xf32, #tpu.memory_space<hbm>> -> memref<4096xf32, #tpu.memory_space<hbm>>
        tpu.wait_dma2 semaphore(%run_scoped3A : memref<!tpu.dma_semaphore, #tpu.memory_space<semaphore_mem>>) src(%arg7 : memref<4096xf32, #tpu.memory_space<vmem>>) dst(%dma_wait3A_160 : memref<4096xf32, #tpu.memory_space<hbm>>)
        tpu.yield
      }) : () -> ()
    } else {
    }
    %iota3A = tpu.iota {dimensions = array<i32: 0>} : vector<16xi32>
    %add3A_3 = arith.constant 0 : i32
    %add3A_4 = vector.broadcast %add3A_3 : i32 to vector<16xi32>
    %add3A_5 = arith.addi %iota3A, %add3A_4 : vector<16xi32>
    %add3A_6 = arith.constant 16 : i32
    %add3A_7 = vector.broadcast %add3A_6 : i32 to vector<16xi32>
    %add3A_8 = arith.addi %iota3A, %add3A_7 : vector<16xi32>
    %add3A_9 = arith.constant 32 : i32
    %add3A_10 = vector.broadcast %add3A_9 : i32 to vector<16xi32>
    %add3A_11 = arith.addi %iota3A, %add3A_10 : vector<16xi32>
    %add3A_12 = arith.constant 48 : i32
    %add3A_13 = vector.broadcast %add3A_12 : i32 to vector<16xi32>
    %add3A_14 = arith.addi %iota3A, %add3A_13 : vector<16xi32>
    %add3A_15 = arith.constant 0 : i32
    %add3A_16 = vector.broadcast %add3A_15 : i32 to vector<16xi32>
    %add3A_17 = arith.addi %iota3A, %add3A_16 : vector<16xi32>
    %rem3A = arith.constant 16 : i32
    %rem3A_18 = vector.broadcast %rem3A : i32 to vector<16xi32>
    %rem3A_19 = arith.remsi %add3A_17, %rem3A_18 : vector<16xi32>
    %add3A_20 = arith.constant 1 : i32
    %add3A_21 = vector.broadcast %add3A_20 : i32 to vector<16xi32>
    %add3A_22 = arith.addi %iota3A, %add3A_21 : vector<16xi32>
    %rem3A_23 = arith.constant 16 : i32
    %rem3A_24 = vector.broadcast %rem3A_23 : i32 to vector<16xi32>
    %rem3A_25 = arith.remsi %add3A_22, %rem3A_24 : vector<16xi32>
    %add3A_26 = arith.constant 2 : i32
    %add3A_27 = vector.broadcast %add3A_26 : i32 to vector<16xi32>
    %add3A_28 = arith.addi %iota3A, %add3A_27 : vector<16xi32>
    %rem3A_29 = arith.constant 16 : i32
    %rem3A_30 = vector.broadcast %rem3A_29 : i32 to vector<16xi32>
    %rem3A_31 = arith.remsi %add3A_28, %rem3A_30 : vector<16xi32>
    %add3A_32 = arith.constant 3 : i32
    %add3A_33 = vector.broadcast %add3A_32 : i32 to vector<16xi32>
    %add3A_34 = arith.addi %iota3A, %add3A_33 : vector<16xi32>
    %rem3A_35 = arith.constant 16 : i32
    %rem3A_36 = vector.broadcast %rem3A_35 : i32 to vector<16xi32>
    %rem3A_37 = arith.remsi %add3A_34, %rem3A_36 : vector<16xi32>
    %add3A_38 = arith.constant 4 : i32
    %add3A_39 = vector.broadcast %add3A_38 : i32 to vector<16xi32>
    %add3A_40 = arith.addi %iota3A, %add3A_39 : vector<16xi32>
    %rem3A_41 = arith.constant 16 : i32
    %rem3A_42 = vector.broadcast %rem3A_41 : i32 to vector<16xi32>
    %rem3A_43 = arith.remsi %add3A_40, %rem3A_42 : vector<16xi32>
    %add3A_44 = arith.constant 5 : i32
    %add3A_45 = vector.broadcast %add3A_44 : i32 to vector<16xi32>
    %add3A_46 = arith.addi %iota3A, %add3A_45 : vector<16xi32>
    %rem3A_47 = arith.constant 16 : i32
    %rem3A_48 = vector.broadcast %rem3A_47 : i32 to vector<16xi32>
    %rem3A_49 = arith.remsi %add3A_46, %rem3A_48 : vector<16xi32>
    %add3A_50 = arith.constant 6 : i32
    %add3A_51 = vector.broadcast %add3A_50 : i32 to vector<16xi32>
    %add3A_52 = arith.addi %iota3A, %add3A_51 : vector<16xi32>
    %rem3A_53 = arith.constant 16 : i32
    %rem3A_54 = vector.broadcast %rem3A_53 : i32 to vector<16xi32>
    %rem3A_55 = arith.remsi %add3A_52, %rem3A_54 : vector<16xi32>
    %add3A_56 = arith.constant 7 : i32
    %add3A_57 = vector.broadcast %add3A_56 : i32 to vector<16xi32>
    %add3A_58 = arith.addi %iota3A, %add3A_57 : vector<16xi32>
    %rem3A_59 = arith.constant 16 : i32
    %rem3A_60 = vector.broadcast %rem3A_59 : i32 to vector<16xi32>
    %rem3A_61 = arith.remsi %add3A_58, %rem3A_60 : vector<16xi32>
    %add3A_62 = arith.constant 8 : i32
    %add3A_63 = vector.broadcast %add3A_62 : i32 to vector<16xi32>
    %add3A_64 = arith.addi %iota3A, %add3A_63 : vector<16xi32>
    %rem3A_65 = arith.constant 16 : i32
    %rem3A_66 = vector.broadcast %rem3A_65 : i32 to vector<16xi32>
    %rem3A_67 = arith.remsi %add3A_64, %rem3A_66 : vector<16xi32>
    %add3A_68 = arith.constant 9 : i32
    %add3A_69 = vector.broadcast %add3A_68 : i32 to vector<16xi32>
    %add3A_70 = arith.addi %iota3A, %add3A_69 : vector<16xi32>
    %rem3A_71 = arith.constant 16 : i32
    %rem3A_72 = vector.broadcast %rem3A_71 : i32 to vector<16xi32>
    %rem3A_73 = arith.remsi %add3A_70, %rem3A_72 : vector<16xi32>
    %add3A_74 = arith.constant 10 : i32
    %add3A_75 = vector.broadcast %add3A_74 : i32 to vector<16xi32>
    %add3A_76 = arith.addi %iota3A, %add3A_75 : vector<16xi32>
    %rem3A_77 = arith.constant 16 : i32
    %rem3A_78 = vector.broadcast %rem3A_77 : i32 to vector<16xi32>
    %rem3A_79 = arith.remsi %add3A_76, %rem3A_78 : vector<16xi32>
    %add3A_80 = arith.constant 11 : i32
    %add3A_81 = vector.broadcast %add3A_80 : i32 to vector<16xi32>
    %add3A_82 = arith.addi %iota3A, %add3A_81 : vector<16xi32>
    %rem3A_83 = arith.constant 16 : i32
    %rem3A_84 = vector.broadcast %rem3A_83 : i32 to vector<16xi32>
    %rem3A_85 = arith.remsi %add3A_82, %rem3A_84 : vector<16xi32>
    %add3A_86 = arith.constant 12 : i32
    %add3A_87 = vector.broadcast %add3A_86 : i32 to vector<16xi32>
    %add3A_88 = arith.addi %iota3A, %add3A_87 : vector<16xi32>
    %rem3A_89 = arith.constant 16 : i32
    %rem3A_90 = vector.broadcast %rem3A_89 : i32 to vector<16xi32>
    %rem3A_91 = arith.remsi %add3A_88, %rem3A_90 : vector<16xi32>
    %add3A_92 = arith.constant 13 : i32
    %add3A_93 = vector.broadcast %add3A_92 : i32 to vector<16xi32>
    %add3A_94 = arith.addi %iota3A, %add3A_93 : vector<16xi32>
    %rem3A_95 = arith.constant 16 : i32
    %rem3A_96 = vector.broadcast %rem3A_95 : i32 to vector<16xi32>
    %rem3A_97 = arith.remsi %add3A_94, %rem3A_96 : vector<16xi32>
    %add3A_98 = arith.constant 14 : i32
    %add3A_99 = vector.broadcast %add3A_98 : i32 to vector<16xi32>
    %add3A_100 = arith.addi %iota3A, %add3A_99 : vector<16xi32>
    %rem3A_101 = arith.constant 16 : i32
    %rem3A_102 = vector.broadcast %rem3A_101 : i32 to vector<16xi32>
    %rem3A_103 = arith.remsi %add3A_100, %rem3A_102 : vector<16xi32>
    %add3A_104 = arith.constant 15 : i32
    %add3A_105 = vector.broadcast %add3A_104 : i32 to vector<16xi32>
    %add3A_106 = arith.addi %iota3A, %add3A_105 : vector<16xi32>
    %rem3A_107 = arith.constant 16 : i32
    %rem3A_108 = vector.broadcast %rem3A_107 : i32 to vector<16xi32>
    %rem3A_109 = arith.remsi %add3A_106, %rem3A_108 : vector<16xi32>
    %add3A_110 = arith.constant 0 : i32
    %add3A_111 = arith.addi %add3A, %add3A_110 : i32
    %lt3A = arith.constant 3906 : i32
    %lt3A_112 = arith.cmpi slt, %add3A_111, %lt3A : i32
    %convert_element_type3A_113 = arith.extui %lt3A_112 : i1 to i32
    %cond3A_114 = arith.constant 0 : i32
    %cond3A_115 = arith.cmpi ne, %convert_element_type3A_113, %cond3A_114 : i32
    scf.if %cond3A_115 {
      %add3A_155 = arith.constant 0 : i32
      %add3A_156 = arith.addi %add3A, %add3A_155 : i32
      %mul3A_157 = arith.constant 256 : i32
      %mul3A_158 = arith.muli %add3A_156, %mul3A_157 : i32
      %dma_start3A = arith.constant 0 : i32
      %dma_start3A_159 = arith.constant 0 : i32
      %dma_start3A_160 = arith.constant 0 : i32
      %dma_start3A_161 = tpu.memref_slice %arg5[%dma_start3A, %dma_start3A_159, %dma_start3A_160] : memref<2x64x256xf32, #tpu.memory_space<vmem>> -> memref<1x64x256xf32, #tpu.memory_space<vmem>>
      %dma_start3A_162 = tpu.memref_squeeze %dma_start3A_161 : memref<1x64x256xf32, #tpu.memory_space<vmem>> -> memref<64x256xf32, #tpu.memory_space<vmem>>
      %dma_start3A_163 = arith.constant 0 : i32
      %dma_start3A_164 = tpu.memref_slice %arg2[%dma_start3A_163, %mul3A_158] : memref<64x1000000xf32, #tpu.memory_space<hbm>> -> memref<64x256xf32, #tpu.memory_space<hbm>>
      %dma_start3A_165 = arith.constant 0 : i32
      %dma_start3A_166 = arith.constant 0 : i32
      %dma_start3A_167 = tpu.memref_slice %arg5[%dma_start3A, %dma_start3A_165, %dma_start3A_166] : memref<2x64x256xf32, #tpu.memory_space<vmem>> -> memref<1x64x256xf32, #tpu.memory_space<vmem>>
      %dma_start3A_168 = tpu.memref_squeeze %dma_start3A_167 : memref<1x64x256xf32, #tpu.memory_space<vmem>> -> memref<64x256xf32, #tpu.memory_space<vmem>>
      %dma_start3A_169 = arith.constant 0 : i32
      %dma_start3A_170 = tpu.memref_slice %arg2[%dma_start3A_169, %mul3A_158] : memref<64x1000000xf32, #tpu.memory_space<hbm>> -> memref<64x256xf32, #tpu.memory_space<hbm>>
      tpu.enqueue_dma source(%dma_start3A_170 : memref<64x256xf32, #tpu.memory_space<hbm>>) target(%dma_start3A_168 : memref<64x256xf32, #tpu.memory_space<vmem>>) target_semaphore(%arg8 : memref<!tpu.dma_semaphore, #tpu.memory_space<semaphore_mem>>)
    } else {
    }
    %scan3A = arith.constant 0 : i32
    %scan3A_116 = arith.constant 0 : i32
    %scan3A_117 = arith.constant 123 : i32
    %scan3A_118 = arith.addi %scan3A_116, %scan3A_117 : i32
    %scan3A_119 = arith.constant 1 : i32
    scf.for %scan3A_155 = %scan3A_116 to %scan3A_118 step %scan3A_119  : i32 {
      %rem3A_156 = arith.constant 2 : i32
      %rem3A_157 = arith.remsi %scan3A_155, %rem3A_156 : i32
      %mul3A_158 = arith.constant 32 : i32
      %mul3A_159 = arith.muli %scan3A_155, %mul3A_158 : i32
      %add3A_160 = arith.addi %add3A, %mul3A_159 : i32
      %lt3A_161 = arith.constant 3906 : i32
      %lt3A_162 = arith.cmpi slt, %add3A_160, %lt3A_161 : i32
      %convert_element_type3A_163 = arith.extui %lt3A_162 : i1 to i32
      %cond3A_164 = arith.constant 0 : i32
      %cond3A_165 = arith.cmpi ne, %convert_element_type3A_163, %cond3A_164 : i32
      scf.if %cond3A_165 {
        %mul3A_166 = arith.constant 32 : i32
        %mul3A_167 = arith.muli %scan3A_155, %mul3A_166 : i32
        %add3A_168 = arith.addi %add3A, %mul3A_167 : i32
        %mul3A_169 = arith.constant 256 : i32
        %mul3A_170 = arith.muli %add3A_168, %mul3A_169 : i32
        %dma_wait3A = arith.constant 0 : i32
        %dma_wait3A_171 = arith.constant 0 : i32
        %dma_wait3A_172 = tpu.memref_slice %arg5[%rem3A_157, %dma_wait3A, %dma_wait3A_171] : memref<2x64x256xf32, #tpu.memory_space<vmem>> -> memref<1x64x256xf32, #tpu.memory_space<vmem>>
        %dma_wait3A_173 = tpu.memref_squeeze %dma_wait3A_172 : memref<1x64x256xf32, #tpu.memory_space<vmem>> -> memref<64x256xf32, #tpu.memory_space<vmem>>
        %dma_wait3A_174 = arith.constant 0 : i32
        %dma_wait3A_175 = tpu.memref_slice %arg2[%dma_wait3A_174, %mul3A_170] : memref<64x1000000xf32, #tpu.memory_space<hbm>> -> memref<64x256xf32, #tpu.memory_space<hbm>>
        %dma_wait3A_176 = arith.constant 0 : i32
        %dma_wait3A_177 = arith.constant 0 : i32
        %dma_wait3A_178 = tpu.memref_slice %arg5[%rem3A_157, %dma_wait3A_176, %dma_wait3A_177] : memref<2x64x256xf32, #tpu.memory_space<vmem>> -> memref<1x64x256xf32, #tpu.memory_space<vmem>>
        %dma_wait3A_179 = tpu.memref_squeeze %dma_wait3A_178 : memref<1x64x256xf32, #tpu.memory_space<vmem>> -> memref<64x256xf32, #tpu.memory_space<vmem>>
        %dma_wait3A_180 = arith.constant 0 : i32
        %dma_wait3A_181 = tpu.memref_slice %arg2[%dma_wait3A_180, %mul3A_170] : memref<64x1000000xf32, #tpu.memory_space<hbm>> -> memref<64x256xf32, #tpu.memory_space<hbm>>
        tpu.wait_dma2 semaphore(%arg8 : memref<!tpu.dma_semaphore, #tpu.memory_space<semaphore_mem>>) src(%dma_wait3A_181 : memref<64x256xf32, #tpu.memory_space<hbm>>) dst(%dma_wait3A_179 : memref<64x256xf32, #tpu.memory_space<vmem>>)
        %add3A_182 = arith.constant 1 : i32
        %add3A_183 = arith.addi %scan3A_155, %add3A_182 : i32
        %mul3A_184 = arith.constant 32 : i32
        %mul3A_185 = arith.muli %add3A_183, %mul3A_184 : i32
        %add3A_186 = arith.addi %add3A, %mul3A_185 : i32
        %lt3A_187 = arith.constant 3906 : i32
        %lt3A_188 = arith.cmpi slt, %add3A_186, %lt3A_187 : i32
        %convert_element_type3A_189 = arith.extui %lt3A_188 : i1 to i32
        %cond3A_190 = arith.constant 0 : i32
        %cond3A_191 = arith.cmpi ne, %convert_element_type3A_189, %cond3A_190 : i32
        scf.if %cond3A_191 {
          %add3A_213 = arith.constant 1 : i32
          %add3A_214 = arith.addi %scan3A_155, %add3A_213 : i32
          %sub3A_215 = arith.constant 1 : i32
          %sub3A_216 = arith.subi %sub3A_215, %rem3A_157 : i32
          %mul3A_217 = arith.constant 32 : i32
          %mul3A_218 = arith.muli %add3A_214, %mul3A_217 : i32
          %add3A_219 = arith.addi %add3A, %mul3A_218 : i32
          %mul3A_220 = arith.constant 256 : i32
          %mul3A_221 = arith.muli %add3A_219, %mul3A_220 : i32
          %dma_start3A_222 = arith.constant 0 : i32
          %dma_start3A_223 = arith.constant 0 : i32
          %dma_start3A_224 = tpu.memref_slice %arg5[%sub3A_216, %dma_start3A_222, %dma_start3A_223] : memref<2x64x256xf32, #tpu.memory_space<vmem>> -> memref<1x64x256xf32, #tpu.memory_space<vmem>>
          %dma_start3A_225 = tpu.memref_squeeze %dma_start3A_224 : memref<1x64x256xf32, #tpu.memory_space<vmem>> -> memref<64x256xf32, #tpu.memory_space<vmem>>
          %dma_start3A_226 = arith.constant 0 : i32
          %dma_start3A_227 = tpu.memref_slice %arg2[%dma_start3A_226, %mul3A_221] : memref<64x1000000xf32, #tpu.memory_space<hbm>> -> memref<64x256xf32, #tpu.memory_space<hbm>>
          %dma_start3A_228 = arith.constant 0 : i32
          %dma_start3A_229 = arith.constant 0 : i32
          %dma_start3A_230 = tpu.memref_slice %arg5[%sub3A_216, %dma_start3A_228, %dma_start3A_229] : memref<2x64x256xf32, #tpu.memory_space<vmem>> -> memref<1x64x256xf32, #tpu.memory_space<vmem>>
          %dma_start3A_231 = tpu.memref_squeeze %dma_start3A_230 : memref<1x64x256xf32, #tpu.memory_space<vmem>> -> memref<64x256xf32, #tpu.memory_space<vmem>>
          %dma_start3A_232 = arith.constant 0 : i32
          %dma_start3A_233 = tpu.memref_slice %arg2[%dma_start3A_232, %mul3A_221] : memref<64x1000000xf32, #tpu.memory_space<hbm>> -> memref<64x256xf32, #tpu.memory_space<hbm>>
          tpu.enqueue_dma source(%dma_start3A_233 : memref<64x256xf32, #tpu.memory_space<hbm>>) target(%dma_start3A_231 : memref<64x256xf32, #tpu.memory_space<vmem>>) target_semaphore(%arg8 : memref<!tpu.dma_semaphore, #tpu.memory_space<semaphore_mem>>)
        } else {
        }
        %ge3A_192 = arith.constant 2 : i32
        %ge3A_193 = arith.cmpi sge, %scan3A_155, %ge3A_192 : i32
        %convert_element_type3A_194 = arith.extui %ge3A_193 : i1 to i32
        %cond3A_195 = arith.constant 0 : i32
        %cond3A_196 = arith.cmpi ne, %convert_element_type3A_194, %cond3A_195 : i32
        scf.if %cond3A_196 {
          %dma_wait3A_213 = arith.constant 0 : i32
          %dma_wait3A_214 = arith.constant 0 : i32
          %dma_wait3A_215 = tpu.memref_slice %arg6[%dma_wait3A_213, %dma_wait3A_214] : memref<2x16384xf32, #tpu.memory_space<vmem>> -> memref<1x16384xf32, #tpu.memory_space<vmem>>
          %dma_wait3A_216 = tpu.memref_squeeze %dma_wait3A_215 : memref<1x16384xf32, #tpu.memory_space<vmem>> -> memref<16384xf32, #tpu.memory_space<vmem>>
          %dma_wait3A_217 = arith.constant 0 : i32
          %dma_wait3A_218 = tpu.memref_slice %arg4[%dma_wait3A_217] : memref<64000000xf32, #tpu.memory_space<hbm>> -> memref<16384xf32, #tpu.memory_space<hbm>>
          %dma_wait3A_219 = arith.constant 0 : i32
          %dma_wait3A_220 = tpu.memref_slice %arg4[%dma_wait3A_219] : memref<64000000xf32, #tpu.memory_space<hbm>> -> memref<16384xf32, #tpu.memory_space<hbm>>
          %dma_wait3A_221 = arith.constant 0 : i32
          %dma_wait3A_222 = tpu.memref_slice %arg6[%dma_wait3A_213, %dma_wait3A_221] : memref<2x16384xf32, #tpu.memory_space<vmem>> -> memref<1x16384xf32, #tpu.memory_space<vmem>>
          %dma_wait3A_223 = tpu.memref_squeeze %dma_wait3A_222 : memref<1x16384xf32, #tpu.memory_space<vmem>> -> memref<16384xf32, #tpu.memory_space<vmem>>
          tpu.wait_dma2 semaphore(%arg9 : memref<!tpu.dma_semaphore, #tpu.memory_space<semaphore_mem>>) src(%dma_wait3A_223 : memref<16384xf32, #tpu.memory_space<vmem>>) dst(%dma_wait3A_220 : memref<16384xf32, #tpu.memory_space<hbm>>)
        } else {
        }
        %broadcast_in_dim3A = vector.broadcast %rem3A_157 : i32 to vector<16xi32>
        %parallel_loop3A = arith.constant 0 : i32
        %parallel_loop3A_197 = arith.constant 16 : i32
        %parallel_loop3A_198 = arith.constant 1 : i32
        scf.for %parallel_loop3A_213 = %parallel_loop3A to %parallel_loop3A_197 step %parallel_loop3A_198  : i32 {
          %parallel_loop3A_214 = arith.constant 16 : i32
          %parallel_loop3A_215 = arith.muli %parallel_loop3A_213, %parallel_loop3A_214 : i32
          %parallel_loop3A_216 = vector.broadcast %parallel_loop3A_215 : i32 to vector<16xi32>
          %parallel_loop3A_217 = arith.addi %parallel_loop3A_216, %rem3A_19 : vector<16xi32>
          %parallel_loop3A_218 = arith.constant 6 : i32
          %parallel_loop3A_219 = vector.broadcast %parallel_loop3A_218 : i32 to vector<16xi32>
          %parallel_loop3A_220 = arith.shli %parallel_loop3A_217, %parallel_loop3A_219 : vector<16xi32>
          %parallel_loop3A_221 = arith.constant 0 : i32
          %parallel_loop3A_222 = arith.constant 0 : i32
          %parallel_loop3A_223 = tpu.memref_slice %arg5[%rem3A_157, %parallel_loop3A_221, %parallel_loop3A_222] : memref<2x64x256xf32, #tpu.memory_space<vmem>> -> memref<1x64x256xf32, #tpu.memory_space<vmem>>
          %parallel_loop3A_224 = tpu.memref_squeeze %parallel_loop3A_223 : memref<1x64x256xf32, #tpu.memory_space<vmem>> -> memref<64x256xf32, #tpu.memory_space<vmem>>
          %parallel_loop3A_225 = tpu.vector_load_idx %parallel_loop3A_224[%add3A_5, %parallel_loop3A_217] : memref<64x256xf32, #tpu.memory_space<vmem>>[vector<16xi32>, vector<16xi32>], vector<16xf32>,
          %parallel_loop3A_226 = arith.addi %parallel_loop3A_220, %add3A_5 : vector<16xi32>
          tpu.vector_store_idx %arg6[%broadcast_in_dim3A, %parallel_loop3A_226], %parallel_loop3A_225 : memref<2x16384xf32, #tpu.memory_space<vmem>>[vector<16xi32>, vector<16xi32>], vector<16xf32>,
          %parallel_loop3A_227 = arith.constant 0 : i32
          %parallel_loop3A_228 = arith.constant 0 : i32
          %parallel_loop3A_229 = tpu.memref_slice %arg5[%rem3A_157, %parallel_loop3A_227, %parallel_loop3A_228] : memref<2x64x256xf32, #tpu.memory_space<vmem>> -> memref<1x64x256xf32, #tpu.memory_space<vmem>>
          %parallel_loop3A_230 = tpu.memref_squeeze %parallel_loop3A_229 : memref<1x64x256xf32, #tpu.memory_space<vmem>> -> memref<64x256xf32, #tpu.memory_space<vmem>>
          %parallel_loop3A_231 = tpu.vector_load_idx %parallel_loop3A_230[%add3A_8, %parallel_loop3A_217] : memref<64x256xf32, #tpu.memory_space<vmem>>[vector<16xi32>, vector<16xi32>], vector<16xf32>,
          %parallel_loop3A_232 = arith.addi %parallel_loop3A_220, %add3A_8 : vector<16xi32>
          tpu.vector_store_idx %arg6[%broadcast_in_dim3A, %parallel_loop3A_232], %parallel_loop3A_231 : memref<2x16384xf32, #tpu.memory_space<vmem>>[vector<16xi32>, vector<16xi32>], vector<16xf32>,
          %parallel_loop3A_233 = arith.constant 0 : i32
          %parallel_loop3A_234 = arith.constant 0 : i32
          %parallel_loop3A_235 = tpu.memref_slice %arg5[%rem3A_157, %parallel_loop3A_233, %parallel_loop3A_234] : memref<2x64x256xf32, #tpu.memory_space<vmem>> -> memref<1x64x256xf32, #tpu.memory_space<vmem>>
          %parallel_loop3A_236 = tpu.memref_squeeze %parallel_loop3A_235 : memref<1x64x256xf32, #tpu.memory_space<vmem>> -> memref<64x256xf32, #tpu.memory_space<vmem>>
          %parallel_loop3A_237 = tpu.vector_load_idx %parallel_loop3A_236[%add3A_11, %parallel_loop3A_217] : memref<64x256xf32, #tpu.memory_space<vmem>>[vector<16xi32>, vector<16xi32>], vector<16xf32>,
          %parallel_loop3A_238 = arith.addi %parallel_loop3A_220, %add3A_11 : vector<16xi32>
          tpu.vector_store_idx %arg6[%broadcast_in_dim3A, %parallel_loop3A_238], %parallel_loop3A_237 : memref<2x16384xf32, #tpu.memory_space<vmem>>[vector<16xi32>, vector<16xi32>], vector<16xf32>,
          %parallel_loop3A_239 = arith.constant 0 : i32
          %parallel_loop3A_240 = arith.constant 0 : i32
          %parallel_loop3A_241 = tpu.memref_slice %arg5[%rem3A_157, %parallel_loop3A_239, %parallel_loop3A_240] : memref<2x64x256xf32, #tpu.memory_space<vmem>> -> memref<1x64x256xf32, #tpu.memory_space<vmem>>
          %parallel_loop3A_242 = tpu.memref_squeeze %parallel_loop3A_241 : memref<1x64x256xf32, #tpu.memory_space<vmem>> -> memref<64x256xf32, #tpu.memory_space<vmem>>
          %parallel_loop3A_243 = tpu.vector_load_idx %parallel_loop3A_242[%add3A_14, %parallel_loop3A_217] : memref<64x256xf32, #tpu.memory_space<vmem>>[vector<16xi32>, vector<16xi32>], vector<16xf32>,
          %parallel_loop3A_244 = arith.addi %parallel_loop3A_220, %add3A_14 : vector<16xi32>
          tpu.vector_store_idx %arg6[%broadcast_in_dim3A, %parallel_loop3A_244], %parallel_loop3A_243 : memref<2x16384xf32, #tpu.memory_space<vmem>>[vector<16xi32>, vector<16xi32>], vector<16xf32>,
          %parallel_loop3A_245 = arith.constant 16 : i32
          %parallel_loop3A_246 = arith.muli %parallel_loop3A_213, %parallel_loop3A_245 : i32
          %parallel_loop3A_247 = vector.broadcast %parallel_loop3A_246 : i32 to vector<16xi32>
          %parallel_loop3A_248 = arith.addi %parallel_loop3A_247, %rem3A_25 : vector<16xi32>
          %parallel_loop3A_249 = arith.constant 6 : i32
          %parallel_loop3A_250 = vector.broadcast %parallel_loop3A_249 : i32 to vector<16xi32>
          %parallel_loop3A_251 = arith.shli %parallel_loop3A_248, %parallel_loop3A_250 : vector<16xi32>
          %parallel_loop3A_252 = arith.constant 0 : i32
          %parallel_loop3A_253 = arith.constant 0 : i32
          %parallel_loop3A_254 = tpu.memref_slice %arg5[%rem3A_157, %parallel_loop3A_252, %parallel_loop3A_253] : memref<2x64x256xf32, #tpu.memory_space<vmem>> -> memref<1x64x256xf32, #tpu.memory_space<vmem>>
          %parallel_loop3A_255 = tpu.memref_squeeze %parallel_loop3A_254 : memref<1x64x256xf32, #tpu.memory_space<vmem>> -> memref<64x256xf32, #tpu.memory_space<vmem>>
          %parallel_loop3A_256 = tpu.vector_load_idx %parallel_loop3A_255[%add3A_5, %parallel_loop3A_248] : memref<64x256xf32, #tpu.memory_space<vmem>>[vector<16xi32>, vector<16xi32>], vector<16xf32>,
          %parallel_loop3A_257 = arith.addi %parallel_loop3A_251, %add3A_5 : vector<16xi32>
          tpu.vector_store_idx %arg6[%broadcast_in_dim3A, %parallel_loop3A_257], %parallel_loop3A_256 : memref<2x16384xf32, #tpu.memory_space<vmem>>[vector<16xi32>, vector<16xi32>], vector<16xf32>,
          %parallel_loop3A_258 = arith.constant 0 : i32
          %parallel_loop3A_259 = arith.constant 0 : i32
          %parallel_loop3A_260 = tpu.memref_slice %arg5[%rem3A_157, %parallel_loop3A_258, %parallel_loop3A_259] : memref<2x64x256xf32, #tpu.memory_space<vmem>> -> memref<1x64x256xf32, #tpu.memory_space<vmem>>
          %parallel_loop3A_261 = tpu.memref_squeeze %parallel_loop3A_260 : memref<1x64x256xf32, #tpu.memory_space<vmem>> -> memref<64x256xf32, #tpu.memory_space<vmem>>
          %parallel_loop3A_262 = tpu.vector_load_idx %parallel_loop3A_261[%add3A_8, %parallel_loop3A_248] : memref<64x256xf32, #tpu.memory_space<vmem>>[vector<16xi32>, vector<16xi32>], vector<16xf32>,
          %parallel_loop3A_263 = arith.addi %parallel_loop3A_251, %add3A_8 : vector<16xi32>
          tpu.vector_store_idx %arg6[%broadcast_in_dim3A, %parallel_loop3A_263], %parallel_loop3A_262 : memref<2x16384xf32, #tpu.memory_space<vmem>>[vector<16xi32>, vector<16xi32>], vector<16xf32>,
          %parallel_loop3A_264 = arith.constant 0 : i32
          %parallel_loop3A_265 = arith.constant 0 : i32
          %parallel_loop3A_266 = tpu.memref_slice %arg5[%rem3A_157, %parallel_loop3A_264, %parallel_loop3A_265] : memref<2x64x256xf32, #tpu.memory_space<vmem>> -> memref<1x64x256xf32, #tpu.memory_space<vmem>>
          %parallel_loop3A_267 = tpu.memref_squeeze %parallel_loop3A_266 : memref<1x64x256xf32, #tpu.memory_space<vmem>> -> memref<64x256xf32, #tpu.memory_space<vmem>>
          %parallel_loop3A_268 = tpu.vector_load_idx %parallel_loop3A_267[%add3A_11, %parallel_loop3A_248] : memref<64x256xf32, #tpu.memory_space<vmem>>[vector<16xi32>, vector<16xi32>], vector<16xf32>,
          %parallel_loop3A_269 = arith.addi %parallel_loop3A_251, %add3A_11 : vector<16xi32>
          tpu.vector_store_idx %arg6[%broadcast_in_dim3A, %parallel_loop3A_269], %parallel_loop3A_268 : memref<2x16384xf32, #tpu.memory_space<vmem>>[vector<16xi32>, vector<16xi32>], vector<16xf32>,
          %parallel_loop3A_270 = arith.constant 0 : i32
          %parallel_loop3A_271 = arith.constant 0 : i32
          %parallel_loop3A_272 = tpu.memref_slice %arg5[%rem3A_157, %parallel_loop3A_270, %parallel_loop3A_271] : memref<2x64x256xf32, #tpu.memory_space<vmem>> -> memref<1x64x256xf32, #tpu.memory_space<vmem>>
          %parallel_loop3A_273 = tpu.memref_squeeze %parallel_loop3A_272 : memref<1x64x256xf32, #tpu.memory_space<vmem>> -> memref<64x256xf32, #tpu.memory_space<vmem>>
          %parallel_loop3A_274 = tpu.vector_load_idx %parallel_loop3A_273[%add3A_14, %parallel_loop3A_248] : memref<64x256xf32, #tpu.memory_space<vmem>>[vector<16xi32>, vector<16xi32>], vector<16xf32>,
          %parallel_loop3A_275 = arith.addi %parallel_loop3A_251, %add3A_14 : vector<16xi32>
          tpu.vector_store_idx %arg6[%broadcast_in_dim3A, %parallel_loop3A_275], %parallel_loop3A_274 : memref<2x16384xf32, #tpu.memory_space<vmem>>[vector<16xi32>, vector<16xi32>], vector<16xf32>,
          %parallel_loop3A_276 = arith.constant 16 : i32
          %parallel_loop3A_277 = arith.muli %parallel_loop3A_213, %parallel_loop3A_276 : i32
          %parallel_loop3A_278 = vector.broadcast %parallel_loop3A_277 : i32 to vector<16xi32>
          %parallel_loop3A_279 = arith.addi %parallel_loop3A_278, %rem3A_31 : vector<16xi32>
          %parallel_loop3A_280 = arith.constant 6 : i32
          %parallel_loop3A_281 = vector.broadcast %parallel_loop3A_280 : i32 to vector<16xi32>
          %parallel_loop3A_282 = arith.shli %parallel_loop3A_279, %parallel_loop3A_281 : vector<16xi32>
          %parallel_loop3A_283 = arith.constant 0 : i32
          %parallel_loop3A_284 = arith.constant 0 : i32
          %parallel_loop3A_285 = tpu.memref_slice %arg5[%rem3A_157, %parallel_loop3A_283, %parallel_loop3A_284] : memref<2x64x256xf32, #tpu.memory_space<vmem>> -> memref<1x64x256xf32, #tpu.memory_space<vmem>>
          %parallel_loop3A_286 = tpu.memref_squeeze %parallel_loop3A_285 : memref<1x64x256xf32, #tpu.memory_space<vmem>> -> memref<64x256xf32, #tpu.memory_space<vmem>>
          %parallel_loop3A_287 = tpu.vector_load_idx %parallel_loop3A_286[%add3A_5, %parallel_loop3A_279] : memref<64x256xf32, #tpu.memory_space<vmem>>[vector<16xi32>, vector<16xi32>], vector<16xf32>,
          %parallel_loop3A_288 = arith.addi %parallel_loop3A_282, %add3A_5 : vector<16xi32>
          tpu.vector_store_idx %arg6[%broadcast_in_dim3A, %parallel_loop3A_288], %parallel_loop3A_287 : memref<2x16384xf32, #tpu.memory_space<vmem>>[vector<16xi32>, vector<16xi32>], vector<16xf32>,
          %parallel_loop3A_289 = arith.constant 0 : i32
          %parallel_loop3A_290 = arith.constant 0 : i32
          %parallel_loop3A_291 = tpu.memref_slice %arg5[%rem3A_157, %parallel_loop3A_289, %parallel_loop3A_290] : memref<2x64x256xf32, #tpu.memory_space<vmem>> -> memref<1x64x256xf32, #tpu.memory_space<vmem>>
          %parallel_loop3A_292 = tpu.memref_squeeze %parallel_loop3A_291 : memref<1x64x256xf32, #tpu.memory_space<vmem>> -> memref<64x256xf32, #tpu.memory_space<vmem>>
          %parallel_loop3A_293 = tpu.vector_load_idx %parallel_loop3A_292[%add3A_8, %parallel_loop3A_279] : memref<64x256xf32, #tpu.memory_space<vmem>>[vector<16xi32>, vector<16xi32>], vector<16xf32>,
          %parallel_loop3A_294 = arith.addi %parallel_loop3A_282, %add3A_8 : vector<16xi32>
          tpu.vector_store_idx %arg6[%broadcast_in_dim3A, %parallel_loop3A_294], %parallel_loop3A_293 : memref<2x16384xf32, #tpu.memory_space<vmem>>[vector<16xi32>, vector<16xi32>], vector<16xf32>,
          %parallel_loop3A_295 = arith.constant 0 : i32
          %parallel_loop3A_296 = arith.constant 0 : i32
          %parallel_loop3A_297 = tpu.memref_slice %arg5[%rem3A_157, %parallel_loop3A_295, %parallel_loop3A_296] : memref<2x64x256xf32, #tpu.memory_space<vmem>> -> memref<1x64x256xf32, #tpu.memory_space<vmem>>
          %parallel_loop3A_298 = tpu.memref_squeeze %parallel_loop3A_297 : memref<1x64x256xf32, #tpu.memory_space<vmem>> -> memref<64x256xf32, #tpu.memory_space<vmem>>
          %parallel_loop3A_299 = tpu.vector_load_idx %parallel_loop3A_298[%add3A_11, %parallel_loop3A_279] : memref<64x256xf32, #tpu.memory_space<vmem>>[vector<16xi32>, vector<16xi32>], vector<16xf32>,
          %parallel_loop3A_300 = arith.addi %parallel_loop3A_282, %add3A_11 : vector<16xi32>
          tpu.vector_store_idx %arg6[%broadcast_in_dim3A, %parallel_loop3A_300], %parallel_loop3A_299 : memref<2x16384xf32, #tpu.memory_space<vmem>>[vector<16xi32>, vector<16xi32>], vector<16xf32>,
          %parallel_loop3A_301 = arith.constant 0 : i32
          %parallel_loop3A_302 = arith.constant 0 : i32
          %parallel_loop3A_303 = tpu.memref_slice %arg5[%rem3A_157, %parallel_loop3A_301, %parallel_loop3A_302] : memref<2x64x256xf32, #tpu.memory_space<vmem>> -> memref<1x64x256xf32, #tpu.memory_space<vmem>>
          %parallel_loop3A_304 = tpu.memref_squeeze %parallel_loop3A_303 : memref<1x64x256xf32, #tpu.memory_space<vmem>> -> memref<64x256xf32, #tpu.memory_space<vmem>>
          %parallel_loop3A_305 = tpu.vector_load_idx %parallel_loop3A_304[%add3A_14, %parallel_loop3A_279] : memref<64x256xf32, #tpu.memory_space<vmem>>[vector<16xi32>, vector<16xi32>], vector<16xf32>,
          %parallel_loop3A_306 = arith.addi %parallel_loop3A_282, %add3A_14 : vector<16xi32>
          tpu.vector_store_idx %arg6[%broadcast_in_dim3A, %parallel_loop3A_306], %parallel_loop3A_305 : memref<2x16384xf32, #tpu.memory_space<vmem>>[vector<16xi32>, vector<16xi32>], vector<16xf32>,
          %parallel_loop3A_307 = arith.constant 16 : i32
          %parallel_loop3A_308 = arith.muli %parallel_loop3A_213, %parallel_loop3A_307 : i32
          %parallel_loop3A_309 = vector.broadcast %parallel_loop3A_308 : i32 to vector<16xi32>
          %parallel_loop3A_310 = arith.addi %parallel_loop3A_309, %rem3A_37 : vector<16xi32>
          %parallel_loop3A_311 = arith.constant 6 : i32
          %parallel_loop3A_312 = vector.broadcast %parallel_loop3A_311 : i32 to vector<16xi32>
          %parallel_loop3A_313 = arith.shli %parallel_loop3A_310, %parallel_loop3A_312 : vector<16xi32>
          %parallel_loop3A_314 = arith.constant 0 : i32
          %parallel_loop3A_315 = arith.constant 0 : i32
          %parallel_loop3A_316 = tpu.memref_slice %arg5[%rem3A_157, %parallel_loop3A_314, %parallel_loop3A_315] : memref<2x64x256xf32, #tpu.memory_space<vmem>> -> memref<1x64x256xf32, #tpu.memory_space<vmem>>
          %parallel_loop3A_317 = tpu.memref_squeeze %parallel_loop3A_316 : memref<1x64x256xf32, #tpu.memory_space<vmem>> -> memref<64x256xf32, #tpu.memory_space<vmem>>
          %parallel_loop3A_318 = tpu.vector_load_idx %parallel_loop3A_317[%add3A_5, %parallel_loop3A_310] : memref<64x256xf32, #tpu.memory_space<vmem>>[vector<16xi32>, vector<16xi32>], vector<16xf32>,
          %parallel_loop3A_319 = arith.addi %parallel_loop3A_313, %add3A_5 : vector<16xi32>
          tpu.vector_store_idx %arg6[%broadcast_in_dim3A, %parallel_loop3A_319], %parallel_loop3A_318 : memref<2x16384xf32, #tpu.memory_space<vmem>>[vector<16xi32>, vector<16xi32>], vector<16xf32>,
          %parallel_loop3A_320 = arith.constant 0 : i32
          %parallel_loop3A_321 = arith.constant 0 : i32
          %parallel_loop3A_322 = tpu.memref_slice %arg5[%rem3A_157, %parallel_loop3A_320, %parallel_loop3A_321] : memref<2x64x256xf32, #tpu.memory_space<vmem>> -> memref<1x64x256xf32, #tpu.memory_space<vmem>>
          %parallel_loop3A_323 = tpu.memref_squeeze %parallel_loop3A_322 : memref<1x64x256xf32, #tpu.memory_space<vmem>> -> memref<64x256xf32, #tpu.memory_space<vmem>>
          %parallel_loop3A_324 = tpu.vector_load_idx %parallel_loop3A_323[%add3A_8, %parallel_loop3A_310] : memref<64x256xf32, #tpu.memory_space<vmem>>[vector<16xi32>, vector<16xi32>], vector<16xf32>,
          %parallel_loop3A_325 = arith.addi %parallel_loop3A_313, %add3A_8 : vector<16xi32>
          tpu.vector_store_idx %arg6[%broadcast_in_dim3A, %parallel_loop3A_325], %parallel_loop3A_324 : memref<2x16384xf32, #tpu.memory_space<vmem>>[vector<16xi32>, vector<16xi32>], vector<16xf32>,
          %parallel_loop3A_326 = arith.constant 0 : i32
          %parallel_loop3A_327 = arith.constant 0 : i32
          %parallel_loop3A_328 = tpu.memref_slice %arg5[%rem3A_157, %parallel_loop3A_326, %parallel_loop3A_327] : memref<2x64x256xf32, #tpu.memory_space<vmem>> -> memref<1x64x256xf32, #tpu.memory_space<vmem>>
          %parallel_loop3A_329 = tpu.memref_squeeze %parallel_loop3A_328 : memref<1x64x256xf32, #tpu.memory_space<vmem>> -> memref<64x256xf32, #tpu.memory_space<vmem>>
          %parallel_loop3A_330 = tpu.vector_load_idx %parallel_loop3A_329[%add3A_11, %parallel_loop3A_310] : memref<64x256xf32, #tpu.memory_space<vmem>>[vector<16xi32>, vector<16xi32>], vector<16xf32>,
          %parallel_loop3A_331 = arith.addi %parallel_loop3A_313, %add3A_11 : vector<16xi32>
          tpu.vector_store_idx %arg6[%broadcast_in_dim3A, %parallel_loop3A_331], %parallel_loop3A_330 : memref<2x16384xf32, #tpu.memory_space<vmem>>[vector<16xi32>, vector<16xi32>], vector<16xf32>,
          %parallel_loop3A_332 = arith.constant 0 : i32
          %parallel_loop3A_333 = arith.constant 0 : i32
          %parallel_loop3A_334 = tpu.memref_slice %arg5[%rem3A_157, %parallel_loop3A_332, %parallel_loop3A_333] : memref<2x64x256xf32, #tpu.memory_space<vmem>> -> memref<1x64x256xf32, #tpu.memory_space<vmem>>
          %parallel_loop3A_335 = tpu.memref_squeeze %parallel_loop3A_334 : memref<1x64x256xf32, #tpu.memory_space<vmem>> -> memref<64x256xf32, #tpu.memory_space<vmem>>
          %parallel_loop3A_336 = tpu.vector_load_idx %parallel_loop3A_335[%add3A_14, %parallel_loop3A_310] : memref<64x256xf32, #tpu.memory_space<vmem>>[vector<16xi32>, vector<16xi32>], vector<16xf32>,
          %parallel_loop3A_337 = arith.addi %parallel_loop3A_313, %add3A_14 : vector<16xi32>
          tpu.vector_store_idx %arg6[%broadcast_in_dim3A, %parallel_loop3A_337], %parallel_loop3A_336 : memref<2x16384xf32, #tpu.memory_space<vmem>>[vector<16xi32>, vector<16xi32>], vector<16xf32>,
          %parallel_loop3A_338 = arith.constant 16 : i32
          %parallel_loop3A_339 = arith.muli %parallel_loop3A_213, %parallel_loop3A_338 : i32
          %parallel_loop3A_340 = vector.broadcast %parallel_loop3A_339 : i32 to vector<16xi32>
          %parallel_loop3A_341 = arith.addi %parallel_loop3A_340, %rem3A_43 : vector<16xi32>
          %parallel_loop3A_342 = arith.constant 6 : i32
          %parallel_loop3A_343 = vector.broadcast %parallel_loop3A_342 : i32 to vector<16xi32>
          %parallel_loop3A_344 = arith.shli %parallel_loop3A_341, %parallel_loop3A_343 : vector<16xi32>
          %parallel_loop3A_345 = arith.constant 0 : i32
          %parallel_loop3A_346 = arith.constant 0 : i32
          %parallel_loop3A_347 = tpu.memref_slice %arg5[%rem3A_157, %parallel_loop3A_345, %parallel_loop3A_346] : memref<2x64x256xf32, #tpu.memory_space<vmem>> -> memref<1x64x256xf32, #tpu.memory_space<vmem>>
          %parallel_loop3A_348 = tpu.memref_squeeze %parallel_loop3A_347 : memref<1x64x256xf32, #tpu.memory_space<vmem>> -> memref<64x256xf32, #tpu.memory_space<vmem>>
          %parallel_loop3A_349 = tpu.vector_load_idx %parallel_loop3A_348[%add3A_5, %parallel_loop3A_341] : memref<64x256xf32, #tpu.memory_space<vmem>>[vector<16xi32>, vector<16xi32>], vector<16xf32>,
          %parallel_loop3A_350 = arith.addi %parallel_loop3A_344, %add3A_5 : vector<16xi32>
          tpu.vector_store_idx %arg6[%broadcast_in_dim3A, %parallel_loop3A_350], %parallel_loop3A_349 : memref<2x16384xf32, #tpu.memory_space<vmem>>[vector<16xi32>, vector<16xi32>], vector<16xf32>,
          %parallel_loop3A_351 = arith.constant 0 : i32
          %parallel_loop3A_352 = arith.constant 0 : i32
          %parallel_loop3A_353 = tpu.memref_slice %arg5[%rem3A_157, %parallel_loop3A_351, %parallel_loop3A_352] : memref<2x64x256xf32, #tpu.memory_space<vmem>> -> memref<1x64x256xf32, #tpu.memory_space<vmem>>
          %parallel_loop3A_354 = tpu.memref_squeeze %parallel_loop3A_353 : memref<1x64x256xf32, #tpu.memory_space<vmem>> -> memref<64x256xf32, #tpu.memory_space<vmem>>
          %parallel_loop3A_355 = tpu.vector_load_idx %parallel_loop3A_354[%add3A_8, %parallel_loop3A_341] : memref<64x256xf32, #tpu.memory_space<vmem>>[vector<16xi32>, vector<16xi32>], vector<16xf32>,
          %parallel_loop3A_356 = arith.addi %parallel_loop3A_344, %add3A_8 : vector<16xi32>
          tpu.vector_store_idx %arg6[%broadcast_in_dim3A, %parallel_loop3A_356], %parallel_loop3A_355 : memref<2x16384xf32, #tpu.memory_space<vmem>>[vector<16xi32>, vector<16xi32>], vector<16xf32>,
          %parallel_loop3A_357 = arith.constant 0 : i32
          %parallel_loop3A_358 = arith.constant 0 : i32
          %parallel_loop3A_359 = tpu.memref_slice %arg5[%rem3A_157, %parallel_loop3A_357, %parallel_loop3A_358] : memref<2x64x256xf32, #tpu.memory_space<vmem>> -> memref<1x64x256xf32, #tpu.memory_space<vmem>>
          %parallel_loop3A_360 = tpu.memref_squeeze %parallel_loop3A_359 : memref<1x64x256xf32, #tpu.memory_space<vmem>> -> memref<64x256xf32, #tpu.memory_space<vmem>>
          %parallel_loop3A_361 = tpu.vector_load_idx %parallel_loop3A_360[%add3A_11, %parallel_loop3A_341] : memref<64x256xf32, #tpu.memory_space<vmem>>[vector<16xi32>, vector<16xi32>], vector<16xf32>,
          %parallel_loop3A_362 = arith.addi %parallel_loop3A_344, %add3A_11 : vector<16xi32>
          tpu.vector_store_idx %arg6[%broadcast_in_dim3A, %parallel_loop3A_362], %parallel_loop3A_361 : memref<2x16384xf32, #tpu.memory_space<vmem>>[vector<16xi32>, vector<16xi32>], vector<16xf32>,
          %parallel_loop3A_363 = arith.constant 0 : i32
          %parallel_loop3A_364 = arith.constant 0 : i32
          %parallel_loop3A_365 = tpu.memref_slice %arg5[%rem3A_157, %parallel_loop3A_363, %parallel_loop3A_364] : memref<2x64x256xf32, #tpu.memory_space<vmem>> -> memref<1x64x256xf32, #tpu.memory_space<vmem>>
          %parallel_loop3A_366 = tpu.memref_squeeze %parallel_loop3A_365 : memref<1x64x256xf32, #tpu.memory_space<vmem>> -> memref<64x256xf32, #tpu.memory_space<vmem>>
          %parallel_loop3A_367 = tpu.vector_load_idx %parallel_loop3A_366[%add3A_14, %parallel_loop3A_341] : memref<64x256xf32, #tpu.memory_space<vmem>>[vector<16xi32>, vector<16xi32>], vector<16xf32>,
          %parallel_loop3A_368 = arith.addi %parallel_loop3A_344, %add3A_14 : vector<16xi32>
          tpu.vector_store_idx %arg6[%broadcast_in_dim3A, %parallel_loop3A_368], %parallel_loop3A_367 : memref<2x16384xf32, #tpu.memory_space<vmem>>[vector<16xi32>, vector<16xi32>], vector<16xf32>,
          %parallel_loop3A_369 = arith.constant 16 : i32
          %parallel_loop3A_370 = arith.muli %parallel_loop3A_213, %parallel_loop3A_369 : i32
          %parallel_loop3A_371 = vector.broadcast %parallel_loop3A_370 : i32 to vector<16xi32>
          %parallel_loop3A_372 = arith.addi %parallel_loop3A_371, %rem3A_49 : vector<16xi32>
          %parallel_loop3A_373 = arith.constant 6 : i32
          %parallel_loop3A_374 = vector.broadcast %parallel_loop3A_373 : i32 to vector<16xi32>
          %parallel_loop3A_375 = arith.shli %parallel_loop3A_372, %parallel_loop3A_374 : vector<16xi32>
          %parallel_loop3A_376 = arith.constant 0 : i32
          %parallel_loop3A_377 = arith.constant 0 : i32
          %parallel_loop3A_378 = tpu.memref_slice %arg5[%rem3A_157, %parallel_loop3A_376, %parallel_loop3A_377] : memref<2x64x256xf32, #tpu.memory_space<vmem>> -> memref<1x64x256xf32, #tpu.memory_space<vmem>>
          %parallel_loop3A_379 = tpu.memref_squeeze %parallel_loop3A_378 : memref<1x64x256xf32, #tpu.memory_space<vmem>> -> memref<64x256xf32, #tpu.memory_space<vmem>>
          %parallel_loop3A_380 = tpu.vector_load_idx %parallel_loop3A_379[%add3A_5, %parallel_loop3A_372] : memref<64x256xf32, #tpu.memory_space<vmem>>[vector<16xi32>, vector<16xi32>], vector<16xf32>,
          %parallel_loop3A_381 = arith.addi %parallel_loop3A_375, %add3A_5 : vector<16xi32>
          tpu.vector_store_idx %arg6[%broadcast_in_dim3A, %parallel_loop3A_381], %parallel_loop3A_380 : memref<2x16384xf32, #tpu.memory_space<vmem>>[vector<16xi32>, vector<16xi32>], vector<16xf32>,
          %parallel_loop3A_382 = arith.constant 0 : i32
          %parallel_loop3A_383 = arith.constant 0 : i32
          %parallel_loop3A_384 = tpu.memref_slice %arg5[%rem3A_157, %parallel_loop3A_382, %parallel_loop3A_383] : memref<2x64x256xf32, #tpu.memory_space<vmem>> -> memref<1x64x256xf32, #tpu.memory_space<vmem>>
          %parallel_loop3A_385 = tpu.memref_squeeze %parallel_loop3A_384 : memref<1x64x256xf32, #tpu.memory_space<vmem>> -> memref<64x256xf32, #tpu.memory_space<vmem>>
          %parallel_loop3A_386 = tpu.vector_load_idx %parallel_loop3A_385[%add3A_8, %parallel_loop3A_372] : memref<64x256xf32, #tpu.memory_space<vmem>>[vector<16xi32>, vector<16xi32>], vector<16xf32>,
          %parallel_loop3A_387 = arith.addi %parallel_loop3A_375, %add3A_8 : vector<16xi32>
          tpu.vector_store_idx %arg6[%broadcast_in_dim3A, %parallel_loop3A_387], %parallel_loop3A_386 : memref<2x16384xf32, #tpu.memory_space<vmem>>[vector<16xi32>, vector<16xi32>], vector<16xf32>,
          %parallel_loop3A_388 = arith.constant 0 : i32
          %parallel_loop3A_389 = arith.constant 0 : i32
          %parallel_loop3A_390 = tpu.memref_slice %arg5[%rem3A_157, %parallel_loop3A_388, %parallel_loop3A_389] : memref<2x64x256xf32, #tpu.memory_space<vmem>> -> memref<1x64x256xf32, #tpu.memory_space<vmem>>
          %parallel_loop3A_391 = tpu.memref_squeeze %parallel_loop3A_390 : memref<1x64x256xf32, #tpu.memory_space<vmem>> -> memref<64x256xf32, #tpu.memory_space<vmem>>
          %parallel_loop3A_392 = tpu.vector_load_idx %parallel_loop3A_391[%add3A_11, %parallel_loop3A_372] : memref<64x256xf32, #tpu.memory_space<vmem>>[vector<16xi32>, vector<16xi32>], vector<16xf32>,
          %parallel_loop3A_393 = arith.addi %parallel_loop3A_375, %add3A_11 : vector<16xi32>
          tpu.vector_store_idx %arg6[%broadcast_in_dim3A, %parallel_loop3A_393], %parallel_loop3A_392 : memref<2x16384xf32, #tpu.memory_space<vmem>>[vector<16xi32>, vector<16xi32>], vector<16xf32>,
          %parallel_loop3A_394 = arith.constant 0 : i32
          %parallel_loop3A_395 = arith.constant 0 : i32
          %parallel_loop3A_396 = tpu.memref_slice %arg5[%rem3A_157, %parallel_loop3A_394, %parallel_loop3A_395] : memref<2x64x256xf32, #tpu.memory_space<vmem>> -> memref<1x64x256xf32, #tpu.memory_space<vmem>>
          %parallel_loop3A_397 = tpu.memref_squeeze %parallel_loop3A_396 : memref<1x64x256xf32, #tpu.memory_space<vmem>> -> memref<64x256xf32, #tpu.memory_space<vmem>>
          %parallel_loop3A_398 = tpu.vector_load_idx %parallel_loop3A_397[%add3A_14, %parallel_loop3A_372] : memref<64x256xf32, #tpu.memory_space<vmem>>[vector<16xi32>, vector<16xi32>], vector<16xf32>,
          %parallel_loop3A_399 = arith.addi %parallel_loop3A_375, %add3A_14 : vector<16xi32>
          tpu.vector_store_idx %arg6[%broadcast_in_dim3A, %parallel_loop3A_399], %parallel_loop3A_398 : memref<2x16384xf32, #tpu.memory_space<vmem>>[vector<16xi32>, vector<16xi32>], vector<16xf32>,
          %parallel_loop3A_400 = arith.constant 16 : i32
          %parallel_loop3A_401 = arith.muli %parallel_loop3A_213, %parallel_loop3A_400 : i32
          %parallel_loop3A_402 = vector.broadcast %parallel_loop3A_401 : i32 to vector<16xi32>
          %parallel_loop3A_403 = arith.addi %parallel_loop3A_402, %rem3A_55 : vector<16xi32>
          %parallel_loop3A_404 = arith.constant 6 : i32
          %parallel_loop3A_405 = vector.broadcast %parallel_loop3A_404 : i32 to vector<16xi32>
          %parallel_loop3A_406 = arith.shli %parallel_loop3A_403, %parallel_loop3A_405 : vector<16xi32>
          %parallel_loop3A_407 = arith.constant 0 : i32
          %parallel_loop3A_408 = arith.constant 0 : i32
          %parallel_loop3A_409 = tpu.memref_slice %arg5[%rem3A_157, %parallel_loop3A_407, %parallel_loop3A_408] : memref<2x64x256xf32, #tpu.memory_space<vmem>> -> memref<1x64x256xf32, #tpu.memory_space<vmem>>
          %parallel_loop3A_410 = tpu.memref_squeeze %parallel_loop3A_409 : memref<1x64x256xf32, #tpu.memory_space<vmem>> -> memref<64x256xf32, #tpu.memory_space<vmem>>
          %parallel_loop3A_411 = tpu.vector_load_idx %parallel_loop3A_410[%add3A_5, %parallel_loop3A_403] : memref<64x256xf32, #tpu.memory_space<vmem>>[vector<16xi32>, vector<16xi32>], vector<16xf32>,
          %parallel_loop3A_412 = arith.addi %parallel_loop3A_406, %add3A_5 : vector<16xi32>
          tpu.vector_store_idx %arg6[%broadcast_in_dim3A, %parallel_loop3A_412], %parallel_loop3A_411 : memref<2x16384xf32, #tpu.memory_space<vmem>>[vector<16xi32>, vector<16xi32>], vector<16xf32>,
          %parallel_loop3A_413 = arith.constant 0 : i32
          %parallel_loop3A_414 = arith.constant 0 : i32
          %parallel_loop3A_415 = tpu.memref_slice %arg5[%rem3A_157, %parallel_loop3A_413, %parallel_loop3A_414] : memref<2x64x256xf32, #tpu.memory_space<vmem>> -> memref<1x64x256xf32, #tpu.memory_space<vmem>>
          %parallel_loop3A_416 = tpu.memref_squeeze %parallel_loop3A_415 : memref<1x64x256xf32, #tpu.memory_space<vmem>> -> memref<64x256xf32, #tpu.memory_space<vmem>>
          %parallel_loop3A_417 = tpu.vector_load_idx %parallel_loop3A_416[%add3A_8, %parallel_loop3A_403] : memref<64x256xf32, #tpu.memory_space<vmem>>[vector<16xi32>, vector<16xi32>], vector<16xf32>,
          %parallel_loop3A_418 = arith.addi %parallel_loop3A_406, %add3A_8 : vector<16xi32>
          tpu.vector_store_idx %arg6[%broadcast_in_dim3A, %parallel_loop3A_418], %parallel_loop3A_417 : memref<2x16384xf32, #tpu.memory_space<vmem>>[vector<16xi32>, vector<16xi32>], vector<16xf32>,
          %parallel_loop3A_419 = arith.constant 0 : i32
          %parallel_loop3A_420 = arith.constant 0 : i32
          %parallel_loop3A_421 = tpu.memref_slice %arg5[%rem3A_157, %parallel_loop3A_419, %parallel_loop3A_420] : memref<2x64x256xf32, #tpu.memory_space<vmem>> -> memref<1x64x256xf32, #tpu.memory_space<vmem>>
          %parallel_loop3A_422 = tpu.memref_squeeze %parallel_loop3A_421 : memref<1x64x256xf32, #tpu.memory_space<vmem>> -> memref<64x256xf32, #tpu.memory_space<vmem>>
          %parallel_loop3A_423 = tpu.vector_load_idx %parallel_loop3A_422[%add3A_11, %parallel_loop3A_403] : memref<64x256xf32, #tpu.memory_space<vmem>>[vector<16xi32>, vector<16xi32>], vector<16xf32>,
          %parallel_loop3A_424 = arith.addi %parallel_loop3A_406, %add3A_11 : vector<16xi32>
          tpu.vector_store_idx %arg6[%broadcast_in_dim3A, %parallel_loop3A_424], %parallel_loop3A_423 : memref<2x16384xf32, #tpu.memory_space<vmem>>[vector<16xi32>, vector<16xi32>], vector<16xf32>,
          %parallel_loop3A_425 = arith.constant 0 : i32
          %parallel_loop3A_426 = arith.constant 0 : i32
          %parallel_loop3A_427 = tpu.memref_slice %arg5[%rem3A_157, %parallel_loop3A_425, %parallel_loop3A_426] : memref<2x64x256xf32, #tpu.memory_space<vmem>> -> memref<1x64x256xf32, #tpu.memory_space<vmem>>
          %parallel_loop3A_428 = tpu.memref_squeeze %parallel_loop3A_427 : memref<1x64x256xf32, #tpu.memory_space<vmem>> -> memref<64x256xf32, #tpu.memory_space<vmem>>
          %parallel_loop3A_429 = tpu.vector_load_idx %parallel_loop3A_428[%add3A_14, %parallel_loop3A_403] : memref<64x256xf32, #tpu.memory_space<vmem>>[vector<16xi32>, vector<16xi32>], vector<16xf32>,
          %parallel_loop3A_430 = arith.addi %parallel_loop3A_406, %add3A_14 : vector<16xi32>
          tpu.vector_store_idx %arg6[%broadcast_in_dim3A, %parallel_loop3A_430], %parallel_loop3A_429 : memref<2x16384xf32, #tpu.memory_space<vmem>>[vector<16xi32>, vector<16xi32>], vector<16xf32>,
          %parallel_loop3A_431 = arith.constant 16 : i32
          %parallel_loop3A_432 = arith.muli %parallel_loop3A_213, %parallel_loop3A_431 : i32
          %parallel_loop3A_433 = vector.broadcast %parallel_loop3A_432 : i32 to vector<16xi32>
          %parallel_loop3A_434 = arith.addi %parallel_loop3A_433, %rem3A_61 : vector<16xi32>
          %parallel_loop3A_435 = arith.constant 6 : i32
          %parallel_loop3A_436 = vector.broadcast %parallel_loop3A_435 : i32 to vector<16xi32>
          %parallel_loop3A_437 = arith.shli %parallel_loop3A_434, %parallel_loop3A_436 : vector<16xi32>
          %parallel_loop3A_438 = arith.constant 0 : i32
          %parallel_loop3A_439 = arith.constant 0 : i32
          %parallel_loop3A_440 = tpu.memref_slice %arg5[%rem3A_157, %parallel_loop3A_438, %parallel_loop3A_439] : memref<2x64x256xf32, #tpu.memory_space<vmem>> -> memref<1x64x256xf32, #tpu.memory_space<vmem>>
          %parallel_loop3A_441 = tpu.memref_squeeze %parallel_loop3A_440 : memref<1x64x256xf32, #tpu.memory_space<vmem>> -> memref<64x256xf32, #tpu.memory_space<vmem>>
          %parallel_loop3A_442 = tpu.vector_load_idx %parallel_loop3A_441[%add3A_5, %parallel_loop3A_434] : memref<64x256xf32, #tpu.memory_space<vmem>>[vector<16xi32>, vector<16xi32>], vector<16xf32>,
          %parallel_loop3A_443 = arith.addi %parallel_loop3A_437, %add3A_5 : vector<16xi32>
          tpu.vector_store_idx %arg6[%broadcast_in_dim3A, %parallel_loop3A_443], %parallel_loop3A_442 : memref<2x16384xf32, #tpu.memory_space<vmem>>[vector<16xi32>, vector<16xi32>], vector<16xf32>,
          %parallel_loop3A_444 = arith.constant 0 : i32
          %parallel_loop3A_445 = arith.constant 0 : i32
          %parallel_loop3A_446 = tpu.memref_slice %arg5[%rem3A_157, %parallel_loop3A_444, %parallel_loop3A_445] : memref<2x64x256xf32, #tpu.memory_space<vmem>> -> memref<1x64x256xf32, #tpu.memory_space<vmem>>
          %parallel_loop3A_447 = tpu.memref_squeeze %parallel_loop3A_446 : memref<1x64x256xf32, #tpu.memory_space<vmem>> -> memref<64x256xf32, #tpu.memory_space<vmem>>
          %parallel_loop3A_448 = tpu.vector_load_idx %parallel_loop3A_447[%add3A_8, %parallel_loop3A_434] : memref<64x256xf32, #tpu.memory_space<vmem>>[vector<16xi32>, vector<16xi32>], vector<16xf32>,
          %parallel_loop3A_449 = arith.addi %parallel_loop3A_437, %add3A_8 : vector<16xi32>
          tpu.vector_store_idx %arg6[%broadcast_in_dim3A, %parallel_loop3A_449], %parallel_loop3A_448 : memref<2x16384xf32, #tpu.memory_space<vmem>>[vector<16xi32>, vector<16xi32>], vector<16xf32>,
          %parallel_loop3A_450 = arith.constant 0 : i32
          %parallel_loop3A_451 = arith.constant 0 : i32
          %parallel_loop3A_452 = tpu.memref_slice %arg5[%rem3A_157, %parallel_loop3A_450, %parallel_loop3A_451] : memref<2x64x256xf32, #tpu.memory_space<vmem>> -> memref<1x64x256xf32, #tpu.memory_space<vmem>>
          %parallel_loop3A_453 = tpu.memref_squeeze %parallel_loop3A_452 : memref<1x64x256xf32, #tpu.memory_space<vmem>> -> memref<64x256xf32, #tpu.memory_space<vmem>>
          %parallel_loop3A_454 = tpu.vector_load_idx %parallel_loop3A_453[%add3A_11, %parallel_loop3A_434] : memref<64x256xf32, #tpu.memory_space<vmem>>[vector<16xi32>, vector<16xi32>], vector<16xf32>,
          %parallel_loop3A_455 = arith.addi %parallel_loop3A_437, %add3A_11 : vector<16xi32>
          tpu.vector_store_idx %arg6[%broadcast_in_dim3A, %parallel_loop3A_455], %parallel_loop3A_454 : memref<2x16384xf32, #tpu.memory_space<vmem>>[vector<16xi32>, vector<16xi32>], vector<16xf32>,
          %parallel_loop3A_456 = arith.constant 0 : i32
          %parallel_loop3A_457 = arith.constant 0 : i32
          %parallel_loop3A_458 = tpu.memref_slice %arg5[%rem3A_157, %parallel_loop3A_456, %parallel_loop3A_457] : memref<2x64x256xf32, #tpu.memory_space<vmem>> -> memref<1x64x256xf32, #tpu.memory_space<vmem>>
          %parallel_loop3A_459 = tpu.memref_squeeze %parallel_loop3A_458 : memref<1x64x256xf32, #tpu.memory_space<vmem>> -> memref<64x256xf32, #tpu.memory_space<vmem>>
          %parallel_loop3A_460 = tpu.vector_load_idx %parallel_loop3A_459[%add3A_14, %parallel_loop3A_434] : memref<64x256xf32, #tpu.memory_space<vmem>>[vector<16xi32>, vector<16xi32>], vector<16xf32>,
          %parallel_loop3A_461 = arith.addi %parallel_loop3A_437, %add3A_14 : vector<16xi32>
          tpu.vector_store_idx %arg6[%broadcast_in_dim3A, %parallel_loop3A_461], %parallel_loop3A_460 : memref<2x16384xf32, #tpu.memory_space<vmem>>[vector<16xi32>, vector<16xi32>], vector<16xf32>,
          %parallel_loop3A_462 = arith.constant 16 : i32
          %parallel_loop3A_463 = arith.muli %parallel_loop3A_213, %parallel_loop3A_462 : i32
          %parallel_loop3A_464 = vector.broadcast %parallel_loop3A_463 : i32 to vector<16xi32>
          %parallel_loop3A_465 = arith.addi %parallel_loop3A_464, %rem3A_67 : vector<16xi32>
          %parallel_loop3A_466 = arith.constant 6 : i32
          %parallel_loop3A_467 = vector.broadcast %parallel_loop3A_466 : i32 to vector<16xi32>
          %parallel_loop3A_468 = arith.shli %parallel_loop3A_465, %parallel_loop3A_467 : vector<16xi32>
          %parallel_loop3A_469 = arith.constant 0 : i32
          %parallel_loop3A_470 = arith.constant 0 : i32
          %parallel_loop3A_471 = tpu.memref_slice %arg5[%rem3A_157, %parallel_loop3A_469, %parallel_loop3A_470] : memref<2x64x256xf32, #tpu.memory_space<vmem>> -> memref<1x64x256xf32, #tpu.memory_space<vmem>>
          %parallel_loop3A_472 = tpu.memref_squeeze %parallel_loop3A_471 : memref<1x64x256xf32, #tpu.memory_space<vmem>> -> memref<64x256xf32, #tpu.memory_space<vmem>>
          %parallel_loop3A_473 = tpu.vector_load_idx %parallel_loop3A_472[%add3A_5, %parallel_loop3A_465] : memref<64x256xf32, #tpu.memory_space<vmem>>[vector<16xi32>, vector<16xi32>], vector<16xf32>,
          %parallel_loop3A_474 = arith.addi %parallel_loop3A_468, %add3A_5 : vector<16xi32>
          tpu.vector_store_idx %arg6[%broadcast_in_dim3A, %parallel_loop3A_474], %parallel_loop3A_473 : memref<2x16384xf32, #tpu.memory_space<vmem>>[vector<16xi32>, vector<16xi32>], vector<16xf32>,
          %parallel_loop3A_475 = arith.constant 0 : i32
          %parallel_loop3A_476 = arith.constant 0 : i32
          %parallel_loop3A_477 = tpu.memref_slice %arg5[%rem3A_157, %parallel_loop3A_475, %parallel_loop3A_476] : memref<2x64x256xf32, #tpu.memory_space<vmem>> -> memref<1x64x256xf32, #tpu.memory_space<vmem>>
          %parallel_loop3A_478 = tpu.memref_squeeze %parallel_loop3A_477 : memref<1x64x256xf32, #tpu.memory_space<vmem>> -> memref<64x256xf32, #tpu.memory_space<vmem>>
          %parallel_loop3A_479 = tpu.vector_load_idx %parallel_loop3A_478[%add3A_8, %parallel_loop3A_465] : memref<64x256xf32, #tpu.memory_space<vmem>>[vector<16xi32>, vector<16xi32>], vector<16xf32>,
          %parallel_loop3A_480 = arith.addi %parallel_loop3A_468, %add3A_8 : vector<16xi32>
          tpu.vector_store_idx %arg6[%broadcast_in_dim3A, %parallel_loop3A_480], %parallel_loop3A_479 : memref<2x16384xf32, #tpu.memory_space<vmem>>[vector<16xi32>, vector<16xi32>], vector<16xf32>,
          %parallel_loop3A_481 = arith.constant 0 : i32
          %parallel_loop3A_482 = arith.constant 0 : i32
          %parallel_loop3A_483 = tpu.memref_slice %arg5[%rem3A_157, %parallel_loop3A_481, %parallel_loop3A_482] : memref<2x64x256xf32, #tpu.memory_space<vmem>> -> memref<1x64x256xf32, #tpu.memory_space<vmem>>
          %parallel_loop3A_484 = tpu.memref_squeeze %parallel_loop3A_483 : memref<1x64x256xf32, #tpu.memory_space<vmem>> -> memref<64x256xf32, #tpu.memory_space<vmem>>
          %parallel_loop3A_485 = tpu.vector_load_idx %parallel_loop3A_484[%add3A_11, %parallel_loop3A_465] : memref<64x256xf32, #tpu.memory_space<vmem>>[vector<16xi32>, vector<16xi32>], vector<16xf32>,
          %parallel_loop3A_486 = arith.addi %parallel_loop3A_468, %add3A_11 : vector<16xi32>
          tpu.vector_store_idx %arg6[%broadcast_in_dim3A, %parallel_loop3A_486], %parallel_loop3A_485 : memref<2x16384xf32, #tpu.memory_space<vmem>>[vector<16xi32>, vector<16xi32>], vector<16xf32>,
          %parallel_loop3A_487 = arith.constant 0 : i32
          %parallel_loop3A_488 = arith.constant 0 : i32
          %parallel_loop3A_489 = tpu.memref_slice %arg5[%rem3A_157, %parallel_loop3A_487, %parallel_loop3A_488] : memref<2x64x256xf32, #tpu.memory_space<vmem>> -> memref<1x64x256xf32, #tpu.memory_space<vmem>>
          %parallel_loop3A_490 = tpu.memref_squeeze %parallel_loop3A_489 : memref<1x64x256xf32, #tpu.memory_space<vmem>> -> memref<64x256xf32, #tpu.memory_space<vmem>>
          %parallel_loop3A_491 = tpu.vector_load_idx %parallel_loop3A_490[%add3A_14, %parallel_loop3A_465] : memref<64x256xf32, #tpu.memory_space<vmem>>[vector<16xi32>, vector<16xi32>], vector<16xf32>,
          %parallel_loop3A_492 = arith.addi %parallel_loop3A_468, %add3A_14 : vector<16xi32>
          tpu.vector_store_idx %arg6[%broadcast_in_dim3A, %parallel_loop3A_492], %parallel_loop3A_491 : memref<2x16384xf32, #tpu.memory_space<vmem>>[vector<16xi32>, vector<16xi32>], vector<16xf32>,
          %parallel_loop3A_493 = arith.constant 16 : i32
          %parallel_loop3A_494 = arith.muli %parallel_loop3A_213, %parallel_loop3A_493 : i32
          %parallel_loop3A_495 = vector.broadcast %parallel_loop3A_494 : i32 to vector<16xi32>
          %parallel_loop3A_496 = arith.addi %parallel_loop3A_495, %rem3A_73 : vector<16xi32>
          %parallel_loop3A_497 = arith.constant 6 : i32
          %parallel_loop3A_498 = vector.broadcast %parallel_loop3A_497 : i32 to vector<16xi32>
          %parallel_loop3A_499 = arith.shli %parallel_loop3A_496, %parallel_loop3A_498 : vector<16xi32>
          %parallel_loop3A_500 = arith.constant 0 : i32
          %parallel_loop3A_501 = arith.constant 0 : i32
          %parallel_loop3A_502 = tpu.memref_slice %arg5[%rem3A_157, %parallel_loop3A_500, %parallel_loop3A_501] : memref<2x64x256xf32, #tpu.memory_space<vmem>> -> memref<1x64x256xf32, #tpu.memory_space<vmem>>
          %parallel_loop3A_503 = tpu.memref_squeeze %parallel_loop3A_502 : memref<1x64x256xf32, #tpu.memory_space<vmem>> -> memref<64x256xf32, #tpu.memory_space<vmem>>
          %parallel_loop3A_504 = tpu.vector_load_idx %parallel_loop3A_503[%add3A_5, %parallel_loop3A_496] : memref<64x256xf32, #tpu.memory_space<vmem>>[vector<16xi32>, vector<16xi32>], vector<16xf32>,
          %parallel_loop3A_505 = arith.addi %parallel_loop3A_499, %add3A_5 : vector<16xi32>
          tpu.vector_store_idx %arg6[%broadcast_in_dim3A, %parallel_loop3A_505], %parallel_loop3A_504 : memref<2x16384xf32, #tpu.memory_space<vmem>>[vector<16xi32>, vector<16xi32>], vector<16xf32>,
          %parallel_loop3A_506 = arith.constant 0 : i32
          %parallel_loop3A_507 = arith.constant 0 : i32
          %parallel_loop3A_508 = tpu.memref_slice %arg5[%rem3A_157, %parallel_loop3A_506, %parallel_loop3A_507] : memref<2x64x256xf32, #tpu.memory_space<vmem>> -> memref<1x64x256xf32, #tpu.memory_space<vmem>>
          %parallel_loop3A_509 = tpu.memref_squeeze %parallel_loop3A_508 : memref<1x64x256xf32, #tpu.memory_space<vmem>> -> memref<64x256xf32, #tpu.memory_space<vmem>>
          %parallel_loop3A_510 = tpu.vector_load_idx %parallel_loop3A_509[%add3A_8, %parallel_loop3A_496] : memref<64x256xf32, #tpu.memory_space<vmem>>[vector<16xi32>, vector<16xi32>], vector<16xf32>,
          %parallel_loop3A_511 = arith.addi %parallel_loop3A_499, %add3A_8 : vector<16xi32>
          tpu.vector_store_idx %arg6[%broadcast_in_dim3A, %parallel_loop3A_511], %parallel_loop3A_510 : memref<2x16384xf32, #tpu.memory_space<vmem>>[vector<16xi32>, vector<16xi32>], vector<16xf32>,
          %parallel_loop3A_512 = arith.constant 0 : i32
          %parallel_loop3A_513 = arith.constant 0 : i32
          %parallel_loop3A_514 = tpu.memref_slice %arg5[%rem3A_157, %parallel_loop3A_512, %parallel_loop3A_513] : memref<2x64x256xf32, #tpu.memory_space<vmem>> -> memref<1x64x256xf32, #tpu.memory_space<vmem>>
          %parallel_loop3A_515 = tpu.memref_squeeze %parallel_loop3A_514 : memref<1x64x256xf32, #tpu.memory_space<vmem>> -> memref<64x256xf32, #tpu.memory_space<vmem>>
          %parallel_loop3A_516 = tpu.vector_load_idx %parallel_loop3A_515[%add3A_11, %parallel_loop3A_496] : memref<64x256xf32, #tpu.memory_space<vmem>>[vector<16xi32>, vector<16xi32>], vector<16xf32>,
          %parallel_loop3A_517 = arith.addi %parallel_loop3A_499, %add3A_11 : vector<16xi32>
          tpu.vector_store_idx %arg6[%broadcast_in_dim3A, %parallel_loop3A_517], %parallel_loop3A_516 : memref<2x16384xf32, #tpu.memory_space<vmem>>[vector<16xi32>, vector<16xi32>], vector<16xf32>,
          %parallel_loop3A_518 = arith.constant 0 : i32
          %parallel_loop3A_519 = arith.constant 0 : i32
          %parallel_loop3A_520 = tpu.memref_slice %arg5[%rem3A_157, %parallel_loop3A_518, %parallel_loop3A_519] : memref<2x64x256xf32, #tpu.memory_space<vmem>> -> memref<1x64x256xf32, #tpu.memory_space<vmem>>
          %parallel_loop3A_521 = tpu.memref_squeeze %parallel_loop3A_520 : memref<1x64x256xf32, #tpu.memory_space<vmem>> -> memref<64x256xf32, #tpu.memory_space<vmem>>
          %parallel_loop3A_522 = tpu.vector_load_idx %parallel_loop3A_521[%add3A_14, %parallel_loop3A_496] : memref<64x256xf32, #tpu.memory_space<vmem>>[vector<16xi32>, vector<16xi32>], vector<16xf32>,
          %parallel_loop3A_523 = arith.addi %parallel_loop3A_499, %add3A_14 : vector<16xi32>
          tpu.vector_store_idx %arg6[%broadcast_in_dim3A, %parallel_loop3A_523], %parallel_loop3A_522 : memref<2x16384xf32, #tpu.memory_space<vmem>>[vector<16xi32>, vector<16xi32>], vector<16xf32>,
          %parallel_loop3A_524 = arith.constant 16 : i32
          %parallel_loop3A_525 = arith.muli %parallel_loop3A_213, %parallel_loop3A_524 : i32
          %parallel_loop3A_526 = vector.broadcast %parallel_loop3A_525 : i32 to vector<16xi32>
          %parallel_loop3A_527 = arith.addi %parallel_loop3A_526, %rem3A_79 : vector<16xi32>
          %parallel_loop3A_528 = arith.constant 6 : i32
          %parallel_loop3A_529 = vector.broadcast %parallel_loop3A_528 : i32 to vector<16xi32>
          %parallel_loop3A_530 = arith.shli %parallel_loop3A_527, %parallel_loop3A_529 : vector<16xi32>
          %parallel_loop3A_531 = arith.constant 0 : i32
          %parallel_loop3A_532 = arith.constant 0 : i32
          %parallel_loop3A_533 = tpu.memref_slice %arg5[%rem3A_157, %parallel_loop3A_531, %parallel_loop3A_532] : memref<2x64x256xf32, #tpu.memory_space<vmem>> -> memref<1x64x256xf32, #tpu.memory_space<vmem>>
          %parallel_loop3A_534 = tpu.memref_squeeze %parallel_loop3A_533 : memref<1x64x256xf32, #tpu.memory_space<vmem>> -> memref<64x256xf32, #tpu.memory_space<vmem>>
          %parallel_loop3A_535 = tpu.vector_load_idx %parallel_loop3A_534[%add3A_5, %parallel_loop3A_527] : memref<64x256xf32, #tpu.memory_space<vmem>>[vector<16xi32>, vector<16xi32>], vector<16xf32>,
          %parallel_loop3A_536 = arith.addi %parallel_loop3A_530, %add3A_5 : vector<16xi32>
          tpu.vector_store_idx %arg6[%broadcast_in_dim3A, %parallel_loop3A_536], %parallel_loop3A_535 : memref<2x16384xf32, #tpu.memory_space<vmem>>[vector<16xi32>, vector<16xi32>], vector<16xf32>,
          %parallel_loop3A_537 = arith.constant 0 : i32
          %parallel_loop3A_538 = arith.constant 0 : i32
          %parallel_loop3A_539 = tpu.memref_slice %arg5[%rem3A_157, %parallel_loop3A_537, %parallel_loop3A_538] : memref<2x64x256xf32, #tpu.memory_space<vmem>> -> memref<1x64x256xf32, #tpu.memory_space<vmem>>
          %parallel_loop3A_540 = tpu.memref_squeeze %parallel_loop3A_539 : memref<1x64x256xf32, #tpu.memory_space<vmem>> -> memref<64x256xf32, #tpu.memory_space<vmem>>
          %parallel_loop3A_541 = tpu.vector_load_idx %parallel_loop3A_540[%add3A_8, %parallel_loop3A_527] : memref<64x256xf32, #tpu.memory_space<vmem>>[vector<16xi32>, vector<16xi32>], vector<16xf32>,
          %parallel_loop3A_542 = arith.addi %parallel_loop3A_530, %add3A_8 : vector<16xi32>
          tpu.vector_store_idx %arg6[%broadcast_in_dim3A, %parallel_loop3A_542], %parallel_loop3A_541 : memref<2x16384xf32, #tpu.memory_space<vmem>>[vector<16xi32>, vector<16xi32>], vector<16xf32>,
          %parallel_loop3A_543 = arith.constant 0 : i32
          %parallel_loop3A_544 = arith.constant 0 : i32
          %parallel_loop3A_545 = tpu.memref_slice %arg5[%rem3A_157, %parallel_loop3A_543, %parallel_loop3A_544] : memref<2x64x256xf32, #tpu.memory_space<vmem>> -> memref<1x64x256xf32, #tpu.memory_space<vmem>>
          %parallel_loop3A_546 = tpu.memref_squeeze %parallel_loop3A_545 : memref<1x64x256xf32, #tpu.memory_space<vmem>> -> memref<64x256xf32, #tpu.memory_space<vmem>>
          %parallel_loop3A_547 = tpu.vector_load_idx %parallel_loop3A_546[%add3A_11, %parallel_loop3A_527] : memref<64x256xf32, #tpu.memory_space<vmem>>[vector<16xi32>, vector<16xi32>], vector<16xf32>,
          %parallel_loop3A_548 = arith.addi %parallel_loop3A_530, %add3A_11 : vector<16xi32>
          tpu.vector_store_idx %arg6[%broadcast_in_dim3A, %parallel_loop3A_548], %parallel_loop3A_547 : memref<2x16384xf32, #tpu.memory_space<vmem>>[vector<16xi32>, vector<16xi32>], vector<16xf32>,
          %parallel_loop3A_549 = arith.constant 0 : i32
          %parallel_loop3A_550 = arith.constant 0 : i32
          %parallel_loop3A_551 = tpu.memref_slice %arg5[%rem3A_157, %parallel_loop3A_549, %parallel_loop3A_550] : memref<2x64x256xf32, #tpu.memory_space<vmem>> -> memref<1x64x256xf32, #tpu.memory_space<vmem>>
          %parallel_loop3A_552 = tpu.memref_squeeze %parallel_loop3A_551 : memref<1x64x256xf32, #tpu.memory_space<vmem>> -> memref<64x256xf32, #tpu.memory_space<vmem>>
          %parallel_loop3A_553 = tpu.vector_load_idx %parallel_loop3A_552[%add3A_14, %parallel_loop3A_527] : memref<64x256xf32, #tpu.memory_space<vmem>>[vector<16xi32>, vector<16xi32>], vector<16xf32>,
          %parallel_loop3A_554 = arith.addi %parallel_loop3A_530, %add3A_14 : vector<16xi32>
          tpu.vector_store_idx %arg6[%broadcast_in_dim3A, %parallel_loop3A_554], %parallel_loop3A_553 : memref<2x16384xf32, #tpu.memory_space<vmem>>[vector<16xi32>, vector<16xi32>], vector<16xf32>,
          %parallel_loop3A_555 = arith.constant 16 : i32
          %parallel_loop3A_556 = arith.muli %parallel_loop3A_213, %parallel_loop3A_555 : i32
          %parallel_loop3A_557 = vector.broadcast %parallel_loop3A_556 : i32 to vector<16xi32>
          %parallel_loop3A_558 = arith.addi %parallel_loop3A_557, %rem3A_85 : vector<16xi32>
          %parallel_loop3A_559 = arith.constant 6 : i32
          %parallel_loop3A_560 = vector.broadcast %parallel_loop3A_559 : i32 to vector<16xi32>
          %parallel_loop3A_561 = arith.shli %parallel_loop3A_558, %parallel_loop3A_560 : vector<16xi32>
          %parallel_loop3A_562 = arith.constant 0 : i32
          %parallel_loop3A_563 = arith.constant 0 : i32
          %parallel_loop3A_564 = tpu.memref_slice %arg5[%rem3A_157, %parallel_loop3A_562, %parallel_loop3A_563] : memref<2x64x256xf32, #tpu.memory_space<vmem>> -> memref<1x64x256xf32, #tpu.memory_space<vmem>>
          %parallel_loop3A_565 = tpu.memref_squeeze %parallel_loop3A_564 : memref<1x64x256xf32, #tpu.memory_space<vmem>> -> memref<64x256xf32, #tpu.memory_space<vmem>>
          %parallel_loop3A_566 = tpu.vector_load_idx %parallel_loop3A_565[%add3A_5, %parallel_loop3A_558] : memref<64x256xf32, #tpu.memory_space<vmem>>[vector<16xi32>, vector<16xi32>], vector<16xf32>,
          %parallel_loop3A_567 = arith.addi %parallel_loop3A_561, %add3A_5 : vector<16xi32>
          tpu.vector_store_idx %arg6[%broadcast_in_dim3A, %parallel_loop3A_567], %parallel_loop3A_566 : memref<2x16384xf32, #tpu.memory_space<vmem>>[vector<16xi32>, vector<16xi32>], vector<16xf32>,
          %parallel_loop3A_568 = arith.constant 0 : i32
          %parallel_loop3A_569 = arith.constant 0 : i32
          %parallel_loop3A_570 = tpu.memref_slice %arg5[%rem3A_157, %parallel_loop3A_568, %parallel_loop3A_569] : memref<2x64x256xf32, #tpu.memory_space<vmem>> -> memref<1x64x256xf32, #tpu.memory_space<vmem>>
          %parallel_loop3A_571 = tpu.memref_squeeze %parallel_loop3A_570 : memref<1x64x256xf32, #tpu.memory_space<vmem>> -> memref<64x256xf32, #tpu.memory_space<vmem>>
          %parallel_loop3A_572 = tpu.vector_load_idx %parallel_loop3A_571[%add3A_8, %parallel_loop3A_558] : memref<64x256xf32, #tpu.memory_space<vmem>>[vector<16xi32>, vector<16xi32>], vector<16xf32>,
          %parallel_loop3A_573 = arith.addi %parallel_loop3A_561, %add3A_8 : vector<16xi32>
          tpu.vector_store_idx %arg6[%broadcast_in_dim3A, %parallel_loop3A_573], %parallel_loop3A_572 : memref<2x16384xf32, #tpu.memory_space<vmem>>[vector<16xi32>, vector<16xi32>], vector<16xf32>,
          %parallel_loop3A_574 = arith.constant 0 : i32
          %parallel_loop3A_575 = arith.constant 0 : i32
          %parallel_loop3A_576 = tpu.memref_slice %arg5[%rem3A_157, %parallel_loop3A_574, %parallel_loop3A_575] : memref<2x64x256xf32, #tpu.memory_space<vmem>> -> memref<1x64x256xf32, #tpu.memory_space<vmem>>
          %parallel_loop3A_577 = tpu.memref_squeeze %parallel_loop3A_576 : memref<1x64x256xf32, #tpu.memory_space<vmem>> -> memref<64x256xf32, #tpu.memory_space<vmem>>
          %parallel_loop3A_578 = tpu.vector_load_idx %parallel_loop3A_577[%add3A_11, %parallel_loop3A_558] : memref<64x256xf32, #tpu.memory_space<vmem>>[vector<16xi32>, vector<16xi32>], vector<16xf32>,
          %parallel_loop3A_579 = arith.addi %parallel_loop3A_561, %add3A_11 : vector<16xi32>
          tpu.vector_store_idx %arg6[%broadcast_in_dim3A, %parallel_loop3A_579], %parallel_loop3A_578 : memref<2x16384xf32, #tpu.memory_space<vmem>>[vector<16xi32>, vector<16xi32>], vector<16xf32>,
          %parallel_loop3A_580 = arith.constant 0 : i32
          %parallel_loop3A_581 = arith.constant 0 : i32
          %parallel_loop3A_582 = tpu.memref_slice %arg5[%rem3A_157, %parallel_loop3A_580, %parallel_loop3A_581] : memref<2x64x256xf32, #tpu.memory_space<vmem>> -> memref<1x64x256xf32, #tpu.memory_space<vmem>>
          %parallel_loop3A_583 = tpu.memref_squeeze %parallel_loop3A_582 : memref<1x64x256xf32, #tpu.memory_space<vmem>> -> memref<64x256xf32, #tpu.memory_space<vmem>>
          %parallel_loop3A_584 = tpu.vector_load_idx %parallel_loop3A_583[%add3A_14, %parallel_loop3A_558] : memref<64x256xf32, #tpu.memory_space<vmem>>[vector<16xi32>, vector<16xi32>], vector<16xf32>,
          %parallel_loop3A_585 = arith.addi %parallel_loop3A_561, %add3A_14 : vector<16xi32>
          tpu.vector_store_idx %arg6[%broadcast_in_dim3A, %parallel_loop3A_585], %parallel_loop3A_584 : memref<2x16384xf32, #tpu.memory_space<vmem>>[vector<16xi32>, vector<16xi32>], vector<16xf32>,
          %parallel_loop3A_586 = arith.constant 16 : i32
          %parallel_loop3A_587 = arith.muli %parallel_loop3A_213, %parallel_loop3A_586 : i32
          %parallel_loop3A_588 = vector.broadcast %parallel_loop3A_587 : i32 to vector<16xi32>
          %parallel_loop3A_589 = arith.addi %parallel_loop3A_588, %rem3A_91 : vector<16xi32>
          %parallel_loop3A_590 = arith.constant 6 : i32
          %parallel_loop3A_591 = vector.broadcast %parallel_loop3A_590 : i32 to vector<16xi32>
          %parallel_loop3A_592 = arith.shli %parallel_loop3A_589, %parallel_loop3A_591 : vector<16xi32>
          %parallel_loop3A_593 = arith.constant 0 : i32
          %parallel_loop3A_594 = arith.constant 0 : i32
          %parallel_loop3A_595 = tpu.memref_slice %arg5[%rem3A_157, %parallel_loop3A_593, %parallel_loop3A_594] : memref<2x64x256xf32, #tpu.memory_space<vmem>> -> memref<1x64x256xf32, #tpu.memory_space<vmem>>
          %parallel_loop3A_596 = tpu.memref_squeeze %parallel_loop3A_595 : memref<1x64x256xf32, #tpu.memory_space<vmem>> -> memref<64x256xf32, #tpu.memory_space<vmem>>
          %parallel_loop3A_597 = tpu.vector_load_idx %parallel_loop3A_596[%add3A_5, %parallel_loop3A_589] : memref<64x256xf32, #tpu.memory_space<vmem>>[vector<16xi32>, vector<16xi32>], vector<16xf32>,
          %parallel_loop3A_598 = arith.addi %parallel_loop3A_592, %add3A_5 : vector<16xi32>
          tpu.vector_store_idx %arg6[%broadcast_in_dim3A, %parallel_loop3A_598], %parallel_loop3A_597 : memref<2x16384xf32, #tpu.memory_space<vmem>>[vector<16xi32>, vector<16xi32>], vector<16xf32>,
          %parallel_loop3A_599 = arith.constant 0 : i32
          %parallel_loop3A_600 = arith.constant 0 : i32
          %parallel_loop3A_601 = tpu.memref_slice %arg5[%rem3A_157, %parallel_loop3A_599, %parallel_loop3A_600] : memref<2x64x256xf32, #tpu.memory_space<vmem>> -> memref<1x64x256xf32, #tpu.memory_space<vmem>>
          %parallel_loop3A_602 = tpu.memref_squeeze %parallel_loop3A_601 : memref<1x64x256xf32, #tpu.memory_space<vmem>> -> memref<64x256xf32, #tpu.memory_space<vmem>>
          %parallel_loop3A_603 = tpu.vector_load_idx %parallel_loop3A_602[%add3A_8, %parallel_loop3A_589] : memref<64x256xf32, #tpu.memory_space<vmem>>[vector<16xi32>, vector<16xi32>], vector<16xf32>,
          %parallel_loop3A_604 = arith.addi %parallel_loop3A_592, %add3A_8 : vector<16xi32>
          tpu.vector_store_idx %arg6[%broadcast_in_dim3A, %parallel_loop3A_604], %parallel_loop3A_603 : memref<2x16384xf32, #tpu.memory_space<vmem>>[vector<16xi32>, vector<16xi32>], vector<16xf32>,
          %parallel_loop3A_605 = arith.constant 0 : i32
          %parallel_loop3A_606 = arith.constant 0 : i32
          %parallel_loop3A_607 = tpu.memref_slice %arg5[%rem3A_157, %parallel_loop3A_605, %parallel_loop3A_606] : memref<2x64x256xf32, #tpu.memory_space<vmem>> -> memref<1x64x256xf32, #tpu.memory_space<vmem>>
          %parallel_loop3A_608 = tpu.memref_squeeze %parallel_loop3A_607 : memref<1x64x256xf32, #tpu.memory_space<vmem>> -> memref<64x256xf32, #tpu.memory_space<vmem>>
          %parallel_loop3A_609 = tpu.vector_load_idx %parallel_loop3A_608[%add3A_11, %parallel_loop3A_589] : memref<64x256xf32, #tpu.memory_space<vmem>>[vector<16xi32>, vector<16xi32>], vector<16xf32>,
          %parallel_loop3A_610 = arith.addi %parallel_loop3A_592, %add3A_11 : vector<16xi32>
          tpu.vector_store_idx %arg6[%broadcast_in_dim3A, %parallel_loop3A_610], %parallel_loop3A_609 : memref<2x16384xf32, #tpu.memory_space<vmem>>[vector<16xi32>, vector<16xi32>], vector<16xf32>,
          %parallel_loop3A_611 = arith.constant 0 : i32
          %parallel_loop3A_612 = arith.constant 0 : i32
          %parallel_loop3A_613 = tpu.memref_slice %arg5[%rem3A_157, %parallel_loop3A_611, %parallel_loop3A_612] : memref<2x64x256xf32, #tpu.memory_space<vmem>> -> memref<1x64x256xf32, #tpu.memory_space<vmem>>
          %parallel_loop3A_614 = tpu.memref_squeeze %parallel_loop3A_613 : memref<1x64x256xf32, #tpu.memory_space<vmem>> -> memref<64x256xf32, #tpu.memory_space<vmem>>
          %parallel_loop3A_615 = tpu.vector_load_idx %parallel_loop3A_614[%add3A_14, %parallel_loop3A_589] : memref<64x256xf32, #tpu.memory_space<vmem>>[vector<16xi32>, vector<16xi32>], vector<16xf32>,
          %parallel_loop3A_616 = arith.addi %parallel_loop3A_592, %add3A_14 : vector<16xi32>
          tpu.vector_store_idx %arg6[%broadcast_in_dim3A, %parallel_loop3A_616], %parallel_loop3A_615 : memref<2x16384xf32, #tpu.memory_space<vmem>>[vector<16xi32>, vector<16xi32>], vector<16xf32>,
          %parallel_loop3A_617 = arith.constant 16 : i32
          %parallel_loop3A_618 = arith.muli %parallel_loop3A_213, %parallel_loop3A_617 : i32
          %parallel_loop3A_619 = vector.broadcast %parallel_loop3A_618 : i32 to vector<16xi32>
          %parallel_loop3A_620 = arith.addi %parallel_loop3A_619, %rem3A_97 : vector<16xi32>
          %parallel_loop3A_621 = arith.constant 6 : i32
          %parallel_loop3A_622 = vector.broadcast %parallel_loop3A_621 : i32 to vector<16xi32>
          %parallel_loop3A_623 = arith.shli %parallel_loop3A_620, %parallel_loop3A_622 : vector<16xi32>
          %parallel_loop3A_624 = arith.constant 0 : i32
          %parallel_loop3A_625 = arith.constant 0 : i32
          %parallel_loop3A_626 = tpu.memref_slice %arg5[%rem3A_157, %parallel_loop3A_624, %parallel_loop3A_625] : memref<2x64x256xf32, #tpu.memory_space<vmem>> -> memref<1x64x256xf32, #tpu.memory_space<vmem>>
          %parallel_loop3A_627 = tpu.memref_squeeze %parallel_loop3A_626 : memref<1x64x256xf32, #tpu.memory_space<vmem>> -> memref<64x256xf32, #tpu.memory_space<vmem>>
          %parallel_loop3A_628 = tpu.vector_load_idx %parallel_loop3A_627[%add3A_5, %parallel_loop3A_620] : memref<64x256xf32, #tpu.memory_space<vmem>>[vector<16xi32>, vector<16xi32>], vector<16xf32>,
          %parallel_loop3A_629 = arith.addi %parallel_loop3A_623, %add3A_5 : vector<16xi32>
          tpu.vector_store_idx %arg6[%broadcast_in_dim3A, %parallel_loop3A_629], %parallel_loop3A_628 : memref<2x16384xf32, #tpu.memory_space<vmem>>[vector<16xi32>, vector<16xi32>], vector<16xf32>,
          %parallel_loop3A_630 = arith.constant 0 : i32
          %parallel_loop3A_631 = arith.constant 0 : i32
          %parallel_loop3A_632 = tpu.memref_slice %arg5[%rem3A_157, %parallel_loop3A_630, %parallel_loop3A_631] : memref<2x64x256xf32, #tpu.memory_space<vmem>> -> memref<1x64x256xf32, #tpu.memory_space<vmem>>
          %parallel_loop3A_633 = tpu.memref_squeeze %parallel_loop3A_632 : memref<1x64x256xf32, #tpu.memory_space<vmem>> -> memref<64x256xf32, #tpu.memory_space<vmem>>
          %parallel_loop3A_634 = tpu.vector_load_idx %parallel_loop3A_633[%add3A_8, %parallel_loop3A_620] : memref<64x256xf32, #tpu.memory_space<vmem>>[vector<16xi32>, vector<16xi32>], vector<16xf32>,
          %parallel_loop3A_635 = arith.addi %parallel_loop3A_623, %add3A_8 : vector<16xi32>
          tpu.vector_store_idx %arg6[%broadcast_in_dim3A, %parallel_loop3A_635], %parallel_loop3A_634 : memref<2x16384xf32, #tpu.memory_space<vmem>>[vector<16xi32>, vector<16xi32>], vector<16xf32>,
          %parallel_loop3A_636 = arith.constant 0 : i32
          %parallel_loop3A_637 = arith.constant 0 : i32
          %parallel_loop3A_638 = tpu.memref_slice %arg5[%rem3A_157, %parallel_loop3A_636, %parallel_loop3A_637] : memref<2x64x256xf32, #tpu.memory_space<vmem>> -> memref<1x64x256xf32, #tpu.memory_space<vmem>>
          %parallel_loop3A_639 = tpu.memref_squeeze %parallel_loop3A_638 : memref<1x64x256xf32, #tpu.memory_space<vmem>> -> memref<64x256xf32, #tpu.memory_space<vmem>>
          %parallel_loop3A_640 = tpu.vector_load_idx %parallel_loop3A_639[%add3A_11, %parallel_loop3A_620] : memref<64x256xf32, #tpu.memory_space<vmem>>[vector<16xi32>, vector<16xi32>], vector<16xf32>,
          %parallel_loop3A_641 = arith.addi %parallel_loop3A_623, %add3A_11 : vector<16xi32>
          tpu.vector_store_idx %arg6[%broadcast_in_dim3A, %parallel_loop3A_641], %parallel_loop3A_640 : memref<2x16384xf32, #tpu.memory_space<vmem>>[vector<16xi32>, vector<16xi32>], vector<16xf32>,
          %parallel_loop3A_642 = arith.constant 0 : i32
          %parallel_loop3A_643 = arith.constant 0 : i32
          %parallel_loop3A_644 = tpu.memref_slice %arg5[%rem3A_157, %parallel_loop3A_642, %parallel_loop3A_643] : memref<2x64x256xf32, #tpu.memory_space<vmem>> -> memref<1x64x256xf32, #tpu.memory_space<vmem>>
          %parallel_loop3A_645 = tpu.memref_squeeze %parallel_loop3A_644 : memref<1x64x256xf32, #tpu.memory_space<vmem>> -> memref<64x256xf32, #tpu.memory_space<vmem>>
          %parallel_loop3A_646 = tpu.vector_load_idx %parallel_loop3A_645[%add3A_14, %parallel_loop3A_620] : memref<64x256xf32, #tpu.memory_space<vmem>>[vector<16xi32>, vector<16xi32>], vector<16xf32>,
          %parallel_loop3A_647 = arith.addi %parallel_loop3A_623, %add3A_14 : vector<16xi32>
          tpu.vector_store_idx %arg6[%broadcast_in_dim3A, %parallel_loop3A_647], %parallel_loop3A_646 : memref<2x16384xf32, #tpu.memory_space<vmem>>[vector<16xi32>, vector<16xi32>], vector<16xf32>,
          %parallel_loop3A_648 = arith.constant 16 : i32
          %parallel_loop3A_649 = arith.muli %parallel_loop3A_213, %parallel_loop3A_648 : i32
          %parallel_loop3A_650 = vector.broadcast %parallel_loop3A_649 : i32 to vector<16xi32>
          %parallel_loop3A_651 = arith.addi %parallel_loop3A_650, %rem3A_103 : vector<16xi32>
          %parallel_loop3A_652 = arith.constant 6 : i32
          %parallel_loop3A_653 = vector.broadcast %parallel_loop3A_652 : i32 to vector<16xi32>
          %parallel_loop3A_654 = arith.shli %parallel_loop3A_651, %parallel_loop3A_653 : vector<16xi32>
          %parallel_loop3A_655 = arith.constant 0 : i32
          %parallel_loop3A_656 = arith.constant 0 : i32
          %parallel_loop3A_657 = tpu.memref_slice %arg5[%rem3A_157, %parallel_loop3A_655, %parallel_loop3A_656] : memref<2x64x256xf32, #tpu.memory_space<vmem>> -> memref<1x64x256xf32, #tpu.memory_space<vmem>>
          %parallel_loop3A_658 = tpu.memref_squeeze %parallel_loop3A_657 : memref<1x64x256xf32, #tpu.memory_space<vmem>> -> memref<64x256xf32, #tpu.memory_space<vmem>>
          %parallel_loop3A_659 = tpu.vector_load_idx %parallel_loop3A_658[%add3A_5, %parallel_loop3A_651] : memref<64x256xf32, #tpu.memory_space<vmem>>[vector<16xi32>, vector<16xi32>], vector<16xf32>,
          %parallel_loop3A_660 = arith.addi %parallel_loop3A_654, %add3A_5 : vector<16xi32>
          tpu.vector_store_idx %arg6[%broadcast_in_dim3A, %parallel_loop3A_660], %parallel_loop3A_659 : memref<2x16384xf32, #tpu.memory_space<vmem>>[vector<16xi32>, vector<16xi32>], vector<16xf32>,
          %parallel_loop3A_661 = arith.constant 0 : i32
          %parallel_loop3A_662 = arith.constant 0 : i32
          %parallel_loop3A_663 = tpu.memref_slice %arg5[%rem3A_157, %parallel_loop3A_661, %parallel_loop3A_662] : memref<2x64x256xf32, #tpu.memory_space<vmem>> -> memref<1x64x256xf32, #tpu.memory_space<vmem>>
          %parallel_loop3A_664 = tpu.memref_squeeze %parallel_loop3A_663 : memref<1x64x256xf32, #tpu.memory_space<vmem>> -> memref<64x256xf32, #tpu.memory_space<vmem>>
          %parallel_loop3A_665 = tpu.vector_load_idx %parallel_loop3A_664[%add3A_8, %parallel_loop3A_651] : memref<64x256xf32, #tpu.memory_space<vmem>>[vector<16xi32>, vector<16xi32>], vector<16xf32>,
          %parallel_loop3A_666 = arith.addi %parallel_loop3A_654, %add3A_8 : vector<16xi32>
          tpu.vector_store_idx %arg6[%broadcast_in_dim3A, %parallel_loop3A_666], %parallel_loop3A_665 : memref<2x16384xf32, #tpu.memory_space<vmem>>[vector<16xi32>, vector<16xi32>], vector<16xf32>,
          %parallel_loop3A_667 = arith.constant 0 : i32
          %parallel_loop3A_668 = arith.constant 0 : i32
          %parallel_loop3A_669 = tpu.memref_slice %arg5[%rem3A_157, %parallel_loop3A_667, %parallel_loop3A_668] : memref<2x64x256xf32, #tpu.memory_space<vmem>> -> memref<1x64x256xf32, #tpu.memory_space<vmem>>
          %parallel_loop3A_670 = tpu.memref_squeeze %parallel_loop3A_669 : memref<1x64x256xf32, #tpu.memory_space<vmem>> -> memref<64x256xf32, #tpu.memory_space<vmem>>
          %parallel_loop3A_671 = tpu.vector_load_idx %parallel_loop3A_670[%add3A_11, %parallel_loop3A_651] : memref<64x256xf32, #tpu.memory_space<vmem>>[vector<16xi32>, vector<16xi32>], vector<16xf32>,
          %parallel_loop3A_672 = arith.addi %parallel_loop3A_654, %add3A_11 : vector<16xi32>
          tpu.vector_store_idx %arg6[%broadcast_in_dim3A, %parallel_loop3A_672], %parallel_loop3A_671 : memref<2x16384xf32, #tpu.memory_space<vmem>>[vector<16xi32>, vector<16xi32>], vector<16xf32>,
          %parallel_loop3A_673 = arith.constant 0 : i32
          %parallel_loop3A_674 = arith.constant 0 : i32
          %parallel_loop3A_675 = tpu.memref_slice %arg5[%rem3A_157, %parallel_loop3A_673, %parallel_loop3A_674] : memref<2x64x256xf32, #tpu.memory_space<vmem>> -> memref<1x64x256xf32, #tpu.memory_space<vmem>>
          %parallel_loop3A_676 = tpu.memref_squeeze %parallel_loop3A_675 : memref<1x64x256xf32, #tpu.memory_space<vmem>> -> memref<64x256xf32, #tpu.memory_space<vmem>>
          %parallel_loop3A_677 = tpu.vector_load_idx %parallel_loop3A_676[%add3A_14, %parallel_loop3A_651] : memref<64x256xf32, #tpu.memory_space<vmem>>[vector<16xi32>, vector<16xi32>], vector<16xf32>,
          %parallel_loop3A_678 = arith.addi %parallel_loop3A_654, %add3A_14 : vector<16xi32>
          tpu.vector_store_idx %arg6[%broadcast_in_dim3A, %parallel_loop3A_678], %parallel_loop3A_677 : memref<2x16384xf32, #tpu.memory_space<vmem>>[vector<16xi32>, vector<16xi32>], vector<16xf32>,
          %parallel_loop3A_679 = arith.constant 16 : i32
          %parallel_loop3A_680 = arith.muli %parallel_loop3A_213, %parallel_loop3A_679 : i32
          %parallel_loop3A_681 = vector.broadcast %parallel_loop3A_680 : i32 to vector<16xi32>
          %parallel_loop3A_682 = arith.addi %parallel_loop3A_681, %rem3A_109 : vector<16xi32>
          %parallel_loop3A_683 = arith.constant 6 : i32
          %parallel_loop3A_684 = vector.broadcast %parallel_loop3A_683 : i32 to vector<16xi32>
          %parallel_loop3A_685 = arith.shli %parallel_loop3A_682, %parallel_loop3A_684 : vector<16xi32>
          %parallel_loop3A_686 = arith.constant 0 : i32
          %parallel_loop3A_687 = arith.constant 0 : i32
          %parallel_loop3A_688 = tpu.memref_slice %arg5[%rem3A_157, %parallel_loop3A_686, %parallel_loop3A_687] : memref<2x64x256xf32, #tpu.memory_space<vmem>> -> memref<1x64x256xf32, #tpu.memory_space<vmem>>
          %parallel_loop3A_689 = tpu.memref_squeeze %parallel_loop3A_688 : memref<1x64x256xf32, #tpu.memory_space<vmem>> -> memref<64x256xf32, #tpu.memory_space<vmem>>
          %parallel_loop3A_690 = tpu.vector_load_idx %parallel_loop3A_689[%add3A_5, %parallel_loop3A_682] : memref<64x256xf32, #tpu.memory_space<vmem>>[vector<16xi32>, vector<16xi32>], vector<16xf32>,
          %parallel_loop3A_691 = arith.addi %parallel_loop3A_685, %add3A_5 : vector<16xi32>
          tpu.vector_store_idx %arg6[%broadcast_in_dim3A, %parallel_loop3A_691], %parallel_loop3A_690 : memref<2x16384xf32, #tpu.memory_space<vmem>>[vector<16xi32>, vector<16xi32>], vector<16xf32>,
          %parallel_loop3A_692 = arith.constant 0 : i32
          %parallel_loop3A_693 = arith.constant 0 : i32
          %parallel_loop3A_694 = tpu.memref_slice %arg5[%rem3A_157, %parallel_loop3A_692, %parallel_loop3A_693] : memref<2x64x256xf32, #tpu.memory_space<vmem>> -> memref<1x64x256xf32, #tpu.memory_space<vmem>>
          %parallel_loop3A_695 = tpu.memref_squeeze %parallel_loop3A_694 : memref<1x64x256xf32, #tpu.memory_space<vmem>> -> memref<64x256xf32, #tpu.memory_space<vmem>>
          %parallel_loop3A_696 = tpu.vector_load_idx %parallel_loop3A_695[%add3A_8, %parallel_loop3A_682] : memref<64x256xf32, #tpu.memory_space<vmem>>[vector<16xi32>, vector<16xi32>], vector<16xf32>,
          %parallel_loop3A_697 = arith.addi %parallel_loop3A_685, %add3A_8 : vector<16xi32>
          tpu.vector_store_idx %arg6[%broadcast_in_dim3A, %parallel_loop3A_697], %parallel_loop3A_696 : memref<2x16384xf32, #tpu.memory_space<vmem>>[vector<16xi32>, vector<16xi32>], vector<16xf32>,
          %parallel_loop3A_698 = arith.constant 0 : i32
          %parallel_loop3A_699 = arith.constant 0 : i32
          %parallel_loop3A_700 = tpu.memref_slice %arg5[%rem3A_157, %parallel_loop3A_698, %parallel_loop3A_699] : memref<2x64x256xf32, #tpu.memory_space<vmem>> -> memref<1x64x256xf32, #tpu.memory_space<vmem>>
          %parallel_loop3A_701 = tpu.memref_squeeze %parallel_loop3A_700 : memref<1x64x256xf32, #tpu.memory_space<vmem>> -> memref<64x256xf32, #tpu.memory_space<vmem>>
          %parallel_loop3A_702 = tpu.vector_load_idx %parallel_loop3A_701[%add3A_11, %parallel_loop3A_682] : memref<64x256xf32, #tpu.memory_space<vmem>>[vector<16xi32>, vector<16xi32>], vector<16xf32>,
          %parallel_loop3A_703 = arith.addi %parallel_loop3A_685, %add3A_11 : vector<16xi32>
          tpu.vector_store_idx %arg6[%broadcast_in_dim3A, %parallel_loop3A_703], %parallel_loop3A_702 : memref<2x16384xf32, #tpu.memory_space<vmem>>[vector<16xi32>, vector<16xi32>], vector<16xf32>,
          %parallel_loop3A_704 = arith.constant 0 : i32
          %parallel_loop3A_705 = arith.constant 0 : i32
          %parallel_loop3A_706 = tpu.memref_slice %arg5[%rem3A_157, %parallel_loop3A_704, %parallel_loop3A_705] : memref<2x64x256xf32, #tpu.memory_space<vmem>> -> memref<1x64x256xf32, #tpu.memory_space<vmem>>
          %parallel_loop3A_707 = tpu.memref_squeeze %parallel_loop3A_706 : memref<1x64x256xf32, #tpu.memory_space<vmem>> -> memref<64x256xf32, #tpu.memory_space<vmem>>
          %parallel_loop3A_708 = tpu.vector_load_idx %parallel_loop3A_707[%add3A_14, %parallel_loop3A_682] : memref<64x256xf32, #tpu.memory_space<vmem>>[vector<16xi32>, vector<16xi32>], vector<16xf32>,
          %parallel_loop3A_709 = arith.addi %parallel_loop3A_685, %add3A_14 : vector<16xi32>
          tpu.vector_store_idx %arg6[%broadcast_in_dim3A, %parallel_loop3A_709], %parallel_loop3A_708 : memref<2x16384xf32, #tpu.memory_space<vmem>>[vector<16xi32>, vector<16xi32>], vector<16xf32>,
        } {sc.loop_unroll_factor = 1 : i64, sc.parallel_access}
        %mul3A_199 = arith.constant 32 : i32
        %mul3A_200 = arith.muli %scan3A_155, %mul3A_199 : i32
        %add3A_201 = arith.addi %add3A, %mul3A_200 : i32
        %mul3A_202 = arith.constant 256 : i32
        %mul3A_203 = arith.muli %add3A_201, %mul3A_202 : i32
        %mul3A_204 = arith.constant 64 : i32
        %mul3A_205 = arith.muli %mul3A_203, %mul3A_204 : i32
        %dma_start3A = arith.constant 0 : i32
        %dma_start3A_206 = tpu.memref_slice %arg6[%rem3A_157, %dma_start3A] : memref<2x16384xf32, #tpu.memory_space<vmem>> -> memref<1x16384xf32, #tpu.memory_space<vmem>>
        %dma_start3A_207 = tpu.memref_squeeze %dma_start3A_206 : memref<1x16384xf32, #tpu.memory_space<vmem>> -> memref<16384xf32, #tpu.memory_space<vmem>>
        %dma_start3A_208 = tpu.memref_slice %arg4[%mul3A_205] : memref<64000000xf32, #tpu.memory_space<hbm>> -> memref<16384xf32, #tpu.memory_space<hbm>>
        %dma_start3A_209 = tpu.memref_slice %arg4[%mul3A_205] : memref<64000000xf32, #tpu.memory_space<hbm>> -> memref<16384xf32, #tpu.memory_space<hbm>>
        %dma_start3A_210 = arith.constant 0 : i32
        %dma_start3A_211 = tpu.memref_slice %arg6[%rem3A_157, %dma_start3A_210] : memref<2x16384xf32, #tpu.memory_space<vmem>> -> memref<1x16384xf32, #tpu.memory_space<vmem>>
        %dma_start3A_212 = tpu.memref_squeeze %dma_start3A_211 : memref<1x16384xf32, #tpu.memory_space<vmem>> -> memref<16384xf32, #tpu.memory_space<vmem>>
        tpu.enqueue_dma source(%dma_start3A_212 : memref<16384xf32, #tpu.memory_space<vmem>>) target(%dma_start3A_209 : memref<16384xf32, #tpu.memory_space<hbm>>) target_semaphore(%arg9 : memref<!tpu.dma_semaphore, #tpu.memory_space<semaphore_mem>>)
      } else {
      }
    }
    %scan3A_120 = arith.constant 123 : i32
    %sub3A = arith.constant 3906 : i32
    %sub3A_121 = arith.subi %sub3A, %add3A : i32
    %add3A_122 = arith.constant 32 : i32
    %add3A_123 = arith.addi %sub3A_121, %add3A_122 : i32
    %sub3A_124 = arith.constant 1 : i32
    %sub3A_125 = arith.subi %add3A_123, %sub3A_124 : i32
    %max3A = arith.constant 0 : i32
    %max3A_126 = arith.maxsi %sub3A_125, %max3A : i32
    %jit3A = arith.constant 32 : i32
    %div3A = arith.divsi %max3A_126, %jit3A : i32
    %sign3A = arith.constant 0 : i32
    %sign3A_127 = arith.cmpi sgt, %max3A_126, %sign3A : i32
    %sign3A_128 = arith.extui %sign3A_127 : i1 to i32
    %sign3A_129 = arith.constant 0 : i32
    %sign3A_130 = arith.cmpi slt, %max3A_126, %sign3A_129 : i32
    %sign3A_131 = arith.extui %sign3A_130 : i1 to i32
    %sign3A_132 = arith.subi %sign3A_128, %sign3A_131 : i32
    %sign3A_133 = arith.constant 0 : i32
    %sign3A_134 = arith.cmpi sgt, %jit3A, %sign3A_133 : i32
    %sign3A_135 = arith.extui %sign3A_134 : i1 to i32
    %sign3A_136 = arith.constant 0 : i32
    %sign3A_137 = arith.cmpi slt, %jit3A, %sign3A_136 : i32
    %sign3A_138 = arith.extui %sign3A_137 : i1 to i32
    %sign3A_139 = arith.subi %sign3A_135, %sign3A_138 : i32
    %ne3A = arith.cmpi ne, %sign3A_132, %sign3A_139 : i32
    %rem3A_140 = arith.remsi %max3A_126, %jit3A : i32
    %ne3A_141 = arith.constant 0 : i32
    %ne3A_142 = arith.cmpi ne, %rem3A_140, %ne3A_141 : i32
    %and3A = arith.andi %ne3A, %ne3A_142 : i1
    %sub3A_143 = arith.constant 1 : i32
    %sub3A_144 = arith.subi %div3A, %sub3A_143 : i32
    %select_n3A = arith.select %and3A, %sub3A_144, %div3A : i32
    %min3A = arith.constant 123 : i32
    %min3A_145 = arith.minsi %select_n3A, %min3A : i32
    %ge3A = arith.constant 2 : i32
    %ge3A_146 = arith.cmpi sge, %min3A_145, %ge3A : i32
    %convert_element_type3A_147 = arith.extui %ge3A_146 : i1 to i32
    %cond3A_148 = arith.constant 0 : i32
    %cond3A_149 = arith.cmpi ne, %convert_element_type3A_147, %cond3A_148 : i32
    scf.if %cond3A_149 {
      %dma_wait3A = arith.constant 0 : i32
      %dma_wait3A_155 = arith.constant 0 : i32
      %dma_wait3A_156 = tpu.memref_slice %arg6[%dma_wait3A, %dma_wait3A_155] : memref<2x16384xf32, #tpu.memory_space<vmem>> -> memref<1x16384xf32, #tpu.memory_space<vmem>>
      %dma_wait3A_157 = tpu.memref_squeeze %dma_wait3A_156 : memref<1x16384xf32, #tpu.memory_space<vmem>> -> memref<16384xf32, #tpu.memory_space<vmem>>
      %dma_wait3A_158 = arith.constant 0 : i32
      %dma_wait3A_159 = tpu.memref_slice %arg4[%dma_wait3A_158] : memref<64000000xf32, #tpu.memory_space<hbm>> -> memref<16384xf32, #tpu.memory_space<hbm>>
      %dma_wait3A_160 = arith.constant 0 : i32
      %dma_wait3A_161 = tpu.memref_slice %arg4[%dma_wait3A_160] : memref<64000000xf32, #tpu.memory_space<hbm>> -> memref<16384xf32, #tpu.memory_space<hbm>>
      %dma_wait3A_162 = arith.constant 0 : i32
      %dma_wait3A_163 = tpu.memref_slice %arg6[%dma_wait3A, %dma_wait3A_162] : memref<2x16384xf32, #tpu.memory_space<vmem>> -> memref<1x16384xf32, #tpu.memory_space<vmem>>
      %dma_wait3A_164 = tpu.memref_squeeze %dma_wait3A_163 : memref<1x16384xf32, #tpu.memory_space<vmem>> -> memref<16384xf32, #tpu.memory_space<vmem>>
      tpu.wait_dma2 semaphore(%arg9 : memref<!tpu.dma_semaphore, #tpu.memory_space<semaphore_mem>>) src(%dma_wait3A_164 : memref<16384xf32, #tpu.memory_space<vmem>>) dst(%dma_wait3A_161 : memref<16384xf32, #tpu.memory_space<hbm>>)
      %dma_wait3A_165 = arith.constant 0 : i32
      %dma_wait3A_166 = arith.constant 0 : i32
      %dma_wait3A_167 = tpu.memref_slice %arg6[%dma_wait3A_165, %dma_wait3A_166] : memref<2x16384xf32, #tpu.memory_space<vmem>> -> memref<1x16384xf32, #tpu.memory_space<vmem>>
      %dma_wait3A_168 = tpu.memref_squeeze %dma_wait3A_167 : memref<1x16384xf32, #tpu.memory_space<vmem>> -> memref<16384xf32, #tpu.memory_space<vmem>>
      %dma_wait3A_169 = arith.constant 0 : i32
      %dma_wait3A_170 = tpu.memref_slice %arg4[%dma_wait3A_169] : memref<64000000xf32, #tpu.memory_space<hbm>> -> memref<16384xf32, #tpu.memory_space<hbm>>
      %dma_wait3A_171 = arith.constant 0 : i32
      %dma_wait3A_172 = tpu.memref_slice %arg4[%dma_wait3A_171] : memref<64000000xf32, #tpu.memory_space<hbm>> -> memref<16384xf32, #tpu.memory_space<hbm>>
      %dma_wait3A_173 = arith.constant 0 : i32
      %dma_wait3A_174 = tpu.memref_slice %arg6[%dma_wait3A_165, %dma_wait3A_173] : memref<2x16384xf32, #tpu.memory_space<vmem>> -> memref<1x16384xf32, #tpu.memory_space<vmem>>
      %dma_wait3A_175 = tpu.memref_squeeze %dma_wait3A_174 : memref<1x16384xf32, #tpu.memory_space<vmem>> -> memref<16384xf32, #tpu.memory_space<vmem>>
      tpu.wait_dma2 semaphore(%arg9 : memref<!tpu.dma_semaphore, #tpu.memory_space<semaphore_mem>>) src(%dma_wait3A_175 : memref<16384xf32, #tpu.memory_space<vmem>>) dst(%dma_wait3A_172 : memref<16384xf32, #tpu.memory_space<hbm>>)
    } else {
    }
    %eq3A_150 = arith.constant 1 : i32
    %eq3A_151 = arith.cmpi eq, %min3A_145, %eq3A_150 : i32
    %convert_element_type3A_152 = arith.extui %eq3A_151 : i1 to i32
    %cond3A_153 = arith.constant 0 : i32
    %cond3A_154 = arith.cmpi ne, %convert_element_type3A_152, %cond3A_153 : i32
    scf.if %cond3A_154 {
      %dma_wait3A = arith.constant 0 : i32
      %dma_wait3A_155 = arith.constant 0 : i32
      %dma_wait3A_156 = tpu.memref_slice %arg6[%dma_wait3A, %dma_wait3A_155] : memref<2x16384xf32, #tpu.memory_space<vmem>> -> memref<1x16384xf32, #tpu.memory_space<vmem>>
      %dma_wait3A_157 = tpu.memref_squeeze %dma_wait3A_156 : memref<1x16384xf32, #tpu.memory_space<vmem>> -> memref<16384xf32, #tpu.memory_space<vmem>>
      %dma_wait3A_158 = arith.constant 0 : i32
      %dma_wait3A_159 = tpu.memref_slice %arg4[%dma_wait3A_158] : memref<64000000xf32, #tpu.memory_space<hbm>> -> memref<16384xf32, #tpu.memory_space<hbm>>
      %dma_wait3A_160 = arith.constant 0 : i32
      %dma_wait3A_161 = tpu.memref_slice %arg4[%dma_wait3A_160] : memref<64000000xf32, #tpu.memory_space<hbm>> -> memref<16384xf32, #tpu.memory_space<hbm>>
      %dma_wait3A_162 = arith.constant 0 : i32
      %dma_wait3A_163 = tpu.memref_slice %arg6[%dma_wait3A, %dma_wait3A_162] : memref<2x16384xf32, #tpu.memory_space<vmem>> -> memref<1x16384xf32, #tpu.memory_space<vmem>>
      %dma_wait3A_164 = tpu.memref_squeeze %dma_wait3A_163 : memref<1x16384xf32, #tpu.memory_space<vmem>> -> memref<16384xf32, #tpu.memory_space<vmem>>
      tpu.wait_dma2 semaphore(%arg9 : memref<!tpu.dma_semaphore, #tpu.memory_space<semaphore_mem>>) src(%dma_wait3A_164 : memref<16384xf32, #tpu.memory_space<vmem>>) dst(%dma_wait3A_161 : memref<16384xf32, #tpu.memory_space<hbm>>)
    } else {
    }
    return
  }
}

#map = affine_map<(d0, d1) -> (0, 0)>
module attributes {stable_mosaic.version = 14 : i64} {
  func.func @_body_b(%arg0: i32, %arg1: i32, %arg2: memref<200x4096xi32, #tpu.memory_space<hbm>>, %arg3: memref<1000000x64xf32, #tpu.memory_space<hbm>>, %arg4: memref<200x64xf32, #tpu.memory_space<hbm>>, %arg5: memref<409600x128xf32, #tpu.memory_space<hbm>>, %arg6: memref<200x64xf32, #tpu.memory_space<vmem>>, %arg7: memref<2x128xi32, #tpu.memory_space<vmem>>, %arg8: memref<2x128x64xf32, #tpu.memory_space<vmem>>, %arg9: memref<2x64x129xf32, #tpu.memory_space<vmem>>, %arg10: memref<!tpu.dma_semaphore, #tpu.memory_space<semaphore_mem>>, %arg11: memref<!tpu.dma_semaphore, #tpu.memory_space<semaphore_mem>>, %arg12: memref<!tpu.dma_semaphore, #tpu.memory_space<semaphore_mem>>) attributes {dimension_semantics = [#tpu.dimension_semantics<core_parallel>, #tpu.dimension_semantics<subcore_parallel>], iteration_bounds = array<i64: 2, 16>, scalar_prefetch = 0 : i64, scratch_operands = 7 : i64, tpu.core_type = #tpu.core_type<sc_vector_subcore>, window_params = [{transform_indices = #map}, {transform_indices = #map}, {transform_indices = #map}, {transform_indices = #map}]} {
    %mul3A = arith.constant 2 : i32
    %mul3A_0 = arith.muli %arg1, %mul3A : i32
    %add3A = arith.addi %mul3A_0, %arg0 : i32
    %mul3A_1 = arith.constant 200 : i32
    %mul3A_2 = arith.muli %add3A, %mul3A_1 : i32
    "tpu.region"() ({
      %run_scoped3A_86 = tpu.sem_alloc : memref<!tpu.dma_semaphore, #tpu.memory_space<semaphore_mem>>
      tpu.enqueue_dma source(%arg4 : memref<200x64xf32, #tpu.memory_space<hbm>>) target(%arg6 : memref<200x64xf32, #tpu.memory_space<vmem>>) target_semaphore(%run_scoped3A_86 : memref<!tpu.dma_semaphore, #tpu.memory_space<semaphore_mem>>)
      tpu.wait_dma2 semaphore(%run_scoped3A_86 : memref<!tpu.dma_semaphore, #tpu.memory_space<semaphore_mem>>) src(%arg4 : memref<200x64xf32, #tpu.memory_space<hbm>>) dst(%arg6 : memref<200x64xf32, #tpu.memory_space<vmem>>)
      tpu.yield
    }) : () -> ()
    %iota3A = tpu.iota {dimensions = array<i32: 0>} : vector<16xi32>
    %add3A_3 = arith.constant 0 : i32
    %add3A_4 = vector.broadcast %add3A_3 : i32 to vector<16xi32>
    %add3A_5 = arith.addi %iota3A, %add3A_4 : vector<16xi32>
    %iota3A_6 = tpu.iota {dimensions = array<i32: 0>} : vector<16xi32>
    %add3A_7 = arith.constant 16 : i32
    %add3A_8 = vector.broadcast %add3A_7 : i32 to vector<16xi32>
    %add3A_9 = arith.addi %iota3A_6, %add3A_8 : vector<16xi32>
    %iota3A_10 = tpu.iota {dimensions = array<i32: 0>} : vector<16xi32>
    %add3A_11 = arith.constant 32 : i32
    %add3A_12 = vector.broadcast %add3A_11 : i32 to vector<16xi32>
    %add3A_13 = arith.addi %iota3A_10, %add3A_12 : vector<16xi32>
    %iota3A_14 = tpu.iota {dimensions = array<i32: 0>} : vector<16xi32>
    %add3A_15 = arith.constant 48 : i32
    %add3A_16 = vector.broadcast %add3A_15 : i32 to vector<16xi32>
    %add3A_17 = arith.addi %iota3A_14, %add3A_16 : vector<16xi32>
    %div3A = arith.constant 32 : i32
    %div3A_18 = arith.divsi %mul3A_2, %div3A : i32
    %rem3A = arith.constant 32 : i32
    %rem3A_19 = arith.remsi %mul3A_2, %rem3A : i32
    %mul3A_20 = arith.constant 128 : i32
    %mul3A_21 = arith.muli %rem3A_19, %mul3A_20 : i32
    %run_scoped3A = arith.constant 0 : i32
    "tpu.region"() ({
      %run_scoped3A_86 = tpu.sem_alloc : memref<!tpu.dma_semaphore, #tpu.memory_space<semaphore_mem>>
      %dma_start3A_87 = arith.constant 0 : i32
      %dma_start3A_88 = tpu.memref_slice %arg7[%run_scoped3A, %dma_start3A_87] : memref<2x128xi32, #tpu.memory_space<vmem>> -> memref<1x128xi32, #tpu.memory_space<vmem>>
      %dma_start3A_89 = tpu.memref_squeeze %dma_start3A_88 : memref<1x128xi32, #tpu.memory_space<vmem>> -> memref<128xi32, #tpu.memory_space<vmem>>
      %dma_start3A_90 = tpu.memref_slice %arg2[%div3A_18, %mul3A_21] : memref<200x4096xi32, #tpu.memory_space<hbm>> -> memref<1x128xi32, #tpu.memory_space<hbm>>
      %dma_start3A_91 = tpu.memref_squeeze %dma_start3A_90 : memref<1x128xi32, #tpu.memory_space<hbm>> -> memref<128xi32, #tpu.memory_space<hbm>>
      %dma_start3A_92 = arith.constant 0 : i32
      %dma_start3A_93 = tpu.memref_slice %arg7[%run_scoped3A, %dma_start3A_92] : memref<2x128xi32, #tpu.memory_space<vmem>> -> memref<1x128xi32, #tpu.memory_space<vmem>>
      %dma_start3A_94 = tpu.memref_squeeze %dma_start3A_93 : memref<1x128xi32, #tpu.memory_space<vmem>> -> memref<128xi32, #tpu.memory_space<vmem>>
      %dma_start3A_95 = tpu.memref_slice %arg2[%div3A_18, %mul3A_21] : memref<200x4096xi32, #tpu.memory_space<hbm>> -> memref<1x128xi32, #tpu.memory_space<hbm>>
      %dma_start3A_96 = tpu.memref_squeeze %dma_start3A_95 : memref<1x128xi32, #tpu.memory_space<hbm>> -> memref<128xi32, #tpu.memory_space<hbm>>
      tpu.enqueue_dma source(%dma_start3A_96 : memref<128xi32, #tpu.memory_space<hbm>>) target(%dma_start3A_94 : memref<128xi32, #tpu.memory_space<vmem>>) target_semaphore(%run_scoped3A_86 : memref<!tpu.dma_semaphore, #tpu.memory_space<semaphore_mem>>)
      %dma_wait3A_97 = arith.constant 0 : i32
      %dma_wait3A_98 = tpu.memref_slice %arg7[%run_scoped3A, %dma_wait3A_97] : memref<2x128xi32, #tpu.memory_space<vmem>> -> memref<1x128xi32, #tpu.memory_space<vmem>>
      %dma_wait3A_99 = tpu.memref_squeeze %dma_wait3A_98 : memref<1x128xi32, #tpu.memory_space<vmem>> -> memref<128xi32, #tpu.memory_space<vmem>>
      %dma_wait3A_100 = tpu.memref_slice %arg2[%div3A_18, %mul3A_21] : memref<200x4096xi32, #tpu.memory_space<hbm>> -> memref<1x128xi32, #tpu.memory_space<hbm>>
      %dma_wait3A_101 = tpu.memref_squeeze %dma_wait3A_100 : memref<1x128xi32, #tpu.memory_space<hbm>> -> memref<128xi32, #tpu.memory_space<hbm>>
      %dma_wait3A_102 = arith.constant 0 : i32
      %dma_wait3A_103 = tpu.memref_slice %arg7[%run_scoped3A, %dma_wait3A_102] : memref<2x128xi32, #tpu.memory_space<vmem>> -> memref<1x128xi32, #tpu.memory_space<vmem>>
      %dma_wait3A_104 = tpu.memref_squeeze %dma_wait3A_103 : memref<1x128xi32, #tpu.memory_space<vmem>> -> memref<128xi32, #tpu.memory_space<vmem>>
      %dma_wait3A_105 = tpu.memref_slice %arg2[%div3A_18, %mul3A_21] : memref<200x4096xi32, #tpu.memory_space<hbm>> -> memref<1x128xi32, #tpu.memory_space<hbm>>
      %dma_wait3A_106 = tpu.memref_squeeze %dma_wait3A_105 : memref<1x128xi32, #tpu.memory_space<hbm>> -> memref<128xi32, #tpu.memory_space<hbm>>
      tpu.wait_dma2 semaphore(%run_scoped3A_86 : memref<!tpu.dma_semaphore, #tpu.memory_space<semaphore_mem>>) src(%dma_wait3A_106 : memref<128xi32, #tpu.memory_space<hbm>>) dst(%dma_wait3A_104 : memref<128xi32, #tpu.memory_space<vmem>>)
      tpu.yield
    }) : () -> ()
    %dma_start3A = arith.constant 0 : i32
    %dma_start3A_22 = arith.constant 0 : i32
    %dma_start3A_23 = arith.constant 0 : i32
    %dma_start3A_24 = arith.constant 0 : i32
    %dma_start3A_25 = tpu.memref_slice %arg8[%dma_start3A_22, %dma_start3A_23, %dma_start3A_24] : memref<2x128x64xf32, #tpu.memory_space<vmem>> -> memref<1x128x64xf32, #tpu.memory_space<vmem>>
    %dma_start3A_26 = tpu.memref_squeeze %dma_start3A_25 : memref<1x128x64xf32, #tpu.memory_space<vmem>> -> memref<128x64xf32, #tpu.memory_space<vmem>>
    %dma_start3A_27 = arith.constant 0 : i32
    %dma_start3A_28 = tpu.memref_slice %arg7[%dma_start3A, %dma_start3A_27] : memref<2x128xi32, #tpu.memory_space<vmem>> -> memref<1x128xi32, #tpu.memory_space<vmem>>
    %dma_start3A_29 = tpu.memref_squeeze %dma_start3A_28 : memref<1x128xi32, #tpu.memory_space<vmem>> -> memref<128xi32, #tpu.memory_space<vmem>>
    %dma_start3A_30 = arith.constant 0 : i32
    %dma_start3A_31 = arith.constant 0 : i32
    %dma_start3A_32 = tpu.memref_slice %arg3[%dma_start3A_30, %dma_start3A_31] : memref<1000000x64xf32, #tpu.memory_space<hbm>> -> memref<1000000x64xf32, #tpu.memory_space<hbm>>
    tpu.enqueue_indirect_dma source(%dma_start3A_32 : memref<1000000x64xf32, #tpu.memory_space<hbm>>) target(%dma_start3A_26 : memref<128x64xf32, #tpu.memory_space<vmem>>) offsets(%dma_start3A_29 : memref<128xi32, #tpu.memory_space<vmem>>) semaphore(%arg11 : memref<!tpu.dma_semaphore, #tpu.memory_space<semaphore_mem>>)
    %add3A_33 = arith.constant 1 : i32
    %add3A_34 = arith.addi %mul3A_2, %add3A_33 : i32
    %div3A_35 = arith.constant 32 : i32
    %div3A_36 = arith.divsi %add3A_34, %div3A_35 : i32
    %rem3A_37 = arith.constant 32 : i32
    %rem3A_38 = arith.remsi %add3A_34, %rem3A_37 : i32
    %mul3A_39 = arith.constant 128 : i32
    %mul3A_40 = arith.muli %rem3A_38, %mul3A_39 : i32
    %dma_start3A_41 = arith.constant 1 : i32
    %dma_start3A_42 = arith.constant 0 : i32
    %dma_start3A_43 = tpu.memref_slice %arg7[%dma_start3A_41, %dma_start3A_42] : memref<2x128xi32, #tpu.memory_space<vmem>> -> memref<1x128xi32, #tpu.memory_space<vmem>>
    %dma_start3A_44 = tpu.memref_squeeze %dma_start3A_43 : memref<1x128xi32, #tpu.memory_space<vmem>> -> memref<128xi32, #tpu.memory_space<vmem>>
    %dma_start3A_45 = tpu.memref_slice %arg2[%div3A_36, %mul3A_40] : memref<200x4096xi32, #tpu.memory_space<hbm>> -> memref<1x128xi32, #tpu.memory_space<hbm>>
    %dma_start3A_46 = tpu.memref_squeeze %dma_start3A_45 : memref<1x128xi32, #tpu.memory_space<hbm>> -> memref<128xi32, #tpu.memory_space<hbm>>
    %dma_start3A_47 = arith.constant 0 : i32
    %dma_start3A_48 = tpu.memref_slice %arg7[%dma_start3A_41, %dma_start3A_47] : memref<2x128xi32, #tpu.memory_space<vmem>> -> memref<1x128xi32, #tpu.memory_space<vmem>>
    %dma_start3A_49 = tpu.memref_squeeze %dma_start3A_48 : memref<1x128xi32, #tpu.memory_space<vmem>> -> memref<128xi32, #tpu.memory_space<vmem>>
    %dma_start3A_50 = tpu.memref_slice %arg2[%div3A_36, %mul3A_40] : memref<200x4096xi32, #tpu.memory_space<hbm>> -> memref<1x128xi32, #tpu.memory_space<hbm>>
    %dma_start3A_51 = tpu.memref_squeeze %dma_start3A_50 : memref<1x128xi32, #tpu.memory_space<hbm>> -> memref<128xi32, #tpu.memory_space<hbm>>
    tpu.enqueue_dma source(%dma_start3A_51 : memref<128xi32, #tpu.memory_space<hbm>>) target(%dma_start3A_49 : memref<128xi32, #tpu.memory_space<vmem>>) target_semaphore(%arg10 : memref<!tpu.dma_semaphore, #tpu.memory_space<semaphore_mem>>)
    %scan3A = arith.constant 0 : i32
    %scan3A_52 = arith.constant 0 : i32
    %scan3A_53 = arith.constant 200 : i32
    %scan3A_54 = arith.addi %scan3A_52, %scan3A_53 : i32
    %scan3A_55 = arith.constant 1 : i32
    scf.for %scan3A_86 = %scan3A_52 to %scan3A_54 step %scan3A_55  : i32 {
      %rem3A_87 = arith.constant 2 : i32
      %rem3A_88 = arith.remsi %scan3A_86, %rem3A_87 : i32
      %add3A_89 = arith.addi %mul3A_2, %scan3A_86 : i32
      %div3A_90 = arith.constant 32 : i32
      %div3A_91 = arith.divsi %add3A_89, %div3A_90 : i32
      %rem3A_92 = arith.constant 32 : i32
      %rem3A_93 = arith.remsi %add3A_89, %rem3A_92 : i32
      %dma_wait3A_94 = arith.constant 0 : i32
      %dma_wait3A_95 = arith.constant 0 : i32
      %dma_wait3A_96 = tpu.memref_slice %arg8[%rem3A_88, %dma_wait3A_94, %dma_wait3A_95] : memref<2x128x64xf32, #tpu.memory_space<vmem>> -> memref<1x128x64xf32, #tpu.memory_space<vmem>>
      %dma_wait3A_97 = tpu.memref_squeeze %dma_wait3A_96 : memref<1x128x64xf32, #tpu.memory_space<vmem>> -> memref<128x64xf32, #tpu.memory_space<vmem>>
      %dma_wait3A_98 = arith.constant 0 : i32
      %dma_wait3A_99 = tpu.memref_slice %arg7[%rem3A_88, %dma_wait3A_98] : memref<2x128xi32, #tpu.memory_space<vmem>> -> memref<1x128xi32, #tpu.memory_space<vmem>>
      %dma_wait3A_100 = tpu.memref_squeeze %dma_wait3A_99 : memref<1x128xi32, #tpu.memory_space<vmem>> -> memref<128xi32, #tpu.memory_space<vmem>>
      %dma_wait3A_101 = arith.constant 0 : i32
      %dma_wait3A_102 = arith.constant 0 : i32
      %dma_wait3A_103 = tpu.memref_slice %arg3[%dma_wait3A_101, %dma_wait3A_102] : memref<1000000x64xf32, #tpu.memory_space<hbm>> -> memref<1000000x64xf32, #tpu.memory_space<hbm>>
      tpu.wait_indirect_dma semaphore(%arg11 : memref<!tpu.dma_semaphore, #tpu.memory_space<semaphore_mem>>) src(%dma_wait3A_103 : memref<1000000x64xf32, #tpu.memory_space<hbm>>) dst(%dma_wait3A_97 : memref<128x64xf32, #tpu.memory_space<vmem>>)
      %add3A_104 = arith.constant 1 : i32
      %add3A_105 = arith.addi %scan3A_86, %add3A_104 : i32
      %lt3A = arith.constant 200 : i32
      %lt3A_106 = arith.cmpi slt, %add3A_105, %lt3A : i32
      %convert_element_type3A = arith.extui %lt3A_106 : i1 to i32
      %cond3A = arith.constant 0 : i32
      %cond3A_107 = arith.cmpi ne, %convert_element_type3A, %cond3A : i32
      scf.if %cond3A_107 {
        %sub3A = arith.constant 1 : i32
        %sub3A_249 = arith.subi %sub3A, %rem3A_88 : i32
        %dma_wait3A_250 = arith.constant 0 : i32
        %dma_wait3A_251 = arith.constant 0 : i32
        %dma_wait3A_252 = tpu.memref_slice %arg7[%sub3A_249, %dma_wait3A_251] : memref<2x128xi32, #tpu.memory_space<vmem>> -> memref<1x128xi32, #tpu.memory_space<vmem>>
        %dma_wait3A_253 = tpu.memref_squeeze %dma_wait3A_252 : memref<1x128xi32, #tpu.memory_space<vmem>> -> memref<128xi32, #tpu.memory_space<vmem>>
        %dma_wait3A_254 = arith.constant 0 : i32
        %dma_wait3A_255 = tpu.memref_slice %arg2[%dma_wait3A_250, %dma_wait3A_254] : memref<200x4096xi32, #tpu.memory_space<hbm>> -> memref<1x128xi32, #tpu.memory_space<hbm>>
        %dma_wait3A_256 = tpu.memref_squeeze %dma_wait3A_255 : memref<1x128xi32, #tpu.memory_space<hbm>> -> memref<128xi32, #tpu.memory_space<hbm>>
        %dma_wait3A_257 = arith.constant 0 : i32
        %dma_wait3A_258 = tpu.memref_slice %arg7[%sub3A_249, %dma_wait3A_257] : memref<2x128xi32, #tpu.memory_space<vmem>> -> memref<1x128xi32, #tpu.memory_space<vmem>>
        %dma_wait3A_259 = tpu.memref_squeeze %dma_wait3A_258 : memref<1x128xi32, #tpu.memory_space<vmem>> -> memref<128xi32, #tpu.memory_space<vmem>>
        %dma_wait3A_260 = arith.constant 0 : i32
        %dma_wait3A_261 = tpu.memref_slice %arg2[%dma_wait3A_250, %dma_wait3A_260] : memref<200x4096xi32, #tpu.memory_space<hbm>> -> memref<1x128xi32, #tpu.memory_space<hbm>>
        %dma_wait3A_262 = tpu.memref_squeeze %dma_wait3A_261 : memref<1x128xi32, #tpu.memory_space<hbm>> -> memref<128xi32, #tpu.memory_space<hbm>>
        tpu.wait_dma2 semaphore(%arg10 : memref<!tpu.dma_semaphore, #tpu.memory_space<semaphore_mem>>) src(%dma_wait3A_262 : memref<128xi32, #tpu.memory_space<hbm>>) dst(%dma_wait3A_259 : memref<128xi32, #tpu.memory_space<vmem>>)
        %add3A_263 = arith.constant 1 : i32
        %add3A_264 = arith.addi %scan3A_86, %add3A_263 : i32
        %sub3A_265 = arith.constant 1 : i32
        %sub3A_266 = arith.subi %sub3A_265, %rem3A_88 : i32
        %dma_start3A_267 = arith.constant 0 : i32
        %dma_start3A_268 = arith.constant 0 : i32
        %dma_start3A_269 = tpu.memref_slice %arg8[%sub3A_266, %dma_start3A_267, %dma_start3A_268] : memref<2x128x64xf32, #tpu.memory_space<vmem>> -> memref<1x128x64xf32, #tpu.memory_space<vmem>>
        %dma_start3A_270 = tpu.memref_squeeze %dma_start3A_269 : memref<1x128x64xf32, #tpu.memory_space<vmem>> -> memref<128x64xf32, #tpu.memory_space<vmem>>
        %dma_start3A_271 = arith.constant 0 : i32
        %dma_start3A_272 = tpu.memref_slice %arg7[%sub3A_266, %dma_start3A_271] : memref<2x128xi32, #tpu.memory_space<vmem>> -> memref<1x128xi32, #tpu.memory_space<vmem>>
        %dma_start3A_273 = tpu.memref_squeeze %dma_start3A_272 : memref<1x128xi32, #tpu.memory_space<vmem>> -> memref<128xi32, #tpu.memory_space<vmem>>
        %dma_start3A_274 = arith.constant 0 : i32
        %dma_start3A_275 = arith.constant 0 : i32
        %dma_start3A_276 = tpu.memref_slice %arg3[%dma_start3A_274, %dma_start3A_275] : memref<1000000x64xf32, #tpu.memory_space<hbm>> -> memref<1000000x64xf32, #tpu.memory_space<hbm>>
        tpu.enqueue_indirect_dma source(%dma_start3A_276 : memref<1000000x64xf32, #tpu.memory_space<hbm>>) target(%dma_start3A_270 : memref<128x64xf32, #tpu.memory_space<vmem>>) offsets(%dma_start3A_273 : memref<128xi32, #tpu.memory_space<vmem>>) semaphore(%arg11 : memref<!tpu.dma_semaphore, #tpu.memory_space<semaphore_mem>>)
      } else {
      }
      %add3A_108 = arith.constant 2 : i32
      %add3A_109 = arith.addi %scan3A_86, %add3A_108 : i32
      %lt3A_110 = arith.constant 200 : i32
      %lt3A_111 = arith.cmpi slt, %add3A_109, %lt3A_110 : i32
      %convert_element_type3A_112 = arith.extui %lt3A_111 : i1 to i32
      %cond3A_113 = arith.constant 0 : i32
      %cond3A_114 = arith.cmpi ne, %convert_element_type3A_112, %cond3A_113 : i32
      scf.if %cond3A_114 {
        %add3A_249 = arith.constant 2 : i32
        %add3A_250 = arith.addi %scan3A_86, %add3A_249 : i32
        %add3A_251 = arith.addi %mul3A_2, %add3A_250 : i32
        %div3A_252 = arith.constant 32 : i32
        %div3A_253 = arith.divsi %add3A_251, %div3A_252 : i32
        %rem3A_254 = arith.constant 32 : i32
        %rem3A_255 = arith.remsi %add3A_251, %rem3A_254 : i32
        %mul3A_256 = arith.constant 128 : i32
        %mul3A_257 = arith.muli %rem3A_255, %mul3A_256 : i32
        %dma_start3A_258 = arith.constant 0 : i32
        %dma_start3A_259 = tpu.memref_slice %arg7[%rem3A_88, %dma_start3A_258] : memref<2x128xi32, #tpu.memory_space<vmem>> -> memref<1x128xi32, #tpu.memory_space<vmem>>
        %dma_start3A_260 = tpu.memref_squeeze %dma_start3A_259 : memref<1x128xi32, #tpu.memory_space<vmem>> -> memref<128xi32, #tpu.memory_space<vmem>>
        %dma_start3A_261 = tpu.memref_slice %arg2[%div3A_253, %mul3A_257] : memref<200x4096xi32, #tpu.memory_space<hbm>> -> memref<1x128xi32, #tpu.memory_space<hbm>>
        %dma_start3A_262 = tpu.memref_squeeze %dma_start3A_261 : memref<1x128xi32, #tpu.memory_space<hbm>> -> memref<128xi32, #tpu.memory_space<hbm>>
        %dma_start3A_263 = arith.constant 0 : i32
        %dma_start3A_264 = tpu.memref_slice %arg7[%rem3A_88, %dma_start3A_263] : memref<2x128xi32, #tpu.memory_space<vmem>> -> memref<1x128xi32, #tpu.memory_space<vmem>>
        %dma_start3A_265 = tpu.memref_squeeze %dma_start3A_264 : memref<1x128xi32, #tpu.memory_space<vmem>> -> memref<128xi32, #tpu.memory_space<vmem>>
        %dma_start3A_266 = tpu.memref_slice %arg2[%div3A_253, %mul3A_257] : memref<200x4096xi32, #tpu.memory_space<hbm>> -> memref<1x128xi32, #tpu.memory_space<hbm>>
        %dma_start3A_267 = tpu.memref_squeeze %dma_start3A_266 : memref<1x128xi32, #tpu.memory_space<hbm>> -> memref<128xi32, #tpu.memory_space<hbm>>
        tpu.enqueue_dma source(%dma_start3A_267 : memref<128xi32, #tpu.memory_space<hbm>>) target(%dma_start3A_265 : memref<128xi32, #tpu.memory_space<vmem>>) target_semaphore(%arg10 : memref<!tpu.dma_semaphore, #tpu.memory_space<semaphore_mem>>)
      } else {
      }
      %ge3A = arith.constant 2 : i32
      %ge3A_115 = arith.cmpi sge, %scan3A_86, %ge3A : i32
      %convert_element_type3A_116 = arith.extui %ge3A_115 : i1 to i32
      %cond3A_117 = arith.constant 0 : i32
      %cond3A_118 = arith.cmpi ne, %convert_element_type3A_116, %cond3A_117 : i32
      scf.if %cond3A_118 {
        %dma_wait3A_249 = arith.constant 0 : i32
        %dma_wait3A_250 = arith.constant 0 : i32
        %dma_wait3A_251 = arith.constant 0 : i32
        %dma_wait3A_252 = tpu.memref_slice %arg9[%dma_wait3A_249, %dma_wait3A_250, %dma_wait3A_251] : memref<2x64x129xf32, #tpu.memory_space<vmem>> -> memref<1x64x128xf32, #tpu.memory_space<vmem>>
        %dma_wait3A_253 = tpu.memref_squeeze %dma_wait3A_252 : memref<1x64x128xf32, #tpu.memory_space<vmem>> -> memref<64x128xf32, #tpu.memory_space<vmem>>
        %dma_wait3A_254 = arith.constant 0 : i32
        %dma_wait3A_255 = arith.constant 0 : i32
        %dma_wait3A_256 = tpu.memref_slice %arg5[%dma_wait3A_254, %dma_wait3A_255] : memref<409600x128xf32, #tpu.memory_space<hbm>> -> memref<64x128xf32, #tpu.memory_space<hbm>>
        %dma_wait3A_257 = arith.constant 0 : i32
        %dma_wait3A_258 = arith.constant 0 : i32
        %dma_wait3A_259 = tpu.memref_slice %arg5[%dma_wait3A_257, %dma_wait3A_258] : memref<409600x128xf32, #tpu.memory_space<hbm>> -> memref<64x128xf32, #tpu.memory_space<hbm>>
        %dma_wait3A_260 = arith.constant 0 : i32
        %dma_wait3A_261 = arith.constant 0 : i32
        %dma_wait3A_262 = tpu.memref_slice %arg9[%dma_wait3A_249, %dma_wait3A_260, %dma_wait3A_261] : memref<2x64x129xf32, #tpu.memory_space<vmem>> -> memref<1x64x128xf32, #tpu.memory_space<vmem>>
        %dma_wait3A_263 = tpu.memref_squeeze %dma_wait3A_262 : memref<1x64x128xf32, #tpu.memory_space<vmem>> -> memref<64x128xf32, #tpu.memory_space<vmem>>
        tpu.wait_dma2 semaphore(%arg12 : memref<!tpu.dma_semaphore, #tpu.memory_space<semaphore_mem>>) src(%dma_wait3A_263 : memref<64x128xf32, #tpu.memory_space<vmem>>) dst(%dma_wait3A_259 : memref<64x128xf32, #tpu.memory_space<hbm>>)
      } else {
      }
      %get3A = arith.index_cast %div3A_91 : i32 to index
      %get3A_119 = arith.constant 0 : index
      %get3A_120 = tpu.vector_load %arg6[%get3A, %get3A_119] {strides = array<i32>} : memref<200x64xf32, #tpu.memory_space<vmem>>, vector<16xf32>,
      %get3A_121 = arith.index_cast %div3A_91 : i32 to index
      %get3A_122 = arith.constant 16 : index
      %get3A_123 = tpu.vector_load %arg6[%get3A_121, %get3A_122] {strides = array<i32>} : memref<200x64xf32, #tpu.memory_space<vmem>>, vector<16xf32>,
      %get3A_124 = arith.index_cast %div3A_91 : i32 to index
      %get3A_125 = arith.constant 32 : index
      %get3A_126 = tpu.vector_load %arg6[%get3A_124, %get3A_125] {strides = array<i32>} : memref<200x64xf32, #tpu.memory_space<vmem>>, vector<16xf32>,
      %get3A_127 = arith.index_cast %div3A_91 : i32 to index
      %get3A_128 = arith.constant 48 : index
      %get3A_129 = tpu.vector_load %arg6[%get3A_127, %get3A_128] {strides = array<i32>} : memref<200x64xf32, #tpu.memory_space<vmem>>, vector<16xf32>,
      %parallel_loop3A = arith.constant 0 : i32
      %parallel_loop3A_130 = arith.constant 128 : i32
      %parallel_loop3A_131 = arith.constant 1 : i32
      scf.for %parallel_loop3A_249 = %parallel_loop3A to %parallel_loop3A_130 step %parallel_loop3A_131  : i32 {
        %parallel_loop3A_250 = vector.broadcast %parallel_loop3A_249 : i32 to vector<16xi32>
        %parallel_loop3A_251 = arith.index_cast %rem3A_88 : i32 to index
        %parallel_loop3A_252 = arith.index_cast %parallel_loop3A_249 : i32 to index
        %parallel_loop3A_253 = arith.constant 0 : index
        %parallel_loop3A_254 = tpu.vector_load %arg8[%parallel_loop3A_251, %parallel_loop3A_252, %parallel_loop3A_253] {strides = array<i32>} : memref<2x128x64xf32, #tpu.memory_space<vmem>>, vector<16xf32>,
        %parallel_loop3A_255 = arith.addf %parallel_loop3A_254, %get3A_120 : vector<16xf32>
        %parallel_loop3A_256 = arith.constant 0 : i32
        %parallel_loop3A_257 = arith.constant 0 : i32
        %parallel_loop3A_258 = tpu.memref_slice %arg9[%rem3A_88, %parallel_loop3A_256, %parallel_loop3A_257] : memref<2x64x129xf32, #tpu.memory_space<vmem>> -> memref<1x64x129xf32, #tpu.memory_space<vmem>>
        %parallel_loop3A_259 = tpu.memref_squeeze %parallel_loop3A_258 : memref<1x64x129xf32, #tpu.memory_space<vmem>> -> memref<64x129xf32, #tpu.memory_space<vmem>>
        tpu.vector_store_idx %parallel_loop3A_259[%add3A_5, %parallel_loop3A_250], %parallel_loop3A_255 : memref<64x129xf32, #tpu.memory_space<vmem>>[vector<16xi32>, vector<16xi32>], vector<16xf32>,
        %parallel_loop3A_260 = arith.index_cast %rem3A_88 : i32 to index
        %parallel_loop3A_261 = arith.index_cast %parallel_loop3A_249 : i32 to index
        %parallel_loop3A_262 = arith.constant 16 : index
        %parallel_loop3A_263 = tpu.vector_load %arg8[%parallel_loop3A_260, %parallel_loop3A_261, %parallel_loop3A_262] {strides = array<i32>} : memref<2x128x64xf32, #tpu.memory_space<vmem>>, vector<16xf32>,
        %parallel_loop3A_264 = arith.addf %parallel_loop3A_263, %get3A_123 : vector<16xf32>
        %parallel_loop3A_265 = arith.constant 0 : i32
        %parallel_loop3A_266 = arith.constant 0 : i32
        %parallel_loop3A_267 = tpu.memref_slice %arg9[%rem3A_88, %parallel_loop3A_265, %parallel_loop3A_266] : memref<2x64x129xf32, #tpu.memory_space<vmem>> -> memref<1x64x129xf32, #tpu.memory_space<vmem>>
        %parallel_loop3A_268 = tpu.memref_squeeze %parallel_loop3A_267 : memref<1x64x129xf32, #tpu.memory_space<vmem>> -> memref<64x129xf32, #tpu.memory_space<vmem>>
        tpu.vector_store_idx %parallel_loop3A_268[%add3A_9, %parallel_loop3A_250], %parallel_loop3A_264 : memref<64x129xf32, #tpu.memory_space<vmem>>[vector<16xi32>, vector<16xi32>], vector<16xf32>,
        %parallel_loop3A_269 = arith.index_cast %rem3A_88 : i32 to index
        %parallel_loop3A_270 = arith.index_cast %parallel_loop3A_249 : i32 to index
        %parallel_loop3A_271 = arith.constant 32 : index
        %parallel_loop3A_272 = tpu.vector_load %arg8[%parallel_loop3A_269, %parallel_loop3A_270, %parallel_loop3A_271] {strides = array<i32>} : memref<2x128x64xf32, #tpu.memory_space<vmem>>, vector<16xf32>,
        %parallel_loop3A_273 = arith.addf %parallel_loop3A_272, %get3A_126 : vector<16xf32>
        %parallel_loop3A_274 = arith.constant 0 : i32
        %parallel_loop3A_275 = arith.constant 0 : i32
        %parallel_loop3A_276 = tpu.memref_slice %arg9[%rem3A_88, %parallel_loop3A_274, %parallel_loop3A_275] : memref<2x64x129xf32, #tpu.memory_space<vmem>> -> memref<1x64x129xf32, #tpu.memory_space<vmem>>
        %parallel_loop3A_277 = tpu.memref_squeeze %parallel_loop3A_276 : memref<1x64x129xf32, #tpu.memory_space<vmem>> -> memref<64x129xf32, #tpu.memory_space<vmem>>
        tpu.vector_store_idx %parallel_loop3A_277[%add3A_13, %parallel_loop3A_250], %parallel_loop3A_273 : memref<64x129xf32, #tpu.memory_space<vmem>>[vector<16xi32>, vector<16xi32>], vector<16xf32>,
        %parallel_loop3A_278 = arith.index_cast %rem3A_88 : i32 to index
        %parallel_loop3A_279 = arith.index_cast %parallel_loop3A_249 : i32 to index
        %parallel_loop3A_280 = arith.constant 48 : index
        %parallel_loop3A_281 = tpu.vector_load %arg8[%parallel_loop3A_278, %parallel_loop3A_279, %parallel_loop3A_280] {strides = array<i32>} : memref<2x128x64xf32, #tpu.memory_space<vmem>>, vector<16xf32>,
        %parallel_loop3A_282 = arith.addf %parallel_loop3A_281, %get3A_129 : vector<16xf32>
        %parallel_loop3A_283 = arith.constant 0 : i32
        %parallel_loop3A_284 = arith.constant 0 : i32
        %parallel_loop3A_285 = tpu.memref_slice %arg9[%rem3A_88, %parallel_loop3A_283, %parallel_loop3A_284] : memref<2x64x129xf32, #tpu.memory_space<vmem>> -> memref<1x64x129xf32, #tpu.memory_space<vmem>>
        %parallel_loop3A_286 = tpu.memref_squeeze %parallel_loop3A_285 : memref<1x64x129xf32, #tpu.memory_space<vmem>> -> memref<64x129xf32, #tpu.memory_space<vmem>>
        tpu.vector_store_idx %parallel_loop3A_286[%add3A_17, %parallel_loop3A_250], %parallel_loop3A_282 : memref<64x129xf32, #tpu.memory_space<vmem>>[vector<16xi32>, vector<16xi32>], vector<16xf32>,
      } {sc.loop_unroll_factor = 2 : i64, sc.parallel_access}
      %mul3A_132 = arith.constant 2048 : i32
      %mul3A_133 = arith.muli %div3A_91, %mul3A_132 : i32
      %mul3A_134 = arith.constant 8 : i32
      %mul3A_135 = arith.muli %rem3A_93, %mul3A_134 : i32
      %add3A_136 = arith.addi %mul3A_133, %mul3A_135 : i32
      %add3A_137 = arith.constant 0 : i32
      %add3A_138 = arith.addi %add3A_136, %add3A_137 : i32
      %dma_start3A_139 = arith.constant 0 : i32
      %dma_start3A_140 = arith.constant 0 : i32
      %dma_start3A_141 = tpu.memref_slice %arg9[%rem3A_88, %dma_start3A_139, %dma_start3A_140] : memref<2x64x129xf32, #tpu.memory_space<vmem>> -> memref<1x8x128xf32, #tpu.memory_space<vmem>>
      %dma_start3A_142 = tpu.memref_squeeze %dma_start3A_141 : memref<1x8x128xf32, #tpu.memory_space<vmem>> -> memref<8x128xf32, #tpu.memory_space<vmem>>
      %dma_start3A_143 = arith.constant 0 : i32
      %dma_start3A_144 = tpu.memref_slice %arg5[%add3A_138, %dma_start3A_143] : memref<409600x128xf32, #tpu.memory_space<hbm>> -> memref<8x128xf32, #tpu.memory_space<hbm>>
      %dma_start3A_145 = arith.constant 0 : i32
      %dma_start3A_146 = tpu.memref_slice %arg5[%add3A_138, %dma_start3A_145] : memref<409600x128xf32, #tpu.memory_space<hbm>> -> memref<8x128xf32, #tpu.memory_space<hbm>>
      %dma_start3A_147 = arith.constant 0 : i32
      %dma_start3A_148 = arith.constant 0 : i32
      %dma_start3A_149 = tpu.memref_slice %arg9[%rem3A_88, %dma_start3A_147, %dma_start3A_148] : memref<2x64x129xf32, #tpu.memory_space<vmem>> -> memref<1x8x128xf32, #tpu.memory_space<vmem>>
      %dma_start3A_150 = tpu.memref_squeeze %dma_start3A_149 : memref<1x8x128xf32, #tpu.memory_space<vmem>> -> memref<8x128xf32, #tpu.memory_space<vmem>>
      tpu.enqueue_dma source(%dma_start3A_150 : memref<8x128xf32, #tpu.memory_space<vmem>>) target(%dma_start3A_146 : memref<8x128xf32, #tpu.memory_space<hbm>>) target_semaphore(%arg12 : memref<!tpu.dma_semaphore, #tpu.memory_space<semaphore_mem>>)
      %add3A_151 = arith.constant 256 : i32
      %add3A_152 = arith.addi %add3A_136, %add3A_151 : i32
      %dma_start3A_153 = arith.constant 8 : i32
      %dma_start3A_154 = arith.constant 0 : i32
      %dma_start3A_155 = tpu.memref_slice %arg9[%rem3A_88, %dma_start3A_153, %dma_start3A_154] : memref<2x64x129xf32, #tpu.memory_space<vmem>> -> memref<1x8x128xf32, #tpu.memory_space<vmem>>
      %dma_start3A_156 = tpu.memref_squeeze %dma_start3A_155 : memref<1x8x128xf32, #tpu.memory_space<vmem>> -> memref<8x128xf32, #tpu.memory_space<vmem>>
      %dma_start3A_157 = arith.constant 0 : i32
      %dma_start3A_158 = tpu.memref_slice %arg5[%add3A_152, %dma_start3A_157] : memref<409600x128xf32, #tpu.memory_space<hbm>> -> memref<8x128xf32, #tpu.memory_space<hbm>>
      %dma_start3A_159 = arith.constant 0 : i32
      %dma_start3A_160 = tpu.memref_slice %arg5[%add3A_152, %dma_start3A_159] : memref<409600x128xf32, #tpu.memory_space<hbm>> -> memref<8x128xf32, #tpu.memory_space<hbm>>
      %dma_start3A_161 = arith.constant 8 : i32
      %dma_start3A_162 = arith.constant 0 : i32
      %dma_start3A_163 = tpu.memref_slice %arg9[%rem3A_88, %dma_start3A_161, %dma_start3A_162] : memref<2x64x129xf32, #tpu.memory_space<vmem>> -> memref<1x8x128xf32, #tpu.memory_space<vmem>>
      %dma_start3A_164 = tpu.memref_squeeze %dma_start3A_163 : memref<1x8x128xf32, #tpu.memory_space<vmem>> -> memref<8x128xf32, #tpu.memory_space<vmem>>
      tpu.enqueue_dma source(%dma_start3A_164 : memref<8x128xf32, #tpu.memory_space<vmem>>) target(%dma_start3A_160 : memref<8x128xf32, #tpu.memory_space<hbm>>) target_semaphore(%arg12 : memref<!tpu.dma_semaphore, #tpu.memory_space<semaphore_mem>>)
      %add3A_165 = arith.constant 512 : i32
      %add3A_166 = arith.addi %add3A_136, %add3A_165 : i32
      %dma_start3A_167 = arith.constant 16 : i32
      %dma_start3A_168 = arith.constant 0 : i32
      %dma_start3A_169 = tpu.memref_slice %arg9[%rem3A_88, %dma_start3A_167, %dma_start3A_168] : memref<2x64x129xf32, #tpu.memory_space<vmem>> -> memref<1x8x128xf32, #tpu.memory_space<vmem>>
      %dma_start3A_170 = tpu.memref_squeeze %dma_start3A_169 : memref<1x8x128xf32, #tpu.memory_space<vmem>> -> memref<8x128xf32, #tpu.memory_space<vmem>>
      %dma_start3A_171 = arith.constant 0 : i32
      %dma_start3A_172 = tpu.memref_slice %arg5[%add3A_166, %dma_start3A_171] : memref<409600x128xf32, #tpu.memory_space<hbm>> -> memref<8x128xf32, #tpu.memory_space<hbm>>
      %dma_start3A_173 = arith.constant 0 : i32
      %dma_start3A_174 = tpu.memref_slice %arg5[%add3A_166, %dma_start3A_173] : memref<409600x128xf32, #tpu.memory_space<hbm>> -> memref<8x128xf32, #tpu.memory_space<hbm>>
      %dma_start3A_175 = arith.constant 16 : i32
      %dma_start3A_176 = arith.constant 0 : i32
      %dma_start3A_177 = tpu.memref_slice %arg9[%rem3A_88, %dma_start3A_175, %dma_start3A_176] : memref<2x64x129xf32, #tpu.memory_space<vmem>> -> memref<1x8x128xf32, #tpu.memory_space<vmem>>
      %dma_start3A_178 = tpu.memref_squeeze %dma_start3A_177 : memref<1x8x128xf32, #tpu.memory_space<vmem>> -> memref<8x128xf32, #tpu.memory_space<vmem>>
      tpu.enqueue_dma source(%dma_start3A_178 : memref<8x128xf32, #tpu.memory_space<vmem>>) target(%dma_start3A_174 : memref<8x128xf32, #tpu.memory_space<hbm>>) target_semaphore(%arg12 : memref<!tpu.dma_semaphore, #tpu.memory_space<semaphore_mem>>)
      %add3A_179 = arith.constant 768 : i32
      %add3A_180 = arith.addi %add3A_136, %add3A_179 : i32
      %dma_start3A_181 = arith.constant 24 : i32
      %dma_start3A_182 = arith.constant 0 : i32
      %dma_start3A_183 = tpu.memref_slice %arg9[%rem3A_88, %dma_start3A_181, %dma_start3A_182] : memref<2x64x129xf32, #tpu.memory_space<vmem>> -> memref<1x8x128xf32, #tpu.memory_space<vmem>>
      %dma_start3A_184 = tpu.memref_squeeze %dma_start3A_183 : memref<1x8x128xf32, #tpu.memory_space<vmem>> -> memref<8x128xf32, #tpu.memory_space<vmem>>
      %dma_start3A_185 = arith.constant 0 : i32
      %dma_start3A_186 = tpu.memref_slice %arg5[%add3A_180, %dma_start3A_185] : memref<409600x128xf32, #tpu.memory_space<hbm>> -> memref<8x128xf32, #tpu.memory_space<hbm>>
      %dma_start3A_187 = arith.constant 0 : i32
      %dma_start3A_188 = tpu.memref_slice %arg5[%add3A_180, %dma_start3A_187] : memref<409600x128xf32, #tpu.memory_space<hbm>> -> memref<8x128xf32, #tpu.memory_space<hbm>>
      %dma_start3A_189 = arith.constant 24 : i32
      %dma_start3A_190 = arith.constant 0 : i32
      %dma_start3A_191 = tpu.memref_slice %arg9[%rem3A_88, %dma_start3A_189, %dma_start3A_190] : memref<2x64x129xf32, #tpu.memory_space<vmem>> -> memref<1x8x128xf32, #tpu.memory_space<vmem>>
      %dma_start3A_192 = tpu.memref_squeeze %dma_start3A_191 : memref<1x8x128xf32, #tpu.memory_space<vmem>> -> memref<8x128xf32, #tpu.memory_space<vmem>>
      tpu.enqueue_dma source(%dma_start3A_192 : memref<8x128xf32, #tpu.memory_space<vmem>>) target(%dma_start3A_188 : memref<8x128xf32, #tpu.memory_space<hbm>>) target_semaphore(%arg12 : memref<!tpu.dma_semaphore, #tpu.memory_space<semaphore_mem>>)
      %add3A_193 = arith.constant 1024 : i32
      %add3A_194 = arith.addi %add3A_136, %add3A_193 : i32
      %dma_start3A_195 = arith.constant 32 : i32
      %dma_start3A_196 = arith.constant 0 : i32
      %dma_start3A_197 = tpu.memref_slice %arg9[%rem3A_88, %dma_start3A_195, %dma_start3A_196] : memref<2x64x129xf32, #tpu.memory_space<vmem>> -> memref<1x8x128xf32, #tpu.memory_space<vmem>>
      %dma_start3A_198 = tpu.memref_squeeze %dma_start3A_197 : memref<1x8x128xf32, #tpu.memory_space<vmem>> -> memref<8x128xf32, #tpu.memory_space<vmem>>
      %dma_start3A_199 = arith.constant 0 : i32
      %dma_start3A_200 = tpu.memref_slice %arg5[%add3A_194, %dma_start3A_199] : memref<409600x128xf32, #tpu.memory_space<hbm>> -> memref<8x128xf32, #tpu.memory_space<hbm>>
      %dma_start3A_201 = arith.constant 0 : i32
      %dma_start3A_202 = tpu.memref_slice %arg5[%add3A_194, %dma_start3A_201] : memref<409600x128xf32, #tpu.memory_space<hbm>> -> memref<8x128xf32, #tpu.memory_space<hbm>>
      %dma_start3A_203 = arith.constant 32 : i32
      %dma_start3A_204 = arith.constant 0 : i32
      %dma_start3A_205 = tpu.memref_slice %arg9[%rem3A_88, %dma_start3A_203, %dma_start3A_204] : memref<2x64x129xf32, #tpu.memory_space<vmem>> -> memref<1x8x128xf32, #tpu.memory_space<vmem>>
      %dma_start3A_206 = tpu.memref_squeeze %dma_start3A_205 : memref<1x8x128xf32, #tpu.memory_space<vmem>> -> memref<8x128xf32, #tpu.memory_space<vmem>>
      tpu.enqueue_dma source(%dma_start3A_206 : memref<8x128xf32, #tpu.memory_space<vmem>>) target(%dma_start3A_202 : memref<8x128xf32, #tpu.memory_space<hbm>>) target_semaphore(%arg12 : memref<!tpu.dma_semaphore, #tpu.memory_space<semaphore_mem>>)
      %add3A_207 = arith.constant 1280 : i32
      %add3A_208 = arith.addi %add3A_136, %add3A_207 : i32
      %dma_start3A_209 = arith.constant 40 : i32
      %dma_start3A_210 = arith.constant 0 : i32
      %dma_start3A_211 = tpu.memref_slice %arg9[%rem3A_88, %dma_start3A_209, %dma_start3A_210] : memref<2x64x129xf32, #tpu.memory_space<vmem>> -> memref<1x8x128xf32, #tpu.memory_space<vmem>>
      %dma_start3A_212 = tpu.memref_squeeze %dma_start3A_211 : memref<1x8x128xf32, #tpu.memory_space<vmem>> -> memref<8x128xf32, #tpu.memory_space<vmem>>
      %dma_start3A_213 = arith.constant 0 : i32
      %dma_start3A_214 = tpu.memref_slice %arg5[%add3A_208, %dma_start3A_213] : memref<409600x128xf32, #tpu.memory_space<hbm>> -> memref<8x128xf32, #tpu.memory_space<hbm>>
      %dma_start3A_215 = arith.constant 0 : i32
      %dma_start3A_216 = tpu.memref_slice %arg5[%add3A_208, %dma_start3A_215] : memref<409600x128xf32, #tpu.memory_space<hbm>> -> memref<8x128xf32, #tpu.memory_space<hbm>>
      %dma_start3A_217 = arith.constant 40 : i32
      %dma_start3A_218 = arith.constant 0 : i32
      %dma_start3A_219 = tpu.memref_slice %arg9[%rem3A_88, %dma_start3A_217, %dma_start3A_218] : memref<2x64x129xf32, #tpu.memory_space<vmem>> -> memref<1x8x128xf32, #tpu.memory_space<vmem>>
      %dma_start3A_220 = tpu.memref_squeeze %dma_start3A_219 : memref<1x8x128xf32, #tpu.memory_space<vmem>> -> memref<8x128xf32, #tpu.memory_space<vmem>>
      tpu.enqueue_dma source(%dma_start3A_220 : memref<8x128xf32, #tpu.memory_space<vmem>>) target(%dma_start3A_216 : memref<8x128xf32, #tpu.memory_space<hbm>>) target_semaphore(%arg12 : memref<!tpu.dma_semaphore, #tpu.memory_space<semaphore_mem>>)
      %add3A_221 = arith.constant 1536 : i32
      %add3A_222 = arith.addi %add3A_136, %add3A_221 : i32
      %dma_start3A_223 = arith.constant 48 : i32
      %dma_start3A_224 = arith.constant 0 : i32
      %dma_start3A_225 = tpu.memref_slice %arg9[%rem3A_88, %dma_start3A_223, %dma_start3A_224] : memref<2x64x129xf32, #tpu.memory_space<vmem>> -> memref<1x8x128xf32, #tpu.memory_space<vmem>>
      %dma_start3A_226 = tpu.memref_squeeze %dma_start3A_225 : memref<1x8x128xf32, #tpu.memory_space<vmem>> -> memref<8x128xf32, #tpu.memory_space<vmem>>
      %dma_start3A_227 = arith.constant 0 : i32
      %dma_start3A_228 = tpu.memref_slice %arg5[%add3A_222, %dma_start3A_227] : memref<409600x128xf32, #tpu.memory_space<hbm>> -> memref<8x128xf32, #tpu.memory_space<hbm>>
      %dma_start3A_229 = arith.constant 0 : i32
      %dma_start3A_230 = tpu.memref_slice %arg5[%add3A_222, %dma_start3A_229] : memref<409600x128xf32, #tpu.memory_space<hbm>> -> memref<8x128xf32, #tpu.memory_space<hbm>>
      %dma_start3A_231 = arith.constant 48 : i32
      %dma_start3A_232 = arith.constant 0 : i32
      %dma_start3A_233 = tpu.memref_slice %arg9[%rem3A_88, %dma_start3A_231, %dma_start3A_232] : memref<2x64x129xf32, #tpu.memory_space<vmem>> -> memref<1x8x128xf32, #tpu.memory_space<vmem>>
      %dma_start3A_234 = tpu.memref_squeeze %dma_start3A_233 : memref<1x8x128xf32, #tpu.memory_space<vmem>> -> memref<8x128xf32, #tpu.memory_space<vmem>>
      tpu.enqueue_dma source(%dma_start3A_234 : memref<8x128xf32, #tpu.memory_space<vmem>>) target(%dma_start3A_230 : memref<8x128xf32, #tpu.memory_space<hbm>>) target_semaphore(%arg12 : memref<!tpu.dma_semaphore, #tpu.memory_space<semaphore_mem>>)
      %add3A_235 = arith.constant 1792 : i32
      %add3A_236 = arith.addi %add3A_136, %add3A_235 : i32
      %dma_start3A_237 = arith.constant 56 : i32
      %dma_start3A_238 = arith.constant 0 : i32
      %dma_start3A_239 = tpu.memref_slice %arg9[%rem3A_88, %dma_start3A_237, %dma_start3A_238] : memref<2x64x129xf32, #tpu.memory_space<vmem>> -> memref<1x8x128xf32, #tpu.memory_space<vmem>>
      %dma_start3A_240 = tpu.memref_squeeze %dma_start3A_239 : memref<1x8x128xf32, #tpu.memory_space<vmem>> -> memref<8x128xf32, #tpu.memory_space<vmem>>
      %dma_start3A_241 = arith.constant 0 : i32
      %dma_start3A_242 = tpu.memref_slice %arg5[%add3A_236, %dma_start3A_241] : memref<409600x128xf32, #tpu.memory_space<hbm>> -> memref<8x128xf32, #tpu.memory_space<hbm>>
      %dma_start3A_243 = arith.constant 0 : i32
      %dma_start3A_244 = tpu.memref_slice %arg5[%add3A_236, %dma_start3A_243] : memref<409600x128xf32, #tpu.memory_space<hbm>> -> memref<8x128xf32, #tpu.memory_space<hbm>>
      %dma_start3A_245 = arith.constant 56 : i32
      %dma_start3A_246 = arith.constant 0 : i32
      %dma_start3A_247 = tpu.memref_slice %arg9[%rem3A_88, %dma_start3A_245, %dma_start3A_246] : memref<2x64x129xf32, #tpu.memory_space<vmem>> -> memref<1x8x128xf32, #tpu.memory_space<vmem>>
      %dma_start3A_248 = tpu.memref_squeeze %dma_start3A_247 : memref<1x8x128xf32, #tpu.memory_space<vmem>> -> memref<8x128xf32, #tpu.memory_space<vmem>>
      tpu.enqueue_dma source(%dma_start3A_248 : memref<8x128xf32, #tpu.memory_space<vmem>>) target(%dma_start3A_244 : memref<8x128xf32, #tpu.memory_space<hbm>>) target_semaphore(%arg12 : memref<!tpu.dma_semaphore, #tpu.memory_space<semaphore_mem>>)
    }
    %scan3A_56 = arith.constant 200 : i32
    %dma_wait3A = arith.constant 0 : i32
    %dma_wait3A_57 = arith.constant 0 : i32
    %dma_wait3A_58 = arith.constant 0 : i32
    %dma_wait3A_59 = tpu.memref_slice %arg9[%dma_wait3A, %dma_wait3A_57, %dma_wait3A_58] : memref<2x64x129xf32, #tpu.memory_space<vmem>> -> memref<1x64x128xf32, #tpu.memory_space<vmem>>
    %dma_wait3A_60 = tpu.memref_squeeze %dma_wait3A_59 : memref<1x64x128xf32, #tpu.memory_space<vmem>> -> memref<64x128xf32, #tpu.memory_space<vmem>>
    %dma_wait3A_61 = arith.constant 0 : i32
    %dma_wait3A_62 = arith.constant 0 : i32
    %dma_wait3A_63 = tpu.memref_slice %arg5[%dma_wait3A_61, %dma_wait3A_62] : memref<409600x128xf32, #tpu.memory_space<hbm>> -> memref<64x128xf32, #tpu.memory_space<hbm>>
    %dma_wait3A_64 = arith.constant 0 : i32
    %dma_wait3A_65 = arith.constant 0 : i32
    %dma_wait3A_66 = tpu.memref_slice %arg5[%dma_wait3A_64, %dma_wait3A_65] : memref<409600x128xf32, #tpu.memory_space<hbm>> -> memref<64x128xf32, #tpu.memory_space<hbm>>
    %dma_wait3A_67 = arith.constant 0 : i32
    %dma_wait3A_68 = arith.constant 0 : i32
    %dma_wait3A_69 = tpu.memref_slice %arg9[%dma_wait3A, %dma_wait3A_67, %dma_wait3A_68] : memref<2x64x129xf32, #tpu.memory_space<vmem>> -> memref<1x64x128xf32, #tpu.memory_space<vmem>>
    %dma_wait3A_70 = tpu.memref_squeeze %dma_wait3A_69 : memref<1x64x128xf32, #tpu.memory_space<vmem>> -> memref<64x128xf32, #tpu.memory_space<vmem>>
    tpu.wait_dma2 semaphore(%arg12 : memref<!tpu.dma_semaphore, #tpu.memory_space<semaphore_mem>>) src(%dma_wait3A_70 : memref<64x128xf32, #tpu.memory_space<vmem>>) dst(%dma_wait3A_66 : memref<64x128xf32, #tpu.memory_space<hbm>>)
    %dma_wait3A_71 = arith.constant 0 : i32
    %dma_wait3A_72 = arith.constant 0 : i32
    %dma_wait3A_73 = arith.constant 0 : i32
    %dma_wait3A_74 = tpu.memref_slice %arg9[%dma_wait3A_71, %dma_wait3A_72, %dma_wait3A_73] : memref<2x64x129xf32, #tpu.memory_space<vmem>> -> memref<1x64x128xf32, #tpu.memory_space<vmem>>
    %dma_wait3A_75 = tpu.memref_squeeze %dma_wait3A_74 : memref<1x64x128xf32, #tpu.memory_space<vmem>> -> memref<64x128xf32, #tpu.memory_space<vmem>>
    %dma_wait3A_76 = arith.constant 0 : i32
    %dma_wait3A_77 = arith.constant 0 : i32
    %dma_wait3A_78 = tpu.memref_slice %arg5[%dma_wait3A_76, %dma_wait3A_77] : memref<409600x128xf32, #tpu.memory_space<hbm>> -> memref<64x128xf32, #tpu.memory_space<hbm>>
    %dma_wait3A_79 = arith.constant 0 : i32
    %dma_wait3A_80 = arith.constant 0 : i32
    %dma_wait3A_81 = tpu.memref_slice %arg5[%dma_wait3A_79, %dma_wait3A_80] : memref<409600x128xf32, #tpu.memory_space<hbm>> -> memref<64x128xf32, #tpu.memory_space<hbm>>
    %dma_wait3A_82 = arith.constant 0 : i32
    %dma_wait3A_83 = arith.constant 0 : i32
    %dma_wait3A_84 = tpu.memref_slice %arg9[%dma_wait3A_71, %dma_wait3A_82, %dma_wait3A_83] : memref<2x64x129xf32, #tpu.memory_space<vmem>> -> memref<1x64x128xf32, #tpu.memory_space<vmem>>
    %dma_wait3A_85 = tpu.memref_squeeze %dma_wait3A_84 : memref<1x64x128xf32, #tpu.memory_space<vmem>> -> memref<64x128xf32, #tpu.memory_space<vmem>>
    tpu.wait_dma2 semaphore(%arg12 : memref<!tpu.dma_semaphore, #tpu.memory_space<semaphore_mem>>) src(%dma_wait3A_85 : memref<64x128xf32, #tpu.memory_space<vmem>>) dst(%dma_wait3A_81 : memref<64x128xf32, #tpu.memory_space<hbm>>)
    return
  }
}

</mosaic_0001>

<sc_bundles>
// kernel: _sc_embed.4.cloned.1.call-start
scs
__scs_entry_jumppad:
0x0: {  	(pc) =	sbr.rel $0x88, $3  }
0x1: {  	(tag) =	ssettag $0x0;
	lr =	simm.s32 $0x1  }
0x2: {  	[smem:$0x3F9D] =	sst lr;
	_ =	strace $0xD0000000  }
0x3: {  	_ = 	snop  }
0x4: {  	_ = 	snop  }
0x5: {  	_ = 	snop  }
0x6: {  	_ = 	snop  }
0x7: {  	_ = 	snop  }
__scs_overlays_trampoline_lowered:
0x8: {  	[smem:$0x3FAC] =	sst s0  }
0x9: {  	[smem:$0x3FAD] =	sst s1  }
0xa: {  	[smem:$0x3FAE] =	sst s2  }
0xb: {  	[smem:$0x3FAF] =	sst s3  }
0xc: {  	[smem:$0x3FB0] =	sst s4  }
0xd: {  	[smem:$0x3FB1] =	sst s5  }
0xe: {  	[smem:$0x3FB2] =	sst s6  }
0xf: {  	[smem:$0x3FB3] =	sst s7  }
0x10: {  	[smem:$0x3FB4] =	sst s8  }
0x11: {  	[smem:$0x3FB5] =	sst s9;
	s0 =	simm.s32 @!p0 $0x0  }
0x12: {  	s1 =	sld [smem:$0x3F9B];
	s0 =	simm.s32 @p0 $0x1  }
0x13: {  	[smem:$0x3FB6] =	sst s0;
	s0 =	simm.s32 @!p1 $0x0  }
0x14: {  	s2 =	sld [smem:$0x3F9A];
	s0 =	simm.s32 @p1 $0x1  }
0x15: {  	[smem:$0x3FB7] =	sst s0;
	s0 =	simm.s32 @!p2 $0x0  }
0x16: {  	s3 =	sld [smem:$0x3FDB];
	s0 =	simm.s32 @p2 $0x1  }
0x17: {  	s4 =	simm.s32 $0x1BF5;
	[smem:$0x3FB9] =	sst s0  }
0x18: {  	s0 =	sld [smem:$0x3F9C];
	_ =	swait.ge [sflag:s4], $0x0  }
0x19: {  	s7 =	sld [smem:$0x3F9D]  }
0x1a: {  	s8 =	sadd.s32 $0xFFFFE003, lr  }
0x1b: {  	s9 =	sadd.s32 $0xFFFFFEF7, lr;
	s5 =	simm.s32 $0xFFFFFFFF;
	p2 =	slt.u32 s8, $0xFFFFF086  }
0x1c: {  	p1 =	slt.u32 s9, $0xF7A;
	s5 =	simm.s32 @!p2 $0x0  }
0x1d: {  	s5 =	simm.s32 @p1 $0x1;
	p0 =	seq.s32 s7, s2  }
0x1e: {  	s7 =	smul.u32 @!p0 $0xF7A, s2;
	p2 =	seq.s32 @!p0 s5, $0x0  }
0x1f: {  	s9 =	smul.u32 $0xF7A, s1;
	s8 =	simm.s32 @!p0 $0x1BF5;
	p2 =	por !p2, p0  }
0x20: {  	[sflag:s8] =	ssyncset.s32 @!p0 $0xFFFFF086;
	s6 =	sadd.s32 @!p0 s3, s7;
	s7 =	simm.s32 @!p0 $0x108  }
0x21: {  	s3 =	sadd.s32 s3, s9;
	s6 =	sadd.s32 @!p0 $0x88, s6;
	s7 =	simm.s32 @p2 $0x1082  }
0x22: {  	[simem:s7], [sflag:s8] =	dma.local @!p0 [hbm:s6], $0xF7A  }
0x23: {  	s9 =	sor.u32 $0xD0000000, s2;
	s6 =	simm.s32 $0x108;
	_ =	swait.ge @!p0 [sflag:s8], $0x0  }
0x24: {  	s3 =	sadd.s32 $0x88, s3;
	s6 =	simm.s32 @!p1 $0x1082;
	[sflag:s4] =	ssyncset.s32 $0xFFFFF086  }
0x25: {  	[simem:s6], [sflag:s4] =	dma.local [hbm:s3], $0xF7A  }
0x26: {  	[smem:$0x3F9D] =	sst s1;
	(tag) =	ssettag s2;
	_ =	strace s9  }
0x27: {  	s1 =	sld [smem:$0x3FAD]  }
0x28: {  	s2 =	sld [smem:$0x3FAE]  }
0x29: {  	s4 =	sld [smem:$0x3FB0]  }
0x2a: {  	p0 =	seq.s32 s5, $0x0;
	s5 =	sld [smem:$0x3FB1]  }
0x2b: {  	s6 =	sld [smem:$0x3FB2]  }
0x2c: {  	s7 =	sld [smem:$0x3FB3]  }
0x2d: {  	s3 =	simm.s32 $0x108;
	s8 =	sld [smem:$0x3FB4]  }
0x2e: {  	s3 =	simm.s32 @!p0 $0x1082;
	s9 =	sld [smem:$0x3FB5]  }
0x2f: {  	lr =	sadd.s32 s0, s3;
	s0 =	sld [smem:$0x3FAC]  }
0x30: {  	s3 =	sld [smem:$0x3FAF]  }
0x31: {  	[smem:$0x3FB8] =	sst s10  }
0x32: {  	s10 =	sld [smem:$0x3FB6];
	_ =	sdelay $0x3  }
0x33: {  	p0 =	seq.s32 s10, $0x1;
	s10 =	sld [smem:$0x3FB8];
	_ =	sdelay $0x3  }
0x34: {  	[smem:$0x3FB8] =	sst s10  }
0x35: {  	s10 =	sld [smem:$0x3FB7];
	_ =	sdelay $0x3  }
0x36: {  	p1 =	seq.s32 s10, $0x1;
	s10 =	sld [smem:$0x3FB8];
	_ =	sdelay $0x3  }
0x37: {  	[smem:$0x3FB8] =	sst s10  }
0x38: {  	s10 =	sld [smem:$0x3FB9]  }
0x39: {  	_ = 	snop;
	(pc) =	sbr.ind lr, $3  }
0x3a: {  	_ = 	snop  }
0x3b: {  	_ = 	snop  }
0x3c: {  	p2 =	seq.s32 s10, $0x1;
	s10 =	sld [smem:$0x3FB8]  }
0x3d: {  	_ =	shalt  }
0x3e: {  	_ =	shalt  }
0x3f: {  	_ =	shalt  }
0x40: {  	_ =	shalt  }
0x41: {  	_ =	shalt  }
0x42: {  	_ =	shalt  }
0x43: {  	_ =	shalt  }
0x44: {  	_ =	shalt  }
0x45: {  	_ =	shalt  }
0x46: {  	_ =	shalt  }
0x47: {  	_ =	shalt  }
0x48: {  	_ =	shalt  }
0x49: {  	_ =	shalt  }
0x4a: {  	_ =	shalt  }
0x4b: {  	_ =	shalt  }
0x4c: {  	_ =	shalt  }
0x4d: {  	_ =	shalt  }
0x4e: {  	_ =	shalt  }
0x4f: {  	_ =	shalt  }
0x50: {  	_ =	shalt  }
0x51: {  	_ =	shalt  }
0x52: {  	_ =	shalt  }
0x53: {  	_ =	shalt  }
0x54: {  	_ =	shalt  }
0x55: {  	_ =	shalt  }
0x56: {  	_ =	shalt  }
0x57: {  	_ =	shalt  }
0x58: {  	_ =	shalt  }
0x59: {  	_ =	shalt  }
0x5a: {  	_ =	shalt  }
0x5b: {  	_ =	shalt  }
0x5c: {  	_ =	shalt  }
0x5d: {  	_ =	shalt  }
0x5e: {  	_ =	shalt  }
0x5f: {  	_ =	shalt  }
0x60: {  	_ =	shalt  }
0x61: {  	_ =	shalt  }
0x62: {  	_ =	shalt  }
0x63: {  	_ =	shalt  }
0x64: {  	_ =	shalt  }
0x65: {  	_ =	shalt  }
0x66: {  	_ =	shalt  }
0x67: {  	_ =	shalt  }
0x68: {  	_ =	shalt  }
0x69: {  	_ =	shalt  }
0x6a: {  	_ =	shalt  }
0x6b: {  	_ =	shalt  }
0x6c: {  	_ =	shalt  }
0x6d: {  	_ =	shalt  }
0x6e: {  	_ =	shalt  }
0x6f: {  	_ =	shalt  }
0x70: {  	_ =	shalt  }
0x71: {  	_ =	shalt  }
0x72: {  	_ =	shalt  }
0x73: {  	_ =	shalt  }
0x74: {  	_ =	shalt  }
0x75: {  	_ =	shalt  }
0x76: {  	_ =	shalt  }
0x77: {  	_ =	shalt  }
0x78: {  	_ =	shalt  }
0x79: {  	_ =	shalt  }
0x7a: {  	_ =	shalt  }
0x7b: {  	_ =	shalt  }
0x7c: {  	_ =	shalt  }
0x7d: {  	_ =	shalt  }
0x7e: {  	_ =	shalt  }
0x7f: {  	_ =	shalt  }
0x80: {  	_ =	shalt  }
0x81: {  	_ =	shalt  }
0x82: {  	_ =	shalt  }
0x83: {  	_ =	shalt  }
0x84: {  	_ =	shalt  }
0x85: {  	_ =	shalt  }
0x86: {  	_ =	shalt  }
0x87: {  	_ =	shalt  }
.Lfunc_end0:
.L_simem_size_0:
called_computation_lowered:
.L_overlay_start_0:
0x88: {  	s2 =	sld [smem:$0x3FD9]  }
0x89: {  	s3 =	sld [smem:$0x3FFE];
	_ =	sdelay $0x1  }
0x8a: {  	s1 =	srdreg.scid  }
0x8b: {  	s0 =	sand.u32 $0x1, s1  }
0x8c: {  	s17 =	sshll.u32 s0, $0xA;
	s2 =	sadd.s32 s3, s2  }
0x8d: {  	s2 =	sadd.s32 s2, s17  }
0x8e: {  	[smem:$0x3FC4] =	sst s2  }
0x8f: {  	_ = 	snop  }
0x90: {  	s2 =	sld [smem:$0x3FC9]  }
0x91: {  	s18 =	sld [smem:$0x3FC8];
	(tm) =	ssettm $0x1  }
0x92: {  	s4 =	sld [smem:$0x3FFB];
	_ =	sdelay $0x3  }
0x93: {  	_ =	strace s4  }
0x94: {  	s4 =	sld [smem:$0x3FFC];
	_ =	sdelay $0x3  }
0x95: {  	_ =	strace s4  }
0x96: {  	s4 =	sld [smem:$0x3FFD];
	_ =	sdelay $0x3  }
0x97: {  	_ =	strace s4  }
0x98: {  	_ =	strace $0x8FFFFFFF  }
0x99: {  	s19 =	sld [smem:$0x3FDB];
	_ =	sdelay $0x1  }
0x9a: {  	s5 =	simm.s32 $_scs_section_size  }
0x9b: {  	s6 =	simm.s32 $_size__tile_overlayer_lowered;
	s7 =	simm.s32 $_tile_overlayer_lowered  }
0x9c: {  	s22 =	simm.s32 $0x1BFF;
	s21 =	sshll.u32 s7, $0x1;
	s4 =	sadd.s32 s5, s19  }
0x9d: {  	s8 =	simm.s32 $0x0;
	s20 =	sshll.u32 s6, $0x1;
	s6 =	sadd.s32 s21, s4  }
0x9e: {  	[timem:s8], [sflag:s22] =	dma.local [hbm:s6], s20  }
0x9f: {  	_ =	swait.ge [sflag:s22], s20  }
0xa0: {  	s5 =	ssub.s32 $0x0, s20;
	[sflag:s22] =	ssyncset.done $0x0  }
0xa1: {  	[sflag:s22] =	ssyncadd.s32 s5;
	_ =	sdelay $0x1  }
0xa2: {  	s23 =	simm.s32 $0x1B8B  }
0xa3: {  	_ =	swait.ge [sflag:s23], $0x1  }
0xa4: {  	[sflag:s23] =	ssyncset.done $0x0  }
0xa5: {  	s25 =	simm.s32 $0x1B8E;
	s24 =	sld [smem:$0x3FFE];
	[sflag:s23] =	ssyncadd.s32 $0xFFFFFFFF  }
0xa6: {  	s26 =	simm.s32 $execute0_lowered;
	[smem:$0x3FD2] =	sst s25  }
0xa7: {  	s6 =	sshll.u32 s26, $0x1;
	_ =	strace $0x80000046;
	[dreg:$0x1] =	wrdreg $0xFFFFFFFF  }
0xa8: {  	s28 =	simm.s32 $_size_execute0_lowered;
	s4 =	sadd.s32 s4, s6;
	[dreg:$0x0] =	wrdreg $0x0  }
0xa9: {  	s6 =	sshll.u32 s28, $0x1;
	[dreg:$0x2] =	wrdreg s4  }
0xaa: {  	[dreg:$0x3] =	wrdreg s6  }
0xab: {  	[dreg:$0x4] =	wrdreg $0xC0  }
0xac: {  	_ =	task [dreg:s8], $0x5FFFF  }
0xad: {  	[dreg:$0x1] =	wrdreg $0xFFFFFFFF  }
0xae: {  	[dreg:$0x0] =	wrdreg $0x60  }
0xaf: {  	[dreg:$0x2] =	wrdreg s2  }
0xb0: {  	[dreg:$0x3] =	wrdreg s18  }
0xb1: {  	[dreg:$0x4] =	wrdreg s24  }
0xb2: {  	[dreg:$0x5] =	wrdreg $0x9  }
0xb3: {  	_ =	task.clear_ibuf [dreg:s8], $0x6FFFF;
	_ =	strace $0x90000046  }
0xb4: {  	s29 =	simm.s32 $0x9;
	_ =	strace $0x80000048  }
0xb5: {  	_ =	swait.ge [sflag:s29], $0x1  }
0xb6: {  	[sflag:s29] =	ssyncadd.s32 $0xFFFFFFFF  }
0xb7: {  	_ =	strace $0x90000048  }
0xb8: {  	_ =	sfence  }
0xb9: {  	s30 =	sld [smem:$0x0];
	_ =	sdelay $0x2  }
0xba: {  	s31 =	sshll.u32 s1, $0xD;
	s1 =	sshrl.u32 s1, $0x2  }
0xbb: {  	s3 =	sand.u32 $0x4000, s31;
	s1 =	sadd.s32 s1, s30  }
0xbc: {  	s0 =	sor.u32 s3, s0;
	s1 =	sshll.u32 s1, $0x11  }
0xbd: {  	s0 =	sor.u32 s1, s0  }
0xbe: {  	s0 =	sadd.s32 $0x8F2B, s0  }
0xbf: {  	[sflag:s0] =	ssyncadd.remote.s32 $0x1  }
0xc0: {  	_ =	sfence.sel $0xFFFF  }
0xc1: {  	[dreg:$0x0] =	wrdreg $0xFFFFFFFF;
	(pc) =	sbr.abs _section_cstart, $3  }
0xc2: {  	[dreg:$0x1] =	wrdreg $0xFFFFFFFF  }
0xc3: {  	_ =	task.clear_ibuf [dreg:s8], $0x2FFFF;
	_ =	strace $0x9FFFFFFF  }
0xc4: {  	(tm) =	ssettm $0x7FFFFFFF  }
0xc5: {  	_ =	shalt  }
tec
execute0_lowered:
.L_overlay_start_1:
0x0: {  	(tag) =	ssettag $0x1  }
0x1: {  	v0 =	vimm.s32 $0xB80;
	vm14 =	vcmask $0x300  }
0x2: {  	vm13 =	vcmask $0x704;
	vm12 =	vcmask $0xB08;
	vm11 =	vcmask $0xF0C  }
0x3: {  	vm10 =	vcmask $0x1310;
	vm9 =	vcmask $0x1714;
	vm8 =	vcmask $0x1B18  }
0x4: {  	vm7 =	vcmask $0x1F1C;
	vm6 =	vcmask $0x2320;
	vm4 =	vcmask $0x2724  }
0x5: {  	vm3 =	vcmask $0x2B28;
	vm1 =	vcmask $0x2F2C;
	vm2 =	vcmask $0x3330  }
0x6: {  	vm0 =	vcmask $0x3734;
	v2 =	vimm.s32 $0x1B80;
	vm5 =	vcmask $0x3B38  }
0x7: {  	v3 =	vimm.s32 $0x2B80;
	v4 =	vimm.s32 $0x10FEDCBA;
	v6 =	vimm.s32 $0x98765432  }
0x8: {  	v8 =	vimm.s32 $0x210FEDCB;
	v9 =	vimm.s32 $0xA9876543;
	v10 =	vimm.s32 $0x3210FEDC  }
0x9: {  	v11 =	vimm.s32 $0xBA987654;
	v15 =	vimm.s32 $0x43210FED;
	v17 =	vimm.s32 $0x6543210F  }
0xa: {  	v18 =	vimm.s32 $0xEDCBA987;
	v19 =	vimm.s32 $0xFEDCBA98;
	v0 =	vsel vm14, $0x0, v0  }
0xb: {  	v20 =	vimm.s32 $0x76543210;
	v2 =	vsel vm14, $0x1000, v2;
	v0 =	vsel vm13, $0x80, v0  }
0xc: {  	v4 =	vunpack.c.l.s4.s8 v4;
	v6 =	vunpack.c.l.s4.s8 v6;
	v0 =	vsel vm12, $0x100, v0  }
0xd: {  	v8 =	vunpack.c.l.s4.s8 v8;
	v9 =	vunpack.c.l.s4.s8 v9;
	v0 =	vsel vm11, $0x180, v0  }
0xe: {  	v10 =	vunpack.c.l.s4.s8 v10;
	v11 =	vunpack.c.l.s4.s8 v11;
	v0 =	vsel vm10, $0x200, v0  }
0xf: {  	v15 =	vunpack.c.l.s4.s8 v15;
	v17 =	vunpack.c.l.s4.s8 v17;
	v0 =	vsel vm9, $0x280, v0  }
0x10: {  	v18 =	vunpack.c.l.s4.s8 v18;
	v19 =	vunpack.c.l.s4.s8 v19;
	v0 =	vsel vm8, $0x300, v0  }
0x11: {  	v20 =	vunpack.c.l.s4.s8 v20;
	v2 =	vsel vm13, $0x1080, v2;
	v0 =	vsel vm7, $0x380, v0  }
0x12: {  	v4 =	vunpack.c.0.s8.s32 v4;
	v6 =	vunpack.c.0.s8.s32 v6;
	v0 =	vsel vm6, $0x800, v0  }
0x13: {  	v8 =	vunpack.c.0.s8.s32 v8;
	v9 =	vunpack.c.0.s8.s32 v9;
	v0 =	vsel vm4, $0x880, v0  }
0x14: {  	v10 =	vunpack.c.0.s8.s32 v10;
	v11 =	vunpack.c.0.s8.s32 v11;
	v0 =	vsel vm3, $0x900, v0  }
0x15: {  	v17 =	vunpack.c.0.s8.s32 v17;
	v18 =	vunpack.c.0.s8.s32 v18;
	v0 =	vsel vm1, $0x980, v0  }
0x16: {  	v19 =	vunpack.c.0.s8.s32 v19;
	v20 =	vunpack.c.0.s8.s32 v20;
	v1 =	vsel vm2, $0xA00, v0  }
0x17: {  	v13 =	vcombine.low v6, v4;
	v14 =	vcombine.low v9, v8;
	v1 =	vsel vm0, $0xA80, v1  }
0x18: {  	v23 =	vsel vm5, $0xB00, v1;
	v1 =	vsel vm12, $0x1100, v2;
	v2 =	vsel vm14, $0x2000, v3  }
0x19: {  	v3 =	vimm.s32 $0x3B80;
	v1 =	vsel vm11, $0x1180, v1;
	v2 =	vsel vm13, $0x2080, v2  }
0x1a: {  	v3 =	vsel vm14, $0x3000, v3;
	v1 =	vsel vm10, $0x1200, v1;
	v2 =	vsel vm12, $0x2100, v2  }
0x1b: {  	v3 =	vsel vm13, $0x3080, v3;
	v1 =	vsel vm9, $0x1280, v1;
	v2 =	vsel vm11, $0x2180, v2  }
0x1c: {  	v3 =	vsel vm12, $0x3100, v3;
	v1 =	vsel vm8, $0x1300, v1;
	v2 =	vsel vm10, $0x2200, v2  }
0x1d: {  	v3 =	vsel vm11, $0x3180, v3;
	v1 =	vsel vm7, $0x1380, v1;
	v2 =	vsel vm9, $0x2280, v2  }
0x1e: {  	v3 =	vsel vm10, $0x3200, v3;
	v1 =	vsel vm6, $0x1800, v1;
	v2 =	vsel vm8, $0x2300, v2  }
0x1f: {  	v3 =	vsel vm9, $0x3280, v3;
	v1 =	vsel vm4, $0x1880, v1;
	v2 =	vsel vm7, $0x2380, v2  }
0x20: {  	v3 =	vsel vm8, $0x3300, v3;
	v1 =	vsel vm3, $0x1900, v1;
	v2 =	vsel vm6, $0x2800, v2  }
0x21: {  	v3 =	vsel vm7, $0x3380, v3;
	v1 =	vsel vm1, $0x1980, v1;
	v2 =	vsel vm4, $0x2880, v2  }
0x22: {  	v3 =	vsel vm6, $0x3800, v3;
	v1 =	vsel vm2, $0x1A00, v1;
	v2 =	vsel vm3, $0x2900, v2  }
0x23: {  	v3 =	vsel vm4, $0x3880, v3;
	v1 =	vsel vm0, $0x1A80, v1;
	v2 =	vsel vm1, $0x2980, v2  }
0x24: {  	v24 =	vsel vm5, $0x1B00, v1;
	v1 =	vsel vm2, $0x2A00, v2;
	v2 =	vsel vm3, $0x3900, v3  }
0x25: {  	s0 =	rddreg [dreg:$0x0];
	v22 =	vcombine.low v18, v17;
	v1 =	vsel vm0, $0x2A80, v1;
	v2 =	vsel vm1, $0x3980, v2  }
0x26: {  	s1 =	rddreg [dreg:$0x1];
	v19 =	vand.u32 $0xF, v19;
	v25 =	vsel vm5, $0x2B00, v1;
	v1 =	vsel vm2, $0x3A00, v2  }
0x27: {  	s7 =	rddreg [dreg:$0x2];
	s4 =	simm.s32 $0x0;
	v54 =	vcombine.low v17, v18;
	v60 =	vand.u32 $0xF, v13;
	v1 =	vsel vm0, $0x3A80, v1  }
0x28: {  	[smem:$0x7FF] =	sst s4;
	v2 =	vimm.s32 $0xFEDCBA9;
	v55 =	vsel vm5, $0x3B00, v1;
	v1 =	vimm.s32 $0x87654321  }
0x29: {  	s2 =	rddreg [dreg:$0x3];
	_ =	strace $0x80000047;
	v27 =	vand.u32 $0xF, v14;
	[tilespmem:$0x1FF20] =	vst v60;
	v2 =	vunpack.c.l.s4.s8 v2;
	v1 =	vunpack.c.l.s4.s8 v1  }
0x2a: {  	v19 =	vcombine.low v19, v20;
	v13 =	vcombine.low v11, v10;
	v42 =	vand.u32 $0xF, v54;
	[tilespmem:$0x1FF30] =	vst v27  }
0x2b: {  	v62 =	vand.u32 $0xF, v22;
	[tilespmem:$0x1FF60] =	vst v42;
	v2 =	vunpack.c.0.s8.s32 v2;
	v1 =	vunpack.c.0.s8.s32 v1  }
0x2c: {  	v16 =	vimm.s32 $0xCBA98765;
	[tilespmem:$0x1FF90] =	vst v62  }
0x2d: {  	v14 =	vunpack.c.0.s8.s32 v15;
	[tilespmem:$0x1FFC0] =	vst v19;
	v59 =	vand.u32 $0xF, v13;
	v12 =	vcombine.low v1, v2  }
0x2e: {  	v15 =	vimm.s32 $0x543210FE;
	[tilespmem:$0x1FF40] =	vst v59;
	v1 =	vcombine.low v2, v1;
	v2 =	vcombine.low v4, v6  }
0x2f: {  	[tilespmem:$0x1FEF0] =	vst v23;
	v4 =	vcombine.low v8, v9;
	v29 =	vand.u32 $0xF, v12;
	v12 =	vunpack.c.l.s4.s8 v16  }
0x30: {  	v15 =	vunpack.c.l.s4.s8 v15;
	[tilespmem:$0x1FF00] =	vst v55;
	v16 =	vimm.s32 $0xDCBA9876  }
0x31: {  	v48 =	vand.u32 $0xF, v4;
	v16 =	vunpack.c.l.s4.s8 v16;
	[tilespmem:$0x1FF10] =	vst v29;
	v12 =	vunpack.c.0.s8.s32 v12  }
0x32: {  	s5 =	srdreg.scid;
	v15 =	vunpack.c.0.s8.s32 v15;
	v6 =	vcombine.low v10, v11;
	v61 =	vand.u32 $0xF, v2;
	[tilespmem:$0x1FF70] =	vst v48  }
0x33: {  	s3 =	stileid.u32;
	s12 =	simm.s32 $0x7A1400;
	s13 =	simm.s32 $0x1;
	v58 =	vand.u32 $0xF, v1;
	[tilespmem:$0x1FFA0] =	vst v61;
	v16 =	vunpack.c.0.s8.s32 v16;
	v13 =	vcombine.low v12, v14  }
0x34: {  	s14 =	simm.s32 $0x8000;
	s15 =	simm.s32 $0x2;
	s16 =	simm.s32 $0x0;
	v57 =	vand.u32 $0xF, v6;
	[tilespmem:$0x1FFB0] =	vst v58;
	v8 =	vcombine.low v14, v12  }
.Ltmp0:
0x35: {  	s5 =	sand.u32 $0x1, s5;
	s6 =	sshll.u32 s3, $0x1;
	[tilespmem:$0x1FFF0] =	vst v57;
	v1 =	vcombine.low v15, v16;
	v13 =	vand.u32 $0xF, v13;
	(pc) =	sbr.rel .LBB2_1-.Ltmp0, $4  }
0x36: {  	s8 =	ssub.s32 $0x2, s5;
	s5 =	sor.u32 s5, s6;
	s6 =	sadd.s32 $0xC00, s7;
	v21 =	vcombine.low v16, v15;
	v47 =	vand.u32 $0xF, v8;
	[tilespmem:$0x1FF50] =	vst v13  }
0x37: {  	s7 =	sadd.s32 $0x7A1C00, s7;
	s9 =	sshrl.u32 s8, $0x1;
	s10 =	sshll.u32 s5, $0x8;
	v0 =	vlaneseq.u32;
	v51 =	vand.u32 $0xF, v1;
	[tilespmem:$0x1FFE0] =	vst v47  }
0x38: {  	p0 =	sne.s32 s5, $0x1F;
	s11 =	ssub.s32 s8, s9;
	s8 =	sadd.s32 s0, s10;
	v5 =	vor.u32 $0x20, v0;
	v63 =	vand.u32 $0xF, v21;
	[tilespmem:$0x1FF80] =	vst v51  }
0x39: {  	s9 =	sor.u32 $0x20, s5;
	s10 =	smax.u32 s11, $0x1;
	s11 =	simm.s32 $0x800;
	v7 =	vor.u32 $0x30, v0;
	v17 =	vmovc v23;
	v3 =	vor.u32 $0x10, v0;
	v18 =	vmovc v24;
	v20 =	vmov v25;
	[tilespmem:$0x1FFD0] =	vst v63  }
.LBB2_9:
0x3a: {  	s16 =	sadd.s32 $0x1, s16  }
0x3b: {  	_ =	swait.ge [sflag:s15], $0x4000;
	p1 =	sne.s32 s16, s10  }
.Ltmp1:
0x3c: {  	[sflag:s15] =	ssyncset.done $0x0;
	(pc) =	sbr.rel @!p1 .LBB2_10-.Ltmp1, $4  }
0x3d: {  	[sflag:s15] =	ssyncadd.s32 $0xFFFFC000  }
0x3e: {  	_ =	swait.ge [sflag:s15], $0x4000  }
0x3f: {  	[sflag:s15] =	ssyncset.done $0x0  }
0x40: {  	[sflag:s15] =	ssyncadd.s32 $0xFFFFC000  }
.LBB2_1:
0x41: {  	s17 =	simm.s32 @!p0 $0x0;
	s18 =	simm.s32 @!p0 $0x10000;
	s19 =	simm.s32 @!p0 $0x3  }
0x42: {  	[tilespmem:s18], [sflag:$0x3] =	stream.linear.gather @!p0 [hbm4b:s1+s17], $0x1000, $0x38;
	[tilespmem:$0x11000] =	vst v63  }
0x43: {  	_ =	swait.ge @!p0 [sflag:s19], $0x1000  }
0x44: {  	[sflag:s19] =	ssyncset.done @!p0 $0x0  }
0x45: {  	[sflag:s19] =	ssyncadd.s32 @!p0 $0xFFFFF000  }
0x46: {  	[hbm4b:s7+s17] =	stream.linear.scatter @!p0 [tilespmem:s18], [sflag:$0x3], $0x1000, $0x38;
	[tilespmem:$0x11000] =	vst v63  }
.Ltmp2:
0x47: {  	_ = 	snop;
	(pc) =	sbr.rel .LBB2_2-.Ltmp2, $4  }
0x48: {  	_ =	swait.ge @!p0 [sflag:s19], $0x1000  }
0x49: {  	[sflag:s19] =	ssyncset.done @!p0 $0x0  }
0x4a: {  	p1 =	por $0x0, $0x0;
	s17 =	simm.s32 $0x0;
	[sflag:s19] =	ssyncadd.s32 @!p0 $0xFFFFF000  }
0x4b: {  	[tilespmem:s4], [sflag:$0x1] =	stream.strided.gather [hbm4b:s8+s11], $0x4000, s12, s11, $0x38;
	[tilespmem:$0x11000] =	vst v63  }
.LBB2_8:
0x4c: {  	s17 =	sadd.s32 $0x1, s17  }
0x4d: {  	p2 =	sne.s32 s17, $0x7B  }
.Ltmp3:
0x4e: {  	_ = 	snop;
	(pc) =	sbr.rel @!p2 .LBB2_9-.Ltmp3, $2  }
0x4f: {  	_ =	sdelay $0x2  }
0x50: {  	p1 =	por !p1, !p1  }
.LBB2_2:
0x51: {  	s19 =	sshll.u32 s17, $0x5  }
0x52: {  	s18 =	sor.u32 s5, s19  }
0x53: {  	p2 =	sgt.u32 s18, $0xF41  }
.Ltmp4:
0x54: {  	_ = 	snop;
	(pc) =	sbr.rel @p2 .LBB2_8-.Ltmp4, $1  }
0x55: {  	_ =	sdelay $0x3  }
0x56: {  	s20 =	sand.u32 $0x1, s17;
	s19 =	sadd.s32 s9, s19  }
0x57: {  	_ =	swait.ge [sflag:s13], $0x4000;
	s22 =	simm.s32 $0x0;
	p2 =	sgt.u32 s19, $0xF41  }
0x58: {  	[sflag:s13] =	ssyncset.done $0x0;
	v1 =	vmov s22;
	s21 =	sshll.u32 @!p2 s20, $0xE  }
0x59: {  	[sflag:s13] =	ssyncadd.s32 $0xFFFFC000;
	s19 =	sshll.u32 @!p2 s19, $0x8;
	v1 =	vshll.u32 v1, $0x3;
	s23 =	simm.s32 @!p2 $0x800  }
0x5a: {  	v2 =	vor.u32 s22, v0;
	s24 =	simm.s32 @!p2 $0x7A1400;
	s21 =	sxor.u32 @!p2 $0x4000, s21;
	s19 =	sadd.s32 @!p2 s0, s19;
	v1 =	vand.u32 $0x400, v1  }
0x5b: {  	v4 =	vand.u32 $0x7F, v2;
	[tilespmem:s21], [sflag:$0x1] =	stream.strided.gather @!p2 [hbm4b:s19+s23], $0x4000, s24, s23, $0x38;
	v31 =	vor.u32 v17, v1;
	[tilespmem:$0x11000] =	vst v63  }
0x5c: {  	v6 =	vmov s20;
	p2 =	slt.u32 s17, $0x2;
	v8 =	vor.u32 v4, v31  }
0x5d: {  	v6 =	vshll.u32 v6, $0x7;
	v9 =	vshll.u32 v2, $0x6;
	s21 =	simm.s32 @!p2 $0x2  }
0x5e: {  	v23 =	vbroadcast v6, $0x0;
	v6 =	vor.u32 v0, v9;
	_ =	swait.ge @!p2 [sflag:s21], $0x4000  }
0x5f: {  	v2 =	vshll.u32 v2, $0x7;
	v6 =	vand.u32 $0x4F, v6;
	[sflag:s21] =	ssyncset.done @!p2 $0x0  }
0x60: {  	v2 =	vand.u32 $0x7F00, v2;
	s19 =	sshll.u32 s20, $0xE;
	v6 =	vor.u32 v6, v23;
	[sflag:s21] =	ssyncadd.s32 @!p2 $0xFFFFC000  }
0x61: {  	v28 =	vor.u32 v18, v1;
	v6 =	vor.u32 v2, v6;
	v8 =	vld.idx.msk [tilespmem:v8+s19+$0x0], $0xffff  }
0x62: {  	v10 =	vor.u32 v4, v28;
	_ =	sdelay $0x1  }
0x63: {  	v11 =	vor.u32 v3, v9  }
0x64: {  	v11 =	vand.u32 $0x5F, v11  }
0x65: {  	[tilespmem:v6+s14+$0x0] =	vst.idx.msk $0xffff, v8;
	v6 =	vor.u32 v11, v23  }
0x66: {  	v26 =	vor.u32 v20, v1;
	v8 =	vld.idx.msk [tilespmem:v10+s19+$0x0], $0xffff;
	v6 =	vor.u32 v2, v6  }
0x67: {  	v10 =	vor.u32 v4, v26;
	_ =	sdelay $0x1  }
0x68: {  	v11 =	vor.u32 v5, v9  }
0x69: {  	v11 =	vand.u32 $0x6F, v11  }
0x6a: {  	[tilespmem:v6+s14+$0x0] =	vst.idx.msk $0xffff, v8;
	v6 =	vor.u32 v11, v23  }
0x6b: {  	v24 =	vor.u32 v55, v1;
	v8 =	vld.idx.msk [tilespmem:v10+s19+$0x0], $0xffff;
	v1 =	vor.u32 v2, v6  }
0x6c: {  	v4 =	vor.u32 v4, v24;
	_ =	sdelay $0x1  }
0x6d: {  	v6 =	vor.u32 v7, v9  }
0x6e: {  	v6 =	vand.u32 $0x7F, v6  }
0x6f: {  	v9 =	vor.u32 s22, v29;
	[tilespmem:v1+s14+$0x0] =	vst.idx.msk $0xffff, v8;
	v1 =	vor.u32 v6, v23  }
0x70: {  	v6 =	vand.u32 $0x7F, v9;
	v4 =	vld.idx.msk [tilespmem:v4+s19+$0x0], $0xffff;
	v1 =	vor.u32 v2, v1  }
0x71: {  	v2 =	vor.u32 v6, v31  }
0x72: {  	v8 =	vshll.u32 v9, $0x6  }
0x73: {  	v10 =	vor.u32 v0, v8  }
0x74: {  	v9 =	vshll.u32 v9, $0x7;
	v10 =	vand.u32 $0x4F, v10  }
0x75: {  	[tilespmem:v1+s14+$0x0] =	vst.idx.msk $0xffff, v4;
	v1 =	vand.u32 $0x7F00, v9;
	v4 =	vor.u32 v10, v23  }
0x76: {  	v2 =	vld.idx.msk [tilespmem:v2+s19+$0x0], $0xffff;
	v4 =	vor.u32 v1, v4  }
0x77: {  	v9 =	vor.u32 v6, v28;
	_ =	sdelay $0x1  }
0x78: {  	v10 =	vor.u32 v3, v8  }
0x79: {  	v10 =	vand.u32 $0x5F, v10  }
0x7a: {  	[tilespmem:v4+s14+$0x0] =	vst.idx.msk $0xffff, v2;
	v2 =	vor.u32 v10, v23  }
0x7b: {  	v4 =	vld.idx.msk [tilespmem:v9+s19+$0x0], $0xffff;
	v2 =	vor.u32 v1, v2  }
0x7c: {  	v9 =	vor.u32 v6, v26;
	_ =	sdelay $0x1  }
0x7d: {  	v10 =	vor.u32 v5, v8  }
0x7e: {  	v10 =	vand.u32 $0x6F, v10  }
0x7f: {  	[tilespmem:v2+s14+$0x0] =	vst.idx.msk $0xffff, v4;
	v2 =	vor.u32 v10, v23  }
0x80: {  	v4 =	vld.idx.msk [tilespmem:v9+s19+$0x0], $0xffff;
	v2 =	vor.u32 v1, v2  }
0x81: {  	v6 =	vor.u32 v6, v24;
	_ =	sdelay $0x1  }
0x82: {  	v8 =	vor.u32 v7, v8  }
0x83: {  	v8 =	vand.u32 $0x7F, v8  }
0x84: {  	v9 =	vor.u32 s22, v60;
	[tilespmem:v2+s14+$0x0] =	vst.idx.msk $0xffff, v4;
	v2 =	vor.u32 v8, v23  }
0x85: {  	v4 =	vld.idx.msk [tilespmem:v6+s19+$0x0], $0xffff;
	v1 =	vor.u32 v1, v2;
	v2 =	vand.u32 $0x7F, v9  }
0x86: {  	v6 =	vor.u32 v2, v31  }
0x87: {  	v8 =	vshll.u32 v9, $0x6  }
0x88: {  	v10 =	vor.u32 v0, v8  }
0x89: {  	v9 =	vshll.u32 v9, $0x7;
	v10 =	vand.u32 $0x4F, v10  }
0x8a: {  	[tilespmem:v1+s14+$0x0] =	vst.idx.msk $0xffff, v4;
	v1 =	vand.u32 $0x7F00, v9;
	v4 =	vor.u32 v10, v23  }
0x8b: {  	v6 =	vld.idx.msk [tilespmem:v6+s19+$0x0], $0xffff;
	v4 =	vor.u32 v1, v4  }
0x8c: {  	v9 =	vor.u32 v2, v28;
	_ =	sdelay $0x1  }
0x8d: {  	v10 =	vor.u32 v3, v8  }
0x8e: {  	v10 =	vand.u32 $0x5F, v10  }
0x8f: {  	[tilespmem:v4+s14+$0x0] =	vst.idx.msk $0xffff, v6;
	v4 =	vor.u32 v10, v23  }
0x90: {  	v6 =	vld.idx.msk [tilespmem:v9+s19+$0x0], $0xffff;
	v4 =	vor.u32 v1, v4  }
0x91: {  	v9 =	vor.u32 v2, v26;
	_ =	sdelay $0x1  }
0x92: {  	v10 =	vor.u32 v5, v8  }
0x93: {  	v10 =	vand.u32 $0x6F, v10  }
0x94: {  	[tilespmem:v4+s14+$0x0] =	vst.idx.msk $0xffff, v6;
	v4 =	vor.u32 v10, v23  }
0x95: {  	v6 =	vld.idx.msk [tilespmem:v9+s19+$0x0], $0xffff;
	v4 =	vor.u32 v1, v4  }
0x96: {  	v2 =	vor.u32 v2, v24;
	_ =	sdelay $0x1  }
0x97: {  	v8 =	vor.u32 v7, v8  }
0x98: {  	v8 =	vand.u32 $0x7F, v8  }
0x99: {  	v9 =	vor.u32 s22, v27;
	[tilespmem:v4+s14+$0x0] =	vst.idx.msk $0xffff, v6;
	v4 =	vor.u32 v8, v23  }
0x9a: {  	v2 =	vld.idx.msk [tilespmem:v2+s19+$0x0], $0xffff;
	v1 =	vor.u32 v1, v4;
	v4 =	vand.u32 $0x7F, v9  }
0x9b: {  	v6 =	vor.u32 v4, v31  }
0x9c: {  	v8 =	vshll.u32 v9, $0x6  }
0x9d: {  	v10 =	vor.u32 v0, v8  }
0x9e: {  	v9 =	vshll.u32 v9, $0x7;
	v10 =	vand.u32 $0x4F, v10  }
0x9f: {  	[tilespmem:v1+s14+$0x0] =	vst.idx.msk $0xffff, v2;
	v1 =	vand.u32 $0x7F00, v9;
	v2 =	vor.u32 v10, v23  }
0xa0: {  	v6 =	vld.idx.msk [tilespmem:v6+s19+$0x0], $0xffff;
	v2 =	vor.u32 v1, v2  }
0xa1: {  	v9 =	vor.u32 v4, v28;
	_ =	sdelay $0x1  }
0xa2: {  	v10 =	vor.u32 v3, v8  }
0xa3: {  	v10 =	vand.u32 $0x5F, v10  }
0xa4: {  	[tilespmem:v2+s14+$0x0] =	vst.idx.msk $0xffff, v6;
	v2 =	vor.u32 v10, v23  }
0xa5: {  	v6 =	vld.idx.msk [tilespmem:v9+s19+$0x0], $0xffff;
	v2 =	vor.u32 v1, v2  }
0xa6: {  	v9 =	vor.u32 v4, v26;
	_ =	sdelay $0x1  }
0xa7: {  	v10 =	vor.u32 v5, v8  }
0xa8: {  	v10 =	vand.u32 $0x6F, v10  }
0xa9: {  	[tilespmem:v2+s14+$0x0] =	vst.idx.msk $0xffff, v6;
	v2 =	vor.u32 v10, v23  }
0xaa: {  	v6 =	vld.idx.msk [tilespmem:v9+s19+$0x0], $0xffff;
	v2 =	vor.u32 v1, v2  }
0xab: {  	v4 =	vor.u32 v4, v24;
	_ =	sdelay $0x1  }
0xac: {  	v8 =	vor.u32 v7, v8  }
0xad: {  	v8 =	vand.u32 $0x7F, v8  }
0xae: {  	v9 =	vor.u32 s22, v59;
	[tilespmem:v2+s14+$0x0] =	vst.idx.msk $0xffff, v6;
	v2 =	vor.u32 v8, v23  }
0xaf: {  	v4 =	vld.idx.msk [tilespmem:v4+s19+$0x0], $0xffff;
	v1 =	vor.u32 v1, v2;
	v2 =	vand.u32 $0x7F, v9  }
0xb0: {  	v6 =	vor.u32 v2, v31  }
0xb1: {  	v8 =	vshll.u32 v9, $0x6  }
0xb2: {  	v10 =	vor.u32 v0, v8  }
0xb3: {  	v9 =	vshll.u32 v9, $0x7;
	v10 =	vand.u32 $0x4F, v10  }
0xb4: {  	[tilespmem:v1+s14+$0x0] =	vst.idx.msk $0xffff, v4;
	v1 =	vand.u32 $0x7F00, v9;
	v4 =	vor.u32 v10, v23  }
0xb5: {  	v6 =	vld.idx.msk [tilespmem:v6+s19+$0x0], $0xffff;
	v4 =	vor.u32 v1, v4  }
0xb6: {  	v9 =	vor.u32 v2, v28;
	_ =	sdelay $0x1  }
0xb7: {  	v10 =	vor.u32 v3, v8  }
0xb8: {  	v10 =	vand.u32 $0x5F, v10  }
0xb9: {  	[tilespmem:v4+s14+$0x0] =	vst.idx.msk $0xffff, v6;
	v4 =	vor.u32 v10, v23  }
0xba: {  	v6 =	vld.idx.msk [tilespmem:v9+s19+$0x0], $0xffff;
	v4 =	vor.u32 v1, v4  }
0xbb: {  	v9 =	vor.u32 v2, v26;
	_ =	sdelay $0x1  }
0xbc: {  	v10 =	vor.u32 v5, v8  }
0xbd: {  	v10 =	vand.u32 $0x6F, v10  }
0xbe: {  	[tilespmem:v4+s14+$0x0] =	vst.idx.msk $0xffff, v6;
	v4 =	vor.u32 v10, v23  }
0xbf: {  	s20 =	simm.s32 $0x10;
	v6 =	vld.idx.msk [tilespmem:v9+s19+$0x0], $0xffff;
	v4 =	vor.u32 v1, v4  }
0xc0: {  	v2 =	vor.u32 v2, v24;
	v9 =	vmov s20  }
0xc1: {  	v9 =	vshll.u32 v9, $0x3  }
0xc2: {  	v8 =	vor.u32 v7, v8;
	v10 =	vor.u32 s20, v0;
	v9 =	vand.u32 $0x400, v9  }
0xc3: {  	v22 =	vmovc v59;
	v59 =	vmovc v29;
	v8 =	vand.u32 $0x7F, v8;
	v11 =	vand.u32 $0x7F, v10;
	v29 =	vor.u32 v17, v9  }
0xc4: {  	v12 =	vor.u32 s22, v13;
	[tilespmem:v4+s14+$0x0] =	vst.idx.msk $0xffff, v6;
	v4 =	vor.u32 v11, v29;
	v6 =	vor.u32 v8, v23  }
0xc5: {  	v34 =	vmovc v13;
	v13 =	vshll.u32 v10, $0x6;
	v8 =	vand.u32 $0x7F, v12;
	v2 =	vld.idx.msk [tilespmem:v2+s19+$0x0], $0xffff;
	v1 =	vor.u32 v1, v6  }
0xc6: {  	v10 =	vshll.u32 v10, $0x7;
	v15 =	vor.u32 v0, v13;
	v14 =	vor.u32 v8, v31  }
0xc7: {  	v15 =	vand.u32 $0x4F, v15;
	v6 =	vshll.u32 v12, $0x7;
	v12 =	vshll.u32 v12, $0x6  }
0xc8: {  	v10 =	vand.u32 $0x7F00, v10;
	v15 =	vor.u32 v15, v23;
	v16 =	vor.u32 v0, v12  }
0xc9: {  	v30 =	vor.u32 v18, v9;
	v15 =	vor.u32 v10, v15;
	v16 =	vand.u32 $0x4F, v16;
	v4 =	vld.idx.msk [tilespmem:v4+s19+$0x0], $0xffff  }
0xca: {  	[tilespmem:v1+s14+$0x0] =	vst.idx.msk $0xffff, v2;
	v1 =	vor.u32 v11, v30;
	v2 =	vand.u32 $0x7F00, v6;
	v6 =	vor.u32 v16, v23  }
0xcb: {  	v14 =	vld.idx.msk [tilespmem:v14+s19+$0x0], $0xffff;
	v6 =	vor.u32 v2, v6  }
0xcc: {  	v25 =	vor.u32 v8, v28;
	v16 =	vor.u32 v3, v13  }
0xcd: {  	v16 =	vand.u32 $0x5F, v16  }
0xce: {  	v32 =	vor.u32 v3, v12;
	[tilespmem:v15+s14+$0x0] =	vst.idx.msk $0xffff, v4;
	v4 =	vor.u32 v16, v23  }
0xcf: {  	v21 =	vmovc v27;
	v27 =	vor.u32 v20, v9;
	v15 =	vand.u32 $0x5F, v32;
	v1 =	vld.idx.msk [tilespmem:v1+s19+$0x0], $0xffff;
	v4 =	vor.u32 v10, v4  }
0xd0: {  	[tilespmem:v6+s14+$0x0] =	vst.idx.msk $0xffff, v14;
	v6 =	vor.u32 v11, v27;
	v14 =	vor.u32 v15, v23  }
0xd1: {  	v15 =	vld.idx.msk [tilespmem:v25+s19+$0x0], $0xffff;
	v14 =	vor.u32 v2, v14  }
0xd2: {  	v44 =	vor.u32 v8, v26;
	v16 =	vor.u32 v5, v13  }
0xd3: {  	v16 =	vand.u32 $0x6F, v16  }
0xd4: {  	v33 =	vor.u32 v5, v12;
	[tilespmem:v4+s14+$0x0] =	vst.idx.msk $0xffff, v1;
	v1 =	vor.u32 v16, v23  }
0xd5: {  	v25 =	vor.u32 v55, v9;
	v4 =	vld.idx.msk [tilespmem:v6+s19+$0x0], $0xffff;
	v1 =	vor.u32 v10, v1;
	v6 =	vand.u32 $0x6F, v33  }
0xd6: {  	v9 =	vor.u32 v11, v25;
	[tilespmem:v14+s14+$0x0] =	vst.idx.msk $0xffff, v15;
	v6 =	vor.u32 v6, v23  }
0xd7: {  	v11 =	vld.idx.msk [tilespmem:v44+s19+$0x0], $0xffff;
	v6 =	vor.u32 v2, v6  }
0xd8: {  	v8 =	vor.u32 v8, v24;
	v13 =	vor.u32 v7, v13  }
0xd9: {  	v13 =	vand.u32 $0x7F, v13  }
0xda: {  	v14 =	vor.u32 s20, v59;
	[tilespmem:v1+s14+$0x0] =	vst.idx.msk $0xffff, v4;
	v1 =	vor.u32 v13, v23;
	v4 =	vor.u32 v7, v12  }
0xdb: {  	v12 =	vand.u32 $0x7F, v14;
	v9 =	vld.idx.msk [tilespmem:v9+s19+$0x0], $0xffff;
	v1 =	vor.u32 v10, v1;
	v4 =	vand.u32 $0x7F, v4  }
0xdc: {  	v10 =	vor.u32 s22, v63;
	[tilespmem:v6+s14+$0x0] =	vst.idx.msk $0xffff, v11;
	v6 =	vor.u32 v12, v29;
	v4 =	vor.u32 v4, v23  }
0xdd: {  	v13 =	vshll.u32 v14, $0x6;
	v11 =	vand.u32 $0x7F, v10;
	v8 =	vld.idx.msk [tilespmem:v8+s19+$0x0], $0xffff;
	v2 =	vor.u32 v2, v4  }
0xde: {  	v4 =	vor.u32 v0, v13;
	v15 =	vor.u32 v11, v31  }
0xdf: {  	v14 =	vshll.u32 v14, $0x7;
	v16 =	vshll.u32 v10, $0x6;
	v4 =	vand.u32 $0x4F, v4  }
0xe0: {  	v45 =	vor.u32 v0, v16;
	v4 =	vor.u32 v4, v23;
	[tilespmem:v1+s14+$0x0] =	vst.idx.msk $0xffff, v9;
	v1 =	vand.u32 $0x7F00, v14  }
0xe1: {  	v9 =	vshll.u32 v10, $0x7;
	v10 =	vand.u32 $0x4F, v45;
	v6 =	vld.idx.msk [tilespmem:v6+s19+$0x0], $0xffff;
	v4 =	vor.u32 v1, v4  }
0xe2: {  	[tilespmem:v2+s14+$0x0] =	vst.idx.msk $0xffff, v8;
	v2 =	vor.u32 v12, v30;
	v8 =	vand.u32 $0x7F00, v9;
	v9 =	vor.u32 v10, v23  }
0xe3: {  	v10 =	vld.idx.msk [tilespmem:v15+s19+$0x0], $0xffff;
	v9 =	vor.u32 v8, v9  }
0xe4: {  	v14 =	vor.u32 v11, v28;
	v15 =	vor.u32 v3, v13  }
0xe5: {  	v15 =	vand.u32 $0x5F, v15  }
0xe6: {  	[tilespmem:v4+s14+$0x0] =	vst.idx.msk $0xffff, v6;
	v4 =	vor.u32 v15, v23;
	v6 =	vor.u32 v3, v16  }
0xe7: {  	v2 =	vld.idx.msk [tilespmem:v2+s19+$0x0], $0xffff;
	v4 =	vor.u32 v1, v4;
	v6 =	vand.u32 $0x5F, v6  }
0xe8: {  	[tilespmem:v9+s14+$0x0] =	vst.idx.msk $0xffff, v10;
	v9 =	vor.u32 v12, v27;
	v6 =	vor.u32 v6, v23  }
0xe9: {  	v10 =	vld.idx.msk [tilespmem:v14+s19+$0x0], $0xffff;
	v6 =	vor.u32 v8, v6  }
0xea: {  	v15 =	vor.u32 v5, v13;
	v14 =	vor.u32 v11, v26  }
0xeb: {  	v15 =	vand.u32 $0x6F, v15  }
0xec: {  	[tilespmem:v4+s14+$0x0] =	vst.idx.msk $0xffff, v2;
	v2 =	vor.u32 v15, v23;
	v4 =	vor.u32 v5, v16  }
0xed: {  	v9 =	vld.idx.msk [tilespmem:v9+s19+$0x0], $0xffff;
	v2 =	vor.u32 v1, v2;
	v4 =	vand.u32 $0x6F, v4  }
0xee: {  	[tilespmem:v6+s14+$0x0] =	vst.idx.msk $0xffff, v10;
	v6 =	vor.u32 v12, v25;
	v4 =	vor.u32 v4, v23  }
0xef: {  	v10 =	vld.idx.msk [tilespmem:v14+s19+$0x0], $0xffff;
	v4 =	vor.u32 v8, v4  }
0xf0: {  	v11 =	vor.u32 v11, v24;
	v12 =	vor.u32 v7, v13  }
0xf1: {  	v12 =	vand.u32 $0x7F, v12  }
0xf2: {  	v13 =	vor.u32 s20, v60;
	[tilespmem:v2+s14+$0x0] =	vst.idx.msk $0xffff, v9;
	v2 =	vor.u32 v12, v23;
	v9 =	vor.u32 v7, v16  }
0xf3: {  	v6 =	vld.idx.msk [tilespmem:v6+s19+$0x0], $0xffff;
	v1 =	vor.u32 v1, v2;
	v2 =	vand.u32 $0x7F, v13;
	v9 =	vand.u32 $0x7F, v9  }
0xf4: {  	v12 =	vor.u32 s22, v62;
	[tilespmem:v4+s14+$0x0] =	vst.idx.msk $0xffff, v10;
	v4 =	vor.u32 v2, v29;
	v9 =	vor.u32 v9, v23  }
0xf5: {  	v10 =	vld.idx.msk [tilespmem:v11+s19+$0x0], $0xffff;
	v8 =	vor.u32 v8, v9;
	v9 =	vand.u32 $0x7F, v12;
	v11 =	vshll.u32 v13, $0x6  }
0xf6: {  	v14 =	vor.u32 v9, v31;
	v15 =	vor.u32 v0, v11  }
0xf7: {  	v16 =	vshll.u32 v12, $0x6;
	v13 =	vshll.u32 v13, $0x7;
	v15 =	vand.u32 $0x4F, v15  }
0xf8: {  	[tilespmem:v1+s14+$0x0] =	vst.idx.msk $0xffff, v6;
	v1 =	vand.u32 $0x7F00, v13;
	v6 =	vor.u32 v15, v23;
	v13 =	vor.u32 v0, v16  }
0xf9: {  	v12 =	vshll.u32 v12, $0x7;
	v4 =	vld.idx.msk [tilespmem:v4+s19+$0x0], $0xffff;
	v6 =	vor.u32 v1, v6;
	v13 =	vand.u32 $0x4F, v13  }
0xfa: {  	[tilespmem:v8+s14+$0x0] =	vst.idx.msk $0xffff, v10;
	v8 =	vor.u32 v2, v30;
	v10 =	vand.u32 $0x7F00, v12;
	v12 =	vor.u32 v13, v23  }
0xfb: {  	v13 =	vld.idx.msk [tilespmem:v14+s19+$0x0], $0xffff;
	v12 =	vor.u32 v10, v12  }
0xfc: {  	v15 =	vor.u32 v3, v11;
	v14 =	vor.u32 v9, v28  }
0xfd: {  	v15 =	vand.u32 $0x5F, v15  }
0xfe: {  	[tilespmem:v6+s14+$0x0] =	vst.idx.msk $0xffff, v4;
	v4 =	vor.u32 v15, v23;
	v6 =	vor.u32 v3, v16  }
0xff: {  	v8 =	vld.idx.msk [tilespmem:v8+s19+$0x0], $0xffff;
	v4 =	vor.u32 v1, v4;
	v6 =	vand.u32 $0x5F, v6  }
0x100: {  	[tilespmem:v12+s14+$0x0] =	vst.idx.msk $0xffff, v13;
	v12 =	vor.u32 v2, v27;
	v6 =	vor.u32 v6, v23  }
0x101: {  	v13 =	vld.idx.msk [tilespmem:v14+s19+$0x0], $0xffff;
	v6 =	vor.u32 v10, v6  }
0x102: {  	v15 =	vor.u32 v5, v11;
	v14 =	vor.u32 v9, v26  }
0x103: {  	v15 =	vand.u32 $0x6F, v15  }
0x104: {  	[tilespmem:v4+s14+$0x0] =	vst.idx.msk $0xffff, v8;
	v4 =	vor.u32 v15, v23;
	v8 =	vor.u32 v5, v16  }
0x105: {  	v12 =	vld.idx.msk [tilespmem:v12+s19+$0x0], $0xffff;
	v4 =	vor.u32 v1, v4;
	v8 =	vand.u32 $0x6F, v8  }
0x106: {  	v2 =	vor.u32 v2, v25;
	[tilespmem:v6+s14+$0x0] =	vst.idx.msk $0xffff, v13;
	v6 =	vor.u32 v8, v23  }
0x107: {  	v8 =	vld.idx.msk [tilespmem:v14+s19+$0x0], $0xffff;
	v6 =	vor.u32 v10, v6  }
0x108: {  	v11 =	vor.u32 v7, v11;
	v9 =	vor.u32 v9, v24  }
0x109: {  	v11 =	vand.u32 $0x7F, v11  }
0x10a: {  	v13 =	vor.u32 s20, v21;
	[tilespmem:v4+s14+$0x0] =	vst.idx.msk $0xffff, v12;
	v4 =	vor.u32 v11, v23;
	v11 =	vor.u32 v7, v16  }
0x10b: {  	v2 =	vld.idx.msk [tilespmem:v2+s19+$0x0], $0xffff;
	v1 =	vor.u32 v1, v4;
	v4 =	vand.u32 $0x7F, v13;
	v11 =	vand.u32 $0x7F, v11  }
0x10c: {  	v12 =	vor.u32 s22, v19;
	[tilespmem:v6+s14+$0x0] =	vst.idx.msk $0xffff, v8;
	v6 =	vor.u32 v4, v29;
	v8 =	vor.u32 v11, v23  }
0x10d: {  	v11 =	vshll.u32 v13, $0x6;
	v9 =	vld.idx.msk [tilespmem:v9+s19+$0x0], $0xffff;
	v8 =	vor.u32 v10, v8;
	v10 =	vand.u32 $0x7F, v12  }
0x10e: {  	v15 =	vor.u32 v0, v11;
	v14 =	vor.u32 v10, v31  }
0x10f: {  	v16 =	vshll.u32 v12, $0x6;
	v13 =	vshll.u32 v13, $0x7;
	v15 =	vand.u32 $0x4F, v15  }
0x110: {  	[tilespmem:v1+s14+$0x0] =	vst.idx.msk $0xffff, v2;
	v1 =	vand.u32 $0x7F00, v13;
	v2 =	vor.u32 v15, v23;
	v13 =	vor.u32 v0, v16  }
0x111: {  	v12 =	vshll.u32 v12, $0x7;
	v6 =	vld.idx.msk [tilespmem:v6+s19+$0x0], $0xffff;
	v2 =	vor.u32 v1, v2;
	v13 =	vand.u32 $0x4F, v13  }
0x112: {  	[tilespmem:v8+s14+$0x0] =	vst.idx.msk $0xffff, v9;
	v8 =	vor.u32 v4, v30;
	v9 =	vand.u32 $0x7F00, v12;
	v12 =	vor.u32 v13, v23  }
0x113: {  	v13 =	vld.idx.msk [tilespmem:v14+s19+$0x0], $0xffff;
	v12 =	vor.u32 v9, v12  }
0x114: {  	v15 =	vor.u32 v3, v11;
	v14 =	vor.u32 v10, v28  }
0x115: {  	v15 =	vand.u32 $0x5F, v15  }
0x116: {  	[tilespmem:v2+s14+$0x0] =	vst.idx.msk $0xffff, v6;
	v2 =	vor.u32 v15, v23;
	v6 =	vor.u32 v3, v16  }
0x117: {  	v8 =	vld.idx.msk [tilespmem:v8+s19+$0x0], $0xffff;
	v2 =	vor.u32 v1, v2;
	v6 =	vand.u32 $0x5F, v6  }
0x118: {  	[tilespmem:v12+s14+$0x0] =	vst.idx.msk $0xffff, v13;
	v12 =	vor.u32 v4, v27;
	v6 =	vor.u32 v6, v23  }
0x119: {  	v13 =	vld.idx.msk [tilespmem:v14+s19+$0x0], $0xffff;
	v6 =	vor.u32 v9, v6  }
0x11a: {  	v15 =	vor.u32 v5, v11;
	v14 =	vor.u32 v10, v26  }
0x11b: {  	v46 =	vor.u32 s20, v63;
	v15 =	vand.u32 $0x6F, v15  }
0x11c: {  	v50 =	vor.u32 s20, v22;
	s21 =	simm.s32 $0x20;
	[tilespmem:v2+s14+$0x0] =	vst.idx.msk $0xffff, v8;
	v2 =	vor.u32 v15, v23;
	v8 =	vor.u32 v5, v16  }
0x11d: {  	v37 =	vor.u32 s21, v0;
	v12 =	vld.idx.msk [tilespmem:v12+s19+$0x0], $0xffff;
	v2 =	vor.u32 v1, v2;
	v8 =	vand.u32 $0x6F, v8  }
0x11e: {  	v33 =	vshll.u32 v50, $0x7;
	[tilespmem:v6+s14+$0x0] =	vst.idx.msk $0xffff, v13;
	v6 =	vor.u32 v4, v25;
	v8 =	vor.u32 v8, v23  }
0x11f: {  	v38 =	vmov s21;
	v33 =	vand.u32 $0x7F00, v33;
	v13 =	vld.idx.msk [tilespmem:v14+s19+$0x0], $0xffff;
	v8 =	vor.u32 v9, v8  }
0x120: {  	v11 =	vor.u32 v7, v11;
	v10 =	vor.u32 v10, v24;
	v15 =	vor.u32 s22, v58  }
0x121: {  	v63 =	vshll.u32 v37, $0x7;
	v11 =	vand.u32 $0x7F, v11;
	v36 =	vshll.u32 v15, $0x6  }
0x122: {  	v4 =	vor.u32 s22, v48;
	[tilespmem:v2+s14+$0x0] =	vst.idx.msk $0xffff, v12;
	v2 =	vor.u32 v11, v23;
	v11 =	vor.u32 v7, v16  }
0x123: {  	v12 =	vand.u32 $0x7F, v50;
	v6 =	vld.idx.msk [tilespmem:v6+s19+$0x0], $0xffff;
	v1 =	vor.u32 v1, v2;
	v2 =	vand.u32 $0x7F, v11  }
0x124: {  	v16 =	vand.u32 $0x7F, v15;
	[tilespmem:v8+s14+$0x0] =	vst.idx.msk $0xffff, v13;
	v8 =	vor.u32 v12, v29;
	v2 =	vor.u32 v2, v23  }
0x125: {  	v11 =	vor.u32 s20, v34;
	v34 =	vshll.u32 v50, $0x6;
	v10 =	vld.idx.msk [tilespmem:v10+s19+$0x0], $0xffff;
	v2 =	vor.u32 v9, v2  }
0x126: {  	v14 =	vor.u32 s22, v61;
	v35 =	vor.u32 v0, v34;
	v9 =	vor.u32 v16, v31  }
0x127: {  	v53 =	vor.u32 v3, v36;
	v41 =	vshll.u32 v14, $0x7;
	v35 =	vand.u32 $0x4F, v35  }
0x128: {  	v41 =	vand.u32 $0x7F00, v41;
	[tilespmem:v1+s14+$0x0] =	vst.idx.msk $0xffff, v6;
	v1 =	vor.u32 v35, v23;
	v6 =	vor.u32 v0, v36  }
0x129: {  	v15 =	vshll.u32 v15, $0x7;
	v8 =	vld.idx.msk [tilespmem:v8+s19+$0x0], $0xffff;
	v35 =	vor.u32 v33, v1;
	v1 =	vand.u32 $0x4F, v6  }
0x12a: {  	v15 =	vand.u32 $0x7F00, v15;
	v6 =	vor.u32 v12, v30;
	[tilespmem:v2+s14+$0x0] =	vst.idx.msk $0xffff, v10;
	v1 =	vor.u32 v1, v23  }
0x12b: {  	v40 =	vor.u32 v16, v28;
	v49 =	vor.u32 v12, v27;
	v10 =	vld.idx.msk [tilespmem:v9+s19+$0x0], $0xffff;
	v39 =	vor.u32 v15, v1  }
0x12c: {  	v44 =	vor.u32 v16, v26;
	v13 =	vor.u32 s21, v59;
	v9 =	vor.u32 v3, v34  }
0x12d: {  	v56 =	vmovc v61;
	v61 =	vmovc v47;
	v45 =	vor.u32 v5, v34;
	v16 =	vor.u32 v16, v24;
	v52 =	vand.u32 $0x5F, v9  }
0x12e: {  	v47 =	vand.u32 $0x7F, v11;
	v12 =	vor.u32 v12, v25;
	[tilespmem:v35+s14+$0x0] =	vst.idx.msk $0xffff, v8;
	v8 =	vor.u32 v52, v23  }
0x12f: {  	v2 =	vand.u32 $0x7F, v4;
	v54 =	vld.idx.msk [tilespmem:v6+s19+$0x0], $0xffff;
	v43 =	vor.u32 v33, v8;
	v6 =	vand.u32 $0x5F, v53  }
0x130: {  	v1 =	vshll.u32 v4, $0x6;
	v34 =	vor.u32 v7, v34;
	[tilespmem:v39+s14+$0x0] =	vst.idx.msk $0xffff, v10;
	v50 =	vor.u32 v6, v23  }
0x131: {  	v4 =	vshll.u32 v4, $0x7;
	v9 =	vshll.u32 v14, $0x6;
	v32 =	vld.idx.msk [tilespmem:v40+s19+$0x0], $0xffff;
	v39 =	vor.u32 v15, v50  }
0x132: {  	v8 =	vshll.u32 v46, $0x7;
	v6 =	vshll.u32 v46, $0x6;
	v10 =	vand.u32 $0x7F, v46  }
0x133: {  	v22 =	vmovc v48;
	v46 =	vshll.u32 v11, $0x6;
	v40 =	vshll.u32 v11, $0x7;
	v11 =	vand.u32 $0x6F, v45  }
0x134: {  	v34 =	vand.u32 $0x7F, v34;
	v53 =	vor.u32 v5, v36;
	v52 =	vor.u32 v11, v23;
	[tilespmem:v43+s14+$0x0] =	vst.idx.msk $0xffff, v54  }
0x135: {  	v21 =	vmovc v42;
	v34 =	vor.u32 v34, v23;
	v42 =	vor.u32 v33, v52;
	v54 =	vand.u32 $0x6F, v53;
	v48 =	vld.idx.msk [tilespmem:v49+s19+$0x0], $0xffff  }
0x136: {  	v14 =	vand.u32 $0x7F, v14;
	v36 =	vor.u32 v7, v36;
	v52 =	vor.u32 v54, v23;
	[tilespmem:v39+s14+$0x0] =	vst.idx.msk $0xffff, v32  }
0x137: {  	v45 =	vshll.u32 v13, $0x7;
	v53 =	vshll.u32 v38, $0x3;
	v32 =	vor.u32 v15, v52;
	v44 =	vld.idx.msk [tilespmem:v44+s19+$0x0], $0xffff  }
0x138: {  	v50 =	vor.u32 v3, v46;
	v33 =	vor.u32 v33, v34;
	v49 =	vand.u32 $0x400, v53  }
0x139: {  	v39 =	vshll.u32 v37, $0x6;
	v37 =	vand.u32 $0x7F, v37;
	v35 =	vor.u32 v17, v49  }
0x13a: {  	v38 =	vor.u32 v0, v9;
	v54 =	vand.u32 $0x7F, v36;
	[tilespmem:v42+s14+$0x0] =	vst.idx.msk $0xffff, v48;
	v42 =	vor.u32 v37, v35  }
0x13b: {  	v36 =	vand.u32 $0x7F00, v63;
	v63 =	vor.u32 v47, v29;
	v34 =	vor.u32 v18, v49;
	v12 =	vld.idx.msk [tilespmem:v12+s19+$0x0], $0xffff  }
0x13c: {  	v40 =	vand.u32 $0x7F00, v40;
	v52 =	vor.u32 v0, v39;
	[tilespmem:v32+s14+$0x0] =	vst.idx.msk $0xffff, v44;
	v32 =	vor.u32 v54, v23  }
0x13d: {  	v53 =	vand.u32 $0x4F, v52;
	v48 =	vor.u32 v0, v46;
	v16 =	vld.idx.msk [tilespmem:v16+s19+$0x0], $0xffff;
	v15 =	vor.u32 v15, v32  }
0x13e: {  	v48 =	vand.u32 $0x4F, v48;
	v54 =	vor.u32 v14, v31;
	v32 =	vor.u32 v53, v23  }
0x13f: {  	v52 =	vor.u32 v3, v39;
	v48 =	vor.u32 v48, v23;
	v32 =	vor.u32 v36, v32;
	v42 =	vld.idx.msk [tilespmem:v42+s19+$0x0], $0xffff  }
0x140: {  	v44 =	vor.u32 v14, v28;
	v48 =	vor.u32 v40, v48;
	v53 =	vand.u32 $0x5F, v52;
	[tilespmem:v33+s14+$0x0] =	vst.idx.msk $0xffff, v12  }
0x141: {  	v52 =	vor.u32 v47, v27;
	v12 =	vor.u32 v37, v34;
	v43 =	vld.idx.msk [tilespmem:v63+s19+$0x0], $0xffff;
	v63 =	vand.u32 $0x4F, v38  }
0x142: {  	v11 =	vshll.u32 v13, $0x6;
	v33 =	vor.u32 v20, v49;
	[tilespmem:v15+s14+$0x0] =	vst.idx.msk $0xffff, v16;
	v16 =	vor.u32 v63, v23  }
0x143: {  	v15 =	vor.u32 v47, v30;
	v38 =	vld.idx.msk [tilespmem:v54+s19+$0x0], $0xffff;
	v16 =	vor.u32 v41, v16;
	v54 =	vor.u32 v53, v23  }
0x144: {  	v13 =	vand.u32 $0x7F, v13;
	v53 =	vand.u32 $0x5F, v50;
	v50 =	vor.u32 v37, v33;
	v63 =	vmovc v19;
	[tilespmem:v32+s14+$0x0] =	vst.idx.msk $0xffff, v42  }
0x145: {  	v19 =	vmovc v51;
	v42 =	vor.u32 v36, v54;
	v32 =	vor.u32 v53, v23;
	v51 =	vor.u32 v5, v39  }
0x146: {  	v54 =	vor.u32 v3, v9;
	v39 =	vor.u32 v7, v39;
	v51 =	vand.u32 $0x6F, v51  }
0x147: {  	v39 =	vand.u32 $0x7F, v39;
	[tilespmem:v48+s14+$0x0] =	vst.idx.msk $0xffff, v43;
	v43 =	vor.u32 v40, v32;
	v32 =	vand.u32 $0x5F, v54  }
0x148: {  	v12 =	vld.idx.msk [tilespmem:v12+s19+$0x0], $0xffff;
	v48 =	vor.u32 v5, v46;
	v54 =	vor.u32 v14, v26;
	v32 =	vor.u32 v32, v23  }
0x149: {  	v46 =	vor.u32 v7, v46;
	v14 =	vor.u32 v14, v24;
	v15 =	vld.idx.msk [tilespmem:v15+s19+$0x0], $0xffff;
	v53 =	vor.u32 v41, v32  }
0x14a: {  	[tilespmem:v16+s14+$0x0] =	vst.idx.msk $0xffff, v38;
	v16 =	vor.u32 v51, v23;
	v32 =	vor.u32 v55, v49;
	v51 =	vand.u32 $0x6F, v48  }
0x14b: {  	v55 =	vor.u32 v5, v9;
	v49 =	vor.u32 v47, v25;
	v9 =	vor.u32 v7, v9  }
0x14c: {  	v47 =	vor.u32 v2, v31;
	v44 =	vld.idx.msk [tilespmem:v44+s19+$0x0], $0xffff;
	v16 =	vor.u32 v36, v16;
	v38 =	vor.u32 v51, v23  }
0x14d: {  	v48 =	vand.u32 $0x6F, v55;
	v9 =	vand.u32 $0x7F, v9;
	[tilespmem:v42+s14+$0x0] =	vst.idx.msk $0xffff, v12;
	v12 =	vor.u32 v37, v32  }
0x14e: {  	v37 =	vor.u32 v40, v38;
	v38 =	vor.u32 v48, v23;
	v9 =	vor.u32 v9, v23;
	v50 =	vld.idx.msk [tilespmem:v50+s19+$0x0], $0xffff  }
0x14f: {  	v51 =	vand.u32 $0x7F, v46;
	v38 =	vor.u32 v41, v38;
	[tilespmem:v43+s14+$0x0] =	vst.idx.msk $0xffff, v15;
	v15 =	vor.u32 v39, v23  }
0x150: {  	v41 =	vor.u32 v41, v9;
	v39 =	vor.u32 v13, v35;
	v43 =	vld.idx.msk [tilespmem:v52+s19+$0x0], $0xffff;
	v15 =	vor.u32 v36, v15  }
0x151: {  	v45 =	vand.u32 $0x7F00, v45;
	v52 =	vor.u32 v51, v23;
	v51 =	vor.u32 v10, v27;
	[tilespmem:v53+s14+$0x0] =	vst.idx.msk $0xffff, v44  }
0x152: {  	v36 =	vor.u32 v40, v52;
	v52 =	vor.u32 v0, v6;
	v53 =	vor.u32 v0, v11  }
0x153: {  	v44 =	vor.u32 v13, v34;
	v40 =	vand.u32 $0x7F00, v4;
	v55 =	vld.idx.msk [tilespmem:v54+s19+$0x0], $0xffff;
	v46 =	vand.u32 $0x4F, v53;
	[tilespmem:v16+s14+$0x0] =	vst.idx.msk $0xffff, v50  }
0x154: {  	v54 =	vor.u32 v0, v1;
	v53 =	vor.u32 v2, v26;
	v9 =	vld.idx.msk [tilespmem:v12+s19+$0x0], $0xffff;
	v12 =	vor.u32 v46, v23  }
0x155: {  	v16 =	vor.u32 v10, v29;
	v46 =	vand.u32 $0x7F00, v8;
	[tilespmem:v37+s14+$0x0] =	vst.idx.msk $0xffff, v43;
	v37 =	vor.u32 v45, v12  }
0x156: {  	v12 =	vand.u32 $0x4F, v52;
	v52 =	vor.u32 s22, v57;
	v57 =	vor.u32 s21, v60;
	v42 =	vld.idx.msk [tilespmem:v49+s19+$0x0], $0xffff  }
0x157: {  	v8 =	vor.u32 v12, v23;
	v49 =	vor.u32 v2, v28;
	v2 =	vor.u32 v2, v24  }
0x158: {  	v48 =	vor.u32 v46, v8;
	v8 =	vand.u32 $0x4F, v54;
	[tilespmem:v38+s14+$0x0] =	vst.idx.msk $0xffff, v55;
	v55 =	vor.u32 v5, v6  }
0x159: {  	v12 =	vor.u32 s22, v61;
	v4 =	vor.u32 v8, v23;
	v8 =	vor.u32 v3, v11;
	[tilespmem:v15+s14+$0x0] =	vst.idx.msk $0xffff, v9  }
0x15a: {  	v15 =	vor.u32 v10, v30;
	v43 =	vor.u32 v40, v4;
	v4 =	vand.u32 $0x5F, v8;
	v8 =	vld.idx.msk [tilespmem:v14+s19+$0x0], $0xffff  }
0x15b: {  	v9 =	vor.u32 v3, v6;
	v6 =	vor.u32 v7, v6;
	v39 =	vld.idx.msk [tilespmem:v39+s19+$0x0], $0xffff;
	[tilespmem:v36+s14+$0x0] =	vst.idx.msk $0xffff, v42  }
0x15c: {  	v10 =	vor.u32 v10, v25;
	v4 =	vor.u32 v4, v23;
	v6 =	vand.u32 $0x7F, v6;
	v16 =	vld.idx.msk [tilespmem:v16+s19+$0x0], $0xffff  }
0x15d: {  	v36 =	vor.u32 v45, v4;
	v4 =	vand.u32 $0x5F, v9;
	v42 =	vor.u32 v13, v33  }
0x15e: {  	v9 =	vor.u32 v3, v1;
	v13 =	vor.u32 v13, v32;
	v6 =	vor.u32 v6, v23  }
0x15f: {  	v38 =	vor.u32 s20, v22;
	v4 =	vor.u32 v4, v23;
	v6 =	vor.u32 v46, v6;
	[tilespmem:v41+s14+$0x0] =	vst.idx.msk $0xffff, v8  }
0x160: {  	v54 =	vand.u32 $0x7F, v52;
	v50 =	vor.u32 v46, v4;
	v4 =	vand.u32 $0x5F, v9;
	v47 =	vld.idx.msk [tilespmem:v47+s19+$0x0], $0xffff;
	[tilespmem:v37+s14+$0x0] =	vst.idx.msk $0xffff, v39  }
0x161: {  	v4 =	vor.u32 v4, v23;
	v8 =	vor.u32 v5, v11;
	v39 =	vld.idx.msk [tilespmem:v44+s19+$0x0], $0xffff;
	[tilespmem:v48+s14+$0x0] =	vst.idx.msk $0xffff, v16  }
0x162: {  	v11 =	vor.u32 v7, v11;
	v41 =	vor.u32 v40, v4;
	v4 =	vand.u32 $0x6F, v8;
	v15 =	vld.idx.msk [tilespmem:v15+s19+$0x0], $0xffff  }
0x163: {  	v8 =	vor.u32 s20, v56;
	v37 =	vand.u32 $0x6F, v55;
	v56 =	vor.u32 v5, v1  }
0x164: {  	v11 =	vand.u32 $0x7F, v11;
	v1 =	vor.u32 v7, v1;
	v4 =	vor.u32 v4, v23  }
0x165: {  	v14 =	vor.u32 s22, v21;
	v37 =	vor.u32 v37, v23;
	v11 =	vor.u32 v11, v23;
	[tilespmem:v43+s14+$0x0] =	vst.idx.msk $0xffff, v47  }
0x166: {  	v44 =	vand.u32 $0x6F, v56;
	v1 =	vand.u32 $0x7F, v1;
	v16 =	vor.u32 v45, v4;
	v47 =	vld.idx.msk [tilespmem:v49+s19+$0x0], $0xffff;
	[tilespmem:v36+s14+$0x0] =	vst.idx.msk $0xffff, v39  }
0x167: {  	v4 =	vor.u32 s20, v58;
	v37 =	vor.u32 v46, v37;
	v48 =	vor.u32 s20, v62;
	v36 =	vld.idx.msk [tilespmem:v42+s19+$0x0], $0xffff;
	[tilespmem:v50+s14+$0x0] =	vst.idx.msk $0xffff, v15  }
0x168: {  	v44 =	vor.u32 v44, v23;
	v11 =	vor.u32 v45, v11;
	v1 =	vor.u32 v1, v23;
	v60 =	vld.idx.msk [tilespmem:v51+s19+$0x0], $0xffff  }
0x169: {  	v44 =	vor.u32 v40, v44;
	v1 =	vor.u32 v40, v1;
	v49 =	vshll.u32 v52, $0x6  }
0x16a: {  	v40 =	vor.u32 v54, v31;
	v56 =	vor.u32 v0, v49;
	v15 =	vand.u32 $0x7F, v57  }
0x16b: {  	v61 =	vor.u32 v15, v35;
	v43 =	vor.u32 v15, v34;
	[tilespmem:v41+s14+$0x0] =	vst.idx.msk $0xffff, v47;
	v41 =	vand.u32 $0x7F, v48  }
0x16c: {  	v58 =	vshll.u32 v48, $0x7;
	v47 =	vshll.u32 v57, $0x6;
	v62 =	vld.idx.msk [tilespmem:v53+s19+$0x0], $0xffff;
	v50 =	vor.u32 v41, v29;
	[tilespmem:v16+s14+$0x0] =	vst.idx.msk $0xffff, v36  }
0x16d: {  	v48 =	vshll.u32 v48, $0x6;
	v16 =	vor.u32 v0, v47;
	v53 =	vshll.u32 v57, $0x7;
	v13 =	vld.idx.msk [tilespmem:v13+s19+$0x0], $0xffff;
	[tilespmem:v37+s14+$0x0] =	vst.idx.msk $0xffff, v60  }
0x16e: {  	v55 =	vor.u32 v0, v48;
	v57 =	vshll.u32 v52, $0x7;
	v46 =	vor.u32 v41, v30;
	v10 =	vld.idx.msk [tilespmem:v10+s19+$0x0], $0xffff  }
0x16f: {  	v52 =	vor.u32 s20, v63;
	v63 =	vor.u32 v5, v48;
	v16 =	vand.u32 $0x4F, v16  }
0x170: {  	v42 =	vand.u32 $0x7F00, v53;
	v36 =	vand.u32 $0x4F, v55;
	v53 =	vor.u32 v54, v28  }
0x171: {  	v9 =	vor.u32 s22, v19;
	v16 =	vor.u32 v16, v23;
	v36 =	vor.u32 v36, v23;
	[tilespmem:v44+s14+$0x0] =	vst.idx.msk $0xffff, v62  }
0x172: {  	v19 =	vshll.u32 v9, $0x6;
	v37 =	vand.u32 $0x4F, v56;
	v56 =	vor.u32 v15, v33;
	v2 =	vld.idx.msk [tilespmem:v2+s19+$0x0], $0xffff;
	[tilespmem:v11+s14+$0x0] =	vst.idx.msk $0xffff, v13  }
0x173: {  	v51 =	vand.u32 $0x7F00, v57;
	v15 =	vor.u32 v15, v32;
	v16 =	vor.u32 v42, v16;
	v22 =	vld [tilespmem:$0x1FFD0];
	[tilespmem:v6+s14+$0x0] =	vst.idx.msk $0xffff, v10  }
0x174: {  	v37 =	vor.u32 v37, v23;
	v44 =	vand.u32 $0x7F00, v58;
	v11 =	vor.u32 v3, v47;
	v58 =	vld [tilespmem:$0x1FF50]  }
0x175: {  	v37 =	vor.u32 v51, v37;
	v36 =	vor.u32 v44, v36;
	v45 =	vld.idx.msk [tilespmem:v61+s19+$0x0], $0xffff;
	v11 =	vand.u32 $0x5F, v11  }
0x176: {  	v10 =	vor.u32 v11, v23;
	v11 =	vor.u32 v3, v48;
	v48 =	vor.u32 v7, v48  }
0x177: {  	s22 =	simm.s32 $0x30;
	v21 =	vshll.u32 v8, $0x7;
	v55 =	vor.u32 v42, v10;
	v50 =	vld.idx.msk [tilespmem:v50+s19+$0x0], $0xffff;
	[tilespmem:v1+s14+$0x0] =	vst.idx.msk $0xffff, v2;
	v1 =	vand.u32 $0x5F, v11  }
0x178: {  	v2 =	vor.u32 v3, v49;
	v11 =	vor.u32 s22, v59;
	v10 =	vld [tilespmem:$0x1FF40];
	v1 =	vor.u32 v1, v23  }
0x179: {  	v61 =	vld [tilespmem:$0x1FF30];
	v6 =	vor.u32 s21, v58;
	v58 =	vor.u32 v44, v1;
	v1 =	vand.u32 $0x5F, v2  }
0x17a: {  	v59 =	vor.u32 v41, v27;
	v40 =	vld.idx.msk [tilespmem:v40+s19+$0x0], $0xffff;
	[tilespmem:v16+s14+$0x0] =	vst.idx.msk $0xffff, v45;
	v1 =	vor.u32 v1, v23  }
0x17b: {  	v16 =	vor.u32 v5, v47;
	v43 =	vld.idx.msk [tilespmem:v43+s19+$0x0], $0xffff;
	v45 =	vor.u32 v51, v1;
	v1 =	vmov s22  }
0x17c: {  	v41 =	vor.u32 v41, v25;
	v39 =	vor.u32 s21, v22;
	[tilespmem:$0x1FED0] =	vst v1;
	v1 =	vand.u32 $0x6F, v16  }
0x17d: {  	v47 =	vor.u32 v7, v47;
	[tilespmem:v36+s14+$0x0] =	vst.idx.msk $0xffff, v50;
	v62 =	vor.u32 v1, v23;
	v1 =	vshll.u32 v14, $0x7  }
0x17e: {  	v2 =	vshll.u32 v4, $0x7;
	v57 =	vor.u32 s21, v61;
	v50 =	vand.u32 $0x6F, v63;
	[tilespmem:$0x1FEE0] =	vst v1  }
0x17f: {  	v36 =	vor.u32 v50, v23;
	v50 =	vor.u32 v5, v49;
	v46 =	vld.idx.msk [tilespmem:v46+s19+$0x0], $0xffff;
	[tilespmem:v37+s14+$0x0] =	vst.idx.msk $0xffff, v40  }
0x180: {  	v16 =	vor.u32 v54, v26;
	v61 =	vand.u32 $0x7F, v47;
	v50 =	vand.u32 $0x6F, v50;
	[tilespmem:v55+s14+$0x0] =	vst.idx.msk $0xffff, v43;
	v53 =	vld.idx.msk [tilespmem:v53+s19+$0x0], $0xffff  }
0x181: {  	v47 =	vor.u32 v54, v24;
	v40 =	vor.u32 v42, v62;
	v55 =	vor.u32 v50, v23;
	v50 =	vld.idx.msk [tilespmem:v56+s19+$0x0], $0xffff  }
0x182: {  	v54 =	vand.u32 $0x7F, v12;
	v63 =	vand.u32 $0x7F, v48;
	v49 =	vor.u32 v7, v49  }
0x183: {  	v37 =	vshll.u32 v14, $0x6;
	v60 =	vor.u32 v44, v36;
	v36 =	vand.u32 $0x7F, v14  }
0x184: {  	v14 =	vshll.u32 v9, $0x7;
	v43 =	vor.u32 v51, v55;
	[tilespmem:v58+s14+$0x0] =	vst.idx.msk $0xffff, v46;
	v46 =	vor.u32 v61, v23  }
0x185: {  	v55 =	vshll.u32 v12, $0x6;
	v12 =	vshll.u32 v12, $0x7;
	v62 =	vld.idx.msk [tilespmem:v59+s19+$0x0], $0xffff;
	[tilespmem:v45+s14+$0x0] =	vst.idx.msk $0xffff, v53;
	v42 =	vor.u32 v42, v46  }
0x186: {  	v61 =	vshll.u32 v52, $0x6;
	v45 =	vand.u32 $0x7F, v57;
	v46 =	vor.u32 v63, v23;
	[tilespmem:v40+s14+$0x0] =	vst.idx.msk $0xffff, v50;
	v16 =	vld.idx.msk [tilespmem:v16+s19+$0x0], $0xffff  }
0x187: {  	v53 =	vand.u32 $0x7F, v49;
	v49 =	vshll.u32 v57, $0x6;
	v56 =	vor.u32 v0, v61;
	v15 =	vld.idx.msk [tilespmem:v15+s19+$0x0], $0xffff  }
0x188: {  	v48 =	vor.u32 v45, v35;
	v40 =	vor.u32 v44, v46;
	v44 =	vand.u32 $0x7F, v52  }
0x189: {  	v46 =	vor.u32 v53, v23;
	v59 =	vor.u32 v0, v49;
	v53 =	vor.u32 v54, v31  }
0x18a: {  	v58 =	vshll.u32 v52, $0x7;
	v50 =	vor.u32 v44, v29;
	v46 =	vor.u32 v51, v46;
	[tilespmem:v60+s14+$0x0] =	vst.idx.msk $0xffff, v62  }
0x18b: {  	v51 =	vor.u32 v0, v55;
	v60 =	vand.u32 $0x4F, v59;
	v62 =	vshll.u32 v57, $0x7;
	v41 =	vld.idx.msk [tilespmem:v41+s19+$0x0], $0xffff;
	[tilespmem:v43+s14+$0x0] =	vst.idx.msk $0xffff, v16  }
0x18c: {  	v57 =	vand.u32 $0x4F, v56;
	v16 =	vand.u32 $0x7F00, v62;
	v63 =	vor.u32 v60, v23;
	[tilespmem:v42+s14+$0x0] =	vst.idx.msk $0xffff, v15  }
0x18d: {  	v15 =	vor.u32 v45, v34;
	v62 =	vand.u32 $0x7F00, v58;
	v59 =	vor.u32 v57, v23;
	v47 =	vld.idx.msk [tilespmem:v47+s19+$0x0], $0xffff  }
0x18e: {  	v60 =	vand.u32 $0x4F, v51;
	v58 =	vor.u32 v44, v30;
	v52 =	vor.u32 v16, v63;
	v48 =	vld.idx.msk [tilespmem:v48+s19+$0x0], $0xffff  }
0x18f: {  	v43 =	vor.u32 v5, v61;
	v56 =	vor.u32 v62, v59;
	v42 =	vor.u32 v60, v23  }
0x190: {  	v12 =	vand.u32 $0x7F00, v12;
	v63 =	vor.u32 v3, v49;
	v60 =	vor.u32 v54, v28;
	[tilespmem:v40+s14+$0x0] =	vst.idx.msk $0xffff, v41  }
0x191: {  	v59 =	vor.u32 v12, v42;
	v40 =	vand.u32 $0x5F, v63;
	v63 =	vor.u32 v5, v49;
	v50 =	vld.idx.msk [tilespmem:v50+s19+$0x0], $0xffff  }
0x192: {  	v51 =	vand.u32 $0x7F, v9;
	v49 =	vor.u32 v7, v49;
	[tilespmem:v46+s14+$0x0] =	vst.idx.msk $0xffff, v47;
	v9 =	vor.u32 v40, v23  }
0x193: {  	v47 =	vor.u32 v3, v61;
	[tilespmem:v52+s14+$0x0] =	vst.idx.msk $0xffff, v48;
	v9 =	vor.u32 v16, v9;
	v46 =	vld.idx.msk [tilespmem:v53+s19+$0x0], $0xffff  }
0x194: {  	v40 =	vand.u32 $0x5F, v47;
	v47 =	vor.u32 v45, v33;
	v53 =	vor.u32 v3, v55;
	v15 =	vld.idx.msk [tilespmem:v15+s19+$0x0], $0xffff  }
0x195: {  	v40 =	vor.u32 v40, v23;
	v57 =	vand.u32 $0x5F, v53;
	v53 =	vor.u32 v44, v27  }
0x196: {  	v48 =	vshll.u32 v8, $0x6;
	v40 =	vor.u32 v62, v40;
	v52 =	vor.u32 v57, v23;
	[tilespmem:v56+s14+$0x0] =	vst.idx.msk $0xffff, v50  }
0x197: {  	v50 =	vand.u32 $0x7F, v8;
	v8 =	vor.u32 v12, v52;
	v56 =	vand.u32 $0x6F, v63;
	v52 =	vld.idx.msk [tilespmem:v58+s19+$0x0], $0xffff  }
0x198: {  	v13 =	vor.u32 s21, v10;
	v63 =	vor.u32 v54, v26;
	[tilespmem:v59+s14+$0x0] =	vst.idx.msk $0xffff, v46;
	v46 =	vor.u32 v56, v23  }
0x199: {  	v58 =	vshll.u32 v4, $0x6;
	[tilespmem:v9+s14+$0x0] =	vst.idx.msk $0xffff, v15;
	v15 =	vand.u32 $0x6F, v43;
	v59 =	vand.u32 $0x7F, v4  }
0x19a: {  	v4 =	vor.u32 v45, v32;
	v43 =	vor.u32 v5, v55;
	v56 =	vshll.u32 v39, $0x7;
	v60 =	vld.idx.msk [tilespmem:v60+s19+$0x0], $0xffff  }
0x19b: {  	v9 =	vor.u32 v16, v46;
	v15 =	vor.u32 v15, v23;
	v46 =	vld.idx.msk [tilespmem:v47+s19+$0x0], $0xffff;
	v45 =	vand.u32 $0x6F, v43  }
0x19c: {  	v43 =	vand.u32 $0x7F, v13;
	v15 =	vor.u32 v62, v15;
	v57 =	vor.u32 v45, v23;
	[tilespmem:v40+s14+$0x0] =	vst.idx.msk $0xffff, v52  }
0x19d: {  	v45 =	vshll.u32 v6, $0x7;
	v52 =	vshll.u32 v39, $0x6;
	v40 =	vor.u32 v44, v25;
	v47 =	vld.idx.msk [tilespmem:v53+s19+$0x0], $0xffff  }
0x19e: {  	v44 =	vor.u32 v54, v24;
	v54 =	vor.u32 v43, v35;
	v53 =	vand.u32 $0x7F, v39  }
0x19f: {  	v39 =	vor.u32 v12, v57;
	[tilespmem:v8+s14+$0x0] =	vst.idx.msk $0xffff, v60;
	v8 =	vand.u32 $0x7F, v49;
	v60 =	vshll.u32 v6, $0x6  }
0x1a0: {  	[tilespmem:v9+s14+$0x0] =	vst.idx.msk $0xffff, v46;
	v57 =	vld.idx.msk [tilespmem:v63+s19+$0x0], $0xffff;
	v8 =	vor.u32 v8, v23;
	v63 =	vor.u32 v7, v61  }
0x1a1: {  	v49 =	vor.u32 v51, v31;
	v8 =	vor.u32 v16, v8;
	v9 =	vand.u32 $0x7F, v63;
	v16 =	vld.idx.msk [tilespmem:v4+s19+$0x0], $0xffff  }
0x1a2: {  	v63 =	vand.u32 $0x7F, v6;
	v4 =	vor.u32 v9, v23;
	v9 =	vor.u32 v7, v55;
	[tilespmem:v15+s14+$0x0] =	vst.idx.msk $0xffff, v47  }
0x1a3: {  	v6 =	vshll.u32 v13, $0x6;
	v15 =	vor.u32 v62, v4;
	v4 =	vand.u32 $0x7F, v9;
	v9 =	vld.idx.msk [tilespmem:v40+s19+$0x0], $0xffff  }
0x1a4: {  	v13 =	vshll.u32 v13, $0x7;
	v55 =	vor.u32 v0, v6;
	v40 =	vor.u32 v59, v29  }
0x1a5: {  	v62 =	vand.u32 $0x7F00, v2;
	v4 =	vor.u32 v4, v23;
	[tilespmem:v39+s14+$0x0] =	vst.idx.msk $0xffff, v57;
	v39 =	vand.u32 $0x4F, v55  }
0x1a6: {  	v12 =	vor.u32 v12, v4;
	v47 =	vld.idx.msk [tilespmem:v44+s19+$0x0], $0xffff;
	[tilespmem:v8+s14+$0x0] =	vst.idx.msk $0xffff, v16;
	v16 =	vor.u32 v0, v58  }
0x1a7: {  	v8 =	vand.u32 $0x7F00, v13;
	v13 =	vor.u32 v39, v23;
	v16 =	vand.u32 $0x4F, v16  }
0x1a8: {  	v39 =	vld.idx.msk [tilespmem:v54+s19+$0x0], $0xffff;
	v13 =	vor.u32 v8, v13;
	v2 =	vor.u32 v16, v23;
	[tilespmem:v15+s14+$0x0] =	vst.idx.msk $0xffff, v9  }
0x1a9: {  	v46 =	vor.u32 v0, v19;
	v57 =	vor.u32 v43, v34;
	v2 =	vor.u32 v62, v2;
	v16 =	vld.idx.msk [tilespmem:v40+s19+$0x0], $0xffff  }
0x1aa: {  	v55 =	vand.u32 $0x7F00, v14;
	v4 =	vshll.u32 v11, $0x7;
	v44 =	vshll.u32 v11, $0x6  }
0x1ab: {  	v9 =	vand.u32 $0x4F, v46;
	[tilespmem:v12+s14+$0x0] =	vst.idx.msk $0xffff, v47;
	v47 =	vand.u32 $0x7F, v11;
	v11 =	vor.u32 v3, v6  }
0x1ac: {  	v12 =	vor.u32 v59, v30;
	v9 =	vor.u32 v9, v23;
	v11 =	vand.u32 $0x5F, v11  }
0x1ad: {  	v14 =	vld.idx.msk [tilespmem:v49+s19+$0x0], $0xffff;
	v40 =	vor.u32 v55, v9;
	[tilespmem:v13+s14+$0x0] =	vst.idx.msk $0xffff, v39;
	v11 =	vor.u32 v11, v23  }
0x1ae: {  	v61 =	vor.u32 v51, v28;
	v39 =	vld.idx.msk [tilespmem:v57+s19+$0x0], $0xffff;
	v11 =	vor.u32 v8, v11;
	[tilespmem:v2+s14+$0x0] =	vst.idx.msk $0xffff, v16  }
0x1af: {  	v10 =	vor.u32 s22, v0;
	v42 =	vand.u32 $0x7F, v38;
	v13 =	vor.u32 v3, v58;
	v1 =	vld [tilespmem:$0x1FED0]  }
0x1b0: {  	v41 =	vshll.u32 v38, $0x6;
	v22 =	vor.u32 v59, v27;
	v2 =	vand.u32 $0x5F, v13  }
0x1b1: {  	v54 =	vor.u32 v0, v37;
	v57 =	vor.u32 v3, v19;
	v2 =	vor.u32 v2, v23  }
0x1b2: {  	v15 =	vshll.u32 v10, $0x7;
	v12 =	vld.idx.msk [tilespmem:v12+s19+$0x0], $0xffff;
	[tilespmem:v40+s14+$0x0] =	vst.idx.msk $0xffff, v14;
	v14 =	vand.u32 $0x5F, v57;
	v2 =	vor.u32 v62, v2  }
0x1b3: {  	v13 =	vor.u32 v43, v33;
	v14 =	vor.u32 v14, v23;
	v57 =	vld.idx.msk [tilespmem:v61+s19+$0x0], $0xffff;
	[tilespmem:v11+s14+$0x0] =	vst.idx.msk $0xffff, v39  }
0x1b4: {  	v61 =	vor.u32 v5, v6;
	v16 =	vshll.u32 v1, $0x3;
	v1 =	vor.u32 v55, v14;
	v14 =	vld [tilespmem:$0x1FEE0]  }
0x1b5: {  	v46 =	vor.u32 v3, v37;
	v9 =	vshll.u32 v10, $0x6;
	v11 =	vand.u32 $0x6F, v61  }
0x1b6: {  	v49 =	vor.u32 v51, v26;
	v40 =	vor.u32 v7, v37;
	v11 =	vor.u32 v11, v23  }
0x1b7: {  	s23 =	simm.s32 $0x1;
	v10 =	vand.u32 $0x7F, v10;
	v61 =	vor.u32 v5, v58;
	[tilespmem:v2+s14+$0x0] =	vst.idx.msk $0xffff, v12;
	v12 =	vor.u32 v8, v11  }
0x1b8: {  	s23 =	simm.s32 @!p1 $0x0;
	v2 =	vand.u32 $0x6F, v61;
	v61 =	vor.u32 v7, v19;
	v11 =	vld.idx.msk [tilespmem:v13+s19+$0x0], $0xffff;
	v13 =	vor.u32 v43, v32  }
0x1b9: {  	s23 =	sshll.u32 s23, $0x7;
	v2 =	vor.u32 v2, v23;
	v39 =	vand.u32 $0x7F00, v14;
	v14 =	vor.u32 v5, v19  }
0x1ba: {  	s24 =	simm.s32 $0x40;
	s23 =	sor.u32 $0x8000, s23;
	v2 =	vor.u32 v62, v2;
	[tilespmem:v1+s14+$0x0] =	vst.idx.msk $0xffff, v57;
	v1 =	vld.idx.msk [tilespmem:v22+s19+$0x0], $0xffff;
	v57 =	vand.u32 $0x7F00, v21;
	v43 =	vand.u32 $0x6F, v14  }
.LBB2_4:
0x1bb: {  	v17 =	vld [tilespmem:$0x1FEF0];
	_ =	sdelay $0x1  }
0x1bc: {  	v14 =	vor.u32 v59, v25;
	v59 =	vor.u32 v0, v48;
	v43 =	vor.u32 v43, v23  }
0x1bd: {  	v49 =	vld.idx.msk [tilespmem:v49+s19+$0x0], $0xffff;
	v16 =	vand.u32 $0x400, v16;
	v6 =	vor.u32 v7, v6;
	v28 =	vor.u32 v36, v28  }
0x1be: {  	v43 =	vor.u32 v55, v43;
	v6 =	vand.u32 $0x7F, v6;
	[tilespmem:v12+s14+$0x0] =	vst.idx.msk $0xffff, v11;
	v11 =	vor.u32 v51, v24  }
0x1bf: {  	v6 =	vor.u32 v6, v23;
	v51 =	vor.u32 v7, v58;
	v13 =	vld.idx.msk [tilespmem:v13+s19+$0x0], $0xffff;
	v17 =	vor.u32 v17, v16  }
0x1c0: {  	v8 =	vor.u32 v8, v6;
	[tilespmem:v2+s14+$0x0] =	vst.idx.msk $0xffff, v1;
	v1 =	vand.u32 $0x7F, v51;
	v12 =	vor.u32 v10, v17  }
0x1c1: {  	v6 =	vand.u32 $0x7F00, v15;
	v2 =	vor.u32 v63, v35;
	v1 =	vor.u32 v1, v23  }
0x1c2: {  	v15 =	vor.u32 v0, v9;
	v51 =	vor.u32 v62, v1;
	v1 =	vand.u32 $0x7F, v61  }
0x1c3: {  	v45 =	vand.u32 $0x7F00, v45;
	v15 =	vand.u32 $0x4F, v15;
	v14 =	vld.idx.msk [tilespmem:v14+s19+$0x0], $0xffff;
	[tilespmem:v43+s14+$0x0] =	vst.idx.msk $0xffff, v49;
	v61 =	vor.u32 v1, v23  }
0x1c4: {  	v15 =	vor.u32 v15, v23;
	v43 =	vor.u32 v50, v29;
	v11 =	vld.idx.msk [tilespmem:v11+s19+$0x0], $0xffff;
	v49 =	vor.u32 v55, v61  }
0x1c5: {  	v26 =	vor.u32 v36, v26;
	v58 =	vor.u32 v0, v60;
	v15 =	vor.u32 v6, v15;
	v12 =	vld.idx.msk [tilespmem:v12+s19+$0x0], $0xffff  }
0x1c6: {  	v1 =	vor.u32 v18, v16;
	[tilespmem:v8+s14+$0x0] =	vst.idx.msk $0xffff, v13;
	v8 =	vand.u32 $0x4F, v58;
	v13 =	vor.u32 v36, v31  }
0x1c7: {  	v55 =	vor.u32 v10, v1;
	v61 =	vor.u32 v3, v60;
	v58 =	vld.idx.msk [tilespmem:v2+s19+$0x0], $0xffff;
	v2 =	vor.u32 v8, v23  }
0x1c8: {  	[tilespmem:v51+s14+$0x0] =	vst.idx.msk $0xffff, v14;
	v14 =	vor.u32 v3, v9;
	v8 =	vor.u32 v45, v2;
	v2 =	vand.u32 $0x4F, v59  }
0x1c9: {  	v51 =	vor.u32 v63, v34;
	v43 =	vld.idx.msk [tilespmem:v43+s19+$0x0], $0xffff;
	[tilespmem:v49+s14+$0x0] =	vst.idx.msk $0xffff, v11;
	v2 =	vor.u32 v2, v23  }
0x1ca: {  	v14 =	vand.u32 $0x5F, v14;
	v62 =	vor.u32 v57, v2;
	v2 =	vand.u32 $0x4F, v54;
	[tilespmem:v15+s14+$0x0] =	vst.idx.msk $0xffff, v12  }
0x1cb: {  	v11 =	vor.u32 v50, v30;
	v14 =	vor.u32 v14, v23;
	v12 =	vld.idx.msk [tilespmem:v13+s19+$0x0], $0xffff;
	v13 =	vor.u32 v2, v23  }
0x1cc: {  	v59 =	vor.u32 v5, v9;
	v14 =	vor.u32 v6, v14;
	v13 =	vor.u32 v39, v13  }
0x1cd: {  	v15 =	vld.idx.msk [tilespmem:v55+s19+$0x0], $0xffff;
	[tilespmem:v8+s14+$0x0] =	vst.idx.msk $0xffff, v58;
	v8 =	vand.u32 $0x5F, v61;
	v58 =	vor.u32 v3, v48  }
0x1ce: {  	v31 =	vmovc v29;
	v2 =	vor.u32 v20, v16;
	v8 =	vor.u32 v8, v23;
	v21 =	vand.u32 $0x5F, v58  }
0x1cf: {  	v49 =	vor.u32 v10, v2;
	v51 =	vld.idx.msk [tilespmem:v51+s19+$0x0], $0xffff;
	v8 =	vor.u32 v45, v8;
	v19 =	vor.u32 v21, v23  }
0x1d0: {  	v29 =	vmov v35;
	v61 =	vor.u32 v63, v33;
	[tilespmem:v62+s14+$0x0] =	vst.idx.msk $0xffff, v43;
	v62 =	vor.u32 v57, v19;
	v19 =	vld [tilespmem:$0x1FF00]  }
0x1d1: {  	v35 =	vmov v17;
	v9 =	vor.u32 v7, v9;
	v11 =	vld.idx.msk [tilespmem:v11+s19+$0x0], $0xffff;
	[tilespmem:v13+s14+$0x0] =	vst.idx.msk $0xffff, v12;
	v12 =	vand.u32 $0x5F, v46  }
0x1d2: {  	v54 =	vor.u32 v5, v60;
	v43 =	vand.u32 $0x6F, v59;
	[tilespmem:v14+s14+$0x0] =	vst.idx.msk $0xffff, v15;
	v12 =	vor.u32 v12, v23  }
0x1d3: {  	v17 =	vor.u32 v43, v23;
	v13 =	vor.u32 v50, v27;
	v14 =	vld.idx.msk [tilespmem:v28+s19+$0x0], $0xffff;
	v12 =	vor.u32 v39, v12  }
0x1d4: {  	v59 =	vor.u32 v63, v32;
	v17 =	vor.u32 v6, v17;
	v15 =	vld.idx.msk [tilespmem:v49+s19+$0x0], $0xffff;
	[tilespmem:v8+s14+$0x0] =	vst.idx.msk $0xffff, v51  }
0x1d5: {  	v8 =	vand.u32 $0x6F, v54;
	v28 =	vor.u32 v5, v48;
	v16 =	vor.u32 v19, v16;
	v55 =	vld.idx.msk [tilespmem:v61+s19+$0x0], $0xffff  }
0x1d6: {  	v8 =	vor.u32 v8, v23;
	[tilespmem:v62+s14+$0x0] =	vst.idx.msk $0xffff, v11;
	v11 =	vand.u32 $0x6F, v28;
	v10 =	vor.u32 v10, v16  }
0x1d7: {  	v19 =	vor.u32 v5, v37;
	v8 =	vor.u32 v45, v8;
	v11 =	vor.u32 v11, v23  }
0x1d8: {  	v9 =	vand.u32 $0x7F, v9;
	v13 =	vld.idx.msk [tilespmem:v13+s19+$0x0], $0xffff;
	v11 =	vor.u32 v57, v11;
	[tilespmem:v12+s14+$0x0] =	vst.idx.msk $0xffff, v14;
	v12 =	vand.u32 $0x6F, v19  }
0x1d9: {  	v9 =	vor.u32 v9, v23;
	[tilespmem:v17+s14+$0x0] =	vst.idx.msk $0xffff, v15;
	v12 =	vor.u32 v12, v23  }
0x1da: {  	v6 =	vor.u32 v6, v9;
	v14 =	vor.u32 v50, v25;
	v15 =	vld.idx.msk [tilespmem:v26+s19+$0x0], $0xffff;
	v12 =	vor.u32 v39, v12  }
0x1db: {  	v9 =	vor.u32 v36, v24;
	v17 =	vor.u32 v7, v60;
	v60 =	vor.u32 v0, v52;
	v10 =	vld.idx.msk [tilespmem:v10+s19+$0x0], $0xffff  }
0x1dc: {  	[tilespmem:v8+s14+$0x0] =	vst.idx.msk $0xffff, v55;
	v8 =	vand.u32 $0x7F, v17;
	v17 =	vor.u32 v47, v35;
	v26 =	vor.u32 v7, v48  }
0x1dd: {  	v24 =	vld.idx.msk [tilespmem:v59+s19+$0x0], $0xffff;
	v8 =	vor.u32 v8, v23;
	[tilespmem:v11+s14+$0x0] =	vst.idx.msk $0xffff, v13;
	v11 =	vand.u32 $0x7F, v26  }
0x1de: {  	v13 =	vor.u32 v0, v44;
	v26 =	vor.u32 v53, v29;
	v8 =	vor.u32 v45, v8  }
0x1df: {  	v11 =	vor.u32 v11, v23;
	v13 =	vand.u32 $0x4F, v13;
	v14 =	vld.idx.msk [tilespmem:v14+s19+$0x0], $0xffff;
	[tilespmem:v12+s14+$0x0] =	vst.idx.msk $0xffff, v15;
	v12 =	vand.u32 $0x7F, v40  }
0x1e0: {  	v11 =	vor.u32 v57, v11;
	v15 =	vand.u32 $0x7F00, v4;
	[tilespmem:v6+s14+$0x0] =	vst.idx.msk $0xffff, v10;
	v10 =	vor.u32 v12, v23  }
0x1e1: {  	v4 =	vor.u32 v13, v23;
	v6 =	vor.u32 v42, v31;
	v9 =	vld.idx.msk [tilespmem:v9+s19+$0x0], $0xffff;
	v10 =	vor.u32 v39, v10  }
0x1e2: {  	v28 =	vmovc v30;
	v30 =	vmovc v34;
	v34 =	vmov v1;
	v1 =	vor.u32 v15, v4;
	v4 =	vand.u32 $0x4F, v60;
	v12 =	vld.idx.msk [tilespmem:v17+s19+$0x0], $0xffff  }
0x1e3: {  	v61 =	vand.u32 $0x7F00, v56;
	v13 =	vor.u32 v47, v34;
	[tilespmem:v8+s14+$0x0] =	vst.idx.msk $0xffff, v24;
	v4 =	vor.u32 v4, v23  }
0x1e4: {  	v17 =	vld.idx.msk [tilespmem:v26+s19+$0x0], $0xffff;
	v4 =	vor.u32 v61, v4  }
0x1e5: {  	[tilespmem:v11+s14+$0x0] =	vst.idx.msk $0xffff, v14  }
0x1e6: {  	v6 =	vld.idx.msk [tilespmem:v6+s19+$0x0], $0xffff;
	[tilespmem:v10+s14+$0x0] =	vst.idx.msk $0xffff, v9  }
0x1e7: {  	v14 =	vor.u32 v53, v30;
	[tilespmem:v1+s14+$0x0] =	vst.idx.msk $0xffff, v12  }
0x1e8: {  	v8 =	vor.u32 v0, v41;
	v10 =	vor.u32 v3, v52;
	v9 =	vld.idx.msk [tilespmem:v13+s19+$0x0], $0xffff  }
0x1e9: {  	v26 =	vmovc v27;
	v8 =	vand.u32 $0x4F, v8;
	v11 =	vshll.u32 v38, $0x7;
	[tilespmem:v4+s14+$0x0] =	vst.idx.msk $0xffff, v17;
	v4 =	vand.u32 $0x5F, v10;
	v10 =	vld [tilespmem:$0x1FF60]  }
0x1ea: {  	v27 =	vmovc v33;
	v33 =	vmovc v2;
	v2 =	vor.u32 v3, v44;
	v11 =	vand.u32 $0x7F00, v11;
	v8 =	vor.u32 v8, v23  }
0x1eb: {  	v24 =	vmovc v25;
	v8 =	vor.u32 v11, v8;
	v1 =	vand.u32 $0x5F, v2;
	v2 =	vor.u32 v42, v28  }
0x1ec: {  	v1 =	vor.u32 v1, v23;
	v13 =	vld.idx.msk [tilespmem:v14+s19+$0x0], $0xffff;
	v4 =	vor.u32 v4, v23;
	v14 =	vor.u32 v3, v41  }
0x1ed: {  	v25 =	vmovc v32;
	v32 =	vmovc v16;
	v1 =	vor.u32 v15, v1;
	v16 =	vor.u32 v61, v4;
	v4 =	vand.u32 $0x5F, v14  }
0x1ee: {  	v4 =	vor.u32 v4, v23;
	v12 =	vor.u32 s20, v10;
	v10 =	vor.u32 v47, v33  }
0x1ef: {  	v62 =	vor.u32 v11, v4;
	v4 =	vld [tilespmem:$0x1FFF0]  }
0x1f0: {  	[tilespmem:v8+s14+$0x0] =	vst.idx.msk $0xffff, v6;
	v6 =	vld [tilespmem:$0x1FF80]  }
0x1f1: {  	v17 =	vor.u32 v5, v44;
	v8 =	vld [tilespmem:$0x1FFE0]  }
0x1f2: {  	v2 =	vld.idx.msk [tilespmem:v2+s19+$0x0], $0xffff;
	[tilespmem:v1+s14+$0x0] =	vst.idx.msk $0xffff, v9;
	v1 =	vand.u32 $0x6F, v17;
	v17 =	vor.u32 v5, v52  }
0x1f3: {  	v14 =	vor.u32 v53, v27;
	v10 =	vld.idx.msk [tilespmem:v10+s19+$0x0], $0xffff;
	[tilespmem:v16+s14+$0x0] =	vst.idx.msk $0xffff, v13;
	v13 =	vand.u32 $0x6F, v17  }
0x1f4: {  	v39 =	vor.u32 s20, v4;
	v4 =	vld [tilespmem:$0x1FF70];
	v13 =	vor.u32 v13, v23  }
0x1f5: {  	v54 =	vor.u32 v7, v52;
	v1 =	vor.u32 v1, v23;
	v48 =	vor.u32 v61, v13;
	v13 =	vld [tilespmem:$0x1FF90]  }
0x1f6: {  	v19 =	vld [tilespmem:$0x1FFC0];
	v57 =	vor.u32 v7, v41;
	v9 =	vor.u32 v42, v26;
	v63 =	vor.u32 v15, v1  }
0x1f7: {  	v40 =	vor.u32 s24, v0;
	v51 =	vor.u32 v53, v25;
	v6 =	vor.u32 s20, v6;
	v1 =	vld [tilespmem:$0x1FFB0]  }
0x1f8: {  	v8 =	vor.u32 s20, v8;
	s20 =	smov.u32 s21;
	v16 =	vor.u32 v47, v32;
	v17 =	vld.idx.msk [tilespmem:v14+s19+$0x0], $0xffff;
	v14 =	vor.u32 v5, v41  }
0x1f9: {  	v53 =	vor.u32 v42, v24;
	[tilespmem:v62+s14+$0x0] =	vst.idx.msk $0xffff, v2;
	v2 =	vand.u32 $0x6F, v14;
	v38 =	vor.u32 s20, v4;
	v4 =	vld [tilespmem:$0x1FFA0]  }
0x1fa: {  	v14 =	vor.u32 v7, v44;
	v2 =	vor.u32 v2, v23;
	v49 =	vor.u32 s20, v13;
	v13 =	vld [tilespmem:$0x1FF20]  }
0x1fb: {  	v9 =	vld.idx.msk [tilespmem:v9+s19+$0x0], $0xffff;
	v2 =	vor.u32 v11, v2;
	[tilespmem:v63+s14+$0x0] =	vst.idx.msk $0xffff, v10;
	v10 =	vand.u32 $0x7F, v14;
	v14 =	vand.u32 $0x7F, v39  }
0x1fc: {  	v1 =	vor.u32 s20, v1;
	v10 =	vor.u32 v10, v23;
	v63 =	vor.u32 v14, v28  }
0x1fd: {  	v16 =	vld.idx.msk [tilespmem:v16+s19+$0x0], $0xffff;
	v10 =	vor.u32 v15, v10;
	[tilespmem:v48+s14+$0x0] =	vst.idx.msk $0xffff, v17;
	v17 =	vand.u32 $0x7F, v54;
	v55 =	vshll.u32 v49, $0x7  }
0x1fe: {  	s21 =	smov.u32 s22;
	v17 =	vor.u32 v17, v23;
	v46 =	vand.u32 $0x7F, v49;
	v45 =	vshll.u32 v49, $0x6  }
0x1ff: {  	v49 =	vor.u32 s20, v19;
	v4 =	vor.u32 s20, v4;
	v50 =	vor.u32 s21, v13  }
0x200: {  	v43 =	vld.idx.msk [tilespmem:v51+s19+$0x0], $0xffff;
	v17 =	vor.u32 v61, v17;
	[tilespmem:v2+s14+$0x0] =	vst.idx.msk $0xffff, v9;
	v2 =	vand.u32 $0x7F, v57;
	v15 =	vand.u32 $0x7F, v50  }
0x201: {  	v9 =	vor.u32 v46, v29;
	v2 =	vor.u32 v2, v23;
	v56 =	vor.u32 v15, v35  }
0x202: {  	v44 =	vand.u32 $0x7F00, v55;
	v2 =	vor.u32 v11, v2;
	v41 =	vshll.u32 v50, $0x6  }
0x203: {  	v58 =	vld.idx.msk [tilespmem:v53+s19+$0x0], $0xffff;
	v13 =	vshll.u32 v39, $0x6;
	v11 =	vshll.u32 v50, $0x7;
	v59 =	vor.u32 v0, v41  }
0x204: {  	v19 =	vld [tilespmem:$0x1FF50];
	[tilespmem:v10+s14+$0x0] =	vst.idx.msk $0xffff, v16;
	v42 =	vand.u32 $0x7F00, v11;
	v11 =	vor.u32 v0, v45;
	v10 =	vand.u32 $0x4F, v59  }
0x205: {  	v16 =	vor.u32 v14, v31;
	v11 =	vand.u32 $0x4F, v11;
	v10 =	vor.u32 v10, v23  }
0x206: {  	v11 =	vor.u32 v11, v23;
	v10 =	vor.u32 v42, v10;
	v60 =	vld.idx.msk [tilespmem:v56+s19+$0x0], $0xffff;
	[tilespmem:v17+s14+$0x0] =	vst.idx.msk $0xffff, v43  }
0x207: {  	v61 =	vor.u32 v15, v34;
	v62 =	vor.u32 v44, v11;
	v17 =	vor.u32 v0, v13;
	v9 =	vld.idx.msk [tilespmem:v9+s19+$0x0], $0xffff  }
0x208: {  	v54 =	vshll.u32 v49, $0x7;
	v11 =	vshll.u32 v39, $0x7;
	[tilespmem:v2+s14+$0x0] =	vst.idx.msk $0xffff, v58;
	v2 =	vand.u32 $0x4F, v17  }
0x209: {  	v48 =	vand.u32 $0x7F00, v11;
	v43 =	vor.u32 s21, v19;
	v19 =	vld [tilespmem:$0x1FF30];
	v2 =	vor.u32 v2, v23  }
0x20a: {  	v11 =	vor.u32 v3, v41;
	v17 =	vor.u32 v46, v30;
	v16 =	vld.idx.msk [tilespmem:v16+s19+$0x0], $0xffff;
	v2 =	vor.u32 v48, v2  }
0x20b: {  	v59 =	vor.u32 v3, v13;
	v56 =	vor.u32 v3, v45;
	[tilespmem:v10+s14+$0x0] =	vst.idx.msk $0xffff, v60;
	v10 =	vand.u32 $0x5F, v11;
	v11 =	vld [tilespmem:$0x1FFD0]  }
0x20c: {  	v54 =	vand.u32 $0x7F00, v54;
	v37 =	vld.idx.msk [tilespmem:v61+s19+$0x0], $0xffff;
	v10 =	vor.u32 v10, v23;
	[tilespmem:v62+s14+$0x0] =	vst.idx.msk $0xffff, v9;
	v9 =	vand.u32 $0x5F, v56  }
0x20d: {  	v58 =	vor.u32 v15, v33;
	v57 =	vor.u32 v42, v10;
	v10 =	vld [tilespmem:$0x1FF40];
	v9 =	vor.u32 v9, v23  }
0x20e: {  	v51 =	vor.u32 s21, v19;
	v61 =	vor.u32 v5, v41;
	v60 =	vor.u32 v44, v9;
	v9 =	vld [tilespmem:$0x1FF10]  }
0x20f: {  	v53 =	vshll.u32 v51, $0x6;
	v17 =	vld.idx.msk [tilespmem:v17+s19+$0x0], $0xffff;
	[tilespmem:v2+s14+$0x0] =	vst.idx.msk $0xffff, v16;
	v2 =	vand.u32 $0x5F, v59;
	v16 =	vor.u32 v46, v27  }
0x210: {  	v36 =	vld.idx.msk [tilespmem:v63+s19+$0x0], $0xffff;
	v2 =	vor.u32 v2, v23;
	v63 =	vor.u32 v14, v26;
	v14 =	vor.u32 v14, v24  }
0x211: {  	v11 =	vor.u32 s21, v11;
	v62 =	vor.u32 v48, v2;
	v2 =	vand.u32 $0x6F, v61  }
0x212: {  	v10 =	vor.u32 s21, v10;
	[tilespmem:v57+s14+$0x0] =	vst.idx.msk $0xffff, v37;
	v57 =	vor.u32 v2, v23;
	v2 =	vshll.u32 v12, $0x7  }
0x213: {  	v37 =	vshll.u32 v12, $0x6;
	v9 =	vor.u32 s24, v9;
	v47 =	vld.idx.msk [tilespmem:v58+s19+$0x0], $0xffff;
	v58 =	vor.u32 v5, v45  }
0x214: {  	v59 =	vor.u32 v42, v57;
	[tilespmem:v60+s14+$0x0] =	vst.idx.msk $0xffff, v17;
	v60 =	vor.u32 v15, v32;
	v17 =	vand.u32 $0x6F, v58  }
0x215: {  	v22 =	vmovc v18;
	v45 =	vor.u32 v7, v45;
	v18 =	vand.u32 $0x7F, v10;
	v15 =	vor.u32 v17, v23  }
0x216: {  	v16 =	vld.idx.msk [tilespmem:v16+s19+$0x0], $0xffff;
	v58 =	vor.u32 v0, v53;
	v17 =	vor.u32 v5, v13;
	v61 =	vor.u32 v44, v15  }
0x217: {  	[tilespmem:v62+s14+$0x0] =	vst.idx.msk $0xffff, v36;
	v36 =	vand.u32 $0x7F, v12;
	v13 =	vor.u32 v7, v13;
	v15 =	vand.u32 $0x6F, v17  }
0x218: {  	v17 =	vor.u32 v46, v25;
	v12 =	vor.u32 v15, v23;
	v15 =	vor.u32 v7, v41  }
0x219: {  	v50 =	vld.idx.msk [tilespmem:v63+s19+$0x0], $0xffff;
	v13 =	vand.u32 $0x7F, v13;
	v62 =	vor.u32 v48, v12;
	v63 =	vand.u32 $0x7F, v15  }
0x21a: {  	v46 =	vshll.u32 v6, $0x7;
	v13 =	vor.u32 v13, v23;
	[tilespmem:v59+s14+$0x0] =	vst.idx.msk $0xffff, v47;
	v47 =	vor.u32 v63, v23  }
0x21b: {  	v52 =	vld.idx.msk [tilespmem:v60+s19+$0x0], $0xffff;
	v42 =	vor.u32 v42, v47;
	v47 =	vand.u32 $0x7F, v51;
	[tilespmem:v61+s14+$0x0] =	vst.idx.msk $0xffff, v16;
	v16 =	vand.u32 $0x7F, v45  }
0x21c: {  	v12 =	vshll.u32 v8, $0x6;
	v56 =	vor.u32 v47, v35;
	v16 =	vor.u32 v16, v23  }
0x21d: {  	v15 =	vand.u32 $0x7F, v8;
	v13 =	vor.u32 v48, v13;
	v17 =	vld.idx.msk [tilespmem:v17+s19+$0x0], $0xffff;
	v16 =	vor.u32 v44, v16  }
0x21e: {  	v59 =	vand.u32 $0x4F, v58;
	v8 =	vshll.u32 v8, $0x7;
	v44 =	vand.u32 $0x7F, v49;
	[tilespmem:v62+s14+$0x0] =	vst.idx.msk $0xffff, v50  }
0x21f: {  	v48 =	vshll.u32 v4, $0x6;
	v60 =	vshll.u32 v51, $0x7;
	v57 =	vor.u32 v44, v29;
	v14 =	vld.idx.msk [tilespmem:v14+s19+$0x0], $0xffff  }
0x220: {  	v55 =	vand.u32 $0x7F00, v60;
	v49 =	vshll.u32 v49, $0x6;
	[tilespmem:v42+s14+$0x0] =	vst.idx.msk $0xffff, v52;
	v42 =	vor.u32 v59, v23  }
0x221: {  	v61 =	vor.u32 v15, v31;
	v62 =	vor.u32 v0, v49;
	v45 =	vld.idx.msk [tilespmem:v56+s19+$0x0], $0xffff;
	v42 =	vor.u32 v55, v42  }
0x222: {  	v8 =	vand.u32 $0x7F00, v8;
	v63 =	vor.u32 v47, v34;
	[tilespmem:v16+s14+$0x0] =	vst.idx.msk $0xffff, v17;
	v16 =	vand.u32 $0x4F, v62  }
0x223: {  	v51 =	vor.u32 v3, v53;
	v17 =	vor.u32 v0, v12;
	v16 =	vor.u32 v16, v23  }
0x224: {  	v41 =	vand.u32 $0x5F, v51;
	v52 =	vld.idx.msk [tilespmem:v57+s19+$0x0], $0xffff;
	[tilespmem:v13+s14+$0x0] =	vst.idx.msk $0xffff, v14;
	v13 =	vand.u32 $0x4F, v17;
	v16 =	vor.u32 v54, v16  }
0x225: {  	v51 =	vand.u32 $0x7F, v6;
	v14 =	vor.u32 v44, v30;
	v13 =	vor.u32 v13, v23  }
0x226: {  	v39 =	vmov s24;
	v60 =	vor.u32 v41, v23;
	v17 =	vld.idx.msk [tilespmem:v61+s19+$0x0], $0xffff;
	v13 =	vor.u32 v8, v13;
	[tilespmem:v42+s14+$0x0] =	vst.idx.msk $0xffff, v45  }
0x227: {  	v56 =	vor.u32 v55, v60;
	v57 =	vshll.u32 v6, $0x6;
	v45 =	vor.u32 v15, v28;
	v6 =	vld.idx.msk [tilespmem:v63+s19+$0x0], $0xffff  }
0x228: {  	v58 =	vshll.u32 v1, $0x6;
	v41 =	vshll.u32 v38, $0x6;
	v61 =	vor.u32 v3, v49  }
0x229: {  	v62 =	vor.u32 v5, v53;
	[tilespmem:v16+s14+$0x0] =	vst.idx.msk $0xffff, v52;
	v16 =	vand.u32 $0x5F, v61;
	v52 =	vor.u32 v47, v33  }
0x22a: {  	v63 =	vor.u32 v5, v49;
	v59 =	vld.idx.msk [tilespmem:v14+s19+$0x0], $0xffff;
	v14 =	vor.u32 v16, v23;
	v16 =	vor.u32 v3, v12  }
0x22b: {  	[tilespmem:v13+s14+$0x0] =	vst.idx.msk $0xffff, v17;
	v60 =	vor.u32 v54, v14;
	v13 =	vand.u32 $0x5F, v16;
	v16 =	vor.u32 v44, v27  }
0x22c: {  	v50 =	vand.u32 $0x7F, v4;
	v17 =	vld.idx.msk [tilespmem:v45+s19+$0x0], $0xffff;
	[tilespmem:v56+s14+$0x0] =	vst.idx.msk $0xffff, v6;
	v6 =	vand.u32 $0x6F, v62;
	v13 =	vor.u32 v13, v23  }
0x22d: {  	v14 =	vshll.u32 v4, $0x7;
	v6 =	vor.u32 v6, v23;
	v4 =	vor.u32 v8, v13  }
0x22e: {  	v45 =	vor.u32 v15, v26;
	v62 =	vor.u32 v5, v12;
	v6 =	vor.u32 v55, v6;
	v61 =	vld.idx.msk [tilespmem:v52+s19+$0x0], $0xffff  }
0x22f: {  	v56 =	vshll.u32 v11, $0x7;
	v12 =	vor.u32 v7, v12;
	v13 =	vshll.u32 v1, $0x7  }
0x230: {  	v52 =	vand.u32 $0x6F, v63;
	[tilespmem:v60+s14+$0x0] =	vst.idx.msk $0xffff, v59;
	v59 =	vand.u32 $0x7F, v1;
	v1 =	vor.u32 v47, v32  }
0x231: {  	v63 =	vor.u32 v7, v53;
	v53 =	vand.u32 $0x7F, v11;
	v60 =	vor.u32 v52, v23;
	v16 =	vld.idx.msk [tilespmem:v16+s19+$0x0], $0xffff  }
0x232: {  	v47 =	vor.u32 v54, v60;
	[tilespmem:v4+s14+$0x0] =	vst.idx.msk $0xffff, v17;
	v4 =	vand.u32 $0x6F, v62;
	v17 =	vor.u32 v44, v25  }
0x233: {  	v52 =	vshll.u32 v11, $0x6;
	v44 =	vld.idx.msk [tilespmem:v45+s19+$0x0], $0xffff;
	v4 =	vor.u32 v4, v23;
	[tilespmem:v6+s14+$0x0] =	vst.idx.msk $0xffff, v61;
	v6 =	vand.u32 $0x7F, v63  }
0x234: {  	v11 =	vor.u32 v15, v24;
	v4 =	vor.u32 v8, v4;
	v6 =	vor.u32 v6, v23  }
0x235: {  	v15 =	vor.u32 v7, v49;
	v60 =	vshll.u32 v43, $0x6;
	v1 =	vld.idx.msk [tilespmem:v1+s19+$0x0], $0xffff;
	v55 =	vor.u32 v55, v6  }
0x236: {  	v45 =	vshll.u32 v43, $0x7;
	v63 =	vand.u32 $0x7F, v43;
	v6 =	vand.u32 $0x7F, v15  }
0x237: {  	v15 =	vor.u32 v18, v35;
	[tilespmem:v47+s14+$0x0] =	vst.idx.msk $0xffff, v16;
	v6 =	vor.u32 v6, v23;
	v47 =	vand.u32 $0x7F, v9  }
0x238: {  	v16 =	vld.idx.msk [tilespmem:v17+s19+$0x0], $0xffff;
	v17 =	vor.u32 v54, v6;
	v6 =	vshll.u32 v10, $0x6;
	v10 =	vshll.u32 v10, $0x7  }
0x239: {  	v62 =	vor.u32 v0, v6;
	[tilespmem:v4+s14+$0x0] =	vst.idx.msk $0xffff, v44;
	v4 =	vand.u32 $0x7F, v12;
	v12 =	vor.u32 v59, v29  }
0x23a: {  	v44 =	vshll.u32 v9, $0x6;
	v11 =	vld.idx.msk [tilespmem:v11+s19+$0x0], $0xffff;
	v4 =	vor.u32 v4, v23;
	[tilespmem:v55+s14+$0x0] =	vst.idx.msk $0xffff, v1;
	v1 =	vand.u32 $0x4F, v62  }
0x23b: {  	v54 =	vor.u32 v8, v4;
	v8 =	vand.u32 $0x7F00, v10;
	v1 =	vor.u32 v1, v23  }
0x23c: {  	v55 =	vor.u32 v51, v31;
	v49 =	vld.idx.msk [tilespmem:v15+s19+$0x0], $0xffff;
	v10 =	vor.u32 v0, v58;
	v1 =	vor.u32 v8, v1  }
0x23d: {  	v62 =	vand.u32 $0x7F00, v13;
	v15 =	vor.u32 v0, v57;
	v10 =	vand.u32 $0x4F, v10  }
0x23e: {  	v4 =	vshll.u32 v9, $0x7;
	[tilespmem:v17+s14+$0x0] =	vst.idx.msk $0xffff, v16;
	v16 =	vor.u32 v18, v34;
	v10 =	vor.u32 v10, v23  }
0x23f: {  	v9 =	vor.u32 v3, v6;
	v12 =	vld.idx.msk [tilespmem:v12+s19+$0x0], $0xffff;
	v13 =	vor.u32 v62, v10;
	v10 =	vand.u32 $0x4F, v15  }
0x240: {  	v15 =	vshll.u32 v40, $0x7;
	v10 =	vor.u32 v10, v23;
	[tilespmem:v54+s14+$0x0] =	vst.idx.msk $0xffff, v11;
	v11 =	vor.u32 v59, v30  }
0x241: {  	v54 =	vor.u32 v51, v28;
	v17 =	vld.idx.msk [tilespmem:v55+s19+$0x0], $0xffff;
	v55 =	vand.u32 $0x7F00, v46;
	[tilespmem:v1+s14+$0x0] =	vst.idx.msk $0xffff, v49;
	v1 =	vand.u32 $0x5F, v9  }
0x242: {  	v9 =	vshll.u32 v40, $0x6;
	v43 =	vor.u32 v55, v10;
	v1 =	vor.u32 v1, v23  }
0x243: {  	v46 =	vor.u32 v3, v37;
	v49 =	vld.idx.msk [tilespmem:v16+s19+$0x0], $0xffff;
	v16 =	vor.u32 v3, v58;
	v1 =	vor.u32 v8, v1  }
0x244: {  	[tilespmem:v13+s14+$0x0] =	vst.idx.msk $0xffff, v12;
	v12 =	vand.u32 $0x5F, v16;
	v13 =	vor.u32 v18, v33;
	v16 =	vshll.u32 v39, $0x3  }
0x245: {  	v39 =	vand.u32 $0x7F00, v2;
	v61 =	vld.idx.msk [tilespmem:v11+s19+$0x0], $0xffff;
	v11 =	vor.u32 v12, v23;
	v12 =	vor.u32 v3, v57  }
0x246: {  	v2 =	vor.u32 v5, v58;
	v19 =	vor.u32 v62, v11;
	v11 =	vand.u32 $0x5F, v12  }
0x247: {  	v2 =	vand.u32 $0x6F, v2;
	[tilespmem:v43+s14+$0x0] =	vst.idx.msk $0xffff, v17;
	v17 =	vor.u32 v59, v27;
	v11 =	vor.u32 v11, v23  }
0x248: {  	p2 =	sne.s32 s24, $0xF0;
	v21 =	vmovc v20;
	v10 =	vand.u32 $0x7F, v40;
	v2 =	vor.u32 v2, v23;
	v43 =	vld.idx.msk [tilespmem:v54+s19+$0x0], $0xffff;
	v20 =	vor.u32 v55, v11  }
.Ltmp5:
0x249: {  	v40 =	vor.u32 v7, v37;
	v12 =	vor.u32 v5, v6;
	v2 =	vor.u32 v62, v2;
	(pc) =	sbr.rel @p2 .LBB2_4-.Ltmp5, $4  }
0x24a: {  	[tilespmem:v1+s14+$0x0] =	vst.idx.msk $0xffff, v49;
	v1 =	vand.u32 $0x6F, v12;
	v49 =	vor.u32 v51, v26;
	v54 =	vor.u32 v0, v37  }
0x24b: {  	v11 =	vld.idx.msk [tilespmem:v13+s19+$0x0], $0xffff;
	v1 =	vor.u32 v1, v23;
	v13 =	vor.u32 v18, v32;
	[tilespmem:v19+s14+$0x0] =	vst.idx.msk $0xffff, v61  }
0x24c: {  	v42 =	vand.u32 $0x7F, v38;
	v18 =	vmovc v22;
	v12 =	vor.u32 v8, v1;
	v1 =	vld.idx.msk [tilespmem:v17+s19+$0x0], $0xffff;
	v17 =	vor.u32 v5, v57  }
0x24d: {  	s22 =	smov.u32 s24;
	s24 =	sadd.s32 $0x10, s24;
	v61 =	vor.u32 v7, v57;
	v57 =	vand.u32 $0x7F00, v14;
	[tilespmem:v20+s14+$0x0] =	vst.idx.msk $0xffff, v43;
	v20 =	vmovc v21;
	v43 =	vand.u32 $0x6F, v17;
	v17 =	vld [tilespmem:$0x1FEF0]  }
0x24e: {  	_ =	sdelay $0x2  }
0x24f: {  	v14 =	vand.u32 $0x400, v16  }
0x250: {  	v16 =	vor.u32 v17, v14  }
0x251: {  	[tilespmem:$0x1FEB0] =	vst v16;
	v16 =	vor.u32 v10, v16;
	_ =	sdelay $0x1  }
0x252: {  	v17 =	vor.u32 v0, v9  }
0x253: {  	v17 =	vand.u32 $0x4F, v17  }
0x254: {  	v15 =	vand.u32 $0x7F00, v15;
	v17 =	vor.u32 v17, v23  }
0x255: {  	v18 =	vor.u32 v18, v14;
	v17 =	vor.u32 v15, v17;
	v16 =	vld.idx.msk [tilespmem:v16+s19+$0x0], $0xffff  }
0x256: {  	[tilespmem:$0x1FEC0] =	vst v18;
	v18 =	vor.u32 v10, v18;
	_ =	sdelay $0x1  }
0x257: {  	v19 =	vor.u32 v3, v9  }
0x258: {  	v19 =	vand.u32 $0x5F, v19  }
0x259: {  	[tilespmem:v17+s14+$0x0] =	vst.idx.msk $0xffff, v16;
	v16 =	vor.u32 v19, v23  }
0x25a: {  	v20 =	vor.u32 v20, v14;
	v17 =	vld.idx.msk [tilespmem:v18+s19+$0x0], $0xffff;
	v16 =	vor.u32 v15, v16  }
0x25b: {  	v18 =	vor.u32 v10, v20;
	_ =	sdelay $0x3  }
0x25c: {  	[tilespmem:v16+s14+$0x0] =	vst.idx.msk $0xffff, v17  }
0x25d: {  	v17 =	vld.idx.msk [tilespmem:v18+s19+$0x0], $0xffff  }
0x25e: {  	v18 =	vld [tilespmem:$0x1FF00];
	_ =	sdelay $0x1  }
0x25f: {  	v19 =	vor.u32 v5, v9  }
0x260: {  	v19 =	vand.u32 $0x6F, v19  }
0x261: {  	v16 =	vor.u32 v19, v23  }
0x262: {  	v18 =	vor.u32 v18, v14;
	v14 =	vor.u32 v15, v16  }
0x263: {  	v10 =	vor.u32 v10, v18;
	_ =	sdelay $0x2  }
0x264: {  	v9 =	vor.u32 v7, v9  }
0x265: {  	v9 =	vand.u32 $0x7F, v9;
	[tilespmem:v14+s14+$0x0] =	vst.idx.msk $0xffff, v17  }
0x266: {  	v9 =	vor.u32 v9, v23;
	v10 =	vld.idx.msk [tilespmem:v10+s19+$0x0], $0xffff  }
0x267: {  	v9 =	vor.u32 v15, v9;
	v17 =	vld [tilespmem:$0x1FEB0];
	_ =	sdelay $0x4  }
0x268: {  	v14 =	vor.u32 v47, v17;
	[tilespmem:v9+s14+$0x0] =	vst.idx.msk $0xffff, v10  }
0x269: {  	v19 =	vld [tilespmem:$0x1FEC0]  }
0x26a: {  	v15 =	vor.u32 v0, v44  }
0x26b: {  	v15 =	vand.u32 $0x4F, v15  }
0x26c: {  	v4 =	vand.u32 $0x7F00, v4;
	v15 =	vor.u32 v15, v23  }
0x26d: {  	v9 =	vor.u32 v4, v15;
	v10 =	vld.idx.msk [tilespmem:v14+s19+$0x0], $0xffff  }
0x26e: {  	v14 =	vor.u32 v47, v19;
	_ =	sdelay $0x1  }
0x26f: {  	v15 =	vor.u32 v3, v44  }
0x270: {  	v15 =	vand.u32 $0x5F, v15  }
0x271: {  	v15 =	vor.u32 v15, v23;
	[tilespmem:v9+s14+$0x0] =	vst.idx.msk $0xffff, v10  }
0x272: {  	v9 =	vor.u32 v4, v15;
	v10 =	vld.idx.msk [tilespmem:v14+s19+$0x0], $0xffff  }
0x273: {  	v14 =	vor.u32 v47, v20;
	_ =	sdelay $0x2  }
0x274: {  	v15 =	vor.u32 v5, v44  }
0x275: {  	v15 =	vand.u32 $0x6F, v15;
	[tilespmem:v9+s14+$0x0] =	vst.idx.msk $0xffff, v10  }
0x276: {  	v15 =	vor.u32 v15, v23;
	v10 =	vld.idx.msk [tilespmem:v14+s19+$0x0], $0xffff  }
0x277: {  	v9 =	vor.u32 v4, v15;
	v16 =	vld [tilespmem:$0x1FF20]  }
0x278: {  	v14 =	vor.u32 v47, v18;
	_ =	sdelay $0x1  }
0x279: {  	v47 =	vor.u32 v7, v44  }
0x27a: {  	v15 =	vand.u32 $0x7F, v47  }
0x27b: {  	v15 =	vor.u32 v15, v23;
	v16 =	vor.u32 s22, v16;
	[tilespmem:v9+s14+$0x0] =	vst.idx.msk $0xffff, v10  }
0x27c: {  	v4 =	vor.u32 v4, v15;
	v10 =	vld.idx.msk [tilespmem:v14+s19+$0x0], $0xffff;
	v9 =	vand.u32 $0x7F, v16  }
0x27d: {  	v14 =	vor.u32 v9, v17  }
0x27e: {  	v15 =	vshll.u32 v16, $0x6  }
0x27f: {  	v47 =	vmov v17;
	v17 =	vor.u32 v0, v15  }
0x280: {  	v16 =	vshll.u32 v16, $0x7;
	v17 =	vand.u32 $0x4F, v17  }
0x281: {  	v44 =	vor.u32 v17, v23;
	[tilespmem:v4+s14+$0x0] =	vst.idx.msk $0xffff, v10;
	v4 =	vand.u32 $0x7F00, v16  }
0x282: {  	v14 =	vld.idx.msk [tilespmem:v14+s19+$0x0], $0xffff;
	v10 =	vor.u32 v4, v44  }
0x283: {  	v16 =	vor.u32 v9, v19;
	_ =	sdelay $0x1  }
0x284: {  	v17 =	vor.u32 v3, v15  }
0x285: {  	v17 =	vand.u32 $0x5F, v17  }
0x286: {  	v44 =	vor.u32 v17, v23;
	[tilespmem:v10+s14+$0x0] =	vst.idx.msk $0xffff, v14  }
0x287: {  	v10 =	vor.u32 v4, v44;
	v14 =	vld.idx.msk [tilespmem:v16+s19+$0x0], $0xffff  }
0x288: {  	v16 =	vor.u32 v9, v20;
	_ =	sdelay $0x2  }
0x289: {  	v17 =	vor.u32 v5, v15  }
0x28a: {  	v17 =	vand.u32 $0x6F, v17;
	[tilespmem:v10+s14+$0x0] =	vst.idx.msk $0xffff, v14  }
0x28b: {  	v44 =	vor.u32 v17, v23;
	v14 =	vld.idx.msk [tilespmem:v16+s19+$0x0], $0xffff  }
0x28c: {  	v10 =	vor.u32 v4, v44;
	v16 =	vld [tilespmem:$0x1FF30]  }
0x28d: {  	v9 =	vor.u32 v9, v18;
	_ =	sdelay $0x1  }
0x28e: {  	v15 =	vor.u32 v7, v15  }
0x28f: {  	v15 =	vand.u32 $0x7F, v15  }
0x290: {  	v15 =	vor.u32 v15, v23;
	v16 =	vor.u32 s22, v16;
	[tilespmem:v10+s14+$0x0] =	vst.idx.msk $0xffff, v14  }
0x291: {  	v4 =	vor.u32 v4, v15;
	v9 =	vld.idx.msk [tilespmem:v9+s19+$0x0], $0xffff;
	v10 =	vand.u32 $0x7F, v16  }
0x292: {  	v14 =	vor.u32 v10, v47  }
0x293: {  	v15 =	vshll.u32 v16, $0x6  }
0x294: {  	v17 =	vor.u32 v0, v15  }
0x295: {  	v16 =	vshll.u32 v16, $0x7;
	v17 =	vand.u32 $0x4F, v17  }
0x296: {  	v44 =	vor.u32 v17, v23;
	[tilespmem:v4+s14+$0x0] =	vst.idx.msk $0xffff, v9;
	v4 =	vand.u32 $0x7F00, v16  }
0x297: {  	v14 =	vld.idx.msk [tilespmem:v14+s19+$0x0], $0xffff;
	v9 =	vor.u32 v4, v44  }
0x298: {  	v16 =	vor.u32 v10, v19;
	_ =	sdelay $0x1  }
0x299: {  	v17 =	vor.u32 v3, v15  }
0x29a: {  	v17 =	vand.u32 $0x5F, v17  }
0x29b: {  	[tilespmem:v9+s14+$0x0] =	vst.idx.msk $0xffff, v14;
	v9 =	vor.u32 v17, v23  }
0x29c: {  	v14 =	vld.idx.msk [tilespmem:v16+s19+$0x0], $0xffff;
	v9 =	vor.u32 v4, v9  }
0x29d: {  	v16 =	vor.u32 v10, v20;
	_ =	sdelay $0x2  }
0x29e: {  	v17 =	vor.u32 v5, v15  }
0x29f: {  	v17 =	vand.u32 $0x6F, v17;
	[tilespmem:v9+s14+$0x0] =	vst.idx.msk $0xffff, v14  }
0x2a0: {  	v9 =	vor.u32 v17, v23;
	v14 =	vld.idx.msk [tilespmem:v16+s19+$0x0], $0xffff  }
0x2a1: {  	v9 =	vor.u32 v4, v9;
	v16 =	vld [tilespmem:$0x1FF40]  }
0x2a2: {  	v10 =	vor.u32 v10, v18;
	_ =	sdelay $0x1  }
0x2a3: {  	v15 =	vor.u32 v7, v15  }
0x2a4: {  	v15 =	vand.u32 $0x7F, v15  }
0x2a5: {  	v15 =	vor.u32 v15, v23;
	v16 =	vor.u32 s22, v16;
	[tilespmem:v9+s14+$0x0] =	vst.idx.msk $0xffff, v14  }
0x2a6: {  	v4 =	vor.u32 v4, v15;
	v10 =	vld.idx.msk [tilespmem:v10+s19+$0x0], $0xffff;
	v9 =	vand.u32 $0x7F, v16  }
0x2a7: {  	v14 =	vor.u32 v9, v47  }
0x2a8: {  	v15 =	vshll.u32 v16, $0x6  }
0x2a9: {  	v17 =	vor.u32 v0, v15  }
0x2aa: {  	v16 =	vshll.u32 v16, $0x7;
	v17 =	vand.u32 $0x4F, v17  }
0x2ab: {  	[tilespmem:v4+s14+$0x0] =	vst.idx.msk $0xffff, v10;
	v4 =	vand.u32 $0x7F00, v16;
	v10 =	vor.u32 v17, v23  }
0x2ac: {  	v14 =	vld.idx.msk [tilespmem:v14+s19+$0x0], $0xffff;
	v10 =	vor.u32 v4, v10  }
0x2ad: {  	v16 =	vor.u32 v9, v19;
	_ =	sdelay $0x1  }
0x2ae: {  	v17 =	vor.u32 v3, v15  }
0x2af: {  	v17 =	vand.u32 $0x5F, v17  }
0x2b0: {  	[tilespmem:v10+s14+$0x0] =	vst.idx.msk $0xffff, v14;
	v10 =	vor.u32 v17, v23  }
0x2b1: {  	v14 =	vld.idx.msk [tilespmem:v16+s19+$0x0], $0xffff;
	v10 =	vor.u32 v4, v10  }
0x2b2: {  	v16 =	vor.u32 v9, v20;
	_ =	sdelay $0x2  }
0x2b3: {  	v17 =	vor.u32 v5, v15  }
0x2b4: {  	v17 =	vand.u32 $0x6F, v17;
	[tilespmem:v10+s14+$0x0] =	vst.idx.msk $0xffff, v14  }
0x2b5: {  	v6 =	vor.u32 v7, v6;
	[tilespmem:v12+s14+$0x0] =	vst.idx.msk $0xffff, v11;
	v10 =	vor.u32 v17, v23;
	v14 =	vld.idx.msk [tilespmem:v16+s19+$0x0], $0xffff  }
0x2b6: {  	v6 =	vand.u32 $0x7F, v6;
	v12 =	vor.u32 v7, v15;
	v10 =	vor.u32 v4, v10;
	v15 =	vld [tilespmem:$0x1FF50]  }
0x2b7: {  	v6 =	vor.u32 v6, v23;
	v9 =	vor.u32 v9, v18  }
0x2b8: {  	v6 =	vor.u32 v8, v6;
	v11 =	vld.idx.msk [tilespmem:v13+s19+$0x0], $0xffff  }
0x2b9: {  	v8 =	vor.u32 v63, v35  }
0x2ba: {  	v12 =	vand.u32 $0x7F, v12  }
0x2bb: {  	v13 =	vor.u32 v0, v60;
	v15 =	vor.u32 s22, v15;
	[tilespmem:v10+s14+$0x0] =	vst.idx.msk $0xffff, v14;
	v10 =	vor.u32 v12, v23  }
0x2bc: {  	v12 =	vand.u32 $0x4F, v13;
	v13 =	vand.u32 $0x7F, v15;
	v9 =	vld.idx.msk [tilespmem:v9+s19+$0x0], $0xffff;
	v4 =	vor.u32 v4, v10  }
0x2bd: {  	[tilespmem:v6+s14+$0x0] =	vst.idx.msk $0xffff, v11;
	v6 =	vand.u32 $0x7F00, v45;
	v14 =	vor.u32 v12, v23;
	v11 =	vor.u32 v13, v47  }
0x2be: {  	v8 =	vld.idx.msk [tilespmem:v8+s19+$0x0], $0xffff;
	v12 =	vshll.u32 v15, $0x6;
	v10 =	vor.u32 v6, v14  }
0x2bf: {  	v14 =	vor.u32 v63, v34;
	v16 =	vor.u32 v0, v12  }
0x2c0: {  	v15 =	vshll.u32 v15, $0x7;
	v16 =	vand.u32 $0x4F, v16  }
0x2c1: {  	v45 =	vor.u32 v16, v23;
	[tilespmem:v4+s14+$0x0] =	vst.idx.msk $0xffff, v9;
	v4 =	vor.u32 v3, v60;
	v9 =	vand.u32 $0x7F00, v15  }
0x2c2: {  	v4 =	vand.u32 $0x5F, v4;
	v11 =	vld.idx.msk [tilespmem:v11+s19+$0x0], $0xffff;
	v15 =	vor.u32 v9, v45  }
0x2c3: {  	[tilespmem:v10+s14+$0x0] =	vst.idx.msk $0xffff, v8;
	v4 =	vor.u32 v4, v23  }
0x2c4: {  	v8 =	vor.u32 v13, v19;
	v10 =	vld.idx.msk [tilespmem:v14+s19+$0x0], $0xffff;
	v4 =	vor.u32 v6, v4  }
0x2c5: {  	v14 =	vor.u32 v63, v33  }
0x2c6: {  	v16 =	vor.u32 v3, v12  }
0x2c7: {  	v16 =	vand.u32 $0x5F, v16;
	[tilespmem:v15+s14+$0x0] =	vst.idx.msk $0xffff, v11;
	v11 =	vor.u32 v5, v60  }
0x2c8: {  	v45 =	vor.u32 v16, v23;
	v11 =	vand.u32 $0x6F, v11  }
0x2c9: {  	v15 =	vor.u32 v9, v45;
	v8 =	vld.idx.msk [tilespmem:v8+s19+$0x0], $0xffff;
	[tilespmem:v4+s14+$0x0] =	vst.idx.msk $0xffff, v10;
	v4 =	vor.u32 v11, v23  }
0x2ca: {  	v10 =	vor.u32 v13, v20;
	v11 =	vld.idx.msk [tilespmem:v14+s19+$0x0], $0xffff;
	v4 =	vor.u32 v6, v4;
	_ =	sdelay $0x2  }
0x2cb: {  	v16 =	vor.u32 v5, v12;
	v45 =	vor.u32 v63, v32  }
0x2cc: {  	v16 =	vand.u32 $0x6F, v16;
	[tilespmem:v15+s14+$0x0] =	vst.idx.msk $0xffff, v8  }
0x2cd: {  	v63 =	vor.u32 v16, v23;
	v8 =	vor.u32 v7, v60;
	v10 =	vld.idx.msk [tilespmem:v10+s19+$0x0], $0xffff;
	[tilespmem:v4+s14+$0x0] =	vst.idx.msk $0xffff, v11  }
0x2ce: {  	v15 =	vor.u32 v9, v63;
	v8 =	vand.u32 $0x7F, v8;
	v63 =	vld [tilespmem:$0x1FFD0]  }
0x2cf: {  	v4 =	vor.u32 v8, v23;
	v8 =	vor.u32 v13, v18  }
0x2d0: {  	v11 =	vld.idx.msk [tilespmem:v45+s19+$0x0], $0xffff;
	v4 =	vor.u32 v6, v4  }
0x2d1: {  	v12 =	vor.u32 v7, v12;
	v6 =	vor.u32 v53, v35  }
0x2d2: {  	v12 =	vand.u32 $0x7F, v12  }
0x2d3: {  	v13 =	vor.u32 v0, v52;
	v45 =	vor.u32 v12, v23;
	[tilespmem:v15+s14+$0x0] =	vst.idx.msk $0xffff, v10;
	v14 =	vor.u32 s22, v63  }
0x2d4: {  	v60 =	vand.u32 $0x4F, v13;
	v9 =	vor.u32 v9, v45;
	v8 =	vld.idx.msk [tilespmem:v8+s19+$0x0], $0xffff;
	v13 =	vand.u32 $0x7F, v14  }
0x2d5: {  	v15 =	vor.u32 v60, v23;
	[tilespmem:v4+s14+$0x0] =	vst.idx.msk $0xffff, v11;
	v4 =	vand.u32 $0x7F00, v56;
	v45 =	vor.u32 v13, v47  }
0x2d6: {  	v6 =	vld.idx.msk [tilespmem:v6+s19+$0x0], $0xffff;
	v10 =	vor.u32 v4, v15;
	v12 =	vshll.u32 v14, $0x6  }
0x2d7: {  	v16 =	vor.u32 v0, v12  }
0x2d8: {  	v14 =	vshll.u32 v14, $0x7;
	v16 =	vand.u32 $0x4F, v16  }
0x2d9: {  	[tilespmem:v9+s14+$0x0] =	vst.idx.msk $0xffff, v8;
	v8 =	vor.u32 v3, v52;
	v9 =	vand.u32 $0x7F00, v14;
	v60 =	vor.u32 v16, v23  }
0x2da: {  	v56 =	vor.u32 v53, v34;
	v8 =	vand.u32 $0x5F, v8;
	v14 =	vor.u32 v9, v60;
	v11 =	vld.idx.msk [tilespmem:v45+s19+$0x0], $0xffff  }
0x2db: {  	[tilespmem:v10+s14+$0x0] =	vst.idx.msk $0xffff, v6;
	v6 =	vor.u32 v8, v23;
	v8 =	vor.u32 v13, v19;
	_ =	sdelay $0x1  }
0x2dc: {  	v16 =	vor.u32 v3, v12  }
0x2dd: {  	v16 =	vand.u32 $0x5F, v16  }
0x2de: {  	v60 =	vor.u32 v16, v23;
	v10 =	vld.idx.msk [tilespmem:v56+s19+$0x0], $0xffff;
	v6 =	vor.u32 v4, v6;
	[tilespmem:v14+s14+$0x0] =	vst.idx.msk $0xffff, v11  }
0x2df: {  	v45 =	vor.u32 v53, v33;
	v14 =	vor.u32 v9, v60;
	v8 =	vld.idx.msk [tilespmem:v8+s19+$0x0], $0xffff;
	_ =	sdelay $0x2  }
0x2e0: {  	v56 =	vor.u32 v5, v52  }
0x2e1: {  	v11 =	vand.u32 $0x6F, v56;
	[tilespmem:v6+s14+$0x0] =	vst.idx.msk $0xffff, v10  }
0x2e2: {  	v10 =	vor.u32 v13, v20;
	v6 =	vor.u32 v11, v23;
	v11 =	vld.idx.msk [tilespmem:v45+s19+$0x0], $0xffff;
	[tilespmem:v14+s14+$0x0] =	vst.idx.msk $0xffff, v8  }
0x2e3: {  	v17 =	vor.u32 v7, v52;
	v6 =	vor.u32 v4, v6;
	v52 =	vld [tilespmem:$0x1FF90]  }
0x2e4: {  	v16 =	vor.u32 v5, v12;
	v45 =	vor.u32 v53, v32  }
0x2e5: {  	v16 =	vand.u32 $0x6F, v16  }
0x2e6: {  	v8 =	vor.u32 v16, v23  }
0x2e7: {  	v60 =	vand.u32 $0x7F, v17;
	v10 =	vld.idx.msk [tilespmem:v10+s19+$0x0], $0xffff;
	v8 =	vor.u32 v9, v8  }
0x2e8: {  	[tilespmem:v6+s14+$0x0] =	vst.idx.msk $0xffff, v11;
	v6 =	vor.u32 v60, v23;
	v11 =	vor.u32 v13, v18;
	v16 =	vor.u32 s21, v52  }
0x2e9: {  	v45 =	vld.idx.msk [tilespmem:v45+s19+$0x0], $0xffff;
	v4 =	vor.u32 v4, v6;
	v6 =	vand.u32 $0x7F, v16  }
0x2ea: {  	v12 =	vor.u32 v7, v12;
	v14 =	vor.u32 v6, v35  }
0x2eb: {  	v12 =	vand.u32 $0x7F, v12;
	v60 =	vmovc v18;
	v53 =	vshll.u32 v16, $0x7;
	v16 =	vshll.u32 v16, $0x6  }
0x2ec: {  	v18 =	vor.u32 s22, v52;
	[tilespmem:v8+s14+$0x0] =	vst.idx.msk $0xffff, v10;
	v8 =	vor.u32 v12, v23;
	v17 =	vor.u32 v0, v16  }
0x2ed: {  	v11 =	vld.idx.msk [tilespmem:v11+s19+$0x0], $0xffff;
	v8 =	vor.u32 v9, v8;
	v9 =	vand.u32 $0x7F, v18;
	v12 =	vand.u32 $0x4F, v17  }
0x2ee: {  	[tilespmem:v4+s14+$0x0] =	vst.idx.msk $0xffff, v45;
	v4 =	vand.u32 $0x7F00, v53;
	v45 =	vor.u32 v9, v47;
	v10 =	vor.u32 v12, v23  }
0x2ef: {  	v10 =	vor.u32 v4, v10;
	v13 =	vld.idx.msk [tilespmem:v14+s19+$0x0], $0xffff;
	v14 =	vshll.u32 v18, $0x6  }
0x2f0: {  	v17 =	vor.u32 v0, v14  }
0x2f1: {  	v18 =	vshll.u32 v18, $0x7;
	v17 =	vand.u32 $0x4F, v17  }
0x2f2: {  	v53 =	vor.u32 v6, v34;
	[tilespmem:v8+s14+$0x0] =	vst.idx.msk $0xffff, v11;
	v11 =	vand.u32 $0x7F00, v18;
	v17 =	vor.u32 v17, v23  }
0x2f3: {  	v12 =	vld.idx.msk [tilespmem:v45+s19+$0x0], $0xffff;
	v17 =	vor.u32 v11, v17  }
0x2f4: {  	v8 =	vor.u32 v3, v16;
	[tilespmem:v10+s14+$0x0] =	vst.idx.msk $0xffff, v13;
	v10 =	vor.u32 v9, v19  }
0x2f5: {  	v8 =	vand.u32 $0x5F, v8  }
0x2f6: {  	v8 =	vor.u32 v8, v23;
	v18 =	vor.u32 v3, v14  }
0x2f7: {  	v8 =	vor.u32 v4, v8;
	v18 =	vand.u32 $0x5F, v18;
	v13 =	vld.idx.msk [tilespmem:v53+s19+$0x0], $0xffff  }
0x2f8: {  	v45 =	vor.u32 v6, v33;
	[tilespmem:v17+s14+$0x0] =	vst.idx.msk $0xffff, v12;
	v17 =	vor.u32 v18, v23  }
0x2f9: {  	v10 =	vld.idx.msk [tilespmem:v10+s19+$0x0], $0xffff;
	v17 =	vor.u32 v11, v17;
	_ =	sdelay $0x2  }
0x2fa: {  	v53 =	vor.u32 v5, v16;
	[tilespmem:v8+s14+$0x0] =	vst.idx.msk $0xffff, v13  }
0x2fb: {  	v12 =	vand.u32 $0x6F, v53;
	v13 =	vld.idx.msk [tilespmem:v45+s19+$0x0], $0xffff;
	v45 =	vor.u32 v5, v14  }
0x2fc: {  	v8 =	vor.u32 v12, v23;
	v12 =	vor.u32 v9, v20;
	v15 =	vand.u32 $0x6F, v45;
	[tilespmem:v17+s14+$0x0] =	vst.idx.msk $0xffff, v10  }
0x2fd: {  	v8 =	vor.u32 v4, v8;
	v53 =	vor.u32 v15, v23;
	v15 =	vor.u32 v59, v25;
	v59 =	vld [tilespmem:$0x1FFC0]  }
0x2fe: {  	v6 =	vor.u32 v6, v32;
	_ =	sdelay $0x1  }
0x2ff: {  	v16 =	vor.u32 v7, v16  }
0x300: {  	v16 =	vand.u32 $0x7F, v16;
	v10 =	vor.u32 v11, v53;
	v12 =	vld.idx.msk [tilespmem:v12+s19+$0x0], $0xffff  }
0x301: {  	v9 =	vor.u32 v9, v60;
	[tilespmem:v8+s14+$0x0] =	vst.idx.msk $0xffff, v13;
	v8 =	vor.u32 v16, v23;
	v17 =	vor.u32 s21, v59  }
0x302: {  	v14 =	vor.u32 v7, v14;
	v6 =	vld.idx.msk [tilespmem:v6+s19+$0x0], $0xffff;
	v4 =	vor.u32 v4, v8;
	v8 =	vand.u32 $0x7F, v17  }
0x303: {  	v14 =	vand.u32 $0x7F, v14;
	v18 =	vor.u32 v8, v35  }
0x304: {  	v44 =	vmovc v19;
	v14 =	vor.u32 v14, v23;
	v19 =	vshll.u32 v17, $0x7;
	v17 =	vshll.u32 v17, $0x6  }
0x305: {  	v11 =	vor.u32 v11, v14;
	[tilespmem:v10+s14+$0x0] =	vst.idx.msk $0xffff, v12;
	v53 =	vor.u32 s22, v59;
	v45 =	vor.u32 v0, v17  }
0x306: {  	v16 =	vor.u32 v7, v58;
	v9 =	vld.idx.msk [tilespmem:v9+s19+$0x0], $0xffff;
	v14 =	vand.u32 $0x7F, v53;
	v10 =	vand.u32 $0x4F, v45  }
0x307: {  	[tilespmem:v4+s14+$0x0] =	vst.idx.msk $0xffff, v6;
	v4 =	vand.u32 $0x7F00, v19;
	v6 =	vor.u32 v10, v23;
	v10 =	vor.u32 v14, v47  }
0x308: {  	[tilespmem:v2+s14+$0x0] =	vst.idx.msk $0xffff, v1;
	v1 =	vand.u32 $0x7F, v16;
	v16 =	vshll.u32 v53, $0x6;
	v6 =	vor.u32 v4, v6;
	v2 =	vld.idx.msk [tilespmem:v18+s19+$0x0], $0xffff  }
0x309: {  	v1 =	vor.u32 v1, v23;
	v19 =	vor.u32 v0, v16  }
0x30a: {  	v15 =	vld.idx.msk [tilespmem:v15+s19+$0x0], $0xffff;
	v1 =	vor.u32 v62, v1;
	v12 =	vshll.u32 v53, $0x7;
	v19 =	vand.u32 $0x4F, v19  }
0x30b: {  	v53 =	vor.u32 v50, v29;
	v45 =	vor.u32 v19, v23;
	[tilespmem:v11+s14+$0x0] =	vst.idx.msk $0xffff, v9;
	v9 =	vand.u32 $0x7F00, v12  }
0x30c: {  	v18 =	vor.u32 v8, v34;
	v11 =	vor.u32 v9, v45;
	v10 =	vld.idx.msk [tilespmem:v10+s19+$0x0], $0xffff  }
0x30d: {  	v13 =	vor.u32 v0, v48;
	[tilespmem:v6+s14+$0x0] =	vst.idx.msk $0xffff, v2;
	v6 =	vor.u32 v14, v44  }
0x30e: {  	v56 =	vmov v20;
	v13 =	vand.u32 $0x4F, v13;
	v20 =	vor.u32 v3, v17  }
0x30f: {  	v13 =	vor.u32 v13, v23;
	v19 =	vand.u32 $0x5F, v20;
	v20 =	vor.u32 v3, v16;
	[tilespmem:v1+s14+$0x0] =	vst.idx.msk $0xffff, v15  }
0x310: {  	v1 =	vor.u32 v57, v13;
	v62 =	vand.u32 $0x5F, v20;
	v12 =	vld.idx.msk [tilespmem:v53+s19+$0x0], $0xffff;
	v2 =	vor.u32 v19, v23  }
0x311: {  	v53 =	vor.u32 v62, v23;
	v18 =	vld.idx.msk [tilespmem:v18+s19+$0x0], $0xffff;
	v2 =	vor.u32 v4, v2;
	[tilespmem:v11+s14+$0x0] =	vst.idx.msk $0xffff, v10  }
0x312: {  	v19 =	vor.u32 v8, v33;
	v11 =	vor.u32 v9, v53;
	v6 =	vld.idx.msk [tilespmem:v6+s19+$0x0], $0xffff;
	_ =	sdelay $0x2  }
0x313: {  	v13 =	vor.u32 v50, v30;
	v45 =	vor.u32 v5, v17;
	[tilespmem:v1+s14+$0x0] =	vst.idx.msk $0xffff, v12  }
0x314: {  	v62 =	vor.u32 v3, v48;
	v10 =	vand.u32 $0x6F, v45;
	v53 =	vor.u32 v7, v17;
	[tilespmem:v2+s14+$0x0] =	vst.idx.msk $0xffff, v18  }
0x315: {  	v2 =	vor.u32 v10, v23;
	v10 =	vor.u32 v14, v56;
	v18 =	vld.idx.msk [tilespmem:v19+s19+$0x0], $0xffff;
	[tilespmem:v11+s14+$0x0] =	vst.idx.msk $0xffff, v6  }
0x316: {  	v15 =	vand.u32 $0x5F, v62;
	v62 =	vand.u32 $0x7F, v53;
	v2 =	vor.u32 v4, v2;
	v53 =	vld [tilespmem:$0x1FFB0]  }
0x317: {  	v8 =	vor.u32 v8, v32;
	v19 =	vor.u32 v5, v16  }
0x318: {  	v45 =	vand.u32 $0x6F, v19  }
0x319: {  	v15 =	vor.u32 v15, v23;
	v13 =	vld.idx.msk [tilespmem:v13+s19+$0x0], $0xffff;
	v6 =	vor.u32 v45, v23  }
0x31a: {  	v1 =	vor.u32 v57, v15;
	v12 =	vor.u32 v14, v60;
	v10 =	vld.idx.msk [tilespmem:v10+s19+$0x0], $0xffff;
	v6 =	vor.u32 v9, v6  }
0x31b: {  	v16 =	vor.u32 v7, v16;
	[tilespmem:v2+s14+$0x0] =	vst.idx.msk $0xffff, v18;
	v2 =	vor.u32 v62, v23;
	v15 =	vor.u32 s21, v53  }
0x31c: {  	v16 =	vand.u32 $0x7F, v16;
	v8 =	vld.idx.msk [tilespmem:v8+s19+$0x0], $0xffff;
	v2 =	vor.u32 v4, v2;
	v17 =	vand.u32 $0x7F, v15  }
0x31d: {  	v16 =	vor.u32 v16, v23;
	v62 =	vor.u32 v17, v35  }
0x31e: {  	v45 =	vor.u32 v5, v48;
	v18 =	vshll.u32 v15, $0x7;
	v15 =	vshll.u32 v15, $0x6  }
0x31f: {  	v4 =	vand.u32 $0x6F, v45;
	[tilespmem:v6+s14+$0x0] =	vst.idx.msk $0xffff, v10;
	v45 =	vor.u32 s22, v53;
	v6 =	vor.u32 v0, v15  }
0x320: {  	[tilespmem:v1+s14+$0x0] =	vst.idx.msk $0xffff, v13;
	v9 =	vor.u32 v9, v16;
	v12 =	vld.idx.msk [tilespmem:v12+s19+$0x0], $0xffff;
	v1 =	vand.u32 $0x4F, v6;
	v6 =	vand.u32 $0x7F, v45  }
0x321: {  	[tilespmem:v2+s14+$0x0] =	vst.idx.msk $0xffff, v8;
	v2 =	vand.u32 $0x7F00, v18;
	v1 =	vor.u32 v1, v23;
	v8 =	vor.u32 v6, v47  }
0x322: {  	v11 =	vor.u32 v50, v27;
	v14 =	vshll.u32 v45, $0x6;
	v1 =	vor.u32 v2, v1;
	v62 =	vld.idx.msk [tilespmem:v62+s19+$0x0], $0xffff  }
0x323: {  	v19 =	vor.u32 v50, v25;
	v4 =	vor.u32 v4, v23;
	v18 =	vor.u32 v0, v14  }
0x324: {  	v4 =	vor.u32 v57, v4;
	v10 =	vshll.u32 v45, $0x7;
	v18 =	vand.u32 $0x4F, v18  }
0x325: {  	v10 =	vand.u32 $0x7F00, v10;
	v45 =	vor.u32 v3, v15;
	v50 =	vor.u32 v18, v23;
	[tilespmem:v9+s14+$0x0] =	vst.idx.msk $0xffff, v12  }
0x326: {  	v16 =	vor.u32 v17, v34;
	v9 =	vand.u32 $0x5F, v45;
	v12 =	vor.u32 v10, v50;
	v8 =	vld.idx.msk [tilespmem:v8+s19+$0x0], $0xffff  }
0x327: {  	v11 =	vld.idx.msk [tilespmem:v11+s19+$0x0], $0xffff;
	[tilespmem:v1+s14+$0x0] =	vst.idx.msk $0xffff, v62;
	v1 =	vor.u32 v9, v23;
	v9 =	vor.u32 v6, v44;
	_ =	sdelay $0x1  }
0x328: {  	v18 =	vor.u32 v7, v48;
	v45 =	vor.u32 v3, v14  }
0x329: {  	v20 =	vor.u32 v17, v33;
	v18 =	vand.u32 $0x7F, v18;
	v48 =	vand.u32 $0x5F, v45  }
0x32a: {  	v16 =	vld.idx.msk [tilespmem:v16+s19+$0x0], $0xffff;
	v1 =	vor.u32 v2, v1;
	[tilespmem:v12+s14+$0x0] =	vst.idx.msk $0xffff, v8;
	v8 =	vor.u32 v48, v23  }
0x32b: {  	[tilespmem:v4+s14+$0x0] =	vst.idx.msk $0xffff, v11;
	v18 =	vor.u32 v18, v23;
	v8 =	vor.u32 v10, v8;
	v9 =	vld.idx.msk [tilespmem:v9+s19+$0x0], $0xffff  }
0x32c: {  	v50 =	vld.idx.msk [tilespmem:v19+s19+$0x0], $0xffff;
	v4 =	vor.u32 v57, v18;
	v12 =	vand.u32 $0x7F, v61;
	v61 =	vor.u32 v6, v56;
	_ =	sdelay $0x1  }
0x32d: {  	v13 =	vor.u32 v42, v30;
	v17 =	vor.u32 v17, v32;
	v18 =	vor.u32 v5, v15  }
0x32e: {  	v15 =	vor.u32 v7, v15;
	v57 =	vand.u32 $0x6F, v18;
	v18 =	vor.u32 v0, v41;
	[tilespmem:v1+s14+$0x0] =	vst.idx.msk $0xffff, v16  }
0x32f: {  	v18 =	vand.u32 $0x4F, v18;
	v1 =	vor.u32 v57, v23;
	v19 =	vld.idx.msk [tilespmem:v20+s19+$0x0], $0xffff;
	[tilespmem:v8+s14+$0x0] =	vst.idx.msk $0xffff, v9  }
0x330: {  	[tilespmem:v4+s14+$0x0] =	vst.idx.msk $0xffff, v50;
	v1 =	vor.u32 v2, v1;
	v20 =	vor.u32 v5, v14;
	v11 =	vld.idx.msk [tilespmem:v61+s19+$0x0], $0xffff  }
0x331: {  	v45 =	vor.u32 v18, v23;
	v16 =	vor.u32 v42, v29;
	v18 =	vand.u32 $0x6F, v20;
	v61 =	vld [tilespmem:$0x1FFA0]  }
0x332: {  	v62 =	vor.u32 v43, v23;
	v43 =	vor.u32 v51, v24;
	v8 =	vor.u32 v18, v23  }
0x333: {  	v4 =	vshll.u32 v38, $0x7;
	v14 =	vor.u32 v7, v14;
	v8 =	vor.u32 v10, v8  }
0x334: {  	v48 =	vand.u32 $0x7F, v15;
	v6 =	vor.u32 v6, v60;
	v14 =	vand.u32 $0x7F, v14  }
0x335: {  	v4 =	vand.u32 $0x7F00, v4;
	v57 =	vor.u32 v14, v23;
	[tilespmem:v1+s14+$0x0] =	vst.idx.msk $0xffff, v19;
	v1 =	vor.u32 v48, v23  }
0x336: {  	v9 =	vor.u32 v4, v45;
	v1 =	vor.u32 v2, v1;
	v2 =	vld.idx.msk [tilespmem:v16+s19+$0x0], $0xffff;
	v50 =	vor.u32 s21, v61  }
0x337: {  	v62 =	vor.u32 v55, v62;
	v10 =	vor.u32 v10, v57;
	v17 =	vld.idx.msk [tilespmem:v17+s19+$0x0], $0xffff;
	v18 =	vand.u32 $0x7F, v50  }
0x338: {  	v16 =	vor.u32 v3, v41;
	[tilespmem:v8+s14+$0x0] =	vst.idx.msk $0xffff, v11;
	v8 =	vor.u32 s22, v61;
	v19 =	vor.u32 v18, v35  }
0x339: {  	v20 =	vshll.u32 v50, $0x7;
	v15 =	vshll.u32 v50, $0x6;
	v38 =	vand.u32 $0x7F, v8  }
0x33a: {  	v51 =	vor.u32 v0, v15;
	v11 =	vand.u32 $0x7F00, v20;
	v48 =	vor.u32 v38, v47  }
0x33b: {  	v6 =	vld.idx.msk [tilespmem:v6+s19+$0x0], $0xffff;
	[tilespmem:v9+s14+$0x0] =	vst.idx.msk $0xffff, v2;
	v2 =	vand.u32 $0x5F, v16;
	v16 =	vshll.u32 v8, $0x6;
	v45 =	vand.u32 $0x4F, v51  }
0x33c: {  	[tilespmem:v1+s14+$0x0] =	vst.idx.msk $0xffff, v17;
	v17 =	vor.u32 v18, v34;
	v8 =	vshll.u32 v8, $0x7;
	v1 =	vor.u32 v45, v23  }
0x33d: {  	v20 =	vor.u32 v3, v15;
	v2 =	vor.u32 v2, v23;
	v1 =	vor.u32 v11, v1;
	v50 =	vld.idx.msk [tilespmem:v19+s19+$0x0], $0xffff  }
0x33e: {  	v51 =	vor.u32 v12, v23;
	v57 =	vand.u32 $0x5F, v20;
	v19 =	vor.u32 v0, v16  }
0x33f: {  	v13 =	vld.idx.msk [tilespmem:v13+s19+$0x0], $0xffff;
	v20 =	vor.u32 v5, v41;
	v2 =	vor.u32 v4, v2;
	v19 =	vand.u32 $0x4F, v19  }
0x340: {  	v8 =	vand.u32 $0x7F00, v8;
	v45 =	vor.u32 v57, v23;
	[tilespmem:v10+s14+$0x0] =	vst.idx.msk $0xffff, v6;
	v6 =	vor.u32 v19, v23  }
0x341: {  	v57 =	vor.u32 v38, v44;
	v9 =	vor.u32 v11, v45;
	v14 =	vld.idx.msk [tilespmem:v48+s19+$0x0], $0xffff;
	v6 =	vor.u32 v8, v6  }
0x342: {  	v19 =	vor.u32 v42, v27;
	[tilespmem:v1+s14+$0x0] =	vst.idx.msk $0xffff, v50;
	v1 =	vor.u32 v55, v51  }
0x343: {  	v50 =	vor.u32 v3, v16;
	v55 =	vor.u32 v5, v15;
	v15 =	vor.u32 v7, v15;
	v51 =	vld [tilespmem:$0x1FFF0]  }
0x344: {  	v17 =	vld.idx.msk [tilespmem:v17+s19+$0x0], $0xffff;
	[tilespmem:v2+s14+$0x0] =	vst.idx.msk $0xffff, v13;
	v2 =	vand.u32 $0x6F, v20;
	v13 =	vor.u32 v18, v33;
	v20 =	vand.u32 $0x5F, v50  }
0x345: {  	v50 =	vor.u32 v38, v56;
	v18 =	vor.u32 v18, v32;
	v2 =	vor.u32 v2, v23  }
0x346: {  	v15 =	vand.u32 $0x7F, v15;
	v48 =	vld [tilespmem:$0x1FF70];
	[tilespmem:v6+s14+$0x0] =	vst.idx.msk $0xffff, v14;
	v6 =	vor.u32 v20, v23;
	v2 =	vor.u32 v4, v2  }
0x347: {  	v12 =	vld.idx.msk [tilespmem:v57+s19+$0x0], $0xffff;
	v6 =	vor.u32 v8, v6;
	v57 =	vand.u32 $0x6F, v55;
	v55 =	vor.u32 v7, v41  }
0x348: {  	v41 =	vand.u32 $0x7F, v55;
	v55 =	vor.u32 v7, v16;
	v10 =	vor.u32 s20, v51  }
0x349: {  	[tilespmem:v9+s14+$0x0] =	vst.idx.msk $0xffff, v17;
	v17 =	vld.idx.msk [tilespmem:v19+s19+$0x0], $0xffff;
	v19 =	vor.u32 v42, v25;
	v9 =	vor.u32 v57, v23  }
0x34a: {  	v57 =	vor.u32 v5, v16;
	v41 =	vor.u32 v41, v23;
	v13 =	vld.idx.msk [tilespmem:v13+s19+$0x0], $0xffff;
	v9 =	vor.u32 v11, v9  }
0x34b: {  	v45 =	vor.u32 s21, v48;
	v20 =	vshll.u32 v10, $0x6;
	v42 =	vand.u32 $0x6F, v57  }
0x34c: {  	v4 =	vor.u32 v4, v41;
	v41 =	vand.u32 $0x7F, v10;
	[tilespmem:v6+s14+$0x0] =	vst.idx.msk $0xffff, v12;
	v6 =	vor.u32 v42, v23  }
0x34d: {  	v10 =	vshll.u32 v10, $0x7;
	v57 =	vor.u32 s22, v48;
	v14 =	vld.idx.msk [tilespmem:v50+s19+$0x0], $0xffff;
	v6 =	vor.u32 v8, v6  }
0x34e: {  	v10 =	vand.u32 $0x7F00, v10;
	v12 =	vor.u32 v41, v29;
	[tilespmem:v2+s14+$0x0] =	vst.idx.msk $0xffff, v17;
	v17 =	vor.u32 v38, v60  }
0x34f: {  	v50 =	vor.u32 v15, v23;
	v2 =	vor.u32 v0, v20;
	v19 =	vld.idx.msk [tilespmem:v19+s19+$0x0], $0xffff;
	[tilespmem:v9+s14+$0x0] =	vst.idx.msk $0xffff, v13  }
0x350: {  	v38 =	vshll.u32 v57, $0x7;
	v13 =	vand.u32 $0x7F, v45;
	v9 =	vor.u32 v11, v50;
	v15 =	vld.idx.msk [tilespmem:v18+s19+$0x0], $0xffff  }
0x351: {  	v2 =	vand.u32 $0x4F, v2;
	v11 =	vand.u32 $0x7F, v55;
	v16 =	vor.u32 v13, v35  }
0x352: {  	v18 =	vshll.u32 v45, $0x6;
	v2 =	vor.u32 v2, v23;
	[tilespmem:v6+s14+$0x0] =	vst.idx.msk $0xffff, v14;
	v6 =	vor.u32 v11, v23  }
0x353: {  	v42 =	vor.u32 v0, v18;
	v14 =	vand.u32 $0x7F, v57;
	v17 =	vld.idx.msk [tilespmem:v17+s19+$0x0], $0xffff;
	v6 =	vor.u32 v8, v6  }
0x354: {  	v8 =	vshll.u32 v45, $0x7;
	v50 =	vor.u32 v14, v47;
	[tilespmem:v4+s14+$0x0] =	vst.idx.msk $0xffff, v19;
	v4 =	vand.u32 $0x4F, v42  }
0x355: {  	v8 =	vand.u32 $0x7F00, v8;
	[tilespmem:v9+s14+$0x0] =	vst.idx.msk $0xffff, v15;
	v4 =	vor.u32 v4, v23;
	v9 =	vshll.u32 v57, $0x6  }
0x356: {  	v55 =	vor.u32 v10, v2;
	v15 =	vld.idx.msk [tilespmem:v16+s19+$0x0], $0xffff;
	v4 =	vor.u32 v8, v4;
	v16 =	vor.u32 v0, v9  }
0x357: {  	v58 =	vmovc v47;
	v47 =	vor.u32 v5, v18;
	v19 =	vor.u32 v13, v34;
	v16 =	vand.u32 $0x4F, v16  }
0x358: {  	v12 =	vld.idx.msk [tilespmem:v12+s19+$0x0], $0xffff;
	[tilespmem:v6+s14+$0x0] =	vst.idx.msk $0xffff, v17;
	v6 =	vand.u32 $0x7F00, v38;
	v2 =	vor.u32 v16, v23  }
0x359: {  	v57 =	vor.u32 v3, v20;
	v17 =	vor.u32 v3, v18;
	v11 =	vld.idx.msk [tilespmem:v50+s19+$0x0], $0xffff;
	v38 =	vor.u32 v6, v2  }
0x35a: {  	v2 =	vor.u32 v36, v31;
	v17 =	vand.u32 $0x5F, v17;
	v31 =	vor.u32 v14, v44  }
0x35b: {  	v16 =	vor.u32 v41, v30;
	[tilespmem:v4+s14+$0x0] =	vst.idx.msk $0xffff, v15;
	v4 =	vor.u32 v17, v23  }
0x35c: {  	v18 =	vor.u32 v7, v18;
	v17 =	vld.idx.msk [tilespmem:v19+s19+$0x0], $0xffff;
	v4 =	vor.u32 v8, v4;
	v19 =	vor.u32 v3, v9  }
0x35d: {  	v50 =	vand.u32 $0x5F, v57;
	v57 =	vor.u32 v13, v33;
	[tilespmem:v55+s14+$0x0] =	vst.idx.msk $0xffff, v12;
	v19 =	vand.u32 $0x5F, v19  }
0x35e: {  	v42 =	vor.u32 v41, v27;
	v18 =	vand.u32 $0x7F, v18;
	[tilespmem:v38+s14+$0x0] =	vst.idx.msk $0xffff, v11;
	v45 =	vor.u32 v19, v23  }
0x35f: {  	v55 =	vor.u32 v50, v23;
	v50 =	vor.u32 v5, v9;
	v31 =	vld.idx.msk [tilespmem:v31+s19+$0x0], $0xffff;
	v11 =	vor.u32 v6, v45  }
0x360: {  	v12 =	vor.u32 v10, v55;
	v16 =	vld.idx.msk [tilespmem:v16+s19+$0x0], $0xffff;
	v38 =	vand.u32 $0x6F, v47;
	v45 =	vor.u32 v14, v56  }
0x361: {  	v55 =	vor.u32 v13, v32;
	v19 =	vand.u32 $0x4F, v54;
	v54 =	vld [tilespmem:$0x1FFE0];
	[tilespmem:v4+s14+$0x0] =	vst.idx.msk $0xffff, v17;
	v17 =	vor.u32 v38, v23  }
0x362: {  	v13 =	vor.u32 v41, v25;
	v9 =	vor.u32 v7, v9;
	v15 =	vld.idx.msk [tilespmem:v57+s19+$0x0], $0xffff;
	v17 =	vor.u32 v8, v17  }
0x363: {  	v9 =	vand.u32 $0x7F, v9;
	v4 =	vor.u32 v5, v20;
	v57 =	vand.u32 $0x6F, v50  }
0x364: {  	v9 =	vor.u32 v9, v23;
	v4 =	vand.u32 $0x6F, v4;
	v38 =	vor.u32 v57, v23;
	[tilespmem:v11+s14+$0x0] =	vst.idx.msk $0xffff, v31  }
0x365: {  	[tilespmem:v12+s14+$0x0] =	vst.idx.msk $0xffff, v16;
	v4 =	vor.u32 v4, v23;
	v11 =	vor.u32 v6, v38;
	v31 =	vld.idx.msk [tilespmem:v45+s19+$0x0], $0xffff  }
0x366: {  	v14 =	vor.u32 v14, v60;
	v50 =	vor.u32 v18, v23;
	v16 =	vor.u32 v10, v4;
	v38 =	vld.idx.msk [tilespmem:v42+s19+$0x0], $0xffff  }
0x367: {  	v20 =	vor.u32 v7, v20;
	v8 =	vor.u32 v8, v50;
	v42 =	vor.u32 s21, v51;
	[tilespmem:v17+s14+$0x0] =	vst.idx.msk $0xffff, v15  }
0x368: {  	v47 =	vor.u32 s20, v54;
	v6 =	vor.u32 v6, v9;
	v17 =	vand.u32 $0x7F, v42;
	v12 =	vld.idx.msk [tilespmem:v55+s19+$0x0], $0xffff  }
0x369: {  	v15 =	vand.u32 $0x7F, v20;
	v20 =	vshll.u32 v42, $0x6;
	v18 =	vor.u32 v17, v35  }
0x36a: {  	v4 =	vshll.u32 v47, $0x6;
	v45 =	vor.u32 s22, v51;
	v55 =	vor.u32 v0, v20;
	[tilespmem:v11+s14+$0x0] =	vst.idx.msk $0xffff, v31  }
0x36b: {  	v57 =	vmovc v51;
	v51 =	vshll.u32 v42, $0x7;
	[tilespmem:v16+s14+$0x0] =	vst.idx.msk $0xffff, v38;
	v50 =	vand.u32 $0x4F, v55;
	v31 =	vand.u32 $0x7F, v45;
	v14 =	vld.idx.msk [tilespmem:v14+s19+$0x0], $0xffff  }
0x36c: {  	v55 =	vor.u32 v15, v23;
	v9 =	vor.u32 v50, v23;
	v16 =	vor.u32 v31, v58  }
0x36d: {  	v11 =	vshll.u32 v45, $0x6;
	v13 =	vld.idx.msk [tilespmem:v13+s19+$0x0], $0xffff;
	v10 =	vor.u32 v10, v55;
	[tilespmem:v8+s14+$0x0] =	vst.idx.msk $0xffff, v12;
	v8 =	vand.u32 $0x7F00, v51  }
0x36e: {  	v41 =	vand.u32 $0x7F, v47;
	v15 =	vld.idx.msk [tilespmem:v18+s19+$0x0], $0xffff;
	v9 =	vor.u32 v8, v9;
	v18 =	vor.u32 v0, v11  }
0x36f: {  	v38 =	vor.u32 v17, v34;
	v50 =	vshll.u32 v45, $0x7;
	v18 =	vand.u32 $0x4F, v18  }
0x370: {  	v55 =	vor.u32 v0, v4;
	[tilespmem:v6+s14+$0x0] =	vst.idx.msk $0xffff, v14;
	v6 =	vand.u32 $0x7F00, v50;
	v51 =	vor.u32 v18, v23  }
0x371: {  	v14 =	vor.u32 v41, v29;
	v18 =	vor.u32 v3, v20;
	v16 =	vld.idx.msk [tilespmem:v16+s19+$0x0], $0xffff;
	v12 =	vor.u32 v6, v51  }
0x372: {  	v45 =	vor.u32 v31, v44;
	[tilespmem:v10+s14+$0x0] =	vst.idx.msk $0xffff, v13;
	v10 =	vor.u32 v17, v33;
	v18 =	vand.u32 $0x5F, v18  }
0x373: {  	v13 =	vor.u32 v19, v23;
	v50 =	vand.u32 $0x4F, v55;
	v18 =	vor.u32 v18, v23;
	[tilespmem:v9+s14+$0x0] =	vst.idx.msk $0xffff, v15  }
0x374: {  	v55 =	vor.u32 v3, v11;
	v51 =	vshll.u32 v47, $0x7;
	v18 =	vor.u32 v8, v18;
	v38 =	vld.idx.msk [tilespmem:v38+s19+$0x0], $0xffff  }
0x375: {  	v47 =	vand.u32 $0x5F, v55;
	v15 =	vand.u32 $0x7F00, v51;
	v9 =	vor.u32 v50, v23  }
0x376: {  	v50 =	vor.u32 v47, v23;
	v9 =	vor.u32 v15, v9;
	v14 =	vld.idx.msk [tilespmem:v14+s19+$0x0], $0xffff;
	[tilespmem:v12+s14+$0x0] =	vst.idx.msk $0xffff, v16  }
0x377: {  	v55 =	vor.u32 v31, v56;
	v16 =	vor.u32 v5, v20;
	v12 =	vor.u32 v6, v50;
	v19 =	vld.idx.msk [tilespmem:v45+s19+$0x0], $0xffff  }
0x378: {  	v31 =	vor.u32 v31, v60;
	v51 =	vor.u32 v3, v4;
	v16 =	vand.u32 $0x6F, v16  }
0x379: {  	v47 =	vor.u32 v5, v11;
	v42 =	vand.u32 $0x5F, v51;
	v16 =	vor.u32 v16, v23;
	[tilespmem:v18+s14+$0x0] =	vst.idx.msk $0xffff, v38  }
0x37a: {  	v18 =	vor.u32 v41, v30;
	v38 =	vor.u32 v42, v23;
	v16 =	vor.u32 v8, v16;
	v10 =	vld.idx.msk [tilespmem:v10+s19+$0x0], $0xffff  }
0x37b: {  	v42 =	vor.u32 v41, v27;
	[tilespmem:v9+s14+$0x0] =	vst.idx.msk $0xffff, v14;
	v14 =	vor.u32 v17, v32;
	v17 =	vand.u32 $0x6F, v47  }
0x37c: {  	v45 =	vor.u32 s21, v54;
	v9 =	vor.u32 v15, v38;
	v51 =	vld [tilespmem:$0x1FF80];
	v50 =	vor.u32 v17, v23;
	[tilespmem:v12+s14+$0x0] =	vst.idx.msk $0xffff, v19  }
0x37d: {  	v47 =	vor.u32 v7, v11;
	v19 =	vor.u32 v7, v20;
	v12 =	vor.u32 v6, v50;
	v20 =	vld.idx.msk [tilespmem:v55+s19+$0x0], $0xffff  }
0x37e: {  	v17 =	vor.u32 v5, v4;
	v4 =	vor.u32 v7, v4;
	v19 =	vand.u32 $0x7F, v19  }
0x37f: {  	v17 =	vand.u32 $0x6F, v17;
	v4 =	vand.u32 $0x7F, v4;
	v18 =	vld.idx.msk [tilespmem:v18+s19+$0x0], $0xffff;
	v55 =	vor.u32 v19, v23;
	[tilespmem:v16+s14+$0x0] =	vst.idx.msk $0xffff, v10  }
0x380: {  	v17 =	vor.u32 v17, v23;
	v16 =	vand.u32 $0x7F, v45;
	v8 =	vor.u32 v8, v55;
	v14 =	vld.idx.msk [tilespmem:v14+s19+$0x0], $0xffff  }
0x381: {  	v11 =	vor.u32 v15, v17;
	v10 =	vand.u32 $0x7F, v47;
	v17 =	vor.u32 v16, v35  }
0x382: {  	v19 =	vshll.u32 v45, $0x6;
	v10 =	vor.u32 v10, v23;
	[tilespmem:v12+s14+$0x0] =	vst.idx.msk $0xffff, v20;
	v12 =	vor.u32 s22, v54  }
0x383: {  	v6 =	vor.u32 v6, v10;
	v20 =	vor.u32 v0, v19;
	v10 =	vand.u32 $0x7F, v12;
	v31 =	vld.idx.msk [tilespmem:v31+s19+$0x0], $0xffff  }
0x384: {  	v47 =	vmovc v54;
	[tilespmem:v9+s14+$0x0] =	vst.idx.msk $0xffff, v18;
	v50 =	vand.u32 $0x4F, v20;
	v18 =	vshll.u32 v45, $0x7;
	v20 =	vor.u32 v10, v58  }
0x385: {  	v42 =	vld.idx.msk [tilespmem:v42+s19+$0x0], $0xffff;
	v9 =	vor.u32 v50, v23;
	[tilespmem:v8+s14+$0x0] =	vst.idx.msk $0xffff, v14;
	v8 =	vand.u32 $0x7F00, v18;
	v14 =	vshll.u32 v12, $0x6  }
0x386: {  	v18 =	vor.u32 v41, v25;
	v17 =	vld.idx.msk [tilespmem:v17+s19+$0x0], $0xffff;
	v9 =	vor.u32 v8, v9;
	v54 =	vor.u32 v0, v14  }
0x387: {  	v55 =	vor.u32 v16, v34;
	v12 =	vshll.u32 v12, $0x7;
	v41 =	vand.u32 $0x4F, v54  }
0x388: {  	v4 =	vor.u32 v4, v23;
	v12 =	vand.u32 $0x7F00, v12;
	[tilespmem:v6+s14+$0x0] =	vst.idx.msk $0xffff, v31;
	v6 =	vor.u32 v41, v23  }
0x389: {  	v15 =	vor.u32 v15, v4;
	v41 =	vor.u32 v3, v19;
	v20 =	vld.idx.msk [tilespmem:v20+s19+$0x0], $0xffff;
	v6 =	vor.u32 v12, v6  }
0x38a: {  	v38 =	vor.u32 s20, v51;
	v50 =	vor.u32 v10, v44;
	[tilespmem:v11+s14+$0x0] =	vst.idx.msk $0xffff, v42;
	v42 =	vand.u32 $0x5F, v41  }
0x38b: {  	v54 =	vor.u32 v3, v14;
	v18 =	vld.idx.msk [tilespmem:v18+s19+$0x0], $0xffff;
	v4 =	vor.u32 v42, v23;
	[tilespmem:v9+s14+$0x0] =	vst.idx.msk $0xffff, v17  }
0x38c: {  	v41 =	vand.u32 $0x5F, v54;
	v9 =	vand.u32 $0x7F, v38;
	v17 =	vor.u32 v8, v4;
	v11 =	vld.idx.msk [tilespmem:v55+s19+$0x0], $0xffff  }
0x38d: {  	v42 =	vshll.u32 v38, $0x6;
	v4 =	vor.u32 v39, v13;
	v13 =	vor.u32 v9, v29  }
0x38e: {  	v38 =	vshll.u32 v38, $0x7;
	v55 =	vor.u32 v0, v42;
	[tilespmem:v6+s14+$0x0] =	vst.idx.msk $0xffff, v20;
	v20 =	vor.u32 v16, v33  }
0x38f: {  	v6 =	vor.u32 v41, v23;
	v41 =	vand.u32 $0x5F, v46;
	v46 =	vor.u32 v5, v14;
	v31 =	vld.idx.msk [tilespmem:v50+s19+$0x0], $0xffff  }
0x390: {  	v50 =	vor.u32 v12, v6;
	[tilespmem:v15+s14+$0x0] =	vst.idx.msk $0xffff, v18;
	v6 =	vand.u32 $0x4F, v55;
	v18 =	vor.u32 v5, v19  }
0x391: {  	v15 =	vand.u32 $0x7F00, v38;
	v54 =	vor.u32 v6, v23;
	v55 =	vand.u32 $0x6F, v18;
	[tilespmem:v17+s14+$0x0] =	vst.idx.msk $0xffff, v11  }
0x392: {  	v17 =	vor.u32 v10, v56;
	v13 =	vld.idx.msk [tilespmem:v13+s19+$0x0], $0xffff;
	v18 =	vor.u32 v15, v54;
	v11 =	vor.u32 v55, v23  }
0x393: {  	v16 =	vor.u32 v16, v32;
	v19 =	vor.u32 v7, v19;
	v11 =	vor.u32 v8, v11;
	v20 =	vld.idx.msk [tilespmem:v20+s19+$0x0], $0xffff  }
0x394: {  	v6 =	vor.u32 v36, v28;
	v28 =	vor.u32 v41, v23;
	v54 =	vor.u32 v9, v30  }
0x395: {  	v55 =	vor.u32 v3, v42;
	v10 =	vor.u32 v10, v60;
	[tilespmem:v50+s14+$0x0] =	vst.idx.msk $0xffff, v31;
	v50 =	vand.u32 $0x6F, v46  }
0x396: {  	v38 =	vld.idx.msk [tilespmem:v49+s19+$0x0], $0xffff;
	v45 =	vand.u32 $0x5F, v55;
	v55 =	vor.u32 v5, v42;
	v31 =	vor.u32 v50, v23  }
0x397: {  	v17 =	vld.idx.msk [tilespmem:v17+s19+$0x0], $0xffff;
	v31 =	vor.u32 v12, v31;
	[tilespmem:v18+s14+$0x0] =	vst.idx.msk $0xffff, v13;
	v18 =	vand.u32 $0x7F, v19  }
0x398: {  	v46 =	vor.u32 v45, v23;
	v49 =	vor.u32 v18, v23;
	[tilespmem:v11+s14+$0x0] =	vst.idx.msk $0xffff, v20  }
0x399: {  	v50 =	vor.u32 v7, v14;
	v19 =	vor.u32 s21, v51;
	v8 =	vor.u32 v8, v49;
	v16 =	vld.idx.msk [tilespmem:v16+s19+$0x0], $0xffff  }
0x39a: {  	v13 =	vor.u32 v15, v46;
	v18 =	vand.u32 $0x7F, v19;
	v54 =	vld.idx.msk [tilespmem:v54+s19+$0x0], $0xffff;
	v20 =	vor.u32 v9, v27  }
0x39b: {  	[tilespmem:v62+s14+$0x0] =	vst.idx.msk $0xffff, v38;
	v41 =	vor.u32 v18, v35;
	v11 =	vand.u32 $0x7F, v50;
	v50 =	vor.u32 s22, v51  }
0x39c: {  	v11 =	vor.u32 v11, v23;
	v38 =	vand.u32 $0x7F, v50;
	[tilespmem:v31+s14+$0x0] =	vst.idx.msk $0xffff, v17;
	v17 =	vshll.u32 v19, $0x6  }
0x39d: {  	v11 =	vor.u32 v12, v11;
	v19 =	vshll.u32 v19, $0x7;
	v49 =	vor.u32 v0, v17;
	v10 =	vld.idx.msk [tilespmem:v10+s19+$0x0], $0xffff  }
0x39e: {  	v31 =	vand.u32 $0x4F, v49;
	[tilespmem:v8+s14+$0x0] =	vst.idx.msk $0xffff, v16;
	v8 =	vand.u32 $0x7F00, v19;
	v19 =	vor.u32 v38, v58  }
0x39f: {  	[tilespmem:v13+s14+$0x0] =	vst.idx.msk $0xffff, v54;
	v54 =	vand.u32 $0x6F, v55;
	v16 =	vor.u32 v31, v23;
	v31 =	vshll.u32 v50, $0x6  }
0x3a0: {  	v13 =	vor.u32 v54, v23;
	v20 =	vld.idx.msk [tilespmem:v20+s19+$0x0], $0xffff;
	v62 =	vor.u32 v0, v31  }
0x3a1: {  	v46 =	vshll.u32 v50, $0x7;
	v13 =	vor.u32 v15, v13;
	v55 =	vld.idx.msk [tilespmem:v41+s19+$0x0], $0xffff;
	v49 =	vand.u32 $0x4F, v62  }
0x3a2: {  	v16 =	vor.u32 v8, v16;
	[tilespmem:v11+s14+$0x0] =	vst.idx.msk $0xffff, v10;
	v11 =	vand.u32 $0x7F00, v46;
	v12 =	vor.u32 v49, v23  }
0x3a3: {  	v45 =	vor.u32 v18, v34;
	v12 =	vor.u32 v11, v12;
	v19 =	vld.idx.msk [tilespmem:v19+s19+$0x0], $0xffff;
	_ =	sdelay $0x1  }
0x3a4: {  	v42 =	vor.u32 v7, v42  }
0x3a5: {  	v42 =	vand.u32 $0x7F, v42;
	[tilespmem:v13+s14+$0x0] =	vst.idx.msk $0xffff, v20  }
0x3a6: {  	v42 =	vor.u32 v42, v23;
	v50 =	vor.u32 v3, v17;
	[tilespmem:v16+s14+$0x0] =	vst.idx.msk $0xffff, v55  }
0x3a7: {  	v54 =	vand.u32 $0x5F, v50;
	v16 =	vor.u32 v38, v44;
	v10 =	vld.idx.msk [tilespmem:v45+s19+$0x0], $0xffff;
	[tilespmem:v12+s14+$0x0] =	vst.idx.msk $0xffff, v19  }
0x3a8: {  	v9 =	vor.u32 v9, v25;
	v14 =	vor.u32 v54, v23;
	v45 =	vor.u32 v15, v42;
	v42 =	vld [tilespmem:$0x1FF60]  }
0x3a9: {  	v62 =	vor.u32 v3, v31;
	v14 =	vor.u32 v8, v14  }
0x3aa: {  	v26 =	vor.u32 v36, v26;
	v46 =	vor.u32 v18, v33;
	v20 =	vand.u32 $0x5F, v62;
	v55 =	vld.idx.msk [tilespmem:v43+s19+$0x0], $0xffff  }
0x3ab: {  	v37 =	vor.u32 v5, v37;
	v49 =	vor.u32 v20, v23;
	v20 =	vor.u32 v5, v17  }
0x3ac: {  	v28 =	vor.u32 v39, v28;
	v20 =	vand.u32 $0x6F, v20;
	v12 =	vor.u32 v11, v49;
	v16 =	vld.idx.msk [tilespmem:v16+s19+$0x0], $0xffff  }
0x3ad: {  	v54 =	vor.u32 v38, v56;
	v9 =	vld.idx.msk [tilespmem:v9+s19+$0x0], $0xffff;
	v50 =	vor.u32 v20, v23;
	v19 =	vor.u32 s20, v42  }
0x3ae: {  	v43 =	vor.u32 v18, v32;
	[tilespmem:v14+s14+$0x0] =	vst.idx.msk $0xffff, v10;
	v10 =	vor.u32 v8, v50;
	v41 =	vshll.u32 v19, $0x6  }
0x3af: {  	[tilespmem:v1+s14+$0x0] =	vst.idx.msk $0xffff, v55;
	v15 =	vld.idx.msk [tilespmem:v46+s19+$0x0], $0xffff;
	v1 =	vshll.u32 v19, $0x7;
	v19 =	vand.u32 $0x7F, v19;
	v20 =	vor.u32 v0, v41  }
0x3b0: {  	v2 =	vld.idx.msk [tilespmem:v2+s19+$0x0], $0xffff;
	v55 =	vor.u32 v19, v29;
	v62 =	vand.u32 $0x4F, v20;
	v20 =	vor.u32 v5, v31  }
0x3b1: {  	v17 =	vor.u32 v7, v17;
	v49 =	vor.u32 v7, v31;
	[tilespmem:v12+s14+$0x0] =	vst.idx.msk $0xffff, v16;
	v16 =	vand.u32 $0x6F, v20  }
0x3b2: {  	[tilespmem:v45+s14+$0x0] =	vst.idx.msk $0xffff, v9;
	v50 =	vand.u32 $0x7F, v49;
	v46 =	vand.u32 $0x7F, v17;
	v16 =	vor.u32 v16, v23  }
0x3b3: {  	v17 =	vor.u32 v38, v60;
	v14 =	vld.idx.msk [tilespmem:v54+s19+$0x0], $0xffff;
	v18 =	vor.u32 v3, v41;
	v16 =	vor.u32 v11, v16  }
0x3b4: {  	v1 =	vand.u32 $0x7F00, v1;
	[tilespmem:v10+s14+$0x0] =	vst.idx.msk $0xffff, v15;
	v15 =	vor.u32 v46, v23;
	v29 =	vor.u32 v62, v23  }
0x3b5: {  	[tilespmem:v4+s14+$0x0] =	vst.idx.msk $0xffff, v2;
	v45 =	vand.u32 $0x5F, v18;
	v18 =	vor.u32 s21, v42;
	v12 =	vor.u32 v1, v29;
	v9 =	vld.idx.msk [tilespmem:v55+s19+$0x0], $0xffff  }
0x3b6: {  	v8 =	vor.u32 v8, v15;
	v13 =	vld.idx.msk [tilespmem:v43+s19+$0x0], $0xffff;
	v20 =	vor.u32 v19, v30;
	v15 =	vand.u32 $0x7F, v18  }
0x3b7: {  	v54 =	vor.u32 s22, v42;
	v6 =	vld.idx.msk [tilespmem:v6+s19+$0x0], $0xffff;
	v10 =	vor.u32 v45, v23;
	v4 =	vor.u32 v15, v35  }
0x3b8: {  	v2 =	vor.u32 v1, v10;
	v29 =	vshll.u32 v18, $0x6;
	v10 =	vor.u32 v50, v23;
	[tilespmem:v16+s14+$0x0] =	vst.idx.msk $0xffff, v14  }
0x3b9: {  	v10 =	vor.u32 v11, v10;
	v11 =	vand.u32 $0x7F, v54;
	v16 =	vor.u32 v0, v29;
	v17 =	vld.idx.msk [tilespmem:v17+s19+$0x0], $0xffff  }
0x3ba: {  	v55 =	vshll.u32 v18, $0x7;
	[tilespmem:v12+s14+$0x0] =	vst.idx.msk $0xffff, v9;
	v62 =	vand.u32 $0x4F, v16;
	v16 =	vor.u32 v11, v58  }
0x3bb: {  	v30 =	vshll.u32 v54, $0x6;
	[tilespmem:v8+s14+$0x0] =	vst.idx.msk $0xffff, v13;
	v9 =	vand.u32 $0x7F00, v55;
	v18 =	vld.idx.msk [tilespmem:v20+s19+$0x0], $0xffff;
	v8 =	vor.u32 v62, v23  }
0x3bc: {  	v31 =	vand.u32 $0x6F, v37;
	v4 =	vld.idx.msk [tilespmem:v4+s19+$0x0], $0xffff;
	v20 =	vor.u32 v0, v30;
	v8 =	vor.u32 v9, v8  }
0x3bd: {  	[tilespmem:v28+s14+$0x0] =	vst.idx.msk $0xffff, v6;
	v6 =	vor.u32 v15, v34;
	v14 =	vshll.u32 v54, $0x7;
	v20 =	vand.u32 $0x4F, v20  }
0x3be: {  	v35 =	vor.u32 v31, v23;
	v37 =	vand.u32 $0x7F00, v14;
	v38 =	vor.u32 v20, v23;
	[tilespmem:v10+s14+$0x0] =	vst.idx.msk $0xffff, v17  }
0x3bf: {  	v20 =	vor.u32 v3, v29;
	v14 =	vor.u32 v37, v38;
	v17 =	vor.u32 v19, v27;
	v16 =	vld.idx.msk [tilespmem:v16+s19+$0x0], $0xffff  }
0x3c0: {  	v45 =	vor.u32 v3, v30;
	v43 =	vand.u32 $0x5F, v20;
	[tilespmem:v2+s14+$0x0] =	vst.idx.msk $0xffff, v18;
	v18 =	vor.u32 v11, v44  }
0x3c1: {  	[tilespmem:v8+s14+$0x0] =	vst.idx.msk $0xffff, v4;
	v4 =	vor.u32 v5, v41;
	v8 =	vor.u32 v43, v23  }
0x3c2: {  	v46 =	vor.u32 v15, v33;
	v4 =	vand.u32 $0x6F, v4;
	v6 =	vld.idx.msk [tilespmem:v6+s19+$0x0], $0xffff;
	v8 =	vor.u32 v9, v8  }
0x3c3: {  	v20 =	vld.idx.msk [tilespmem:v26+s19+$0x0], $0xffff;
	v10 =	vand.u32 $0x5F, v45;
	v2 =	vor.u32 v39, v35;
	v4 =	vor.u32 v4, v23  }
0x3c4: {  	v10 =	vor.u32 v10, v23;
	v49 =	vld.idx.msk [tilespmem:v17+s19+$0x0], $0xffff;
	v4 =	vor.u32 v1, v4;
	[tilespmem:v14+s14+$0x0] =	vst.idx.msk $0xffff, v16  }
0x3c5: {  	v10 =	vor.u32 v37, v10;
	v16 =	vor.u32 v5, v29;
	v17 =	vld.idx.msk [tilespmem:v18+s19+$0x0], $0xffff  }
0x3c6: {  	v16 =	vand.u32 $0x6F, v16;
	v18 =	vor.u32 v11, v56  }
0x3c7: {  	[tilespmem:v8+s14+$0x0] =	vst.idx.msk $0xffff, v6;
	v6 =	vor.u32 v16, v23  }
0x3c8: {  	[tilespmem:v2+s14+$0x0] =	vst.idx.msk $0xffff, v20;
	v8 =	vor.u32 v5, v30;
	v2 =	vld.idx.msk [tilespmem:v46+s19+$0x0], $0xffff;
	v6 =	vor.u32 v9, v6  }
0x3c9: {  	v8 =	vand.u32 $0x6F, v8;
	[tilespmem:v4+s14+$0x0] =	vst.idx.msk $0xffff, v49;
	v4 =	vor.u32 v36, v24  }
0x3ca: {  	v50 =	vor.u32 v19, v25;
	v8 =	vor.u32 v8, v23;
	[tilespmem:v10+s14+$0x0] =	vst.idx.msk $0xffff, v17  }
0x3cb: {  	v54 =	vor.u32 v15, v32;
	v55 =	vand.u32 $0x7F, v40;
	v8 =	vor.u32 v37, v8;
	v16 =	vld.idx.msk [tilespmem:v18+s19+$0x0], $0xffff  }
0x3cc: {  	v12 =	vor.u32 v7, v30;
	v11 =	vor.u32 v11, v60;
	v17 =	vor.u32 v7, v41  }
0x3cd: {  	v15 =	vor.u32 v55, v23;
	v56 =	vor.u32 v7, v29;
	[tilespmem:v6+s14+$0x0] =	vst.idx.msk $0xffff, v2;
	v6 =	vand.u32 $0x7F, v17  }
0x3ce: {  	v2 =	vor.u32 v39, v15;
	v15 =	vand.u32 $0x7F, v56;
	v4 =	vld.idx.msk [tilespmem:v4+s19+$0x0], $0xffff;
	v6 =	vor.u32 v6, v23  }
0x3cf: {  	v12 =	vand.u32 $0x7F, v12;
	v58 =	vor.u32 v15, v23;
	v1 =	vor.u32 v1, v6;
	v6 =	vld.idx.msk [tilespmem:v50+s19+$0x0], $0xffff  }
0x3d0: {  	v60 =	vor.u32 v12, v23;
	v62 =	vld.idx.msk [tilespmem:v54+s19+$0x0], $0xffff;
	[tilespmem:v8+s14+$0x0] =	vst.idx.msk $0xffff, v16;
	v8 =	vor.u32 v9, v58  }
0x3d1: {  	v9 =	vor.u32 v37, v60;
	v11 =	vld.idx.msk [tilespmem:v11+s19+$0x0], $0xffff;
	_ =	sdelay $0x1  }
0x3d2: {  	[tilespmem:v2+s14+$0x0] =	vst.idx.msk $0xffff, v4  }
0x3d3: {  	s18 =	sshll.u32 s18, $0xB;
	[tilespmem:v1+s14+$0x0] =	vst.idx.msk $0xffff, v6  }
0x3d4: {  	s18 =	sadd.s32 s6, s18;
	[tilespmem:v8+s14+$0x0] =	vst.idx.msk $0xffff, v62  }
0x3d5: {  	s20 =	sadd.s32 $0x100, s23;
	s21 =	sadd.s32 $0x0, s18;
	v19 =	vmov v59;
	v58 =	vmov v53;
	s19 =	simm.s32 $0x10;
	v62 =	vmov v52;
	[tilespmem:v9+s14+$0x0] =	vst.idx.msk $0xffff, v11  }
.LBB2_6:
0x3d6: {  	[hbm4b:s21+s4] =	stream.linear.scatter [tilespmem:s23], [sflag:$0x2], $0x80, $0x38;
	[tilespmem:$0x11000] =	vst v63  }
0x3d7: {  	s21 =	smov.u32 s19;
	s23 =	smov.u32 s20;
	p2 =	sne.s32 s19, $0x7F0  }
.Ltmp6:
0x3d8: {  	s19 =	sadd.s32 $0x10, s19;
	(pc) =	sbr.rel @p2 .LBB2_6-.Ltmp6, $2  }
0x3d9: {  	_ =	sdelay $0x2  }
0x3da: {  	s20 =	sadd.s32 $0x100, s20;
	s21 =	sadd.s32 s21, s18  }
0x3db: {  	v17 =	vld [tilespmem:$0x1FEF0]  }
0x3dc: {  	v55 =	vld [tilespmem:$0x1FF00]  }
.Ltmp7:
0x3dd: {  	v29 =	vld [tilespmem:$0x1FF10];
	(pc) =	sbr.rel .LBB2_8-.Ltmp7, $4  }
0x3de: {  	v60 =	vld [tilespmem:$0x1FF20]  }
0x3df: {  	v27 =	vld [tilespmem:$0x1FF30]  }
0x3e0: {  	v59 =	vld [tilespmem:$0x1FF40]  }
0x3e1: {  	[hbm4b:s21+s4] =	stream.linear.scatter [tilespmem:s23], [sflag:$0x2], $0x80, $0x38;
	v18 =	vmov v22;
	v20 =	vmov v21;
	v13 =	vld [tilespmem:$0x1FF50]  }
.LBB2_10:
0x3e2: {  	_ =	sfence.sel $0x180000  }
0x3e3: {  	[bflag:$0x0] =	sbarrier.arrive $0xFFFF  }
0x3e4: {  	p0 =	sne.s32 s3, $0x0;
	_ =	strace $0x90000047  }
0x3e5: {  	s0 =	sadd.s32 @!p0 $0x100000, s2;
	[bflag:$0x2] =	sbarrier.arrive $0xFFFF  }
0x3e6: {  	[sflag:s0] =	ssyncadd.tile.s32 @!p0 $0x1;
	_ =	shalt  }
.Lfunc_end2:
_tile_overlayer_lowered:
.L_overlay_start_2:
0x3e7: {  	(tag) =	ssettag $0x2  }
0x3e8: {  	s0 =	rddreg [dreg:$0x0];
	s2 =	stileid.u32  }
0x3e9: {  	s1 =	rddreg [dreg:$0x1];
	p0 =	sne.s32 s2, $0x0  }
0x3ea: {  	s3 =	rddreg [dreg:$0x2];
	[bflag:$0x3] =	sbarrier.arrive $0xFFFF;
	s2 =	simm.s32 @!p0 $0x1C03  }
0x3eb: {  	[timem:s3], [sflag:s2] =	dma.local @!p0 [hbm:s0], s1  }
0x3ec: {  	s0 =	simm.s32 @!p0 $0x3  }
0x3ed: {  	_ =	swait.ge @!p0 [sflag:s0], s1  }
0x3ee: {  	s1 =	ssub.s32 @!p0 $0x0, s1;
	[sflag:s0] =	ssyncset.done @!p0 $0x0  }
0x3ef: {  	[sflag:s0] =	ssyncadd.s32 @!p0 s1  }
0x3f0: {  	[bflag:$0x3] =	sbarrier.arrive $0xFFFF  }
0x3f1: {  	_ =	shalt  }

// kernel: _sc_embed.7.cloned.1.call-start
scs
__scs_entry_jumppad:
0x0: {  	(pc) =	sbr.rel $0x88, $3  }
0x1: {  	(tag) =	ssettag $0x0;
	lr =	simm.s32 $0x1  }
0x2: {  	[smem:$0x3F9D] =	sst lr;
	_ =	strace $0xD0000000  }
0x3: {  	_ = 	snop  }
0x4: {  	_ = 	snop  }
0x5: {  	_ = 	snop  }
0x6: {  	_ = 	snop  }
0x7: {  	_ = 	snop  }
__scs_overlays_trampoline_lowered:
0x8: {  	[smem:$0x3FAC] =	sst s0  }
0x9: {  	[smem:$0x3FAD] =	sst s1  }
0xa: {  	[smem:$0x3FAE] =	sst s2  }
0xb: {  	[smem:$0x3FAF] =	sst s3  }
0xc: {  	[smem:$0x3FB0] =	sst s4  }
0xd: {  	[smem:$0x3FB1] =	sst s5  }
0xe: {  	[smem:$0x3FB2] =	sst s6  }
0xf: {  	[smem:$0x3FB3] =	sst s7  }
0x10: {  	[smem:$0x3FB4] =	sst s8  }
0x11: {  	[smem:$0x3FB5] =	sst s9;
	s0 =	simm.s32 @!p0 $0x0  }
0x12: {  	s1 =	sld [smem:$0x3F9B];
	s0 =	simm.s32 @p0 $0x1  }
0x13: {  	[smem:$0x3FB6] =	sst s0;
	s0 =	simm.s32 @!p1 $0x0  }
0x14: {  	s2 =	sld [smem:$0x3F9A];
	s0 =	simm.s32 @p1 $0x1  }
0x15: {  	[smem:$0x3FB7] =	sst s0;
	s0 =	simm.s32 @!p2 $0x0  }
0x16: {  	s3 =	sld [smem:$0x3FDB];
	s0 =	simm.s32 @p2 $0x1  }
0x17: {  	s4 =	simm.s32 $0x1BF5;
	[smem:$0x3FB9] =	sst s0  }
0x18: {  	s0 =	sld [smem:$0x3F9C];
	_ =	swait.ge [sflag:s4], $0x0  }
0x19: {  	s7 =	sld [smem:$0x3F9D]  }
0x1a: {  	s8 =	sadd.s32 $0xFFFFE003, lr  }
0x1b: {  	s9 =	sadd.s32 $0xFFFFFEF7, lr;
	s5 =	simm.s32 $0xFFFFFFFF;
	p2 =	slt.u32 s8, $0xFFFFF086  }
0x1c: {  	p1 =	slt.u32 s9, $0xF7A;
	s5 =	simm.s32 @!p2 $0x0  }
0x1d: {  	s5 =	simm.s32 @p1 $0x1;
	p0 =	seq.s32 s7, s2  }
0x1e: {  	s7 =	smul.u32 @!p0 $0xF7A, s2;
	p2 =	seq.s32 @!p0 s5, $0x0  }
0x1f: {  	s9 =	smul.u32 $0xF7A, s1;
	s8 =	simm.s32 @!p0 $0x1BF5;
	p2 =	por !p2, p0  }
0x20: {  	[sflag:s8] =	ssyncset.s32 @!p0 $0xFFFFF086;
	s6 =	sadd.s32 @!p0 s3, s7;
	s7 =	simm.s32 @!p0 $0x108  }
0x21: {  	s3 =	sadd.s32 s3, s9;
	s6 =	sadd.s32 @!p0 $0x88, s6;
	s7 =	simm.s32 @p2 $0x1082  }
0x22: {  	[simem:s7], [sflag:s8] =	dma.local @!p0 [hbm:s6], $0xF7A  }
0x23: {  	s9 =	sor.u32 $0xD0000000, s2;
	s6 =	simm.s32 $0x108;
	_ =	swait.ge @!p0 [sflag:s8], $0x0  }
0x24: {  	s3 =	sadd.s32 $0x88, s3;
	s6 =	simm.s32 @!p1 $0x1082;
	[sflag:s4] =	ssyncset.s32 $0xFFFFF086  }
0x25: {  	[simem:s6], [sflag:s4] =	dma.local [hbm:s3], $0xF7A  }
0x26: {  	[smem:$0x3F9D] =	sst s1;
	(tag) =	ssettag s2;
	_ =	strace s9  }
0x27: {  	s1 =	sld [smem:$0x3FAD]  }
0x28: {  	s2 =	sld [smem:$0x3FAE]  }
0x29: {  	s4 =	sld [smem:$0x3FB0]  }
0x2a: {  	p0 =	seq.s32 s5, $0x0;
	s5 =	sld [smem:$0x3FB1]  }
0x2b: {  	s6 =	sld [smem:$0x3FB2]  }
0x2c: {  	s7 =	sld [smem:$0x3FB3]  }
0x2d: {  	s3 =	simm.s32 $0x108;
	s8 =	sld [smem:$0x3FB4]  }
0x2e: {  	s3 =	simm.s32 @!p0 $0x1082;
	s9 =	sld [smem:$0x3FB5]  }
0x2f: {  	lr =	sadd.s32 s0, s3;
	s0 =	sld [smem:$0x3FAC]  }
0x30: {  	s3 =	sld [smem:$0x3FAF]  }
0x31: {  	[smem:$0x3FB8] =	sst s10  }
0x32: {  	s10 =	sld [smem:$0x3FB6];
	_ =	sdelay $0x3  }
0x33: {  	p0 =	seq.s32 s10, $0x1;
	s10 =	sld [smem:$0x3FB8];
	_ =	sdelay $0x3  }
0x34: {  	[smem:$0x3FB8] =	sst s10  }
0x35: {  	s10 =	sld [smem:$0x3FB7];
	_ =	sdelay $0x3  }
0x36: {  	p1 =	seq.s32 s10, $0x1;
	s10 =	sld [smem:$0x3FB8];
	_ =	sdelay $0x3  }
0x37: {  	[smem:$0x3FB8] =	sst s10  }
0x38: {  	s10 =	sld [smem:$0x3FB9]  }
0x39: {  	_ = 	snop;
	(pc) =	sbr.ind lr, $3  }
0x3a: {  	_ = 	snop  }
0x3b: {  	_ = 	snop  }
0x3c: {  	p2 =	seq.s32 s10, $0x1;
	s10 =	sld [smem:$0x3FB8]  }
0x3d: {  	_ =	shalt  }
0x3e: {  	_ =	shalt  }
0x3f: {  	_ =	shalt  }
0x40: {  	_ =	shalt  }
0x41: {  	_ =	shalt  }
0x42: {  	_ =	shalt  }
0x43: {  	_ =	shalt  }
0x44: {  	_ =	shalt  }
0x45: {  	_ =	shalt  }
0x46: {  	_ =	shalt  }
0x47: {  	_ =	shalt  }
0x48: {  	_ =	shalt  }
0x49: {  	_ =	shalt  }
0x4a: {  	_ =	shalt  }
0x4b: {  	_ =	shalt  }
0x4c: {  	_ =	shalt  }
0x4d: {  	_ =	shalt  }
0x4e: {  	_ =	shalt  }
0x4f: {  	_ =	shalt  }
0x50: {  	_ =	shalt  }
0x51: {  	_ =	shalt  }
0x52: {  	_ =	shalt  }
0x53: {  	_ =	shalt  }
0x54: {  	_ =	shalt  }
0x55: {  	_ =	shalt  }
0x56: {  	_ =	shalt  }
0x57: {  	_ =	shalt  }
0x58: {  	_ =	shalt  }
0x59: {  	_ =	shalt  }
0x5a: {  	_ =	shalt  }
0x5b: {  	_ =	shalt  }
0x5c: {  	_ =	shalt  }
0x5d: {  	_ =	shalt  }
0x5e: {  	_ =	shalt  }
0x5f: {  	_ =	shalt  }
0x60: {  	_ =	shalt  }
0x61: {  	_ =	shalt  }
0x62: {  	_ =	shalt  }
0x63: {  	_ =	shalt  }
0x64: {  	_ =	shalt  }
0x65: {  	_ =	shalt  }
0x66: {  	_ =	shalt  }
0x67: {  	_ =	shalt  }
0x68: {  	_ =	shalt  }
0x69: {  	_ =	shalt  }
0x6a: {  	_ =	shalt  }
0x6b: {  	_ =	shalt  }
0x6c: {  	_ =	shalt  }
0x6d: {  	_ =	shalt  }
0x6e: {  	_ =	shalt  }
0x6f: {  	_ =	shalt  }
0x70: {  	_ =	shalt  }
0x71: {  	_ =	shalt  }
0x72: {  	_ =	shalt  }
0x73: {  	_ =	shalt  }
0x74: {  	_ =	shalt  }
0x75: {  	_ =	shalt  }
0x76: {  	_ =	shalt  }
0x77: {  	_ =	shalt  }
0x78: {  	_ =	shalt  }
0x79: {  	_ =	shalt  }
0x7a: {  	_ =	shalt  }
0x7b: {  	_ =	shalt  }
0x7c: {  	_ =	shalt  }
0x7d: {  	_ =	shalt  }
0x7e: {  	_ =	shalt  }
0x7f: {  	_ =	shalt  }
0x80: {  	_ =	shalt  }
0x81: {  	_ =	shalt  }
0x82: {  	_ =	shalt  }
0x83: {  	_ =	shalt  }
0x84: {  	_ =	shalt  }
0x85: {  	_ =	shalt  }
0x86: {  	_ =	shalt  }
0x87: {  	_ =	shalt  }
.Lfunc_end0:
.L_simem_size_0:
called_computation.1_lowered:
.L_overlay_start_0:
0x88: {  	s2 =	sld [smem:$0x3FD9]  }
0x89: {  	s3 =	sld [smem:$0x3FFE];
	_ =	sdelay $0x1  }
0x8a: {  	s1 =	srdreg.scid  }
0x8b: {  	s0 =	sand.u32 $0x1, s1  }
0x8c: {  	s17 =	sshll.u32 s0, $0xA;
	s2 =	sadd.s32 s3, s2  }
0x8d: {  	s2 =	sadd.s32 s2, s17  }
0x8e: {  	[smem:$0x3FC4] =	sst s2  }
0x8f: {  	_ = 	snop  }
0x90: {  	s2 =	sld [smem:$0x3FD0];
	(tm) =	ssettm $0x1  }
0x91: {  	s18 =	sld [smem:$0x3FFB];
	_ =	sdelay $0x3  }
0x92: {  	_ =	strace s18  }
0x93: {  	s3 =	sld [smem:$0x3FFC];
	_ =	sdelay $0x3  }
0x94: {  	_ =	strace s3  }
0x95: {  	s3 =	sld [smem:$0x3FFD];
	_ =	sdelay $0x3  }
0x96: {  	_ =	strace s3  }
0x97: {  	_ =	strace $0x8FFFFFFF  }
0x98: {  	s19 =	sld [smem:$0x3FDB];
	_ =	sdelay $0x1  }
0x99: {  	s4 =	simm.s32 $_scs_section_size  }
0x9a: {  	s5 =	simm.s32 $_size__tile_overlayer_lowered;
	s6 =	simm.s32 $_tile_overlayer_lowered  }
0x9b: {  	s22 =	simm.s32 $0x1BFF;
	s21 =	sshll.u32 s6, $0x1;
	s3 =	sadd.s32 s4, s19  }
0x9c: {  	s7 =	simm.s32 $0x0;
	s20 =	sshll.u32 s5, $0x1;
	s5 =	sadd.s32 s21, s3  }
0x9d: {  	[timem:s7], [sflag:s22] =	dma.local [hbm:s5], s20  }
0x9e: {  	_ =	swait.ge [sflag:s22], s20  }
0x9f: {  	s4 =	ssub.s32 $0x0, s20;
	[sflag:s22] =	ssyncset.done $0x0  }
0xa0: {  	[sflag:s22] =	ssyncadd.s32 s4;
	_ =	sdelay $0x1  }
0xa1: {  	s23 =	simm.s32 $0x1B8B  }
0xa2: {  	_ =	swait.ge [sflag:s23], $0x1  }
0xa3: {  	[sflag:s23] =	ssyncset.done $0x0  }
0xa4: {  	s25 =	simm.s32 $0x1B8E;
	s24 =	sld [smem:$0x3FFE];
	[sflag:s23] =	ssyncadd.s32 $0xFFFFFFFF  }
0xa5: {  	s26 =	simm.s32 $execute0_lowered;
	[smem:$0x3FD2] =	sst s25  }
0xa6: {  	s5 =	sshll.u32 s26, $0x1;
	_ =	strace $0x80000049;
	[dreg:$0x1] =	wrdreg $0xFFFFFFFF  }
0xa7: {  	s28 =	simm.s32 $_size_execute0_lowered;
	s3 =	sadd.s32 s3, s5;
	[dreg:$0x0] =	wrdreg $0x0  }
0xa8: {  	s5 =	sshll.u32 s28, $0x1;
	[dreg:$0x2] =	wrdreg s3  }
0xa9: {  	[dreg:$0x3] =	wrdreg s5  }
0xaa: {  	[dreg:$0x4] =	wrdreg $0xC0  }
0xab: {  	_ =	task [dreg:s7], $0x5FFFF  }
0xac: {  	[dreg:$0x1] =	wrdreg $0xFFFFFFFF  }
0xad: {  	[dreg:$0x0] =	wrdreg $0x60  }
0xae: {  	[dreg:$0x2] =	wrdreg s24  }
0xaf: {  	[dreg:$0x3] =	wrdreg s2  }
0xb0: {  	[dreg:$0x4] =	wrdreg $0x9  }
0xb1: {  	_ =	task.clear_ibuf [dreg:s7], $0x5FFFF;
	_ =	strace $0x90000049  }
0xb2: {  	s29 =	simm.s32 $0x9;
	_ =	strace $0x8000004B  }
0xb3: {  	_ =	swait.ge [sflag:s29], $0x1  }
0xb4: {  	[sflag:s29] =	ssyncadd.s32 $0xFFFFFFFF  }
0xb5: {  	_ =	strace $0x9000004B  }
0xb6: {  	_ =	sfence  }
0xb7: {  	s30 =	sld [smem:$0x0];
	_ =	sdelay $0x2  }
0xb8: {  	s31 =	sshll.u32 s1, $0xD;
	s1 =	sshrl.u32 s1, $0x2  }
0xb9: {  	s3 =	sand.u32 $0x4000, s31;
	s1 =	sadd.s32 s1, s30  }
0xba: {  	s0 =	sor.u32 s3, s0;
	s1 =	sshll.u32 s1, $0x11  }
0xbb: {  	s0 =	sor.u32 s1, s0  }
0xbc: {  	s0 =	sadd.s32 $0x8F2B, s0  }
0xbd: {  	[sflag:s0] =	ssyncadd.remote.s32 $0x1  }
0xbe: {  	_ =	sfence.sel $0xFFFF  }
0xbf: {  	[dreg:$0x0] =	wrdreg $0xFFFFFFFF;
	(pc) =	sbr.abs _section_cstart, $3  }
0xc0: {  	[dreg:$0x1] =	wrdreg $0xFFFFFFFF  }
0xc1: {  	_ =	task.clear_ibuf [dreg:s7], $0x2FFFF;
	_ =	strace $0x9FFFFFFF  }
0xc2: {  	(tm) =	ssettm $0x7FFFFFFF  }
0xc3: {  	_ =	shalt  }
tec
execute0_lowered:
.L_overlay_start_1:
0x0: {  	(tag) =	ssettag $0x1  }
0x1: {  	s0 =	rddreg [dreg:$0x0];
	s1 =	srdreg.scid  }
0x2: {  	s3 =	stileid.u32;
	s2 =	rddreg [dreg:$0x1];
	s19 =	simm.s32 $0x4  }
0x3: {  	s24 =	simm.s32 $0x2;
	s25 =	simm.s32 $0x3;
	s26 =	simm.s32 $0x0  }
0x4: {  	s1 =	sand.u32 $0x1, s1;
	s4 =	sshll.u32 s3, $0x1;
	s3 =	simm.s32 $0x0  }
0x5: {  	s11 =	sadd.s32 $0x1000, s2;
	s12 =	sadd.s32 $0x2000, s2;
	s13 =	sadd.s32 $0x3000, s2  }
0x6: {  	s14 =	sadd.s32 $0x4000, s2;
	s15 =	sadd.s32 $0x5000, s2;
	s6 =	sor.u32 s1, s4  }
0x7: {  	[smem:$0x7FF] =	sst s3;
	s4 =	sadd.s32 $0x7A2600, s0;
	s5 =	smul.u32 $0x6400, s6  }
0x8: {  	s1 =	ssub.s32 $0x2, s1;
	_ =	strace $0x8000004A;
	s7 =	sshll.u32 s6, $0xA  }
0x9: {  	s29 =	sshrl.u32 s1, $0x1;
	s7 =	sand.u32 $0xC00, s7;
	s8 =	sand.u32 $0xFF000, s5  }
0xa: {  	s6 =	smul.u32 $0xC8, s6;
	s30 =	ssub.s32 s1, s29;
	s7 =	sor.u32 s7, s8  }
0xb: {  	v0 =	vlaneseq.u32;
	s5 =	sadd.s32 $0xC00, s0;
	s0 =	sadd.s32 $0x7A1E00, s0;
	s7 =	sshrl.u32 s7, $0x3  }
0xc: {  	v0 =	vmul.u32 $0x88, v0;
	[dreg:$0x3] =	wrdreg s0;
	s0 =	smax.u32 s30, $0x1;
	s8 =	sadd.s32 s4, s7  }
0xd: {  	s16 =	sadd.s32 $0x6000, s2;
	[dreg:$0x5] =	wrdreg s0;
	s31 =	sadd.s32 $0x10, s8  }
0xe: {  	s17 =	sadd.s32 $0x7000, s2;
	v1 =	vadd.s32 $0x880, v0;
	v2 =	vadd.s32 $0x1100, v0;
	v3 =	vadd.s32 $0x1980, v0;
	s10 =	sor.u32 $0x2, s6;
	[dreg:$0x4] =	wrdreg s31  }
.LBB2_1:
0xf: {  	s0 =	rddreg [dreg:$0x3]  }
0x10: {  	[tilespmem:s3], [sflag:$0x4] =	stream.linear.gather [hbm4b:s0+s3], $0x3200, $0x38;
	[tilespmem:$0xB700] =	vst v63  }
0x11: {  	_ =	swait.ge [sflag:s19], $0x3200  }
0x12: {  	[sflag:s19] =	ssyncset.done $0x0  }
0x13: {  	s29 =	simm.s32 $0x3200;
	[sflag:s19] =	ssyncadd.s32 $0xFFFFCE00  }
0x14: {  	[tilespmem:s29], [sflag:$0x4] =	stream.linear.gather [hbm4b:s8+s3], $0x80, $0x38;
	[tilespmem:$0xB700] =	vst v63  }
0x15: {  	_ =	swait.ge [sflag:s19], $0x80  }
0x16: {  	s1 =	simm.s32 $0x80;
	[sflag:s19] =	ssyncset.done $0x0  }
0x17: {  	s7 =	simm.s32 $0x3300;
	s31 =	simm.s32 $0x3280;
	[sflag:s19] =	ssyncadd.s32 $0xFFFFFF80  }
0x18: {  	[tilespmem:s7], [sflag:$0x2] =	stream.indirect.gather [hbm4b:s5+s1], $0x40, s29, s1, $0xb8;
	[tilespmem:$0xB700] =	vst v63  }
0x19: {  	p0 =	por $0x0, $0x0;
	s28 =	simm.s32 $0x0;
	s30 =	rddreg [dreg:$0x4]  }
0x1a: {  	[tilespmem:s31], [sflag:$0x1] =	stream.linear.gather [hbm4b:s30+s3], $0x80, $0x38;
	[tilespmem:$0xB700] =	vst v63  }
.LBB2_2:
0x1b: {  	_ =	swait.ge [sflag:s24], $0x2000  }
0x1c: {  	s0 =	sand.u32 $0x1, s28;
	p1 =	seq.s32 s28, $0xC7;
	[sflag:s24] =	ssyncset.done $0x0  }
0x1d: {  	s1 =	sxor.u32 @!p1 $0x1, s0;
	s7 =	simm.s32 @!p1 $0x1;
	[sflag:s24] =	ssyncadd.s32 $0xFFFFE000  }
0x1e: {  	p2 =	sgt.u32 @!p1 s28, $0xC5;
	s9 =	sshll.u32 @!p1 s1, $0x7;
	_ =	swait.ge @!p1 [sflag:s7], $0x80  }
0x1f: {  	s1 =	sshll.u32 @!p1 s1, $0xD;
	s9 =	sor.u32 @!p1 $0x3200, s9;
	[sflag:s7] =	ssyncset.done @!p1 $0x0  }
0x20: {  	s1 =	sadd.s32 @!p1 $0x3300, s1;
	[sflag:s7] =	ssyncadd.s32 @!p1 $0xFFFFFF80;
	s7 =	simm.s32 @!p1 $0x80  }
0x21: {  	[tilespmem:s1], [sflag:$0x2] =	stream.indirect.gather @!p1 [hbm4b:s5+s7], $0x40, s9, s7, $0xb8;
	[tilespmem:$0xB700] =	vst v63  }
0x22: {  	p1 =	por p1, p2  }
0x23: {  	s1 =	sadd.s32 @!p1 s28, s10  }
0x24: {  	s1 =	sshll.u32 @!p1 s1, $0x4  }
0x25: {  	s7 =	sshll.u32 @!p1 s0, $0x7;
	s9 =	simm.s32 @!p1 $0x0;
	s1 =	sand.u32 @!p1 $0xFFFFFF0, s1  }
0x26: {  	p2 =	slt.u32 @!p1 s28, $0x2;
	s7 =	sor.u32 @!p1 $0x3200, s7;
	s1 =	sadd.s32 @!p1 s4, s1  }
0x27: {  	[tilespmem:s7], [sflag:$0x1] =	stream.linear.gather @!p1 [hbm4b:s1+s9], $0x80, $0x38;
	[tilespmem:$0xB700] =	vst v63  }
0x28: {  	s30 =	sadd.s32 s6, s28;
	p1 =	por p1, !p2  }
0x29: {  	s31 =	sshrl.u32 s30, $0x5;
	s1 =	simm.s32 $0x1;
	_ =	swait.ge @p1 [sflag:s25], $0x2000  }
0x2a: {  	s18 =	sshll.u32 s31, $0x6;
	s1 =	simm.s32 @!p0 $0x0;
	[sflag:s25] =	ssyncset.done @p1 $0x0  }
0x2b: {  	s20 =	sand.u32 $0x3FFFFFC0, s18;
	s1 =	sshll.u32 s1, $0xD;
	[sflag:s25] =	ssyncadd.s32 @p1 $0xFFFFE000  }
0x2c: {  	s21 =	simm.s32 $0x1;
	s7 =	sadd.s32 $0x3340, s1;
	v9 =	vld [tilespmem:s20+$0x0]  }
0x2d: {  	v4 =	vmov s21;
	v7 =	vld [tilespmem:s7+$0x0]  }
0x2e: {  	v14 =	vand.u32 $0x7F, v4  }
0x2f: {  	v8 =	vadd.s32 v0, v14  }
0x30: {  	s22 =	simm.s32 $0x0;
	s0 =	smul.u32 $0x8800, s0;
	v6 =	vld [tilespmem:s20+$0x10]  }
0x31: {  	v4 =	vmov s22;
	v10 =	vld [tilespmem:s7+$0xFFFFFFC0]  }
0x32: {  	v18 =	vand.u32 $0x7E, v4;
	s29 =	sshrl.u32 s0, $0x2;
	v5 =	vld [tilespmem:s20+$0x20];
	v7 =	vadd.f32 v7, v9  }
0x33: {  	s23 =	simm.s32 $0x3;
	v11 =	vadd.s32 v0, v18;
	s1 =	sadd.s32 $0x7300, s29;
	v4 =	vld [tilespmem:s20+$0x30];
	s0 =	sadd.s32 $0x80, s7  }
0x34: {  	v12 =	vld [tilespmem:s0+$0x0];
	[tilespmem:v8+s1+$0x0] =	vst.idx.msk $0xffff, v7;
	v7 =	vmov s23  }
0x35: {  	v7 =	vand.u32 $0x7F, v7;
	v13 =	vld [tilespmem:s7+$0x10]  }
0x36: {  	v8 =	vadd.f32 v10, v9;
	v10 =	vadd.s32 v0, v7  }
0x37: {  	s18 =	simm.s32 $0x2;
	v15 =	vadd.s32 v1, v14  }
0x38: {  	[tilespmem:v11+s1+$0x0] =	vst.idx.msk $0xffff, v8;
	v8 =	vmov s18;
	v11 =	vld [tilespmem:s0+$0xFFFFFFC0]  }
0x39: {  	v12 =	vadd.f32 v12, v9;
	v8 =	vand.u32 $0x7E, v8;
	v16 =	vld [tilespmem:s7+$0xFFFFFFD0]  }
0x3a: {  	s20 =	simm.s32 $0x5;
	s21 =	sadd.s32 $0x80, s0;
	v17 =	vadd.s32 v0, v8;
	v13 =	vadd.f32 v13, v6  }
0x3b: {  	v19 =	vld [tilespmem:s21+$0x0];
	[tilespmem:v10+s1+$0x0] =	vst.idx.msk $0xffff, v12;
	v12 =	vadd.s32 v1, v18;
	v10 =	vmov s20  }
0x3c: {  	[tilespmem:v15+s1+$0x0] =	vst.idx.msk $0xffff, v13;
	v10 =	vand.u32 $0x7F, v10;
	v13 =	vld [tilespmem:s0+$0x10]  }
0x3d: {  	v11 =	vadd.f32 v11, v9;
	v15 =	vadd.s32 v0, v10;
	v20 =	vld [tilespmem:s7+$0x20]  }
0x3e: {  	s22 =	simm.s32 $0x4;
	v21 =	vadd.s32 v1, v7;
	v16 =	vadd.f32 v16, v6  }
0x3f: {  	v22 =	vadd.s32 v2, v14;
	[tilespmem:v17+s1+$0x0] =	vst.idx.msk $0xffff, v11;
	v11 =	vmov s22;
	v17 =	vld [tilespmem:s21+$0xFFFFFFC0]  }
0x40: {  	v11 =	vand.u32 $0x7E, v11;
	[tilespmem:v12+s1+$0x0] =	vst.idx.msk $0xffff, v16;
	v12 =	vadd.f32 v19, v9;
	v16 =	vld [tilespmem:s0+$0xFFFFFFD0]  }
0x41: {  	s23 =	simm.s32 $0x7;
	s22 =	sadd.s32 $0x80, s21;
	v19 =	vadd.s32 v0, v11;
	v13 =	vadd.f32 v13, v6;
	v23 =	vld [tilespmem:s7+$0xFFFFFFE0]  }
0x42: {  	v24 =	vld [tilespmem:s22+$0x0];
	[tilespmem:v15+s1+$0x0] =	vst.idx.msk $0xffff, v12;
	v15 =	vadd.s32 v1, v8;
	v20 =	vadd.f32 v20, v5;
	v12 =	vmov s23  }
0x43: {  	[tilespmem:v21+s1+$0x0] =	vst.idx.msk $0xffff, v13;
	v21 =	vadd.s32 v2, v18;
	v12 =	vand.u32 $0x7F, v12;
	v25 =	vld [tilespmem:s21+$0x10]  }
0x44: {  	v13 =	vadd.f32 v17, v9;
	[tilespmem:v22+s1+$0x0] =	vst.idx.msk $0xffff, v20;
	v17 =	vadd.s32 v0, v12;
	v20 =	vld [tilespmem:s0+$0x20]  }
0x45: {  	s18 =	simm.s32 $0x6;
	v26 =	vadd.s32 v1, v10;
	v16 =	vadd.f32 v16, v6;
	v27 =	vld [tilespmem:s7+$0x30]  }
0x46: {  	v28 =	vadd.s32 v2, v7;
	[tilespmem:v19+s1+$0x0] =	vst.idx.msk $0xffff, v13;
	v13 =	vmov s18;
	v19 =	vadd.f32 v23, v5;
	v23 =	vld [tilespmem:s22+$0xFFFFFFC0]  }
0x47: {  	v30 =	vadd.s32 v3, v14;
	v13 =	vand.u32 $0x7E, v13;
	v29 =	vld [tilespmem:s21+$0xFFFFFFD0];
	[tilespmem:v15+s1+$0x0] =	vst.idx.msk $0xffff, v16;
	v16 =	vadd.f32 v24, v9  }
0x48: {  	[tilespmem:v21+s1+$0x0] =	vst.idx.msk $0xffff, v19;
	v21 =	vadd.s32 v0, v13;
	v14 =	vadd.f32 v25, v6;
	v15 =	vld [tilespmem:s0+$0xFFFFFFE0]  }
0x49: {  	s20 =	simm.s32 $0x9;
	s23 =	sadd.s32 $0x80, s22;
	v19 =	vadd.s32 v1, v11;
	[tilespmem:v17+s1+$0x0] =	vst.idx.msk $0xffff, v16;
	v20 =	vadd.f32 v20, v5;
	v16 =	vld [tilespmem:s7+$0xFFFFFFF0]  }
0x4a: {  	v22 =	vld [tilespmem:s23+$0x0];
	v24 =	vmov s20;
	v17 =	vadd.s32 v2, v8;
	[tilespmem:v26+s1+$0x0] =	vst.idx.msk $0xffff, v14;
	v27 =	vadd.f32 v27, v4  }
0x4b: {  	s28 =	sadd.s32 $0x1, s28;
	v18 =	vadd.s32 v3, v18;
	v14 =	vand.u32 $0x7F, v24;
	v26 =	vadd.f32 v23, v9;
	v23 =	vld [tilespmem:s22+$0x10];
	[tilespmem:v28+s1+$0x0] =	vst.idx.msk $0xffff, v20  }
0x4c: {  	s9 =	simm.s32 $0xA;
	s20 =	simm.s32 $0x8;
	s7 =	smov.u32 s23;
	v24 =	vadd.s32 v0, v14;
	v25 =	vadd.f32 v29, v6;
	v20 =	vld [tilespmem:s21+$0x20];
	[tilespmem:v30+s1+$0x0] =	vst.idx.msk $0xffff, v27  }
.LBB2_3:
0x4d: {  	p1 =	slt.u32 s9, $0x7E;
	[tilespmem:v21+s1+$0x0] =	vst.idx.msk $0xffff, v26;
	v26 =	vadd.s32 v1, v12;
	v15 =	vadd.f32 v15, v5;
	v27 =	vld [tilespmem:s0+$0x30];
	v28 =	vmov v11  }
0x4e: {  	v21 =	vmov s20;
	v11 =	vmovc v13;
	s20 =	smov.u32 s9;
	v29 =	vld [tilespmem:s23+$0xFFFFFFC0];
	[tilespmem:v19+s1+$0x0] =	vst.idx.msk $0xffff, v25;
	v25 =	vadd.s32 v2, v10;
	v16 =	vadd.f32 v16, v4  }
0x4f: {  	v31 =	vadd.s32 v3, v7;
	v13 =	vand.u32 $0x7E, v21;
	v19 =	vadd.f32 v22, v9;
	v30 =	vld [tilespmem:s22+$0xFFFFFFD0];
	[tilespmem:v17+s1+$0x0] =	vst.idx.msk $0xffff, v15  }
.Ltmp0:
0x50: {  	v7 =	vmov v10;
	v21 =	vadd.s32 v0, v13;
	v17 =	vadd.f32 v23, v6;
	v15 =	vld [tilespmem:s21+$0xFFFFFFE0];
	[tilespmem:v18+s1+$0x0] =	vst.idx.msk $0xffff, v16;
	(pc) =	sbr.rel @p1 .LBB2_3-.Ltmp0, $4  }
0x51: {  	s18 =	sadd.s32 $0x1, s9;
	s23 =	sadd.s32 $0x80, s23;
	v10 =	vmov v12;
	[tilespmem:v24+s1+$0x0] =	vst.idx.msk $0xffff, v19;
	v19 =	vadd.s32 v1, v11;
	v18 =	vadd.f32 v20, v5;
	v16 =	vld [tilespmem:s0+$0xFFFFFFF0];
	s0 =	smov.u32 s21  }
0x52: {  	v12 =	vmovc v14;
	v20 =	vmov s18;
	s21 =	smov.u32 s22;
	s22 =	smov.u32 s7;
	s7 =	smov.u32 s23;
	v22 =	vld [tilespmem:s23+$0x0];
	[tilespmem:v26+s1+$0x0] =	vst.idx.msk $0xffff, v17;
	v17 =	vadd.s32 v2, v28;
	v27 =	vadd.f32 v27, v4  }
0x53: {  	v14 =	vand.u32 $0x7F, v20;
	v26 =	vadd.f32 v29, v9;
	v23 =	vld [tilespmem:s22+$0x10];
	[tilespmem:v25+s1+$0x0] =	vst.idx.msk $0xffff, v18;
	v18 =	vadd.s32 v3, v8  }
0x54: {  	s9 =	sadd.s32 $0x2, s9;
	v24 =	vadd.s32 v0, v14;
	v8 =	vmov v28;
	v25 =	vadd.f32 v30, v6;
	v20 =	vld [tilespmem:s21+$0x20];
	[tilespmem:v31+s1+$0x0] =	vst.idx.msk $0xffff, v27  }
0x55: {  	v27 =	vmov s20;
	v28 =	vld [tilespmem:s23+$0xFFFFFFC0]  }
0x56: {  	v27 =	vand.u32 $0x7E, v27  }
0x57: {  	v29 =	vadd.s32 v0, v27;
	_ =	sdelay $0x1  }
0x58: {  	v22 =	vadd.f32 v22, v9  }
0x59: {  	[tilespmem:v21+s1+$0x0] =	vst.idx.msk $0xffff, v26;
	v57 =	vadd.f32 v28, v9  }
0x5a: {  	v21 =	vld [tilespmem:s22+$0xFFFFFFD0];
	[tilespmem:v24+s1+$0x0] =	vst.idx.msk $0xffff, v22  }
0x5b: {  	v58 =	vadd.s32 v1, v12;
	v24 =	vld [tilespmem:s7+$0x10];
	[tilespmem:v29+s1+$0x0] =	vst.idx.msk $0xffff, v57  }
0x5c: {  	v59 =	vadd.s32 v1, v13;
	v60 =	vld [tilespmem:s7+$0xFFFFFFD0]  }
0x5d: {  	v61 =	vadd.s32 v1, v14  }
0x5e: {  	v62 =	vadd.s32 v1, v27;
	v23 =	vadd.f32 v23, v6  }
0x5f: {  	[tilespmem:v19+s1+$0x0] =	vst.idx.msk $0xffff, v25;
	v63 =	vadd.f32 v21, v6  }
0x60: {  	v30 =	vld [tilespmem:s21+$0xFFFFFFE0];
	[tilespmem:v58+s1+$0x0] =	vst.idx.msk $0xffff, v23;
	v31 =	vadd.f32 v24, v6  }
0x61: {  	v32 =	vadd.s32 v2, v10;
	v33 =	vld [tilespmem:s22+$0x20];
	[tilespmem:v59+s1+$0x0] =	vst.idx.msk $0xffff, v63;
	v34 =	vadd.f32 v60, v6  }
0x62: {  	v35 =	vadd.f32 v15, v5;
	v36 =	vadd.s32 v2, v11;
	v19 =	vld [tilespmem:s22+$0xFFFFFFE0];
	[tilespmem:v61+s1+$0x0] =	vst.idx.msk $0xffff, v31  }
0x63: {  	v37 =	vadd.s32 v2, v12;
	v16 =	vadd.f32 v16, v4;
	v38 =	vld [tilespmem:s7+$0x20];
	[tilespmem:v62+s1+$0x0] =	vst.idx.msk $0xffff, v34  }
0x64: {  	v40 =	vadd.s32 v2, v13;
	[tilespmem:v17+s1+$0x0] =	vst.idx.msk $0xffff, v35;
	v39 =	vadd.f32 v20, v5;
	v41 =	vld [tilespmem:s7+$0xFFFFFFE0]  }
0x65: {  	v42 =	vld [tilespmem:s0+$0x30];
	v44 =	vadd.s32 v2, v14;
	[tilespmem:v18+s1+$0x0] =	vst.idx.msk $0xffff, v16;
	v43 =	vadd.f32 v30, v5  }
0x66: {  	v47 =	vadd.s32 v2, v27;
	v45 =	vld [tilespmem:s0+$0xFFFFFFF0];
	[tilespmem:v32+s1+$0x0] =	vst.idx.msk $0xffff, v39;
	v46 =	vadd.f32 v33, v5  }
0x67: {  	v7 =	vadd.s32 v3, v7;
	v48 =	vld [tilespmem:s21+$0x30];
	[tilespmem:v36+s1+$0x0] =	vst.idx.msk $0xffff, v43;
	v49 =	vadd.f32 v19, v5  }
0x68: {  	v8 =	vadd.s32 v3, v8;
	v16 =	vld [tilespmem:s21+$0xFFFFFFF0];
	[tilespmem:v37+s1+$0x0] =	vst.idx.msk $0xffff, v46;
	v50 =	vadd.f32 v38, v5  }
0x69: {  	v51 =	vadd.s32 v3, v10;
	v52 =	vld [tilespmem:s22+$0x30];
	[tilespmem:v40+s1+$0x0] =	vst.idx.msk $0xffff, v49;
	v5 =	vadd.f32 v41, v5  }
0x6a: {  	v54 =	vadd.s32 v3, v11;
	v53 =	vadd.f32 v42, v4;
	v15 =	vld [tilespmem:s22+$0xFFFFFFF0];
	[tilespmem:v44+s1+$0x0] =	vst.idx.msk $0xffff, v50  }
0x6b: {  	v56 =	vadd.s32 v3, v12;
	v55 =	vadd.f32 v45, v4;
	v57 =	vld [tilespmem:s7+$0x30];
	[tilespmem:v47+s1+$0x0] =	vst.idx.msk $0xffff, v5  }
0x6c: {  	v58 =	vadd.s32 v3, v13;
	[tilespmem:v7+s1+$0x0] =	vst.idx.msk $0xffff, v53;
	v5 =	vadd.f32 v48, v4;
	v59 =	vld [tilespmem:s7+$0xFFFFFFF0]  }
0x6d: {  	[tilespmem:v8+s1+$0x0] =	vst.idx.msk $0xffff, v55;
	v61 =	vadd.s32 v3, v14;
	v60 =	vadd.f32 v16, v4  }
0x6e: {  	v62 =	vadd.s32 v3, v27;
	[tilespmem:v51+s1+$0x0] =	vst.idx.msk $0xffff, v5;
	v5 =	vadd.f32 v52, v4  }
0x6f: {  	[tilespmem:v54+s1+$0x0] =	vst.idx.msk $0xffff, v60;
	v63 =	vadd.f32 v15, v4  }
0x70: {  	s18 =	sshll.u32 s31, $0xF;
	s20 =	sshll.u32 s30, $0x7;
	[tilespmem:v56+s1+$0x0] =	vst.idx.msk $0xffff, v5;
	v5 =	vadd.f32 v57, v4  }
0x71: {  	s0 =	sand.u32 $0x1FFF8000, s18;
	[tilespmem:v58+s1+$0x0] =	vst.idx.msk $0xffff, v63;
	s7 =	sand.u32 $0xF80, s20;
	v4 =	vadd.f32 v59, v4  }
0x72: {  	s0 =	sor.u32 s7, s0;
	[tilespmem:v61+s1+$0x0] =	vst.idx.msk $0xffff, v5  }
0x73: {  	s7 =	sadd.s32 s2, s0;
	[tilespmem:v62+s1+$0x0] =	vst.idx.msk $0xffff, v4  }
0x74: {  	[hbm4b:s7+s3] =	stream.linear.scatter [tilespmem:s1], [sflag:$0x3], $0x80, $0x38;
	[tilespmem:$0xB700] =	vst v63  }
0x75: {  	s21 =	sadd.s32 $0x7388, s29;
	s9 =	sadd.s32 $0x10, s7  }
0x76: {  	[hbm4b:s9+s3] =	stream.linear.scatter [tilespmem:s21], [sflag:$0x3], $0x80, $0x38;
	[tilespmem:$0xB700] =	vst v63  }
0x77: {  	s22 =	sadd.s32 $0x7410, s29;
	s23 =	sadd.s32 $0x20, s7  }
0x78: {  	[hbm4b:s23+s3] =	stream.linear.scatter [tilespmem:s22], [sflag:$0x3], $0x80, $0x38;
	[tilespmem:$0xB700] =	vst v63  }
0x79: {  	s30 =	sadd.s32 $0x7498, s29;
	s31 =	sadd.s32 $0x30, s7  }
0x7a: {  	[hbm4b:s31+s3] =	stream.linear.scatter [tilespmem:s30], [sflag:$0x3], $0x80, $0x38;
	[tilespmem:$0xB700] =	vst v63  }
0x7b: {  	s18 =	sadd.s32 $0x40, s7;
	s9 =	sadd.s32 $0x7520, s29  }
0x7c: {  	[hbm4b:s18+s3] =	stream.linear.scatter [tilespmem:s9], [sflag:$0x3], $0x80, $0x38;
	[tilespmem:$0xB700] =	vst v63  }
0x7d: {  	s20 =	sadd.s32 $0x75A8, s29;
	s21 =	sadd.s32 $0x50, s7  }
0x7e: {  	[hbm4b:s21+s3] =	stream.linear.scatter [tilespmem:s20], [sflag:$0x3], $0x80, $0x38;
	[tilespmem:$0xB700] =	vst v63  }
0x7f: {  	s22 =	sadd.s32 $0x7630, s29;
	s23 =	sadd.s32 $0x60, s7  }
0x80: {  	[hbm4b:s23+s3] =	stream.linear.scatter [tilespmem:s22], [sflag:$0x3], $0x80, $0x38;
	[tilespmem:$0xB700] =	vst v63  }
0x81: {  	s7 =	sadd.s32 $0x70, s7;
	s30 =	sadd.s32 $0x76B8, s29  }
0x82: {  	[hbm4b:s7+s3] =	stream.linear.scatter [tilespmem:s30], [sflag:$0x3], $0x80, $0x38;
	[tilespmem:$0xB700] =	vst v63  }
0x83: {  	s1 =	sadd.s32 s0, s11;
	s31 =	sadd.s32 $0x7740, s29  }
0x84: {  	[hbm4b:s1+s3] =	stream.linear.scatter [tilespmem:s31], [sflag:$0x3], $0x80, $0x38;
	[tilespmem:$0xB700] =	vst v63  }
0x85: {  	s9 =	sadd.s32 $0x77C8, s29;
	s18 =	sadd.s32 $0x10, s1  }
0x86: {  	[hbm4b:s18+s3] =	stream.linear.scatter [tilespmem:s9], [sflag:$0x3], $0x80, $0x38;
	[tilespmem:$0xB700] =	vst v63  }
0x87: {  	s20 =	sadd.s32 $0x7850, s29;
	s21 =	sadd.s32 $0x20, s1  }
0x88: {  	[hbm4b:s21+s3] =	stream.linear.scatter [tilespmem:s20], [sflag:$0x3], $0x80, $0x38;
	[tilespmem:$0xB700] =	vst v63  }
0x89: {  	s22 =	sadd.s32 $0x78D8, s29;
	s23 =	sadd.s32 $0x30, s1  }
0x8a: {  	[hbm4b:s23+s3] =	stream.linear.scatter [tilespmem:s22], [sflag:$0x3], $0x80, $0x38;
	[tilespmem:$0xB700] =	vst v63  }
0x8b: {  	s30 =	sadd.s32 $0x7960, s29;
	s31 =	sadd.s32 $0x40, s1  }
0x8c: {  	[hbm4b:s31+s3] =	stream.linear.scatter [tilespmem:s30], [sflag:$0x3], $0x80, $0x38;
	[tilespmem:$0xB700] =	vst v63  }
0x8d: {  	s9 =	sadd.s32 $0x79E8, s29;
	s18 =	sadd.s32 $0x50, s1  }
0x8e: {  	[hbm4b:s18+s3] =	stream.linear.scatter [tilespmem:s9], [sflag:$0x3], $0x80, $0x38;
	[tilespmem:$0xB700] =	vst v63  }
0x8f: {  	s20 =	sadd.s32 $0x7A70, s29;
	s21 =	sadd.s32 $0x60, s1  }
0x90: {  	[hbm4b:s21+s3] =	stream.linear.scatter [tilespmem:s20], [sflag:$0x3], $0x80, $0x38;
	[tilespmem:$0xB700] =	vst v63  }
0x91: {  	s1 =	sadd.s32 $0x70, s1;
	s22 =	sadd.s32 $0x7AF8, s29  }
0x92: {  	[hbm4b:s1+s3] =	stream.linear.scatter [tilespmem:s22], [sflag:$0x3], $0x80, $0x38;
	[tilespmem:$0xB700] =	vst v63  }
0x93: {  	s23 =	sadd.s32 $0x7B80, s29;
	s1 =	sadd.s32 s0, s12  }
0x94: {  	[hbm4b:s1+s3] =	stream.linear.scatter [tilespmem:s23], [sflag:$0x3], $0x80, $0x38;
	[tilespmem:$0xB700] =	vst v63  }
0x95: {  	s30 =	sadd.s32 $0x7C08, s29;
	s31 =	sadd.s32 $0x10, s1  }
0x96: {  	[hbm4b:s31+s3] =	stream.linear.scatter [tilespmem:s30], [sflag:$0x3], $0x80, $0x38;
	[tilespmem:$0xB700] =	vst v63  }
0x97: {  	s9 =	sadd.s32 $0x7C90, s29;
	s18 =	sadd.s32 $0x20, s1  }
0x98: {  	[hbm4b:s18+s3] =	stream.linear.scatter [tilespmem:s9], [sflag:$0x3], $0x80, $0x38;
	[tilespmem:$0xB700] =	vst v63  }
0x99: {  	s20 =	sadd.s32 $0x7D18, s29;
	s21 =	sadd.s32 $0x30, s1  }
0x9a: {  	[hbm4b:s21+s3] =	stream.linear.scatter [tilespmem:s20], [sflag:$0x3], $0x80, $0x38;
	[tilespmem:$0xB700] =	vst v63  }
0x9b: {  	s22 =	sadd.s32 $0x7DA0, s29;
	s23 =	sadd.s32 $0x40, s1  }
0x9c: {  	[hbm4b:s23+s3] =	stream.linear.scatter [tilespmem:s22], [sflag:$0x3], $0x80, $0x38;
	[tilespmem:$0xB700] =	vst v63  }
0x9d: {  	s30 =	sadd.s32 $0x7E28, s29;
	s31 =	sadd.s32 $0x50, s1  }
0x9e: {  	[hbm4b:s31+s3] =	stream.linear.scatter [tilespmem:s30], [sflag:$0x3], $0x80, $0x38;
	[tilespmem:$0xB700] =	vst v63  }
0x9f: {  	s9 =	sadd.s32 $0x7EB0, s29;
	s18 =	sadd.s32 $0x60, s1  }
0xa0: {  	[hbm4b:s18+s3] =	stream.linear.scatter [tilespmem:s9], [sflag:$0x3], $0x80, $0x38;
	[tilespmem:$0xB700] =	vst v63  }
0xa1: {  	s1 =	sadd.s32 $0x70, s1;
	s20 =	sadd.s32 $0x7F38, s29  }
0xa2: {  	[hbm4b:s1+s3] =	stream.linear.scatter [tilespmem:s20], [sflag:$0x3], $0x80, $0x38;
	[tilespmem:$0xB700] =	vst v63  }
0xa3: {  	s21 =	sadd.s32 $0x7FC0, s29;
	s1 =	sadd.s32 s0, s13  }
0xa4: {  	[hbm4b:s1+s3] =	stream.linear.scatter [tilespmem:s21], [sflag:$0x3], $0x80, $0x38;
	[tilespmem:$0xB700] =	vst v63  }
0xa5: {  	s22 =	sadd.s32 $0x8048, s29;
	s23 =	sadd.s32 $0x10, s1  }
0xa6: {  	[hbm4b:s23+s3] =	stream.linear.scatter [tilespmem:s22], [sflag:$0x3], $0x80, $0x38;
	[tilespmem:$0xB700] =	vst v63  }
0xa7: {  	s30 =	sadd.s32 $0x80D0, s29;
	s31 =	sadd.s32 $0x20, s1  }
0xa8: {  	[hbm4b:s31+s3] =	stream.linear.scatter [tilespmem:s30], [sflag:$0x3], $0x80, $0x38;
	[tilespmem:$0xB700] =	vst v63  }
0xa9: {  	s9 =	sadd.s32 $0x8158, s29;
	s18 =	sadd.s32 $0x30, s1  }
0xaa: {  	[hbm4b:s18+s3] =	stream.linear.scatter [tilespmem:s9], [sflag:$0x3], $0x80, $0x38;
	[tilespmem:$0xB700] =	vst v63  }
0xab: {  	s20 =	sadd.s32 $0x81E0, s29;
	s21 =	sadd.s32 $0x40, s1  }
0xac: {  	[hbm4b:s21+s3] =	stream.linear.scatter [tilespmem:s20], [sflag:$0x3], $0x80, $0x38;
	[tilespmem:$0xB700] =	vst v63  }
0xad: {  	s22 =	sadd.s32 $0x8268, s29;
	s23 =	sadd.s32 $0x50, s1  }
0xae: {  	[hbm4b:s23+s3] =	stream.linear.scatter [tilespmem:s22], [sflag:$0x3], $0x80, $0x38;
	[tilespmem:$0xB700] =	vst v63  }
0xaf: {  	s30 =	sadd.s32 $0x82F0, s29;
	s31 =	sadd.s32 $0x60, s1  }
0xb0: {  	[hbm4b:s31+s3] =	stream.linear.scatter [tilespmem:s30], [sflag:$0x3], $0x80, $0x38;
	[tilespmem:$0xB700] =	vst v63  }
0xb1: {  	s1 =	sadd.s32 $0x70, s1;
	s9 =	sadd.s32 $0x8378, s29  }
0xb2: {  	[hbm4b:s1+s3] =	stream.linear.scatter [tilespmem:s9], [sflag:$0x3], $0x80, $0x38;
	[tilespmem:$0xB700] =	vst v63  }
0xb3: {  	s18 =	sadd.s32 $0x8400, s29;
	s1 =	sadd.s32 s0, s14  }
0xb4: {  	[hbm4b:s1+s3] =	stream.linear.scatter [tilespmem:s18], [sflag:$0x3], $0x80, $0x38;
	[tilespmem:$0xB700] =	vst v63  }
0xb5: {  	s20 =	sadd.s32 $0x8488, s29;
	s21 =	sadd.s32 $0x10, s1  }
0xb6: {  	[hbm4b:s21+s3] =	stream.linear.scatter [tilespmem:s20], [sflag:$0x3], $0x80, $0x38;
	[tilespmem:$0xB700] =	vst v63  }
0xb7: {  	s22 =	sadd.s32 $0x8510, s29;
	s23 =	sadd.s32 $0x20, s1  }
0xb8: {  	[hbm4b:s23+s3] =	stream.linear.scatter [tilespmem:s22], [sflag:$0x3], $0x80, $0x38;
	[tilespmem:$0xB700] =	vst v63  }
0xb9: {  	s30 =	sadd.s32 $0x8598, s29;
	s31 =	sadd.s32 $0x30, s1  }
0xba: {  	[hbm4b:s31+s3] =	stream.linear.scatter [tilespmem:s30], [sflag:$0x3], $0x80, $0x38;
	[tilespmem:$0xB700] =	vst v63  }
0xbb: {  	s9 =	sadd.s32 $0x8620, s29;
	s18 =	sadd.s32 $0x40, s1  }
0xbc: {  	[hbm4b:s18+s3] =	stream.linear.scatter [tilespmem:s9], [sflag:$0x3], $0x80, $0x38;
	[tilespmem:$0xB700] =	vst v63  }
0xbd: {  	s20 =	sadd.s32 $0x86A8, s29;
	s21 =	sadd.s32 $0x50, s1  }
0xbe: {  	[hbm4b:s21+s3] =	stream.linear.scatter [tilespmem:s20], [sflag:$0x3], $0x80, $0x38;
	[tilespmem:$0xB700] =	vst v63  }
0xbf: {  	s22 =	sadd.s32 $0x8730, s29;
	s23 =	sadd.s32 $0x60, s1  }
0xc0: {  	[hbm4b:s23+s3] =	stream.linear.scatter [tilespmem:s22], [sflag:$0x3], $0x80, $0x38;
	[tilespmem:$0xB700] =	vst v63  }
0xc1: {  	s1 =	sadd.s32 $0x70, s1;
	s30 =	sadd.s32 $0x87B8, s29  }
0xc2: {  	[hbm4b:s1+s3] =	stream.linear.scatter [tilespmem:s30], [sflag:$0x3], $0x80, $0x38;
	[tilespmem:$0xB700] =	vst v63  }
0xc3: {  	s31 =	sadd.s32 $0x8840, s29;
	s1 =	sadd.s32 s0, s15  }
0xc4: {  	[hbm4b:s1+s3] =	stream.linear.scatter [tilespmem:s31], [sflag:$0x3], $0x80, $0x38;
	[tilespmem:$0xB700] =	vst v63  }
0xc5: {  	s9 =	sadd.s32 $0x88C8, s29;
	s18 =	sadd.s32 $0x10, s1  }
0xc6: {  	[hbm4b:s18+s3] =	stream.linear.scatter [tilespmem:s9], [sflag:$0x3], $0x80, $0x38;
	[tilespmem:$0xB700] =	vst v63  }
0xc7: {  	s20 =	sadd.s32 $0x8950, s29;
	s21 =	sadd.s32 $0x20, s1  }
0xc8: {  	[hbm4b:s21+s3] =	stream.linear.scatter [tilespmem:s20], [sflag:$0x3], $0x80, $0x38;
	[tilespmem:$0xB700] =	vst v63  }
0xc9: {  	s22 =	sadd.s32 $0x89D8, s29;
	s23 =	sadd.s32 $0x30, s1  }
0xca: {  	[hbm4b:s23+s3] =	stream.linear.scatter [tilespmem:s22], [sflag:$0x3], $0x80, $0x38;
	[tilespmem:$0xB700] =	vst v63  }
0xcb: {  	s30 =	sadd.s32 $0x8A60, s29;
	s31 =	sadd.s32 $0x40, s1  }
0xcc: {  	[hbm4b:s31+s3] =	stream.linear.scatter [tilespmem:s30], [sflag:$0x3], $0x80, $0x38;
	[tilespmem:$0xB700] =	vst v63  }
0xcd: {  	s9 =	sadd.s32 $0x8AE8, s29;
	s18 =	sadd.s32 $0x50, s1  }
0xce: {  	[hbm4b:s18+s3] =	stream.linear.scatter [tilespmem:s9], [sflag:$0x3], $0x80, $0x38;
	[tilespmem:$0xB700] =	vst v63  }
0xcf: {  	s20 =	sadd.s32 $0x8B70, s29;
	s21 =	sadd.s32 $0x60, s1  }
0xd0: {  	[hbm4b:s21+s3] =	stream.linear.scatter [tilespmem:s20], [sflag:$0x3], $0x80, $0x38;
	[tilespmem:$0xB700] =	vst v63  }
0xd1: {  	s1 =	sadd.s32 $0x70, s1;
	s22 =	sadd.s32 $0x8BF8, s29  }
0xd2: {  	[hbm4b:s1+s3] =	stream.linear.scatter [tilespmem:s22], [sflag:$0x3], $0x80, $0x38;
	[tilespmem:$0xB700] =	vst v63  }
0xd3: {  	s23 =	sadd.s32 $0x8C80, s29;
	s1 =	sadd.s32 s0, s16  }
0xd4: {  	[hbm4b:s1+s3] =	stream.linear.scatter [tilespmem:s23], [sflag:$0x3], $0x80, $0x38;
	[tilespmem:$0xB700] =	vst v63  }
0xd5: {  	s30 =	sadd.s32 $0x8D08, s29;
	s31 =	sadd.s32 $0x10, s1  }
0xd6: {  	[hbm4b:s31+s3] =	stream.linear.scatter [tilespmem:s30], [sflag:$0x3], $0x80, $0x38;
	[tilespmem:$0xB700] =	vst v63  }
0xd7: {  	s9 =	sadd.s32 $0x8D90, s29;
	s18 =	sadd.s32 $0x20, s1  }
0xd8: {  	[hbm4b:s18+s3] =	stream.linear.scatter [tilespmem:s9], [sflag:$0x3], $0x80, $0x38;
	[tilespmem:$0xB700] =	vst v63  }
0xd9: {  	s20 =	sadd.s32 $0x8E18, s29;
	s21 =	sadd.s32 $0x30, s1  }
0xda: {  	[hbm4b:s21+s3] =	stream.linear.scatter [tilespmem:s20], [sflag:$0x3], $0x80, $0x38;
	[tilespmem:$0xB700] =	vst v63  }
0xdb: {  	s22 =	sadd.s32 $0x8EA0, s29;
	s23 =	sadd.s32 $0x40, s1  }
0xdc: {  	[hbm4b:s23+s3] =	stream.linear.scatter [tilespmem:s22], [sflag:$0x3], $0x80, $0x38;
	[tilespmem:$0xB700] =	vst v63  }
0xdd: {  	s30 =	sadd.s32 $0x8F28, s29;
	s31 =	sadd.s32 $0x50, s1  }
0xde: {  	[hbm4b:s31+s3] =	stream.linear.scatter [tilespmem:s30], [sflag:$0x3], $0x80, $0x38;
	[tilespmem:$0xB700] =	vst v63  }
0xdf: {  	s9 =	sadd.s32 $0x8FB0, s29;
	s18 =	sadd.s32 $0x60, s1  }
0xe0: {  	[hbm4b:s18+s3] =	stream.linear.scatter [tilespmem:s9], [sflag:$0x3], $0x80, $0x38;
	[tilespmem:$0xB700] =	vst v63  }
0xe1: {  	s1 =	sadd.s32 $0x70, s1;
	s20 =	sadd.s32 $0x9038, s29  }
0xe2: {  	[hbm4b:s1+s3] =	stream.linear.scatter [tilespmem:s20], [sflag:$0x3], $0x80, $0x38;
	[tilespmem:$0xB700] =	vst v63  }
0xe3: {  	s0 =	sadd.s32 s0, s17;
	s21 =	sadd.s32 $0x90C0, s29  }
0xe4: {  	[hbm4b:s0+s3] =	stream.linear.scatter [tilespmem:s21], [sflag:$0x3], $0x80, $0x38;
	[tilespmem:$0xB700] =	vst v63  }
0xe5: {  	s22 =	sadd.s32 $0x9148, s29;
	s23 =	sadd.s32 $0x10, s0  }
0xe6: {  	[hbm4b:s23+s3] =	stream.linear.scatter [tilespmem:s22], [sflag:$0x3], $0x80, $0x38;
	[tilespmem:$0xB700] =	vst v63  }
0xe7: {  	s30 =	sadd.s32 $0x91D0, s29;
	s31 =	sadd.s32 $0x20, s0  }
0xe8: {  	[hbm4b:s31+s3] =	stream.linear.scatter [tilespmem:s30], [sflag:$0x3], $0x80, $0x38;
	[tilespmem:$0xB700] =	vst v63  }
0xe9: {  	s7 =	sadd.s32 $0x9258, s29;
	s9 =	sadd.s32 $0x30, s0  }
0xea: {  	[hbm4b:s9+s3] =	stream.linear.scatter [tilespmem:s7], [sflag:$0x3], $0x80, $0x38;
	[tilespmem:$0xB700] =	vst v63  }
0xeb: {  	s18 =	sadd.s32 $0x92E0, s29;
	s20 =	sadd.s32 $0x40, s0  }
0xec: {  	[hbm4b:s20+s3] =	stream.linear.scatter [tilespmem:s18], [sflag:$0x3], $0x80, $0x38;
	[tilespmem:$0xB700] =	vst v63  }
0xed: {  	p1 =	sne.s32 s28, $0xC8;
	s21 =	sadd.s32 $0x9368, s29;
	s22 =	sadd.s32 $0x50, s0  }
0xee: {  	[hbm4b:s22+s3] =	stream.linear.scatter [tilespmem:s21], [sflag:$0x3], $0x80, $0x38;
	[tilespmem:$0xB700] =	vst v63  }
.Ltmp1:
0xef: {  	_ = 	snop;
	(pc) =	sbr.rel @p1 .LBB2_2-.Ltmp1, $4  }
0xf0: {  	s23 =	sadd.s32 $0x93F0, s29;
	s30 =	sadd.s32 $0x60, s0  }
0xf1: {  	[hbm4b:s30+s3] =	stream.linear.scatter [tilespmem:s23], [sflag:$0x3], $0x80, $0x38;
	[tilespmem:$0xB700] =	vst v63  }
0xf2: {  	p0 =	por !p0, !p0;
	s31 =	sadd.s32 $0x9478, s29;
	s0 =	sadd.s32 $0x70, s0  }
0xf3: {  	[hbm4b:s0+s3] =	stream.linear.scatter [tilespmem:s31], [sflag:$0x3], $0x80, $0x38;
	[tilespmem:$0xB700] =	vst v63  }
0xf4: {  	_ =	swait.ge [sflag:s25], $0x2000  }
0xf5: {  	[sflag:s25] =	ssyncset.done $0x0  }
0xf6: {  	[sflag:s25] =	ssyncadd.s32 $0xFFFFE000  }
0xf7: {  	_ =	swait.ge [sflag:s25], $0x2000  }
0xf8: {  	s26 =	sadd.s32 $0x1, s26;
	s0 =	rddreg [dreg:$0x5]  }
0xf9: {  	p0 =	sne.s32 s26, s0  }
.Ltmp2:
0xfa: {  	_ = 	snop;
	(pc) =	sbr.rel @p0 .LBB2_1-.Ltmp2, $3  }
0xfb: {  	_ =	sdelay $0x1  }
0xfc: {  	[sflag:s25] =	ssyncset.done $0x0  }
0xfd: {  	[sflag:s25] =	ssyncadd.s32 $0xFFFFE000  }
0xfe: {  	_ =	sfence.sel $0x180000  }
0xff: {  	[bflag:$0x0] =	sbarrier.arrive $0xFFFF  }
0x100: {  	_ =	strace $0x9000004A  }
0x101: {  	s0 =	stileid.u32;
	[bflag:$0x2] =	sbarrier.arrive $0xFFFF  }
0x102: {  	p0 =	sne.s32 s0, $0x0;
	s0 =	rddreg [dreg:$0x2]  }
0x103: {  	s0 =	sadd.s32 @!p0 $0x100000, s0  }
0x104: {  	[sflag:s0] =	ssyncadd.tile.s32 @!p0 $0x1;
	_ =	shalt  }
.Lfunc_end2:
_tile_overlayer_lowered:
.L_overlay_start_2:
0x105: {  	(tag) =	ssettag $0x2  }
0x106: {  	s0 =	rddreg [dreg:$0x0];
	s2 =	stileid.u32  }
0x107: {  	s1 =	rddreg [dreg:$0x1];
	p0 =	sne.s32 s2, $0x0  }
0x108: {  	s3 =	rddreg [dreg:$0x2];
	[bflag:$0x3] =	sbarrier.arrive $0xFFFF;
	s2 =	simm.s32 @!p0 $0x1C04  }
0x109: {  	[timem:s3], [sflag:s2] =	dma.local @!p0 [hbm:s0], s1  }
0x10a: {  	s0 =	simm.s32 @!p0 $0x4  }
0x10b: {  	_ =	swait.ge @!p0 [sflag:s0], s1  }
0x10c: {  	s1 =	ssub.s32 @!p0 $0x0, s1;
	[sflag:s0] =	ssyncset.done @!p0 $0x0  }
0x10d: {  	[sflag:s0] =	ssyncadd.s32 @!p0 s1  }
0x10e: {  	[bflag:$0x3] =	sbarrier.arrive $0xFFFF  }
0x10f: {  	_ =	shalt  }

</sc_bundles>
